<compile_context>
chip_gen: v7x
topology: tpu7x:2x2x1
jax: 0.10.2.dev20260603
libtpu: 0.0.44.dev20260713+nightly
codegen_flags: <defaults>
</compile_context>

<pallas_src>
import functools

import jax
import jax.numpy as jnp
from jax import lax
from jax.experimental import pallas as pl
from jax.experimental.pallas import tpu as pltpu
from jax.experimental.pallas import tpu_sc as plsc


def _sc_gather_body(regs_hbm, table_hbm, out_hbm, idx_v, rows_v, sem):
    nc = 2
    wid = lax.axis_index("s") * nc + lax.axis_index("c")
    k = idx_v.shape[0]
    base = wid * k
    pltpu.sync_copy(regs_hbm.at[pl.ds(base, k)], idx_v)
    pltpu.async_copy(table_hbm.at[idx_v], rows_v, sem).wait()
    pltpu.sync_copy(rows_v, out_hbm.at[pl.ds(base, k)])


def _tc_body(eids_ref, regs_ref, epl_ref, u_ref, ns_ref, eemb_ref,
             lng_ref, lnb_ref, w1_ref, b1_ref, w2_ref, b2_ref,
             rmap_ref, out_ref):
    B = epl_ref.shape[0]
    T, R, Ds = u_ref.shape[1], u_ref.shape[2], u_ref.shape[3]
    N = epl_ref.shape[1]
    d_id = ns_ref.shape[1]
    max_regions = rmap_ref.shape[1]
    max_eids = eemb_ref.shape[0]
    H = w1_ref.shape[1]
    BN = B * N

    eoh = jnp.concatenate(
        [(lax.broadcasted_iota(jnp.int32, (1, max_eids), 1)
          == eids_ref[bb]).astype(jnp.float32) for bb in range(B)], axis=0)
    eid_rows = jnp.dot(eoh, eemb_ref[...],
                       preferred_element_type=jnp.float32)
    e3 = epl_ref[...] + ns_ref[...][None] + eid_rows[:, None, :]
    e = e3.reshape(BN, d_id)

    mu = jnp.mean(e, axis=1, keepdims=True)
    cen = e - mu
    var = jnp.mean(cen * cen, axis=1, keepdims=True)
    eh = cen * lax.rsqrt(var + 1e-5) * lng_ref[...] + lnb_ref[...]

    pre = jnp.dot(eh.astype(jnp.bfloat16), w1_ref[...].astype(jnp.bfloat16),
                  preferred_element_type=jnp.float32) \
        + b1_ref[...]
    h = 0.5 * pre * (1.0 + lax.erf(pre * 0.7071067811865476))
    wb = jnp.dot(h.astype(jnp.bfloat16), w2_ref[...].astype(jnp.bfloat16),
                 preferred_element_type=jnp.float32) \
        + b2_ref[...]
    w16 = wb[:, :Ds].astype(jnp.bfloat16)

    Dout = wb.shape[1]
    e1 = (lax.broadcasted_iota(jnp.int32, (1, Dout), 1) == Ds).astype(jnp.float32)
    bias_full = lax.dot_general(e1, wb, (((1,), (1,)), ((), ())),
                                preferred_element_type=jnp.float32)

    tc_rows = 8
    for b in range(B):
        regs_row = regs_ref[b]
        onehot_t = (lax.broadcasted_iota(jnp.int32, (max_regions, N), 0)
                    == regs_row).astype(jnp.float32)
        lr_row = jnp.dot(rmap_ref[...], onehot_t,
                         preferred_element_type=jnp.float32)

        u2 = jnp.transpose(u_ref[b], (1, 0, 2)).reshape(
            R * T, Ds).astype(jnp.bfloat16)
        s = lax.dot_general(u2, w16[b * N:(b + 1) * N, :],
                            (((1,), (1,)), ((), ())),
                            preferred_element_type=jnp.float32)
        s3 = s.reshape(R, T, N)
        bias_row = bias_full[:, b * N:(b + 1) * N]

        masks = [(lr_row == float(r)).astype(jnp.float32) for r in range(R)]
        for t0 in range(0, T, tc_rows):
            acc = jnp.zeros((tc_rows, N), jnp.float32) + bias_row
            for r in range(R):
                acc = acc + s3[r, t0:t0 + tc_rows, :] * masks[r]
            out_ref[b, t0:t0 + tc_rows, :] = acc


def kernel(U, neuron_regions, eids, r_map, neuron_slot, region_emb, eid_emb,
           ln_g, ln_b, W1, b1, W2, b2):
    B, T, R, Ds = U.shape
    N = neuron_regions.shape[1]
    d_id = neuron_slot.shape[1]
    max_regions = region_emb.shape[0]
    max_eids = eid_emb.shape[0]
    H = W1.shape[1]
    Dout = W2.shape[1]

    BN = B * N
    n_workers = 32
    k = BN // n_workers
    Wt = d_id
    regs_flat = neuron_regions.reshape(BN)

    mesh = plsc.VectorSubcoreMesh(core_axis_name="c", subcore_axis_name="s")
    sc_gather = functools.partial(
        pl.kernel, mesh=mesh,
        out_type=jax.ShapeDtypeStruct((BN, Wt), jnp.float32),
        scratch_types=[pltpu.VMEM((k,), jnp.int32),
                       pltpu.VMEM((k, Wt), jnp.float32),
                       pltpu.SemaphoreType.DMA],
    )(_sc_gather_body)
    epl_flat = sc_gather(regs_flat, region_emb)
    epl = epl_flat.reshape(B, N, Wt)

    lng_row = ln_g.reshape(1, d_id)
    lnb_row = ln_b.reshape(1, d_id)
    b1_row = b1.reshape(1, H)
    b2_row = b2.reshape(1, Dout)
    rmap_row = r_map.astype(jnp.float32).reshape(1, max_regions)
    regs3 = neuron_regions.reshape(B, 1, N)

    out = pl.pallas_call(
        _tc_body,
        grid=(1,),
        in_specs=[
            pl.BlockSpec(memory_space=pltpu.SMEM),
            pl.BlockSpec((B, 1, N), lambda i: (0, 0, 0)),
            pl.BlockSpec((B, N, Wt), lambda i: (0, 0, 0)),
            pl.BlockSpec((B, T, R, Ds), lambda i: (0, 0, 0, 0)),
            pl.BlockSpec((N, d_id), lambda i: (0, 0)),
            pl.BlockSpec((max_eids, d_id), lambda i: (0, 0)),
            pl.BlockSpec((1, d_id), lambda i: (0, 0)),
            pl.BlockSpec((1, d_id), lambda i: (0, 0)),
            pl.BlockSpec((d_id, H), lambda i: (0, 0)),
            pl.BlockSpec((1, H), lambda i: (0, 0)),
            pl.BlockSpec((H, Dout), lambda i: (0, 0)),
            pl.BlockSpec((1, Dout), lambda i: (0, 0)),
            pl.BlockSpec((1, max_regions), lambda i: (0, 0)),
        ],
        out_specs=pl.BlockSpec((B, T, N), lambda i: (0, 0, 0)),
        out_shape=jax.ShapeDtypeStruct((B, T, N), jnp.float32),
    )(eids, regs3, epl, U, neuron_slot, eid_emb, lng_row, lnb_row, W1, b1_row,
      W2, b2_row, rmap_row)
    return out

# --- scband reference (transcript-rebuilt; emitter-appended) ---
"""Pipeline reference for scband-hyper-neuron-decoder-25915832664665 (READ-ONLY COPY).

The authoritative reference and input builder live on the scoring server;
editing this copy changes nothing except your own understanding.
"""

import jax, jax.numpy as jnp
import numpy as np


def setup_inputs(seed: int = 0) -> dict:
    key = jax.random.key(seed)
    ks = jax.random.split(key, 12)
    B, T, R, Ds = 2, 64, 32, 128
    N = 2048
    d_id = 128
    max_neurons = 4096
    max_regions = 128
    max_eids = 256
    U = jax.random.normal(ks[0], (B, T, R, Ds), dtype=jnp.float32)
    neuron_regions = jax.random.randint(ks[1], (B, N), 0, max_regions).astype(jnp.int32)
    eids = jax.random.randint(ks[2], (B,), 0, max_eids).astype(jnp.int32)
    r_map = jax.random.randint(ks[3], (max_regions,), 0, R).astype(jnp.int32)
    neuron_slot = jax.random.normal(ks[4], (max_neurons, d_id), dtype=jnp.float32) * 0.02
    region_emb = jax.random.normal(ks[5], (max_regions, d_id), dtype=jnp.float32) * 0.02
    eid_emb = jax.random.normal(ks[6], (max_eids, d_id), dtype=jnp.float32) * 0.02
    ln_g = jnp.ones((d_id,), dtype=jnp.float32)
    ln_b = jnp.zeros((d_id,), dtype=jnp.float32)
    W1 = jax.random.normal(ks[7], (d_id, 2 * Ds), dtype=jnp.float32) * 0.05
    b1 = jnp.zeros((2 * Ds,), dtype=jnp.float32)
    W2 = jax.random.normal(ks[8], (2 * Ds, Ds + 1), dtype=jnp.float32) * 0.05
    b2 = jnp.zeros((Ds + 1,), dtype=jnp.float32)
    return {"U": U, "neuron_regions": neuron_regions, "eids": eids, "r_map": r_map,
            "neuron_slot": neuron_slot, "region_emb": region_emb, "eid_emb": eid_emb,
            "ln_g": ln_g, "ln_b": ln_b, "W1": W1, "b1": b1, "W2": W2, "b2": b2}


def reference(U, neuron_regions, eids, r_map, neuron_slot, region_emb, eid_emb, ln_g, ln_b, W1, b1, W2, b2):
    B, T, R, Ds = U.shape
    N = neuron_regions.shape[1]
    max_regions = region_emb.shape[0]
    max_eids = eid_emb.shape[0]
    # neuron slot embedding lookup (arange(N))
    e = jnp.broadcast_to(neuron_slot[:N][None, :, :], (B, N, neuron_slot.shape[1]))
    # region embedding lookup
    e = e + jnp.take(region_emb, jnp.clip(neuron_regions, 0, max_regions - 1), axis=0)
    # eid embedding lookup
    e = e + jnp.take(eid_emb, jnp.clip(eids, 0, max_eids - 1), axis=0)[:, None, :]
    # hypernet: LayerNorm -> Linear -> GELU -> Linear
    mu = jnp.mean(e, axis=-1, keepdims=True)
    var = jnp.var(e, axis=-1, keepdims=True)
    eh = (e - mu) / jnp.sqrt(var + 1e-5) * ln_g + ln_b
    h = jax.nn.gelu(eh @ W1 + b1, approximate=False)
    wb = h @ W2 + b2
    w = wb[..., :Ds]
    b = wb[..., Ds:]
    local_r = jnp.take(r_map, jnp.clip(neuron_regions, 0, r_map.shape[0] - 1), axis=0)
    local_r_safe = jnp.maximum(local_r, 0)
    idx_g = jnp.broadcast_to(local_r_safe[:, None, :, None], (B, T, N, Ds))
    U_neur = jnp.take_along_axis(U, idx_g, axis=2)
    pred = jnp.sum(U_neur * w[:, None, :, :], axis=-1) + b[:, None, :, 0]
    missing = local_r < 0
    pred = jnp.where(missing[:, None, :], jnp.zeros_like(pred), pred)
    return pred

if __name__ == "__main__":
    import jax
    _d = setup_inputs()
    print(jax.jit(kernel)(*tuple(_d.values())))

</pallas_src>

<mosaic_0001>
#map = affine_map<(d0, d1) -> (0)>
#map1 = affine_map<(d0, d1) -> (0, 0)>
module attributes {stable_mosaic.version = 14 : i64} {
  func.func @_sc_gather_body(%arg0: i32, %arg1: i32, %arg2: memref<4096xi32, #tpu.memory_space<hbm>>, %arg3: memref<128x128xf32, #tpu.memory_space<hbm>>, %arg4: memref<4096x128xf32, #tpu.memory_space<hbm>>, %arg5: memref<128xi32, #tpu.memory_space<vmem>>, %arg6: memref<128x128xf32, #tpu.memory_space<vmem>>, %arg7: memref<!tpu.dma_semaphore, #tpu.memory_space<semaphore_mem>>) attributes {dimension_semantics = [#tpu.dimension_semantics<core_parallel>, #tpu.dimension_semantics<subcore_parallel>], iteration_bounds = array<i64: 2, 16>, scalar_prefetch = 0 : i64, scratch_operands = 3 : i64, tpu.core_type = #tpu.core_type<sc_vector_subcore>, window_params = [{transform_indices = #map}, {transform_indices = #map1}, {transform_indices = #map1}]} {
    %mul3A = arith.constant 2 : i32
    %mul3A_0 = arith.muli %arg1, %mul3A : i32
    %add3A = arith.addi %mul3A_0, %arg0 : i32
    %mul3A_1 = arith.constant 128 : i32
    %mul3A_2 = arith.muli %add3A, %mul3A_1 : i32
    "tpu.region"() ({
      %run_scoped3A = tpu.sem_alloc : memref<!tpu.dma_semaphore, #tpu.memory_space<semaphore_mem>>
      %dma_start3A_7 = tpu.memref_slice %arg2[%mul3A_2] : memref<4096xi32, #tpu.memory_space<hbm>> -> memref<128xi32, #tpu.memory_space<hbm>>
      %dma_start3A_8 = tpu.memref_slice %arg2[%mul3A_2] : memref<4096xi32, #tpu.memory_space<hbm>> -> memref<128xi32, #tpu.memory_space<hbm>>
      tpu.enqueue_dma source(%dma_start3A_8 : memref<128xi32, #tpu.memory_space<hbm>>) target(%arg5 : memref<128xi32, #tpu.memory_space<vmem>>) target_semaphore(%run_scoped3A : memref<!tpu.dma_semaphore, #tpu.memory_space<semaphore_mem>>)
      %dma_wait3A_9 = tpu.memref_slice %arg2[%mul3A_2] : memref<4096xi32, #tpu.memory_space<hbm>> -> memref<128xi32, #tpu.memory_space<hbm>>
      %dma_wait3A_10 = tpu.memref_slice %arg2[%mul3A_2] : memref<4096xi32, #tpu.memory_space<hbm>> -> memref<128xi32, #tpu.memory_space<hbm>>
      tpu.wait_dma2 semaphore(%run_scoped3A : memref<!tpu.dma_semaphore, #tpu.memory_space<semaphore_mem>>) src(%dma_wait3A_10 : memref<128xi32, #tpu.memory_space<hbm>>) dst(%arg5 : memref<128xi32, #tpu.memory_space<vmem>>)
      tpu.yield
    }) : () -> ()
    %dma_start3A = arith.constant 0 : i32
    %dma_start3A_3 = arith.constant 0 : i32
    %dma_start3A_4 = tpu.memref_slice %arg3[%dma_start3A, %dma_start3A_3] : memref<128x128xf32, #tpu.memory_space<hbm>> -> memref<128x128xf32, #tpu.memory_space<hbm>>
    tpu.enqueue_indirect_dma source(%dma_start3A_4 : memref<128x128xf32, #tpu.memory_space<hbm>>) target(%arg6 : memref<128x128xf32, #tpu.memory_space<vmem>>) offsets(%arg5 : memref<128xi32, #tpu.memory_space<vmem>>) semaphore(%arg7 : memref<!tpu.dma_semaphore, #tpu.memory_space<semaphore_mem>>)
    %dma_wait3A = arith.constant 0 : i32
    %dma_wait3A_5 = arith.constant 0 : i32
    %dma_wait3A_6 = tpu.memref_slice %arg3[%dma_wait3A, %dma_wait3A_5] : memref<128x128xf32, #tpu.memory_space<hbm>> -> memref<128x128xf32, #tpu.memory_space<hbm>>
    tpu.wait_indirect_dma semaphore(%arg7 : memref<!tpu.dma_semaphore, #tpu.memory_space<semaphore_mem>>) src(%dma_wait3A_6 : memref<128x128xf32, #tpu.memory_space<hbm>>) dst(%arg6 : memref<128x128xf32, #tpu.memory_space<vmem>>)
    "tpu.region"() ({
      %run_scoped3A = tpu.sem_alloc : memref<!tpu.dma_semaphore, #tpu.memory_space<semaphore_mem>>
      %dma_start3A_7 = arith.constant 0 : i32
      %dma_start3A_8 = tpu.memref_slice %arg4[%mul3A_2, %dma_start3A_7] : memref<4096x128xf32, #tpu.memory_space<hbm>> -> memref<128x128xf32, #tpu.memory_space<hbm>>
      %dma_start3A_9 = arith.constant 0 : i32
      %dma_start3A_10 = tpu.memref_slice %arg4[%mul3A_2, %dma_start3A_9] : memref<4096x128xf32, #tpu.memory_space<hbm>> -> memref<128x128xf32, #tpu.memory_space<hbm>>
      tpu.enqueue_dma source(%arg6 : memref<128x128xf32, #tpu.memory_space<vmem>>) target(%dma_start3A_10 : memref<128x128xf32, #tpu.memory_space<hbm>>) target_semaphore(%run_scoped3A : memref<!tpu.dma_semaphore, #tpu.memory_space<semaphore_mem>>)
      %dma_wait3A_11 = arith.constant 0 : i32
      %dma_wait3A_12 = tpu.memref_slice %arg4[%mul3A_2, %dma_wait3A_11] : memref<4096x128xf32, #tpu.memory_space<hbm>> -> memref<128x128xf32, #tpu.memory_space<hbm>>
      %dma_wait3A_13 = arith.constant 0 : i32
      %dma_wait3A_14 = tpu.memref_slice %arg4[%mul3A_2, %dma_wait3A_13] : memref<4096x128xf32, #tpu.memory_space<hbm>> -> memref<128x128xf32, #tpu.memory_space<hbm>>
      tpu.wait_dma2 semaphore(%run_scoped3A : memref<!tpu.dma_semaphore, #tpu.memory_space<semaphore_mem>>) src(%arg6 : memref<128x128xf32, #tpu.memory_space<vmem>>) dst(%dma_wait3A_14 : memref<128x128xf32, #tpu.memory_space<hbm>>)
      tpu.yield
    }) : () -> ()
    return
  }
}

module attributes {stable_mosaic.version = 14 : i64} {
  func.func @_tc_body(%arg0: i32, %arg1: memref<2xi32, #tpu.memory_space<smem>>, %arg2: memref<2x1x2048xi32, #tpu.memory_space<vmem>>, %arg3: memref<2x2048x128xf32, #tpu.memory_space<vmem>>, %arg4: memref<2x64x32x128xf32, #tpu.memory_space<vmem>>, %arg5: memref<2048x128xf32, #tpu.memory_space<vmem>>, %arg6: memref<256x128xf32, #tpu.memory_space<vmem>>, %arg7: memref<1x128xf32, #tpu.memory_space<vmem>>, %arg8: memref<1x128xf32, #tpu.memory_space<vmem>>, %arg9: memref<128x256xf32, #tpu.memory_space<vmem>>, %arg10: memref<1x256xf32, #tpu.memory_space<vmem>>, %arg11: memref<256x129xf32, #tpu.memory_space<vmem>>, %arg12: memref<1x129xf32, #tpu.memory_space<vmem>>, %arg13: memref<1x128xf32, #tpu.memory_space<vmem>>, %arg14: memref<2x64x2048xf32, #tpu.memory_space<vmem>>) attributes {dimension_semantics = [#tpu.dimension_semantics<arbitrary>], iteration_bounds = array<i64: 1>, scalar_prefetch = 0 : i64, scratch_operands = 0 : i64, tpu.core_type = #tpu.core_type<tc>, window_params = [{transform_indices = @transform_0, window_bounds = array<i64: 2>}, {pipeline_mode = #tpu.pipeline_mode<synchronous>, transform_indices = @transform_1, window_bounds = array<i64: 2, 1, 2048>}, {pipeline_mode = #tpu.pipeline_mode<synchronous>, transform_indices = @transform_2, window_bounds = array<i64: 2, 2048, 128>}, {pipeline_mode = #tpu.pipeline_mode<synchronous>, transform_indices = @transform_3, window_bounds = array<i64: 2, 64, 32, 128>}, {transform_indices = @transform_4, window_bounds = array<i64: 2048, 128>}, {pipeline_mode = #tpu.pipeline_mode<synchronous>, transform_indices = @transform_5, window_bounds = array<i64: 256, 128>}, {pipeline_mode = #tpu.pipeline_mode<synchronous>, transform_indices = @transform_6, window_bounds = array<i64: 1, 128>}, {pipeline_mode = #tpu.pipeline_mode<synchronous>, transform_indices = @transform_7, window_bounds = array<i64: 1, 128>}, {pipeline_mode = #tpu.pipeline_mode<synchronous>, transform_indices = @transform_8, window_bounds = array<i64: 128, 256>}, {pipeline_mode = #tpu.pipeline_mode<synchronous>, transform_indices = @transform_9, window_bounds = array<i64: 1, 256>}, {pipeline_mode = #tpu.pipeline_mode<synchronous>, transform_indices = @transform_10, window_bounds = array<i64: 256, 129>}, {pipeline_mode = #tpu.pipeline_mode<synchronous>, transform_indices = @transform_11, window_bounds = array<i64: 1, 129>}, {pipeline_mode = #tpu.pipeline_mode<synchronous>, transform_indices = @transform_12, window_bounds = array<i64: 1, 128>}, {pipeline_mode = #tpu.pipeline_mode<synchronous>, transform_indices = @transform_13, window_bounds = array<i64: 2, 64, 2048>}]} {
    %iota3A = tpu.iota {dimensions = array<i32: 1>} : vector<1x256xi32>
    %get3A = arith.constant 0 : index
    %get3A_0 = memref.load %arg1[%get3A] : memref<2xi32, #tpu.memory_space<smem>>
    %eq3A = vector.broadcast %get3A_0 : i32 to vector<1x256xi32>
    %eq3A_1 = arith.cmpi eq, %iota3A, %eq3A : vector<1x256xi32>
    %convert_element_type3A = arith.extui %eq3A_1 : vector<1x256xi1> to vector<1x256xi32>
    %convert_element_type3A_2 = arith.sitofp %convert_element_type3A : vector<1x256xi32> to vector<1x256xf32>
    %iota3A_3 = tpu.iota {dimensions = array<i32: 1>} : vector<1x256xi32>
    %get3A_4 = arith.constant 1 : index
    %get3A_5 = memref.load %arg1[%get3A_4] : memref<2xi32, #tpu.memory_space<smem>>
    %eq3A_6 = vector.broadcast %get3A_5 : i32 to vector<1x256xi32>
    %eq3A_7 = arith.cmpi eq, %iota3A_3, %eq3A_6 : vector<1x256xi32>
    %convert_element_type3A_8 = arith.extui %eq3A_7 : vector<1x256xi1> to vector<1x256xi32>
    %convert_element_type3A_9 = arith.sitofp %convert_element_type3A_8 : vector<1x256xi32> to vector<1x256xf32>
    %concatenate3A = tpu.concatenate %convert_element_type3A_2, %convert_element_type3A_9 in 0 : vector<1x256xf32>, vector<1x256xf32> -> vector<2x256xf32>
    %get3A_10 = arith.constant 0 : index
    %get3A_11 = arith.constant 0 : index
    %get3A_12 = vector.load %arg6[%get3A_10, %get3A_11] : memref<256x128xf32, #tpu.memory_space<vmem>>, vector<256x128xf32>
    %dot_general3A = arith.constant dense<0.000000e+00> : vector<2x128xf32>
    %dot_general3A_13 = tpu.matmul %concatenate3A, %get3A_12, %dot_general3A {dimension_numbers = #tpu.dot_dimension_numbers<[1], [0], [0], [1], [0, 0, 1, 1], [], []>, transpose_lhs_hint = false} : vector<2x256xf32>, vector<256x128xf32>, vector<2x128xf32> -> vector<2x128xf32>
    %get3A_14 = arith.constant 0 : index
    %get3A_15 = arith.constant 0 : index
    %get3A_16 = arith.constant 0 : index
    %get3A_17 = vector.load %arg3[%get3A_14, %get3A_15, %get3A_16] : memref<2x2048x128xf32, #tpu.memory_space<vmem>>, vector<2x2048x128xf32>
    %get3A_18 = arith.constant 0 : index
    %get3A_19 = arith.constant 0 : index
    %get3A_20 = vector.load %arg5[%get3A_18, %get3A_19] : memref<2048x128xf32, #tpu.memory_space<vmem>>, vector<2048x128xf32>
    %broadcast_in_dim3A = vector.shape_cast %get3A_20 : vector<2048x128xf32> to vector<1x2048x128xf32>
    %add3A = vector.broadcast %broadcast_in_dim3A : vector<1x2048x128xf32> to vector<2x2048x128xf32>
    %add3A_21 = arith.addf %get3A_17, %add3A : vector<2x2048x128xf32>
    %broadcast_in_dim3A_22 = vector.shape_cast %dot_general3A_13 : vector<2x128xf32> to vector<2x1x128xf32>
    %add3A_23 = vector.broadcast %broadcast_in_dim3A_22 : vector<2x1x128xf32> to vector<2x2048x128xf32>
    %add3A_24 = arith.addf %add3A_21, %add3A_23 : vector<2x2048x128xf32>
    %reshape3A = vector.shape_cast %add3A_24 : vector<2x2048x128xf32> to vector<4096x128xf32>
    %reduce_sum3A = arith.constant dense<0.000000e+00> : vector<4096xf32>
    %reduce_sum3A_25 = vector.multi_reduction <add>, %reshape3A, %reduce_sum3A [1] : vector<4096x128xf32> to vector<4096xf32>
    %broadcast_in_dim3A_26 = vector.shape_cast %reduce_sum3A_25 : vector<4096xf32> to vector<4096x1xf32>
    %div3A = arith.constant 1.280000e+02 : f32
    %div3A_27 = vector.broadcast %div3A : f32 to vector<4096x1xf32>
    %div3A_28 = arith.divf %broadcast_in_dim3A_26, %div3A_27 : vector<4096x1xf32>
    %sub3A = vector.broadcast %div3A_28 : vector<4096x1xf32> to vector<4096x128xf32>
    %sub3A_29 = arith.subf %reshape3A, %sub3A : vector<4096x128xf32>
    %mul3A = arith.mulf %sub3A_29, %sub3A_29 : vector<4096x128xf32>
    %reduce_sum3A_30 = arith.constant dense<0.000000e+00> : vector<4096xf32>
    %reduce_sum3A_31 = vector.multi_reduction <add>, %mul3A, %reduce_sum3A_30 [1] : vector<4096x128xf32> to vector<4096xf32>
    %broadcast_in_dim3A_32 = vector.shape_cast %reduce_sum3A_31 : vector<4096xf32> to vector<4096x1xf32>
    %div3A_33 = arith.constant 1.280000e+02 : f32
    %div3A_34 = vector.broadcast %div3A_33 : f32 to vector<4096x1xf32>
    %div3A_35 = arith.divf %broadcast_in_dim3A_32, %div3A_34 : vector<4096x1xf32>
    %add3A_36 = arith.constant 9.99999974E-6 : f32
    %add3A_37 = vector.broadcast %add3A_36 : f32 to vector<4096x1xf32>
    %add3A_38 = arith.addf %div3A_35, %add3A_37 : vector<4096x1xf32>
    %rsqrt3A = math.rsqrt %add3A_38 : vector<4096x1xf32>
    %mul3A_39 = vector.broadcast %rsqrt3A : vector<4096x1xf32> to vector<4096x128xf32>
    %mul3A_40 = arith.mulf %sub3A_29, %mul3A_39 : vector<4096x128xf32>
    %get3A_41 = arith.constant 0 : index
    %get3A_42 = arith.constant 0 : index
    %get3A_43 = vector.load %arg7[%get3A_41, %get3A_42] : memref<1x128xf32, #tpu.memory_space<vmem>>, vector<1x128xf32>
    %mul3A_44 = vector.broadcast %get3A_43 : vector<1x128xf32> to vector<4096x128xf32>
    %mul3A_45 = arith.mulf %mul3A_40, %mul3A_44 : vector<4096x128xf32>
    %get3A_46 = arith.constant 0 : index
    %get3A_47 = arith.constant 0 : index
    %get3A_48 = vector.load %arg8[%get3A_46, %get3A_47] : memref<1x128xf32, #tpu.memory_space<vmem>>, vector<1x128xf32>
    %add3A_49 = vector.broadcast %get3A_48 : vector<1x128xf32> to vector<4096x128xf32>
    %add3A_50 = arith.addf %mul3A_45, %add3A_49 : vector<4096x128xf32>
    %convert_element_type3A_51 = arith.truncf %add3A_50 : vector<4096x128xf32> to vector<4096x128xbf16>
    %get3A_52 = arith.constant 0 : index
    %get3A_53 = arith.constant 0 : index
    %get3A_54 = vector.load %arg9[%get3A_52, %get3A_53] : memref<128x256xf32, #tpu.memory_space<vmem>>, vector<128x256xf32>
    %convert_element_type3A_55 = arith.truncf %get3A_54 : vector<128x256xf32> to vector<128x256xbf16>
    %dot_general3A_56 = arith.constant dense<0.000000e+00> : vector<4096x256xf32>
    %dot_general3A_57 = tpu.matmul %convert_element_type3A_51, %convert_element_type3A_55, %dot_general3A_56 {dimension_numbers = #tpu.dot_dimension_numbers<[1], [0], [0], [1], [0, 0, 1, 1], [], []>, transpose_lhs_hint = false} : vector<4096x128xbf16>, vector<128x256xbf16>, vector<4096x256xf32> -> vector<4096x256xf32>
    %get3A_58 = arith.constant 0 : index
    %get3A_59 = arith.constant 0 : index
    %get3A_60 = vector.load %arg10[%get3A_58, %get3A_59] : memref<1x256xf32, #tpu.memory_space<vmem>>, vector<1x256xf32>
    %add3A_61 = vector.broadcast %get3A_60 : vector<1x256xf32> to vector<4096x256xf32>
    %add3A_62 = arith.addf %dot_general3A_57, %add3A_61 : vector<4096x256xf32>
    %mul3A_63 = arith.constant 5.000000e-01 : f32
    %mul3A_64 = vector.broadcast %mul3A_63 : f32 to vector<4096x256xf32>
    %mul3A_65 = arith.mulf %mul3A_64, %add3A_62 : vector<4096x256xf32>
    %mul3A_66 = arith.constant 0.707106769 : f32
    %mul3A_67 = vector.broadcast %mul3A_66 : f32 to vector<4096x256xf32>
    %mul3A_68 = arith.mulf %add3A_62, %mul3A_67 : vector<4096x256xf32>
    %erf3A = math.erf %mul3A_68 : vector<4096x256xf32>
    %add3A_69 = arith.constant 1.000000e+00 : f32
    %add3A_70 = vector.broadcast %add3A_69 : f32 to vector<4096x256xf32>
    %add3A_71 = arith.addf %add3A_70, %erf3A : vector<4096x256xf32>
    %mul3A_72 = arith.mulf %mul3A_65, %add3A_71 : vector<4096x256xf32>
    %convert_element_type3A_73 = arith.truncf %mul3A_72 : vector<4096x256xf32> to vector<4096x256xbf16>
    %get3A_74 = arith.constant 0 : index
    %get3A_75 = arith.constant 0 : index
    %get3A_76 = vector.load %arg11[%get3A_74, %get3A_75] : memref<256x129xf32, #tpu.memory_space<vmem>>, vector<256x129xf32>
    %convert_element_type3A_77 = arith.truncf %get3A_76 : vector<256x129xf32> to vector<256x129xbf16>
    %dot_general3A_78 = arith.constant dense<0.000000e+00> : vector<4096x129xf32>
    %dot_general3A_79 = tpu.matmul %convert_element_type3A_73, %convert_element_type3A_77, %dot_general3A_78 {dimension_numbers = #tpu.dot_dimension_numbers<[1], [0], [0], [1], [0, 0, 1, 1], [], []>, transpose_lhs_hint = false} : vector<4096x256xbf16>, vector<256x129xbf16>, vector<4096x129xf32> -> vector<4096x129xf32>
    %get3A_80 = arith.constant 0 : index
    %get3A_81 = arith.constant 0 : index
    %get3A_82 = vector.load %arg12[%get3A_80, %get3A_81] : memref<1x129xf32, #tpu.memory_space<vmem>>, vector<1x129xf32>
    %add3A_83 = vector.broadcast %get3A_82 : vector<1x129xf32> to vector<4096x129xf32>
    %add3A_84 = arith.addf %dot_general3A_79, %add3A_83 : vector<4096x129xf32>
    %slice3A = vector.extract_strided_slice %add3A_84 {offsets = [0, 0], sizes = [4096, 128], strides = [1, 1]} : vector<4096x129xf32> to vector<4096x128xf32>
    %convert_element_type3A_85 = arith.truncf %slice3A : vector<4096x128xf32> to vector<4096x128xbf16>
    %iota3A_86 = tpu.iota {dimensions = array<i32: 1>} : vector<1x129xi32>
    %eq3A_87 = arith.constant 128 : i32
    %eq3A_88 = vector.broadcast %eq3A_87 : i32 to vector<1x129xi32>
    %eq3A_89 = arith.cmpi eq, %iota3A_86, %eq3A_88 : vector<1x129xi32>
    %convert_element_type3A_90 = arith.extui %eq3A_89 : vector<1x129xi1> to vector<1x129xi32>
    %convert_element_type3A_91 = arith.sitofp %convert_element_type3A_90 : vector<1x129xi32> to vector<1x129xf32>
    %dot_general3A_92 = arith.constant dense<0.000000e+00> : vector<1x4096xf32>
    %dot_general3A_93 = tpu.matmul %convert_element_type3A_91, %add3A_84, %dot_general3A_92 {dimension_numbers = #tpu.dot_dimension_numbers<[1], [1], [0], [0], [0, 0, 1, 0], [], []>, transpose_lhs_hint = false} : vector<1x129xf32>, vector<4096x129xf32>, vector<1x4096xf32> -> vector<1x4096xf32>
    %get3A_94 = arith.constant 0 : index
    %get3A_95 = arith.constant 0 : index
    %get3A_96 = arith.constant 0 : index
    %get3A_97 = vector.load %arg2[%get3A_94, %get3A_95, %get3A_96] : memref<2x1x2048xi32, #tpu.memory_space<vmem>>, vector<1x1x2048xi32>
    %get3A_98 = vector.shape_cast %get3A_97 : vector<1x1x2048xi32> to vector<1x2048xi32>
    %iota3A_99 = tpu.iota {dimensions = array<i32: 0>} : vector<128x2048xi32>
    %eq3A_100 = vector.broadcast %get3A_98 : vector<1x2048xi32> to vector<128x2048xi32>
    %eq3A_101 = arith.cmpi eq, %iota3A_99, %eq3A_100 : vector<128x2048xi32>
    %convert_element_type3A_102 = arith.extui %eq3A_101 : vector<128x2048xi1> to vector<128x2048xi32>
    %convert_element_type3A_103 = arith.sitofp %convert_element_type3A_102 : vector<128x2048xi32> to vector<128x2048xf32>
    %get3A_104 = arith.constant 0 : index
    %get3A_105 = arith.constant 0 : index
    %get3A_106 = vector.load %arg13[%get3A_104, %get3A_105] : memref<1x128xf32, #tpu.memory_space<vmem>>, vector<1x128xf32>
    %dot_general3A_107 = arith.constant dense<0.000000e+00> : vector<1x2048xf32>
    %dot_general3A_108 = tpu.matmul %get3A_106, %convert_element_type3A_103, %dot_general3A_107 {dimension_numbers = #tpu.dot_dimension_numbers<[1], [0], [0], [1], [0, 0, 1, 1], [], []>, transpose_lhs_hint = false} : vector<1x128xf32>, vector<128x2048xf32>, vector<1x2048xf32> -> vector<1x2048xf32>
    %get3A_109 = arith.constant 0 : index
    %get3A_110 = arith.constant 0 : index
    %get3A_111 = arith.constant 0 : index
    %get3A_112 = arith.constant 0 : index
    %get3A_113 = vector.load %arg4[%get3A_109, %get3A_110, %get3A_111, %get3A_112] : memref<2x64x32x128xf32, #tpu.memory_space<vmem>>, vector<1x64x32x128xf32>
    %get3A_114 = vector.shape_cast %get3A_113 : vector<1x64x32x128xf32> to vector<64x32x128xf32>
    %transpose3A = tpu.transpose %get3A_114, [1, 0, 2] : vector<64x32x128xf32> -> vector<32x64x128xf32>
    %reshape3A_115 = vector.shape_cast %transpose3A : vector<32x64x128xf32> to vector<2048x128xf32>
    %convert_element_type3A_116 = arith.truncf %reshape3A_115 : vector<2048x128xf32> to vector<2048x128xbf16>
    %slice3A_117 = vector.extract_strided_slice %convert_element_type3A_85 {offsets = [0, 0], sizes = [2048, 128], strides = [1, 1]} : vector<4096x128xbf16> to vector<2048x128xbf16>
    %dot_general3A_118 = arith.constant dense<0.000000e+00> : vector<2048x2048xf32>
    %dot_general3A_119 = tpu.matmul %convert_element_type3A_116, %slice3A_117, %dot_general3A_118 {dimension_numbers = #tpu.dot_dimension_numbers<[1], [1], [0], [0], [0, 0, 1, 0], [], []>, transpose_lhs_hint = false} : vector<2048x128xbf16>, vector<2048x128xbf16>, vector<2048x2048xf32> -> vector<2048x2048xf32>
    %reshape3A_120 = vector.shape_cast %dot_general3A_119 : vector<2048x2048xf32> to vector<32x64x2048xf32>
    %slice3A_121 = vector.extract_strided_slice %dot_general3A_93 {offsets = [0, 0], sizes = [1, 2048], strides = [1, 1]} : vector<1x4096xf32> to vector<1x2048xf32>
    %eq3A_122 = arith.constant 0.000000e+00 : f32
    %eq3A_123 = vector.broadcast %eq3A_122 : f32 to vector<1x2048xf32>
    %eq3A_124 = arith.cmpf oeq, %dot_general3A_108, %eq3A_123 : vector<1x2048xf32>
    %convert_element_type3A_125 = arith.extui %eq3A_124 : vector<1x2048xi1> to vector<1x2048xi32>
    %convert_element_type3A_126 = arith.sitofp %convert_element_type3A_125 : vector<1x2048xi32> to vector<1x2048xf32>
    %eq3A_127 = arith.constant 1.000000e+00 : f32
    %eq3A_128 = vector.broadcast %eq3A_127 : f32 to vector<1x2048xf32>
    %eq3A_129 = arith.cmpf oeq, %dot_general3A_108, %eq3A_128 : vector<1x2048xf32>
    %convert_element_type3A_130 = arith.extui %eq3A_129 : vector<1x2048xi1> to vector<1x2048xi32>
    %convert_element_type3A_131 = arith.sitofp %convert_element_type3A_130 : vector<1x2048xi32> to vector<1x2048xf32>
    %eq3A_132 = arith.constant 2.000000e+00 : f32
    %eq3A_133 = vector.broadcast %eq3A_132 : f32 to vector<1x2048xf32>
    %eq3A_134 = arith.cmpf oeq, %dot_general3A_108, %eq3A_133 : vector<1x2048xf32>
    %convert_element_type3A_135 = arith.extui %eq3A_134 : vector<1x2048xi1> to vector<1x2048xi32>
    %convert_element_type3A_136 = arith.sitofp %convert_element_type3A_135 : vector<1x2048xi32> to vector<1x2048xf32>
    %eq3A_137 = arith.constant 3.000000e+00 : f32
    %eq3A_138 = vector.broadcast %eq3A_137 : f32 to vector<1x2048xf32>
    %eq3A_139 = arith.cmpf oeq, %dot_general3A_108, %eq3A_138 : vector<1x2048xf32>
    %convert_element_type3A_140 = arith.extui %eq3A_139 : vector<1x2048xi1> to vector<1x2048xi32>
    %convert_element_type3A_141 = arith.sitofp %convert_element_type3A_140 : vector<1x2048xi32> to vector<1x2048xf32>
    %eq3A_142 = arith.constant 4.000000e+00 : f32
    %eq3A_143 = vector.broadcast %eq3A_142 : f32 to vector<1x2048xf32>
    %eq3A_144 = arith.cmpf oeq, %dot_general3A_108, %eq3A_143 : vector<1x2048xf32>
    %convert_element_type3A_145 = arith.extui %eq3A_144 : vector<1x2048xi1> to vector<1x2048xi32>
    %convert_element_type3A_146 = arith.sitofp %convert_element_type3A_145 : vector<1x2048xi32> to vector<1x2048xf32>
    %eq3A_147 = arith.constant 5.000000e+00 : f32
    %eq3A_148 = vector.broadcast %eq3A_147 : f32 to vector<1x2048xf32>
    %eq3A_149 = arith.cmpf oeq, %dot_general3A_108, %eq3A_148 : vector<1x2048xf32>
    %convert_element_type3A_150 = arith.extui %eq3A_149 : vector<1x2048xi1> to vector<1x2048xi32>
    %convert_element_type3A_151 = arith.sitofp %convert_element_type3A_150 : vector<1x2048xi32> to vector<1x2048xf32>
    %eq3A_152 = arith.constant 6.000000e+00 : f32
    %eq3A_153 = vector.broadcast %eq3A_152 : f32 to vector<1x2048xf32>
    %eq3A_154 = arith.cmpf oeq, %dot_general3A_108, %eq3A_153 : vector<1x2048xf32>
    %convert_element_type3A_155 = arith.extui %eq3A_154 : vector<1x2048xi1> to vector<1x2048xi32>
    %convert_element_type3A_156 = arith.sitofp %convert_element_type3A_155 : vector<1x2048xi32> to vector<1x2048xf32>
    %eq3A_157 = arith.constant 7.000000e+00 : f32
    %eq3A_158 = vector.broadcast %eq3A_157 : f32 to vector<1x2048xf32>
    %eq3A_159 = arith.cmpf oeq, %dot_general3A_108, %eq3A_158 : vector<1x2048xf32>
    %convert_element_type3A_160 = arith.extui %eq3A_159 : vector<1x2048xi1> to vector<1x2048xi32>
    %convert_element_type3A_161 = arith.sitofp %convert_element_type3A_160 : vector<1x2048xi32> to vector<1x2048xf32>
    %eq3A_162 = arith.constant 8.000000e+00 : f32
    %eq3A_163 = vector.broadcast %eq3A_162 : f32 to vector<1x2048xf32>
    %eq3A_164 = arith.cmpf oeq, %dot_general3A_108, %eq3A_163 : vector<1x2048xf32>
    %convert_element_type3A_165 = arith.extui %eq3A_164 : vector<1x2048xi1> to vector<1x2048xi32>
    %convert_element_type3A_166 = arith.sitofp %convert_element_type3A_165 : vector<1x2048xi32> to vector<1x2048xf32>
    %eq3A_167 = arith.constant 9.000000e+00 : f32
    %eq3A_168 = vector.broadcast %eq3A_167 : f32 to vector<1x2048xf32>
    %eq3A_169 = arith.cmpf oeq, %dot_general3A_108, %eq3A_168 : vector<1x2048xf32>
    %convert_element_type3A_170 = arith.extui %eq3A_169 : vector<1x2048xi1> to vector<1x2048xi32>
    %convert_element_type3A_171 = arith.sitofp %convert_element_type3A_170 : vector<1x2048xi32> to vector<1x2048xf32>
    %eq3A_172 = arith.constant 1.000000e+01 : f32
    %eq3A_173 = vector.broadcast %eq3A_172 : f32 to vector<1x2048xf32>
    %eq3A_174 = arith.cmpf oeq, %dot_general3A_108, %eq3A_173 : vector<1x2048xf32>
    %convert_element_type3A_175 = arith.extui %eq3A_174 : vector<1x2048xi1> to vector<1x2048xi32>
    %convert_element_type3A_176 = arith.sitofp %convert_element_type3A_175 : vector<1x2048xi32> to vector<1x2048xf32>
    %eq3A_177 = arith.constant 1.100000e+01 : f32
    %eq3A_178 = vector.broadcast %eq3A_177 : f32 to vector<1x2048xf32>
    %eq3A_179 = arith.cmpf oeq, %dot_general3A_108, %eq3A_178 : vector<1x2048xf32>
    %convert_element_type3A_180 = arith.extui %eq3A_179 : vector<1x2048xi1> to vector<1x2048xi32>
    %convert_element_type3A_181 = arith.sitofp %convert_element_type3A_180 : vector<1x2048xi32> to vector<1x2048xf32>
    %eq3A_182 = arith.constant 1.200000e+01 : f32
    %eq3A_183 = vector.broadcast %eq3A_182 : f32 to vector<1x2048xf32>
    %eq3A_184 = arith.cmpf oeq, %dot_general3A_108, %eq3A_183 : vector<1x2048xf32>
    %convert_element_type3A_185 = arith.extui %eq3A_184 : vector<1x2048xi1> to vector<1x2048xi32>
    %convert_element_type3A_186 = arith.sitofp %convert_element_type3A_185 : vector<1x2048xi32> to vector<1x2048xf32>
    %eq3A_187 = arith.constant 1.300000e+01 : f32
    %eq3A_188 = vector.broadcast %eq3A_187 : f32 to vector<1x2048xf32>
    %eq3A_189 = arith.cmpf oeq, %dot_general3A_108, %eq3A_188 : vector<1x2048xf32>
    %convert_element_type3A_190 = arith.extui %eq3A_189 : vector<1x2048xi1> to vector<1x2048xi32>
    %convert_element_type3A_191 = arith.sitofp %convert_element_type3A_190 : vector<1x2048xi32> to vector<1x2048xf32>
    %eq3A_192 = arith.constant 1.400000e+01 : f32
    %eq3A_193 = vector.broadcast %eq3A_192 : f32 to vector<1x2048xf32>
    %eq3A_194 = arith.cmpf oeq, %dot_general3A_108, %eq3A_193 : vector<1x2048xf32>
    %convert_element_type3A_195 = arith.extui %eq3A_194 : vector<1x2048xi1> to vector<1x2048xi32>
    %convert_element_type3A_196 = arith.sitofp %convert_element_type3A_195 : vector<1x2048xi32> to vector<1x2048xf32>
    %eq3A_197 = arith.constant 1.500000e+01 : f32
    %eq3A_198 = vector.broadcast %eq3A_197 : f32 to vector<1x2048xf32>
    %eq3A_199 = arith.cmpf oeq, %dot_general3A_108, %eq3A_198 : vector<1x2048xf32>
    %convert_element_type3A_200 = arith.extui %eq3A_199 : vector<1x2048xi1> to vector<1x2048xi32>
    %convert_element_type3A_201 = arith.sitofp %convert_element_type3A_200 : vector<1x2048xi32> to vector<1x2048xf32>
    %eq3A_202 = arith.constant 1.600000e+01 : f32
    %eq3A_203 = vector.broadcast %eq3A_202 : f32 to vector<1x2048xf32>
    %eq3A_204 = arith.cmpf oeq, %dot_general3A_108, %eq3A_203 : vector<1x2048xf32>
    %convert_element_type3A_205 = arith.extui %eq3A_204 : vector<1x2048xi1> to vector<1x2048xi32>
    %convert_element_type3A_206 = arith.sitofp %convert_element_type3A_205 : vector<1x2048xi32> to vector<1x2048xf32>
    %eq3A_207 = arith.constant 1.700000e+01 : f32
    %eq3A_208 = vector.broadcast %eq3A_207 : f32 to vector<1x2048xf32>
    %eq3A_209 = arith.cmpf oeq, %dot_general3A_108, %eq3A_208 : vector<1x2048xf32>
    %convert_element_type3A_210 = arith.extui %eq3A_209 : vector<1x2048xi1> to vector<1x2048xi32>
    %convert_element_type3A_211 = arith.sitofp %convert_element_type3A_210 : vector<1x2048xi32> to vector<1x2048xf32>
    %eq3A_212 = arith.constant 1.800000e+01 : f32
    %eq3A_213 = vector.broadcast %eq3A_212 : f32 to vector<1x2048xf32>
    %eq3A_214 = arith.cmpf oeq, %dot_general3A_108, %eq3A_213 : vector<1x2048xf32>
    %convert_element_type3A_215 = arith.extui %eq3A_214 : vector<1x2048xi1> to vector<1x2048xi32>
    %convert_element_type3A_216 = arith.sitofp %convert_element_type3A_215 : vector<1x2048xi32> to vector<1x2048xf32>
    %eq3A_217 = arith.constant 1.900000e+01 : f32
    %eq3A_218 = vector.broadcast %eq3A_217 : f32 to vector<1x2048xf32>
    %eq3A_219 = arith.cmpf oeq, %dot_general3A_108, %eq3A_218 : vector<1x2048xf32>
    %convert_element_type3A_220 = arith.extui %eq3A_219 : vector<1x2048xi1> to vector<1x2048xi32>
    %convert_element_type3A_221 = arith.sitofp %convert_element_type3A_220 : vector<1x2048xi32> to vector<1x2048xf32>
    %eq3A_222 = arith.constant 2.000000e+01 : f32
    %eq3A_223 = vector.broadcast %eq3A_222 : f32 to vector<1x2048xf32>
    %eq3A_224 = arith.cmpf oeq, %dot_general3A_108, %eq3A_223 : vector<1x2048xf32>
    %convert_element_type3A_225 = arith.extui %eq3A_224 : vector<1x2048xi1> to vector<1x2048xi32>
    %convert_element_type3A_226 = arith.sitofp %convert_element_type3A_225 : vector<1x2048xi32> to vector<1x2048xf32>
    %eq3A_227 = arith.constant 2.100000e+01 : f32
    %eq3A_228 = vector.broadcast %eq3A_227 : f32 to vector<1x2048xf32>
    %eq3A_229 = arith.cmpf oeq, %dot_general3A_108, %eq3A_228 : vector<1x2048xf32>
    %convert_element_type3A_230 = arith.extui %eq3A_229 : vector<1x2048xi1> to vector<1x2048xi32>
    %convert_element_type3A_231 = arith.sitofp %convert_element_type3A_230 : vector<1x2048xi32> to vector<1x2048xf32>
    %eq3A_232 = arith.constant 2.200000e+01 : f32
    %eq3A_233 = vector.broadcast %eq3A_232 : f32 to vector<1x2048xf32>
    %eq3A_234 = arith.cmpf oeq, %dot_general3A_108, %eq3A_233 : vector<1x2048xf32>
    %convert_element_type3A_235 = arith.extui %eq3A_234 : vector<1x2048xi1> to vector<1x2048xi32>
    %convert_element_type3A_236 = arith.sitofp %convert_element_type3A_235 : vector<1x2048xi32> to vector<1x2048xf32>
    %eq3A_237 = arith.constant 2.300000e+01 : f32
    %eq3A_238 = vector.broadcast %eq3A_237 : f32 to vector<1x2048xf32>
    %eq3A_239 = arith.cmpf oeq, %dot_general3A_108, %eq3A_238 : vector<1x2048xf32>
    %convert_element_type3A_240 = arith.extui %eq3A_239 : vector<1x2048xi1> to vector<1x2048xi32>
    %convert_element_type3A_241 = arith.sitofp %convert_element_type3A_240 : vector<1x2048xi32> to vector<1x2048xf32>
    %eq3A_242 = arith.constant 2.400000e+01 : f32
    %eq3A_243 = vector.broadcast %eq3A_242 : f32 to vector<1x2048xf32>
    %eq3A_244 = arith.cmpf oeq, %dot_general3A_108, %eq3A_243 : vector<1x2048xf32>
    %convert_element_type3A_245 = arith.extui %eq3A_244 : vector<1x2048xi1> to vector<1x2048xi32>
    %convert_element_type3A_246 = arith.sitofp %convert_element_type3A_245 : vector<1x2048xi32> to vector<1x2048xf32>
    %eq3A_247 = arith.constant 2.500000e+01 : f32
    %eq3A_248 = vector.broadcast %eq3A_247 : f32 to vector<1x2048xf32>
    %eq3A_249 = arith.cmpf oeq, %dot_general3A_108, %eq3A_248 : vector<1x2048xf32>
    %convert_element_type3A_250 = arith.extui %eq3A_249 : vector<1x2048xi1> to vector<1x2048xi32>
    %convert_element_type3A_251 = arith.sitofp %convert_element_type3A_250 : vector<1x2048xi32> to vector<1x2048xf32>
    %eq3A_252 = arith.constant 2.600000e+01 : f32
    %eq3A_253 = vector.broadcast %eq3A_252 : f32 to vector<1x2048xf32>
    %eq3A_254 = arith.cmpf oeq, %dot_general3A_108, %eq3A_253 : vector<1x2048xf32>
    %convert_element_type3A_255 = arith.extui %eq3A_254 : vector<1x2048xi1> to vector<1x2048xi32>
    %convert_element_type3A_256 = arith.sitofp %convert_element_type3A_255 : vector<1x2048xi32> to vector<1x2048xf32>
    %eq3A_257 = arith.constant 2.700000e+01 : f32
    %eq3A_258 = vector.broadcast %eq3A_257 : f32 to vector<1x2048xf32>
    %eq3A_259 = arith.cmpf oeq, %dot_general3A_108, %eq3A_258 : vector<1x2048xf32>
    %convert_element_type3A_260 = arith.extui %eq3A_259 : vector<1x2048xi1> to vector<1x2048xi32>
    %convert_element_type3A_261 = arith.sitofp %convert_element_type3A_260 : vector<1x2048xi32> to vector<1x2048xf32>
    %eq3A_262 = arith.constant 2.800000e+01 : f32
    %eq3A_263 = vector.broadcast %eq3A_262 : f32 to vector<1x2048xf32>
    %eq3A_264 = arith.cmpf oeq, %dot_general3A_108, %eq3A_263 : vector<1x2048xf32>
    %convert_element_type3A_265 = arith.extui %eq3A_264 : vector<1x2048xi1> to vector<1x2048xi32>
    %convert_element_type3A_266 = arith.sitofp %convert_element_type3A_265 : vector<1x2048xi32> to vector<1x2048xf32>
    %eq3A_267 = arith.constant 2.900000e+01 : f32
    %eq3A_268 = vector.broadcast %eq3A_267 : f32 to vector<1x2048xf32>
    %eq3A_269 = arith.cmpf oeq, %dot_general3A_108, %eq3A_268 : vector<1x2048xf32>
    %convert_element_type3A_270 = arith.extui %eq3A_269 : vector<1x2048xi1> to vector<1x2048xi32>
    %convert_element_type3A_271 = arith.sitofp %convert_element_type3A_270 : vector<1x2048xi32> to vector<1x2048xf32>
    %eq3A_272 = arith.constant 3.000000e+01 : f32
    %eq3A_273 = vector.broadcast %eq3A_272 : f32 to vector<1x2048xf32>
    %eq3A_274 = arith.cmpf oeq, %dot_general3A_108, %eq3A_273 : vector<1x2048xf32>
    %convert_element_type3A_275 = arith.extui %eq3A_274 : vector<1x2048xi1> to vector<1x2048xi32>
    %convert_element_type3A_276 = arith.sitofp %convert_element_type3A_275 : vector<1x2048xi32> to vector<1x2048xf32>
    %eq3A_277 = arith.constant 3.100000e+01 : f32
    %eq3A_278 = vector.broadcast %eq3A_277 : f32 to vector<1x2048xf32>
    %eq3A_279 = arith.cmpf oeq, %dot_general3A_108, %eq3A_278 : vector<1x2048xf32>
    %convert_element_type3A_280 = arith.extui %eq3A_279 : vector<1x2048xi1> to vector<1x2048xi32>
    %convert_element_type3A_281 = arith.sitofp %convert_element_type3A_280 : vector<1x2048xi32> to vector<1x2048xf32>
    %broadcast_in_dim3A_282 = arith.constant 0.000000e+00 : f32
    %broadcast_in_dim3A_283 = vector.broadcast %broadcast_in_dim3A_282 : f32 to vector<8x2048xf32>
    %add3A_284 = vector.broadcast %slice3A_121 : vector<1x2048xf32> to vector<8x2048xf32>
    %add3A_285 = arith.addf %broadcast_in_dim3A_283, %add3A_284 : vector<8x2048xf32>
    %slice3A_286 = vector.extract_strided_slice %reshape3A_120 {offsets = [0, 0, 0], sizes = [1, 8, 2048], strides = [1, 1, 1]} : vector<32x64x2048xf32> to vector<1x8x2048xf32>
    %squeeze3A = vector.shape_cast %slice3A_286 : vector<1x8x2048xf32> to vector<8x2048xf32>
    %mul3A_287 = vector.broadcast %convert_element_type3A_126 : vector<1x2048xf32> to vector<8x2048xf32>
    %mul3A_288 = arith.mulf %squeeze3A, %mul3A_287 : vector<8x2048xf32>
    %add3A_289 = arith.addf %add3A_285, %mul3A_288 : vector<8x2048xf32>
    %slice3A_290 = vector.extract_strided_slice %reshape3A_120 {offsets = [1, 0, 0], sizes = [1, 8, 2048], strides = [1, 1, 1]} : vector<32x64x2048xf32> to vector<1x8x2048xf32>
    %squeeze3A_291 = vector.shape_cast %slice3A_290 : vector<1x8x2048xf32> to vector<8x2048xf32>
    %mul3A_292 = vector.broadcast %convert_element_type3A_131 : vector<1x2048xf32> to vector<8x2048xf32>
    %mul3A_293 = arith.mulf %squeeze3A_291, %mul3A_292 : vector<8x2048xf32>
    %add3A_294 = arith.addf %add3A_289, %mul3A_293 : vector<8x2048xf32>
    %slice3A_295 = vector.extract_strided_slice %reshape3A_120 {offsets = [2, 0, 0], sizes = [1, 8, 2048], strides = [1, 1, 1]} : vector<32x64x2048xf32> to vector<1x8x2048xf32>
    %squeeze3A_296 = vector.shape_cast %slice3A_295 : vector<1x8x2048xf32> to vector<8x2048xf32>
    %mul3A_297 = vector.broadcast %convert_element_type3A_136 : vector<1x2048xf32> to vector<8x2048xf32>
    %mul3A_298 = arith.mulf %squeeze3A_296, %mul3A_297 : vector<8x2048xf32>
    %add3A_299 = arith.addf %add3A_294, %mul3A_298 : vector<8x2048xf32>
    %slice3A_300 = vector.extract_strided_slice %reshape3A_120 {offsets = [3, 0, 0], sizes = [1, 8, 2048], strides = [1, 1, 1]} : vector<32x64x2048xf32> to vector<1x8x2048xf32>
    %squeeze3A_301 = vector.shape_cast %slice3A_300 : vector<1x8x2048xf32> to vector<8x2048xf32>
    %mul3A_302 = vector.broadcast %convert_element_type3A_141 : vector<1x2048xf32> to vector<8x2048xf32>
    %mul3A_303 = arith.mulf %squeeze3A_301, %mul3A_302 : vector<8x2048xf32>
    %add3A_304 = arith.addf %add3A_299, %mul3A_303 : vector<8x2048xf32>
    %slice3A_305 = vector.extract_strided_slice %reshape3A_120 {offsets = [4, 0, 0], sizes = [1, 8, 2048], strides = [1, 1, 1]} : vector<32x64x2048xf32> to vector<1x8x2048xf32>
    %squeeze3A_306 = vector.shape_cast %slice3A_305 : vector<1x8x2048xf32> to vector<8x2048xf32>
    %mul3A_307 = vector.broadcast %convert_element_type3A_146 : vector<1x2048xf32> to vector<8x2048xf32>
    %mul3A_308 = arith.mulf %squeeze3A_306, %mul3A_307 : vector<8x2048xf32>
    %add3A_309 = arith.addf %add3A_304, %mul3A_308 : vector<8x2048xf32>
    %slice3A_310 = vector.extract_strided_slice %reshape3A_120 {offsets = [5, 0, 0], sizes = [1, 8, 2048], strides = [1, 1, 1]} : vector<32x64x2048xf32> to vector<1x8x2048xf32>
    %squeeze3A_311 = vector.shape_cast %slice3A_310 : vector<1x8x2048xf32> to vector<8x2048xf32>
    %mul3A_312 = vector.broadcast %convert_element_type3A_151 : vector<1x2048xf32> to vector<8x2048xf32>
    %mul3A_313 = arith.mulf %squeeze3A_311, %mul3A_312 : vector<8x2048xf32>
    %add3A_314 = arith.addf %add3A_309, %mul3A_313 : vector<8x2048xf32>
    %slice3A_315 = vector.extract_strided_slice %reshape3A_120 {offsets = [6, 0, 0], sizes = [1, 8, 2048], strides = [1, 1, 1]} : vector<32x64x2048xf32> to vector<1x8x2048xf32>
    %squeeze3A_316 = vector.shape_cast %slice3A_315 : vector<1x8x2048xf32> to vector<8x2048xf32>
    %mul3A_317 = vector.broadcast %convert_element_type3A_156 : vector<1x2048xf32> to vector<8x2048xf32>
    %mul3A_318 = arith.mulf %squeeze3A_316, %mul3A_317 : vector<8x2048xf32>
    %add3A_319 = arith.addf %add3A_314, %mul3A_318 : vector<8x2048xf32>
    %slice3A_320 = vector.extract_strided_slice %reshape3A_120 {offsets = [7, 0, 0], sizes = [1, 8, 2048], strides = [1, 1, 1]} : vector<32x64x2048xf32> to vector<1x8x2048xf32>
    %squeeze3A_321 = vector.shape_cast %slice3A_320 : vector<1x8x2048xf32> to vector<8x2048xf32>
    %mul3A_322 = vector.broadcast %convert_element_type3A_161 : vector<1x2048xf32> to vector<8x2048xf32>
    %mul3A_323 = arith.mulf %squeeze3A_321, %mul3A_322 : vector<8x2048xf32>
    %add3A_324 = arith.addf %add3A_319, %mul3A_323 : vector<8x2048xf32>
    %slice3A_325 = vector.extract_strided_slice %reshape3A_120 {offsets = [8, 0, 0], sizes = [1, 8, 2048], strides = [1, 1, 1]} : vector<32x64x2048xf32> to vector<1x8x2048xf32>
    %squeeze3A_326 = vector.shape_cast %slice3A_325 : vector<1x8x2048xf32> to vector<8x2048xf32>
    %mul3A_327 = vector.broadcast %convert_element_type3A_166 : vector<1x2048xf32> to vector<8x2048xf32>
    %mul3A_328 = arith.mulf %squeeze3A_326, %mul3A_327 : vector<8x2048xf32>
    %add3A_329 = arith.addf %add3A_324, %mul3A_328 : vector<8x2048xf32>
    %slice3A_330 = vector.extract_strided_slice %reshape3A_120 {offsets = [9, 0, 0], sizes = [1, 8, 2048], strides = [1, 1, 1]} : vector<32x64x2048xf32> to vector<1x8x2048xf32>
    %squeeze3A_331 = vector.shape_cast %slice3A_330 : vector<1x8x2048xf32> to vector<8x2048xf32>
    %mul3A_332 = vector.broadcast %convert_element_type3A_171 : vector<1x2048xf32> to vector<8x2048xf32>
    %mul3A_333 = arith.mulf %squeeze3A_331, %mul3A_332 : vector<8x2048xf32>
    %add3A_334 = arith.addf %add3A_329, %mul3A_333 : vector<8x2048xf32>
    %slice3A_335 = vector.extract_strided_slice %reshape3A_120 {offsets = [10, 0, 0], sizes = [1, 8, 2048], strides = [1, 1, 1]} : vector<32x64x2048xf32> to vector<1x8x2048xf32>
    %squeeze3A_336 = vector.shape_cast %slice3A_335 : vector<1x8x2048xf32> to vector<8x2048xf32>
    %mul3A_337 = vector.broadcast %convert_element_type3A_176 : vector<1x2048xf32> to vector<8x2048xf32>
    %mul3A_338 = arith.mulf %squeeze3A_336, %mul3A_337 : vector<8x2048xf32>
    %add3A_339 = arith.addf %add3A_334, %mul3A_338 : vector<8x2048xf32>
    %slice3A_340 = vector.extract_strided_slice %reshape3A_120 {offsets = [11, 0, 0], sizes = [1, 8, 2048], strides = [1, 1, 1]} : vector<32x64x2048xf32> to vector<1x8x2048xf32>
    %squeeze3A_341 = vector.shape_cast %slice3A_340 : vector<1x8x2048xf32> to vector<8x2048xf32>
    %mul3A_342 = vector.broadcast %convert_element_type3A_181 : vector<1x2048xf32> to vector<8x2048xf32>
    %mul3A_343 = arith.mulf %squeeze3A_341, %mul3A_342 : vector<8x2048xf32>
    %add3A_344 = arith.addf %add3A_339, %mul3A_343 : vector<8x2048xf32>
    %slice3A_345 = vector.extract_strided_slice %reshape3A_120 {offsets = [12, 0, 0], sizes = [1, 8, 2048], strides = [1, 1, 1]} : vector<32x64x2048xf32> to vector<1x8x2048xf32>
    %squeeze3A_346 = vector.shape_cast %slice3A_345 : vector<1x8x2048xf32> to vector<8x2048xf32>
    %mul3A_347 = vector.broadcast %convert_element_type3A_186 : vector<1x2048xf32> to vector<8x2048xf32>
    %mul3A_348 = arith.mulf %squeeze3A_346, %mul3A_347 : vector<8x2048xf32>
    %add3A_349 = arith.addf %add3A_344, %mul3A_348 : vector<8x2048xf32>
    %slice3A_350 = vector.extract_strided_slice %reshape3A_120 {offsets = [13, 0, 0], sizes = [1, 8, 2048], strides = [1, 1, 1]} : vector<32x64x2048xf32> to vector<1x8x2048xf32>
    %squeeze3A_351 = vector.shape_cast %slice3A_350 : vector<1x8x2048xf32> to vector<8x2048xf32>
    %mul3A_352 = vector.broadcast %convert_element_type3A_191 : vector<1x2048xf32> to vector<8x2048xf32>
    %mul3A_353 = arith.mulf %squeeze3A_351, %mul3A_352 : vector<8x2048xf32>
    %add3A_354 = arith.addf %add3A_349, %mul3A_353 : vector<8x2048xf32>
    %slice3A_355 = vector.extract_strided_slice %reshape3A_120 {offsets = [14, 0, 0], sizes = [1, 8, 2048], strides = [1, 1, 1]} : vector<32x64x2048xf32> to vector<1x8x2048xf32>
    %squeeze3A_356 = vector.shape_cast %slice3A_355 : vector<1x8x2048xf32> to vector<8x2048xf32>
    %mul3A_357 = vector.broadcast %convert_element_type3A_196 : vector<1x2048xf32> to vector<8x2048xf32>
    %mul3A_358 = arith.mulf %squeeze3A_356, %mul3A_357 : vector<8x2048xf32>
    %add3A_359 = arith.addf %add3A_354, %mul3A_358 : vector<8x2048xf32>
    %slice3A_360 = vector.extract_strided_slice %reshape3A_120 {offsets = [15, 0, 0], sizes = [1, 8, 2048], strides = [1, 1, 1]} : vector<32x64x2048xf32> to vector<1x8x2048xf32>
    %squeeze3A_361 = vector.shape_cast %slice3A_360 : vector<1x8x2048xf32> to vector<8x2048xf32>
    %mul3A_362 = vector.broadcast %convert_element_type3A_201 : vector<1x2048xf32> to vector<8x2048xf32>
    %mul3A_363 = arith.mulf %squeeze3A_361, %mul3A_362 : vector<8x2048xf32>
    %add3A_364 = arith.addf %add3A_359, %mul3A_363 : vector<8x2048xf32>
    %slice3A_365 = vector.extract_strided_slice %reshape3A_120 {offsets = [16, 0, 0], sizes = [1, 8, 2048], strides = [1, 1, 1]} : vector<32x64x2048xf32> to vector<1x8x2048xf32>
    %squeeze3A_366 = vector.shape_cast %slice3A_365 : vector<1x8x2048xf32> to vector<8x2048xf32>
    %mul3A_367 = vector.broadcast %convert_element_type3A_206 : vector<1x2048xf32> to vector<8x2048xf32>
    %mul3A_368 = arith.mulf %squeeze3A_366, %mul3A_367 : vector<8x2048xf32>
    %add3A_369 = arith.addf %add3A_364, %mul3A_368 : vector<8x2048xf32>
    %slice3A_370 = vector.extract_strided_slice %reshape3A_120 {offsets = [17, 0, 0], sizes = [1, 8, 2048], strides = [1, 1, 1]} : vector<32x64x2048xf32> to vector<1x8x2048xf32>
    %squeeze3A_371 = vector.shape_cast %slice3A_370 : vector<1x8x2048xf32> to vector<8x2048xf32>
    %mul3A_372 = vector.broadcast %convert_element_type3A_211 : vector<1x2048xf32> to vector<8x2048xf32>
    %mul3A_373 = arith.mulf %squeeze3A_371, %mul3A_372 : vector<8x2048xf32>
    %add3A_374 = arith.addf %add3A_369, %mul3A_373 : vector<8x2048xf32>
    %slice3A_375 = vector.extract_strided_slice %reshape3A_120 {offsets = [18, 0, 0], sizes = [1, 8, 2048], strides = [1, 1, 1]} : vector<32x64x2048xf32> to vector<1x8x2048xf32>
    %squeeze3A_376 = vector.shape_cast %slice3A_375 : vector<1x8x2048xf32> to vector<8x2048xf32>
    %mul3A_377 = vector.broadcast %convert_element_type3A_216 : vector<1x2048xf32> to vector<8x2048xf32>
    %mul3A_378 = arith.mulf %squeeze3A_376, %mul3A_377 : vector<8x2048xf32>
    %add3A_379 = arith.addf %add3A_374, %mul3A_378 : vector<8x2048xf32>
    %slice3A_380 = vector.extract_strided_slice %reshape3A_120 {offsets = [19, 0, 0], sizes = [1, 8, 2048], strides = [1, 1, 1]} : vector<32x64x2048xf32> to vector<1x8x2048xf32>
    %squeeze3A_381 = vector.shape_cast %slice3A_380 : vector<1x8x2048xf32> to vector<8x2048xf32>
    %mul3A_382 = vector.broadcast %convert_element_type3A_221 : vector<1x2048xf32> to vector<8x2048xf32>
    %mul3A_383 = arith.mulf %squeeze3A_381, %mul3A_382 : vector<8x2048xf32>
    %add3A_384 = arith.addf %add3A_379, %mul3A_383 : vector<8x2048xf32>
    %slice3A_385 = vector.extract_strided_slice %reshape3A_120 {offsets = [20, 0, 0], sizes = [1, 8, 2048], strides = [1, 1, 1]} : vector<32x64x2048xf32> to vector<1x8x2048xf32>
    %squeeze3A_386 = vector.shape_cast %slice3A_385 : vector<1x8x2048xf32> to vector<8x2048xf32>
    %mul3A_387 = vector.broadcast %convert_element_type3A_226 : vector<1x2048xf32> to vector<8x2048xf32>
    %mul3A_388 = arith.mulf %squeeze3A_386, %mul3A_387 : vector<8x2048xf32>
    %add3A_389 = arith.addf %add3A_384, %mul3A_388 : vector<8x2048xf32>
    %slice3A_390 = vector.extract_strided_slice %reshape3A_120 {offsets = [21, 0, 0], sizes = [1, 8, 2048], strides = [1, 1, 1]} : vector<32x64x2048xf32> to vector<1x8x2048xf32>
    %squeeze3A_391 = vector.shape_cast %slice3A_390 : vector<1x8x2048xf32> to vector<8x2048xf32>
    %mul3A_392 = vector.broadcast %convert_element_type3A_231 : vector<1x2048xf32> to vector<8x2048xf32>
    %mul3A_393 = arith.mulf %squeeze3A_391, %mul3A_392 : vector<8x2048xf32>
    %add3A_394 = arith.addf %add3A_389, %mul3A_393 : vector<8x2048xf32>
    %slice3A_395 = vector.extract_strided_slice %reshape3A_120 {offsets = [22, 0, 0], sizes = [1, 8, 2048], strides = [1, 1, 1]} : vector<32x64x2048xf32> to vector<1x8x2048xf32>
    %squeeze3A_396 = vector.shape_cast %slice3A_395 : vector<1x8x2048xf32> to vector<8x2048xf32>
    %mul3A_397 = vector.broadcast %convert_element_type3A_236 : vector<1x2048xf32> to vector<8x2048xf32>
    %mul3A_398 = arith.mulf %squeeze3A_396, %mul3A_397 : vector<8x2048xf32>
    %add3A_399 = arith.addf %add3A_394, %mul3A_398 : vector<8x2048xf32>
    %slice3A_400 = vector.extract_strided_slice %reshape3A_120 {offsets = [23, 0, 0], sizes = [1, 8, 2048], strides = [1, 1, 1]} : vector<32x64x2048xf32> to vector<1x8x2048xf32>
    %squeeze3A_401 = vector.shape_cast %slice3A_400 : vector<1x8x2048xf32> to vector<8x2048xf32>
    %mul3A_402 = vector.broadcast %convert_element_type3A_241 : vector<1x2048xf32> to vector<8x2048xf32>
    %mul3A_403 = arith.mulf %squeeze3A_401, %mul3A_402 : vector<8x2048xf32>
    %add3A_404 = arith.addf %add3A_399, %mul3A_403 : vector<8x2048xf32>
    %slice3A_405 = vector.extract_strided_slice %reshape3A_120 {offsets = [24, 0, 0], sizes = [1, 8, 2048], strides = [1, 1, 1]} : vector<32x64x2048xf32> to vector<1x8x2048xf32>
    %squeeze3A_406 = vector.shape_cast %slice3A_405 : vector<1x8x2048xf32> to vector<8x2048xf32>
    %mul3A_407 = vector.broadcast %convert_element_type3A_246 : vector<1x2048xf32> to vector<8x2048xf32>
    %mul3A_408 = arith.mulf %squeeze3A_406, %mul3A_407 : vector<8x2048xf32>
    %add3A_409 = arith.addf %add3A_404, %mul3A_408 : vector<8x2048xf32>
    %slice3A_410 = vector.extract_strided_slice %reshape3A_120 {offsets = [25, 0, 0], sizes = [1, 8, 2048], strides = [1, 1, 1]} : vector<32x64x2048xf32> to vector<1x8x2048xf32>
    %squeeze3A_411 = vector.shape_cast %slice3A_410 : vector<1x8x2048xf32> to vector<8x2048xf32>
    %mul3A_412 = vector.broadcast %convert_element_type3A_251 : vector<1x2048xf32> to vector<8x2048xf32>
    %mul3A_413 = arith.mulf %squeeze3A_411, %mul3A_412 : vector<8x2048xf32>
    %add3A_414 = arith.addf %add3A_409, %mul3A_413 : vector<8x2048xf32>
    %slice3A_415 = vector.extract_strided_slice %reshape3A_120 {offsets = [26, 0, 0], sizes = [1, 8, 2048], strides = [1, 1, 1]} : vector<32x64x2048xf32> to vector<1x8x2048xf32>
    %squeeze3A_416 = vector.shape_cast %slice3A_415 : vector<1x8x2048xf32> to vector<8x2048xf32>
    %mul3A_417 = vector.broadcast %convert_element_type3A_256 : vector<1x2048xf32> to vector<8x2048xf32>
    %mul3A_418 = arith.mulf %squeeze3A_416, %mul3A_417 : vector<8x2048xf32>
    %add3A_419 = arith.addf %add3A_414, %mul3A_418 : vector<8x2048xf32>
    %slice3A_420 = vector.extract_strided_slice %reshape3A_120 {offsets = [27, 0, 0], sizes = [1, 8, 2048], strides = [1, 1, 1]} : vector<32x64x2048xf32> to vector<1x8x2048xf32>
    %squeeze3A_421 = vector.shape_cast %slice3A_420 : vector<1x8x2048xf32> to vector<8x2048xf32>
    %mul3A_422 = vector.broadcast %convert_element_type3A_261 : vector<1x2048xf32> to vector<8x2048xf32>
    %mul3A_423 = arith.mulf %squeeze3A_421, %mul3A_422 : vector<8x2048xf32>
    %add3A_424 = arith.addf %add3A_419, %mul3A_423 : vector<8x2048xf32>
    %slice3A_425 = vector.extract_strided_slice %reshape3A_120 {offsets = [28, 0, 0], sizes = [1, 8, 2048], strides = [1, 1, 1]} : vector<32x64x2048xf32> to vector<1x8x2048xf32>
    %squeeze3A_426 = vector.shape_cast %slice3A_425 : vector<1x8x2048xf32> to vector<8x2048xf32>
    %mul3A_427 = vector.broadcast %convert_element_type3A_266 : vector<1x2048xf32> to vector<8x2048xf32>
    %mul3A_428 = arith.mulf %squeeze3A_426, %mul3A_427 : vector<8x2048xf32>
    %add3A_429 = arith.addf %add3A_424, %mul3A_428 : vector<8x2048xf32>
    %slice3A_430 = vector.extract_strided_slice %reshape3A_120 {offsets = [29, 0, 0], sizes = [1, 8, 2048], strides = [1, 1, 1]} : vector<32x64x2048xf32> to vector<1x8x2048xf32>
    %squeeze3A_431 = vector.shape_cast %slice3A_430 : vector<1x8x2048xf32> to vector<8x2048xf32>
    %mul3A_432 = vector.broadcast %convert_element_type3A_271 : vector<1x2048xf32> to vector<8x2048xf32>
    %mul3A_433 = arith.mulf %squeeze3A_431, %mul3A_432 : vector<8x2048xf32>
    %add3A_434 = arith.addf %add3A_429, %mul3A_433 : vector<8x2048xf32>
    %slice3A_435 = vector.extract_strided_slice %reshape3A_120 {offsets = [30, 0, 0], sizes = [1, 8, 2048], strides = [1, 1, 1]} : vector<32x64x2048xf32> to vector<1x8x2048xf32>
    %squeeze3A_436 = vector.shape_cast %slice3A_435 : vector<1x8x2048xf32> to vector<8x2048xf32>
    %mul3A_437 = vector.broadcast %convert_element_type3A_276 : vector<1x2048xf32> to vector<8x2048xf32>
    %mul3A_438 = arith.mulf %squeeze3A_436, %mul3A_437 : vector<8x2048xf32>
    %add3A_439 = arith.addf %add3A_434, %mul3A_438 : vector<8x2048xf32>
    %slice3A_440 = vector.extract_strided_slice %reshape3A_120 {offsets = [31, 0, 0], sizes = [1, 8, 2048], strides = [1, 1, 1]} : vector<32x64x2048xf32> to vector<1x8x2048xf32>
    %squeeze3A_441 = vector.shape_cast %slice3A_440 : vector<1x8x2048xf32> to vector<8x2048xf32>
    %mul3A_442 = vector.broadcast %convert_element_type3A_281 : vector<1x2048xf32> to vector<8x2048xf32>
    %mul3A_443 = arith.mulf %squeeze3A_441, %mul3A_442 : vector<8x2048xf32>
    %add3A_444 = arith.addf %add3A_439, %mul3A_443 : vector<8x2048xf32>
    %swap3A = arith.constant 0 : index
    %swap3A_445 = arith.constant 0 : index
    %swap3A_446 = arith.constant 0 : index
    %swap3A_447 = vector.load %arg14[%swap3A, %swap3A_445, %swap3A_446] : memref<2x64x2048xf32, #tpu.memory_space<vmem>>, vector<1x8x2048xf32>
    %swap3A_448 = vector.shape_cast %swap3A_447 : vector<1x8x2048xf32> to vector<8x2048xf32>
    %swap3A_449 = vector.shape_cast %add3A_444 : vector<8x2048xf32> to vector<1x8x2048xf32>
    tpu.vector_store %arg14[%swap3A, %swap3A_445, %swap3A_446], %swap3A_449 {strides = array<i32>} : memref<2x64x2048xf32, #tpu.memory_space<vmem>>, vector<1x8x2048xf32>,
    %broadcast_in_dim3A_450 = arith.constant 0.000000e+00 : f32
    %broadcast_in_dim3A_451 = vector.broadcast %broadcast_in_dim3A_450 : f32 to vector<8x2048xf32>
    %add3A_452 = vector.broadcast %slice3A_121 : vector<1x2048xf32> to vector<8x2048xf32>
    %add3A_453 = arith.addf %broadcast_in_dim3A_451, %add3A_452 : vector<8x2048xf32>
    %slice3A_454 = vector.extract_strided_slice %reshape3A_120 {offsets = [0, 8, 0], sizes = [1, 8, 2048], strides = [1, 1, 1]} : vector<32x64x2048xf32> to vector<1x8x2048xf32>
    %squeeze3A_455 = vector.shape_cast %slice3A_454 : vector<1x8x2048xf32> to vector<8x2048xf32>
    %mul3A_456 = vector.broadcast %convert_element_type3A_126 : vector<1x2048xf32> to vector<8x2048xf32>
    %mul3A_457 = arith.mulf %squeeze3A_455, %mul3A_456 : vector<8x2048xf32>
    %add3A_458 = arith.addf %add3A_453, %mul3A_457 : vector<8x2048xf32>
    %slice3A_459 = vector.extract_strided_slice %reshape3A_120 {offsets = [1, 8, 0], sizes = [1, 8, 2048], strides = [1, 1, 1]} : vector<32x64x2048xf32> to vector<1x8x2048xf32>
    %squeeze3A_460 = vector.shape_cast %slice3A_459 : vector<1x8x2048xf32> to vector<8x2048xf32>
    %mul3A_461 = vector.broadcast %convert_element_type3A_131 : vector<1x2048xf32> to vector<8x2048xf32>
    %mul3A_462 = arith.mulf %squeeze3A_460, %mul3A_461 : vector<8x2048xf32>
    %add3A_463 = arith.addf %add3A_458, %mul3A_462 : vector<8x2048xf32>
    %slice3A_464 = vector.extract_strided_slice %reshape3A_120 {offsets = [2, 8, 0], sizes = [1, 8, 2048], strides = [1, 1, 1]} : vector<32x64x2048xf32> to vector<1x8x2048xf32>
    %squeeze3A_465 = vector.shape_cast %slice3A_464 : vector<1x8x2048xf32> to vector<8x2048xf32>
    %mul3A_466 = vector.broadcast %convert_element_type3A_136 : vector<1x2048xf32> to vector<8x2048xf32>
    %mul3A_467 = arith.mulf %squeeze3A_465, %mul3A_466 : vector<8x2048xf32>
    %add3A_468 = arith.addf %add3A_463, %mul3A_467 : vector<8x2048xf32>
    %slice3A_469 = vector.extract_strided_slice %reshape3A_120 {offsets = [3, 8, 0], sizes = [1, 8, 2048], strides = [1, 1, 1]} : vector<32x64x2048xf32> to vector<1x8x2048xf32>
    %squeeze3A_470 = vector.shape_cast %slice3A_469 : vector<1x8x2048xf32> to vector<8x2048xf32>
    %mul3A_471 = vector.broadcast %convert_element_type3A_141 : vector<1x2048xf32> to vector<8x2048xf32>
    %mul3A_472 = arith.mulf %squeeze3A_470, %mul3A_471 : vector<8x2048xf32>
    %add3A_473 = arith.addf %add3A_468, %mul3A_472 : vector<8x2048xf32>
    %slice3A_474 = vector.extract_strided_slice %reshape3A_120 {offsets = [4, 8, 0], sizes = [1, 8, 2048], strides = [1, 1, 1]} : vector<32x64x2048xf32> to vector<1x8x2048xf32>
    %squeeze3A_475 = vector.shape_cast %slice3A_474 : vector<1x8x2048xf32> to vector<8x2048xf32>
    %mul3A_476 = vector.broadcast %convert_element_type3A_146 : vector<1x2048xf32> to vector<8x2048xf32>
    %mul3A_477 = arith.mulf %squeeze3A_475, %mul3A_476 : vector<8x2048xf32>
    %add3A_478 = arith.addf %add3A_473, %mul3A_477 : vector<8x2048xf32>
    %slice3A_479 = vector.extract_strided_slice %reshape3A_120 {offsets = [5, 8, 0], sizes = [1, 8, 2048], strides = [1, 1, 1]} : vector<32x64x2048xf32> to vector<1x8x2048xf32>
    %squeeze3A_480 = vector.shape_cast %slice3A_479 : vector<1x8x2048xf32> to vector<8x2048xf32>
    %mul3A_481 = vector.broadcast %convert_element_type3A_151 : vector<1x2048xf32> to vector<8x2048xf32>
    %mul3A_482 = arith.mulf %squeeze3A_480, %mul3A_481 : vector<8x2048xf32>
    %add3A_483 = arith.addf %add3A_478, %mul3A_482 : vector<8x2048xf32>
    %slice3A_484 = vector.extract_strided_slice %reshape3A_120 {offsets = [6, 8, 0], sizes = [1, 8, 2048], strides = [1, 1, 1]} : vector<32x64x2048xf32> to vector<1x8x2048xf32>
    %squeeze3A_485 = vector.shape_cast %slice3A_484 : vector<1x8x2048xf32> to vector<8x2048xf32>
    %mul3A_486 = vector.broadcast %convert_element_type3A_156 : vector<1x2048xf32> to vector<8x2048xf32>
    %mul3A_487 = arith.mulf %squeeze3A_485, %mul3A_486 : vector<8x2048xf32>
    %add3A_488 = arith.addf %add3A_483, %mul3A_487 : vector<8x2048xf32>
    %slice3A_489 = vector.extract_strided_slice %reshape3A_120 {offsets = [7, 8, 0], sizes = [1, 8, 2048], strides = [1, 1, 1]} : vector<32x64x2048xf32> to vector<1x8x2048xf32>
    %squeeze3A_490 = vector.shape_cast %slice3A_489 : vector<1x8x2048xf32> to vector<8x2048xf32>
    %mul3A_491 = vector.broadcast %convert_element_type3A_161 : vector<1x2048xf32> to vector<8x2048xf32>
    %mul3A_492 = arith.mulf %squeeze3A_490, %mul3A_491 : vector<8x2048xf32>
    %add3A_493 = arith.addf %add3A_488, %mul3A_492 : vector<8x2048xf32>
    %slice3A_494 = vector.extract_strided_slice %reshape3A_120 {offsets = [8, 8, 0], sizes = [1, 8, 2048], strides = [1, 1, 1]} : vector<32x64x2048xf32> to vector<1x8x2048xf32>
    %squeeze3A_495 = vector.shape_cast %slice3A_494 : vector<1x8x2048xf32> to vector<8x2048xf32>
    %mul3A_496 = vector.broadcast %convert_element_type3A_166 : vector<1x2048xf32> to vector<8x2048xf32>
    %mul3A_497 = arith.mulf %squeeze3A_495, %mul3A_496 : vector<8x2048xf32>
    %add3A_498 = arith.addf %add3A_493, %mul3A_497 : vector<8x2048xf32>
    %slice3A_499 = vector.extract_strided_slice %reshape3A_120 {offsets = [9, 8, 0], sizes = [1, 8, 2048], strides = [1, 1, 1]} : vector<32x64x2048xf32> to vector<1x8x2048xf32>
    %squeeze3A_500 = vector.shape_cast %slice3A_499 : vector<1x8x2048xf32> to vector<8x2048xf32>
    %mul3A_501 = vector.broadcast %convert_element_type3A_171 : vector<1x2048xf32> to vector<8x2048xf32>
    %mul3A_502 = arith.mulf %squeeze3A_500, %mul3A_501 : vector<8x2048xf32>
    %add3A_503 = arith.addf %add3A_498, %mul3A_502 : vector<8x2048xf32>
    %slice3A_504 = vector.extract_strided_slice %reshape3A_120 {offsets = [10, 8, 0], sizes = [1, 8, 2048], strides = [1, 1, 1]} : vector<32x64x2048xf32> to vector<1x8x2048xf32>
    %squeeze3A_505 = vector.shape_cast %slice3A_504 : vector<1x8x2048xf32> to vector<8x2048xf32>
    %mul3A_506 = vector.broadcast %convert_element_type3A_176 : vector<1x2048xf32> to vector<8x2048xf32>
    %mul3A_507 = arith.mulf %squeeze3A_505, %mul3A_506 : vector<8x2048xf32>
    %add3A_508 = arith.addf %add3A_503, %mul3A_507 : vector<8x2048xf32>
    %slice3A_509 = vector.extract_strided_slice %reshape3A_120 {offsets = [11, 8, 0], sizes = [1, 8, 2048], strides = [1, 1, 1]} : vector<32x64x2048xf32> to vector<1x8x2048xf32>
    %squeeze3A_510 = vector.shape_cast %slice3A_509 : vector<1x8x2048xf32> to vector<8x2048xf32>
    %mul3A_511 = vector.broadcast %convert_element_type3A_181 : vector<1x2048xf32> to vector<8x2048xf32>
    %mul3A_512 = arith.mulf %squeeze3A_510, %mul3A_511 : vector<8x2048xf32>
    %add3A_513 = arith.addf %add3A_508, %mul3A_512 : vector<8x2048xf32>
    %slice3A_514 = vector.extract_strided_slice %reshape3A_120 {offsets = [12, 8, 0], sizes = [1, 8, 2048], strides = [1, 1, 1]} : vector<32x64x2048xf32> to vector<1x8x2048xf32>
    %squeeze3A_515 = vector.shape_cast %slice3A_514 : vector<1x8x2048xf32> to vector<8x2048xf32>
    %mul3A_516 = vector.broadcast %convert_element_type3A_186 : vector<1x2048xf32> to vector<8x2048xf32>
    %mul3A_517 = arith.mulf %squeeze3A_515, %mul3A_516 : vector<8x2048xf32>
    %add3A_518 = arith.addf %add3A_513, %mul3A_517 : vector<8x2048xf32>
    %slice3A_519 = vector.extract_strided_slice %reshape3A_120 {offsets = [13, 8, 0], sizes = [1, 8, 2048], strides = [1, 1, 1]} : vector<32x64x2048xf32> to vector<1x8x2048xf32>
    %squeeze3A_520 = vector.shape_cast %slice3A_519 : vector<1x8x2048xf32> to vector<8x2048xf32>
    %mul3A_521 = vector.broadcast %convert_element_type3A_191 : vector<1x2048xf32> to vector<8x2048xf32>
    %mul3A_522 = arith.mulf %squeeze3A_520, %mul3A_521 : vector<8x2048xf32>
    %add3A_523 = arith.addf %add3A_518, %mul3A_522 : vector<8x2048xf32>
    %slice3A_524 = vector.extract_strided_slice %reshape3A_120 {offsets = [14, 8, 0], sizes = [1, 8, 2048], strides = [1, 1, 1]} : vector<32x64x2048xf32> to vector<1x8x2048xf32>
    %squeeze3A_525 = vector.shape_cast %slice3A_524 : vector<1x8x2048xf32> to vector<8x2048xf32>
    %mul3A_526 = vector.broadcast %convert_element_type3A_196 : vector<1x2048xf32> to vector<8x2048xf32>
    %mul3A_527 = arith.mulf %squeeze3A_525, %mul3A_526 : vector<8x2048xf32>
    %add3A_528 = arith.addf %add3A_523, %mul3A_527 : vector<8x2048xf32>
    %slice3A_529 = vector.extract_strided_slice %reshape3A_120 {offsets = [15, 8, 0], sizes = [1, 8, 2048], strides = [1, 1, 1]} : vector<32x64x2048xf32> to vector<1x8x2048xf32>
    %squeeze3A_530 = vector.shape_cast %slice3A_529 : vector<1x8x2048xf32> to vector<8x2048xf32>
    %mul3A_531 = vector.broadcast %convert_element_type3A_201 : vector<1x2048xf32> to vector<8x2048xf32>
    %mul3A_532 = arith.mulf %squeeze3A_530, %mul3A_531 : vector<8x2048xf32>
    %add3A_533 = arith.addf %add3A_528, %mul3A_532 : vector<8x2048xf32>
    %slice3A_534 = vector.extract_strided_slice %reshape3A_120 {offsets = [16, 8, 0], sizes = [1, 8, 2048], strides = [1, 1, 1]} : vector<32x64x2048xf32> to vector<1x8x2048xf32>
    %squeeze3A_535 = vector.shape_cast %slice3A_534 : vector<1x8x2048xf32> to vector<8x2048xf32>
    %mul3A_536 = vector.broadcast %convert_element_type3A_206 : vector<1x2048xf32> to vector<8x2048xf32>
    %mul3A_537 = arith.mulf %squeeze3A_535, %mul3A_536 : vector<8x2048xf32>
    %add3A_538 = arith.addf %add3A_533, %mul3A_537 : vector<8x2048xf32>
    %slice3A_539 = vector.extract_strided_slice %reshape3A_120 {offsets = [17, 8, 0], sizes = [1, 8, 2048], strides = [1, 1, 1]} : vector<32x64x2048xf32> to vector<1x8x2048xf32>
    %squeeze3A_540 = vector.shape_cast %slice3A_539 : vector<1x8x2048xf32> to vector<8x2048xf32>
    %mul3A_541 = vector.broadcast %convert_element_type3A_211 : vector<1x2048xf32> to vector<8x2048xf32>
    %mul3A_542 = arith.mulf %squeeze3A_540, %mul3A_541 : vector<8x2048xf32>
    %add3A_543 = arith.addf %add3A_538, %mul3A_542 : vector<8x2048xf32>
    %slice3A_544 = vector.extract_strided_slice %reshape3A_120 {offsets = [18, 8, 0], sizes = [1, 8, 2048], strides = [1, 1, 1]} : vector<32x64x2048xf32> to vector<1x8x2048xf32>
    %squeeze3A_545 = vector.shape_cast %slice3A_544 : vector<1x8x2048xf32> to vector<8x2048xf32>
    %mul3A_546 = vector.broadcast %convert_element_type3A_216 : vector<1x2048xf32> to vector<8x2048xf32>
    %mul3A_547 = arith.mulf %squeeze3A_545, %mul3A_546 : vector<8x2048xf32>
    %add3A_548 = arith.addf %add3A_543, %mul3A_547 : vector<8x2048xf32>
    %slice3A_549 = vector.extract_strided_slice %reshape3A_120 {offsets = [19, 8, 0], sizes = [1, 8, 2048], strides = [1, 1, 1]} : vector<32x64x2048xf32> to vector<1x8x2048xf32>
    %squeeze3A_550 = vector.shape_cast %slice3A_549 : vector<1x8x2048xf32> to vector<8x2048xf32>
    %mul3A_551 = vector.broadcast %convert_element_type3A_221 : vector<1x2048xf32> to vector<8x2048xf32>
    %mul3A_552 = arith.mulf %squeeze3A_550, %mul3A_551 : vector<8x2048xf32>
    %add3A_553 = arith.addf %add3A_548, %mul3A_552 : vector<8x2048xf32>
    %slice3A_554 = vector.extract_strided_slice %reshape3A_120 {offsets = [20, 8, 0], sizes = [1, 8, 2048], strides = [1, 1, 1]} : vector<32x64x2048xf32> to vector<1x8x2048xf32>
    %squeeze3A_555 = vector.shape_cast %slice3A_554 : vector<1x8x2048xf32> to vector<8x2048xf32>
    %mul3A_556 = vector.broadcast %convert_element_type3A_226 : vector<1x2048xf32> to vector<8x2048xf32>
    %mul3A_557 = arith.mulf %squeeze3A_555, %mul3A_556 : vector<8x2048xf32>
    %add3A_558 = arith.addf %add3A_553, %mul3A_557 : vector<8x2048xf32>
    %slice3A_559 = vector.extract_strided_slice %reshape3A_120 {offsets = [21, 8, 0], sizes = [1, 8, 2048], strides = [1, 1, 1]} : vector<32x64x2048xf32> to vector<1x8x2048xf32>
    %squeeze3A_560 = vector.shape_cast %slice3A_559 : vector<1x8x2048xf32> to vector<8x2048xf32>
    %mul3A_561 = vector.broadcast %convert_element_type3A_231 : vector<1x2048xf32> to vector<8x2048xf32>
    %mul3A_562 = arith.mulf %squeeze3A_560, %mul3A_561 : vector<8x2048xf32>
    %add3A_563 = arith.addf %add3A_558, %mul3A_562 : vector<8x2048xf32>
    %slice3A_564 = vector.extract_strided_slice %reshape3A_120 {offsets = [22, 8, 0], sizes = [1, 8, 2048], strides = [1, 1, 1]} : vector<32x64x2048xf32> to vector<1x8x2048xf32>
    %squeeze3A_565 = vector.shape_cast %slice3A_564 : vector<1x8x2048xf32> to vector<8x2048xf32>
    %mul3A_566 = vector.broadcast %convert_element_type3A_236 : vector<1x2048xf32> to vector<8x2048xf32>
    %mul3A_567 = arith.mulf %squeeze3A_565, %mul3A_566 : vector<8x2048xf32>
    %add3A_568 = arith.addf %add3A_563, %mul3A_567 : vector<8x2048xf32>
    %slice3A_569 = vector.extract_strided_slice %reshape3A_120 {offsets = [23, 8, 0], sizes = [1, 8, 2048], strides = [1, 1, 1]} : vector<32x64x2048xf32> to vector<1x8x2048xf32>
    %squeeze3A_570 = vector.shape_cast %slice3A_569 : vector<1x8x2048xf32> to vector<8x2048xf32>
    %mul3A_571 = vector.broadcast %convert_element_type3A_241 : vector<1x2048xf32> to vector<8x2048xf32>
    %mul3A_572 = arith.mulf %squeeze3A_570, %mul3A_571 : vector<8x2048xf32>
    %add3A_573 = arith.addf %add3A_568, %mul3A_572 : vector<8x2048xf32>
    %slice3A_574 = vector.extract_strided_slice %reshape3A_120 {offsets = [24, 8, 0], sizes = [1, 8, 2048], strides = [1, 1, 1]} : vector<32x64x2048xf32> to vector<1x8x2048xf32>
    %squeeze3A_575 = vector.shape_cast %slice3A_574 : vector<1x8x2048xf32> to vector<8x2048xf32>
    %mul3A_576 = vector.broadcast %convert_element_type3A_246 : vector<1x2048xf32> to vector<8x2048xf32>
    %mul3A_577 = arith.mulf %squeeze3A_575, %mul3A_576 : vector<8x2048xf32>
    %add3A_578 = arith.addf %add3A_573, %mul3A_577 : vector<8x2048xf32>
    %slice3A_579 = vector.extract_strided_slice %reshape3A_120 {offsets = [25, 8, 0], sizes = [1, 8, 2048], strides = [1, 1, 1]} : vector<32x64x2048xf32> to vector<1x8x2048xf32>
    %squeeze3A_580 = vector.shape_cast %slice3A_579 : vector<1x8x2048xf32> to vector<8x2048xf32>
    %mul3A_581 = vector.broadcast %convert_element_type3A_251 : vector<1x2048xf32> to vector<8x2048xf32>
    %mul3A_582 = arith.mulf %squeeze3A_580, %mul3A_581 : vector<8x2048xf32>
    %add3A_583 = arith.addf %add3A_578, %mul3A_582 : vector<8x2048xf32>
    %slice3A_584 = vector.extract_strided_slice %reshape3A_120 {offsets = [26, 8, 0], sizes = [1, 8, 2048], strides = [1, 1, 1]} : vector<32x64x2048xf32> to vector<1x8x2048xf32>
    %squeeze3A_585 = vector.shape_cast %slice3A_584 : vector<1x8x2048xf32> to vector<8x2048xf32>
    %mul3A_586 = vector.broadcast %convert_element_type3A_256 : vector<1x2048xf32> to vector<8x2048xf32>
    %mul3A_587 = arith.mulf %squeeze3A_585, %mul3A_586 : vector<8x2048xf32>
    %add3A_588 = arith.addf %add3A_583, %mul3A_587 : vector<8x2048xf32>
    %slice3A_589 = vector.extract_strided_slice %reshape3A_120 {offsets = [27, 8, 0], sizes = [1, 8, 2048], strides = [1, 1, 1]} : vector<32x64x2048xf32> to vector<1x8x2048xf32>
    %squeeze3A_590 = vector.shape_cast %slice3A_589 : vector<1x8x2048xf32> to vector<8x2048xf32>
    %mul3A_591 = vector.broadcast %convert_element_type3A_261 : vector<1x2048xf32> to vector<8x2048xf32>
    %mul3A_592 = arith.mulf %squeeze3A_590, %mul3A_591 : vector<8x2048xf32>
    %add3A_593 = arith.addf %add3A_588, %mul3A_592 : vector<8x2048xf32>
    %slice3A_594 = vector.extract_strided_slice %reshape3A_120 {offsets = [28, 8, 0], sizes = [1, 8, 2048], strides = [1, 1, 1]} : vector<32x64x2048xf32> to vector<1x8x2048xf32>
    %squeeze3A_595 = vector.shape_cast %slice3A_594 : vector<1x8x2048xf32> to vector<8x2048xf32>
    %mul3A_596 = vector.broadcast %convert_element_type3A_266 : vector<1x2048xf32> to vector<8x2048xf32>
    %mul3A_597 = arith.mulf %squeeze3A_595, %mul3A_596 : vector<8x2048xf32>
    %add3A_598 = arith.addf %add3A_593, %mul3A_597 : vector<8x2048xf32>
    %slice3A_599 = vector.extract_strided_slice %reshape3A_120 {offsets = [29, 8, 0], sizes = [1, 8, 2048], strides = [1, 1, 1]} : vector<32x64x2048xf32> to vector<1x8x2048xf32>
    %squeeze3A_600 = vector.shape_cast %slice3A_599 : vector<1x8x2048xf32> to vector<8x2048xf32>
    %mul3A_601 = vector.broadcast %convert_element_type3A_271 : vector<1x2048xf32> to vector<8x2048xf32>
    %mul3A_602 = arith.mulf %squeeze3A_600, %mul3A_601 : vector<8x2048xf32>
    %add3A_603 = arith.addf %add3A_598, %mul3A_602 : vector<8x2048xf32>
    %slice3A_604 = vector.extract_strided_slice %reshape3A_120 {offsets = [30, 8, 0], sizes = [1, 8, 2048], strides = [1, 1, 1]} : vector<32x64x2048xf32> to vector<1x8x2048xf32>
    %squeeze3A_605 = vector.shape_cast %slice3A_604 : vector<1x8x2048xf32> to vector<8x2048xf32>
    %mul3A_606 = vector.broadcast %convert_element_type3A_276 : vector<1x2048xf32> to vector<8x2048xf32>
    %mul3A_607 = arith.mulf %squeeze3A_605, %mul3A_606 : vector<8x2048xf32>
    %add3A_608 = arith.addf %add3A_603, %mul3A_607 : vector<8x2048xf32>
    %slice3A_609 = vector.extract_strided_slice %reshape3A_120 {offsets = [31, 8, 0], sizes = [1, 8, 2048], strides = [1, 1, 1]} : vector<32x64x2048xf32> to vector<1x8x2048xf32>
    %squeeze3A_610 = vector.shape_cast %slice3A_609 : vector<1x8x2048xf32> to vector<8x2048xf32>
    %mul3A_611 = vector.broadcast %convert_element_type3A_281 : vector<1x2048xf32> to vector<8x2048xf32>
    %mul3A_612 = arith.mulf %squeeze3A_610, %mul3A_611 : vector<8x2048xf32>
    %add3A_613 = arith.addf %add3A_608, %mul3A_612 : vector<8x2048xf32>
    %swap3A_614 = arith.constant 0 : index
    %swap3A_615 = arith.constant 8 : index
    %swap3A_616 = arith.constant 0 : index
    %swap3A_617 = vector.load %arg14[%swap3A_614, %swap3A_615, %swap3A_616] : memref<2x64x2048xf32, #tpu.memory_space<vmem>>, vector<1x8x2048xf32>
    %swap3A_618 = vector.shape_cast %swap3A_617 : vector<1x8x2048xf32> to vector<8x2048xf32>
    %swap3A_619 = vector.shape_cast %add3A_613 : vector<8x2048xf32> to vector<1x8x2048xf32>
    tpu.vector_store %arg14[%swap3A_614, %swap3A_615, %swap3A_616], %swap3A_619 {strides = array<i32>} : memref<2x64x2048xf32, #tpu.memory_space<vmem>>, vector<1x8x2048xf32>,
    %broadcast_in_dim3A_620 = arith.constant 0.000000e+00 : f32
    %broadcast_in_dim3A_621 = vector.broadcast %broadcast_in_dim3A_620 : f32 to vector<8x2048xf32>
    %add3A_622 = vector.broadcast %slice3A_121 : vector<1x2048xf32> to vector<8x2048xf32>
    %add3A_623 = arith.addf %broadcast_in_dim3A_621, %add3A_622 : vector<8x2048xf32>
    %slice3A_624 = vector.extract_strided_slice %reshape3A_120 {offsets = [0, 16, 0], sizes = [1, 8, 2048], strides = [1, 1, 1]} : vector<32x64x2048xf32> to vector<1x8x2048xf32>
    %squeeze3A_625 = vector.shape_cast %slice3A_624 : vector<1x8x2048xf32> to vector<8x2048xf32>
    %mul3A_626 = vector.broadcast %convert_element_type3A_126 : vector<1x2048xf32> to vector<8x2048xf32>
    %mul3A_627 = arith.mulf %squeeze3A_625, %mul3A_626 : vector<8x2048xf32>
    %add3A_628 = arith.addf %add3A_623, %mul3A_627 : vector<8x2048xf32>
    %slice3A_629 = vector.extract_strided_slice %reshape3A_120 {offsets = [1, 16, 0], sizes = [1, 8, 2048], strides = [1, 1, 1]} : vector<32x64x2048xf32> to vector<1x8x2048xf32>
    %squeeze3A_630 = vector.shape_cast %slice3A_629 : vector<1x8x2048xf32> to vector<8x2048xf32>
    %mul3A_631 = vector.broadcast %convert_element_type3A_131 : vector<1x2048xf32> to vector<8x2048xf32>
    %mul3A_632 = arith.mulf %squeeze3A_630, %mul3A_631 : vector<8x2048xf32>
    %add3A_633 = arith.addf %add3A_628, %mul3A_632 : vector<8x2048xf32>
    %slice3A_634 = vector.extract_strided_slice %reshape3A_120 {offsets = [2, 16, 0], sizes = [1, 8, 2048], strides = [1, 1, 1]} : vector<32x64x2048xf32> to vector<1x8x2048xf32>
    %squeeze3A_635 = vector.shape_cast %slice3A_634 : vector<1x8x2048xf32> to vector<8x2048xf32>
    %mul3A_636 = vector.broadcast %convert_element_type3A_136 : vector<1x2048xf32> to vector<8x2048xf32>
    %mul3A_637 = arith.mulf %squeeze3A_635, %mul3A_636 : vector<8x2048xf32>
    %add3A_638 = arith.addf %add3A_633, %mul3A_637 : vector<8x2048xf32>
    %slice3A_639 = vector.extract_strided_slice %reshape3A_120 {offsets = [3, 16, 0], sizes = [1, 8, 2048], strides = [1, 1, 1]} : vector<32x64x2048xf32> to vector<1x8x2048xf32>
    %squeeze3A_640 = vector.shape_cast %slice3A_639 : vector<1x8x2048xf32> to vector<8x2048xf32>
    %mul3A_641 = vector.broadcast %convert_element_type3A_141 : vector<1x2048xf32> to vector<8x2048xf32>
    %mul3A_642 = arith.mulf %squeeze3A_640, %mul3A_641 : vector<8x2048xf32>
    %add3A_643 = arith.addf %add3A_638, %mul3A_642 : vector<8x2048xf32>
    %slice3A_644 = vector.extract_strided_slice %reshape3A_120 {offsets = [4, 16, 0], sizes = [1, 8, 2048], strides = [1, 1, 1]} : vector<32x64x2048xf32> to vector<1x8x2048xf32>
    %squeeze3A_645 = vector.shape_cast %slice3A_644 : vector<1x8x2048xf32> to vector<8x2048xf32>
    %mul3A_646 = vector.broadcast %convert_element_type3A_146 : vector<1x2048xf32> to vector<8x2048xf32>
    %mul3A_647 = arith.mulf %squeeze3A_645, %mul3A_646 : vector<8x2048xf32>
    %add3A_648 = arith.addf %add3A_643, %mul3A_647 : vector<8x2048xf32>
    %slice3A_649 = vector.extract_strided_slice %reshape3A_120 {offsets = [5, 16, 0], sizes = [1, 8, 2048], strides = [1, 1, 1]} : vector<32x64x2048xf32> to vector<1x8x2048xf32>
    %squeeze3A_650 = vector.shape_cast %slice3A_649 : vector<1x8x2048xf32> to vector<8x2048xf32>
    %mul3A_651 = vector.broadcast %convert_element_type3A_151 : vector<1x2048xf32> to vector<8x2048xf32>
    %mul3A_652 = arith.mulf %squeeze3A_650, %mul3A_651 : vector<8x2048xf32>
    %add3A_653 = arith.addf %add3A_648, %mul3A_652 : vector<8x2048xf32>
    %slice3A_654 = vector.extract_strided_slice %reshape3A_120 {offsets = [6, 16, 0], sizes = [1, 8, 2048], strides = [1, 1, 1]} : vector<32x64x2048xf32> to vector<1x8x2048xf32>
    %squeeze3A_655 = vector.shape_cast %slice3A_654 : vector<1x8x2048xf32> to vector<8x2048xf32>
    %mul3A_656 = vector.broadcast %convert_element_type3A_156 : vector<1x2048xf32> to vector<8x2048xf32>
    %mul3A_657 = arith.mulf %squeeze3A_655, %mul3A_656 : vector<8x2048xf32>
    %add3A_658 = arith.addf %add3A_653, %mul3A_657 : vector<8x2048xf32>
    %slice3A_659 = vector.extract_strided_slice %reshape3A_120 {offsets = [7, 16, 0], sizes = [1, 8, 2048], strides = [1, 1, 1]} : vector<32x64x2048xf32> to vector<1x8x2048xf32>
    %squeeze3A_660 = vector.shape_cast %slice3A_659 : vector<1x8x2048xf32> to vector<8x2048xf32>
    %mul3A_661 = vector.broadcast %convert_element_type3A_161 : vector<1x2048xf32> to vector<8x2048xf32>
    %mul3A_662 = arith.mulf %squeeze3A_660, %mul3A_661 : vector<8x2048xf32>
    %add3A_663 = arith.addf %add3A_658, %mul3A_662 : vector<8x2048xf32>
    %slice3A_664 = vector.extract_strided_slice %reshape3A_120 {offsets = [8, 16, 0], sizes = [1, 8, 2048], strides = [1, 1, 1]} : vector<32x64x2048xf32> to vector<1x8x2048xf32>
    %squeeze3A_665 = vector.shape_cast %slice3A_664 : vector<1x8x2048xf32> to vector<8x2048xf32>
    %mul3A_666 = vector.broadcast %convert_element_type3A_166 : vector<1x2048xf32> to vector<8x2048xf32>
    %mul3A_667 = arith.mulf %squeeze3A_665, %mul3A_666 : vector<8x2048xf32>
    %add3A_668 = arith.addf %add3A_663, %mul3A_667 : vector<8x2048xf32>
    %slice3A_669 = vector.extract_strided_slice %reshape3A_120 {offsets = [9, 16, 0], sizes = [1, 8, 2048], strides = [1, 1, 1]} : vector<32x64x2048xf32> to vector<1x8x2048xf32>
    %squeeze3A_670 = vector.shape_cast %slice3A_669 : vector<1x8x2048xf32> to vector<8x2048xf32>
    %mul3A_671 = vector.broadcast %convert_element_type3A_171 : vector<1x2048xf32> to vector<8x2048xf32>
    %mul3A_672 = arith.mulf %squeeze3A_670, %mul3A_671 : vector<8x2048xf32>
    %add3A_673 = arith.addf %add3A_668, %mul3A_672 : vector<8x2048xf32>
    %slice3A_674 = vector.extract_strided_slice %reshape3A_120 {offsets = [10, 16, 0], sizes = [1, 8, 2048], strides = [1, 1, 1]} : vector<32x64x2048xf32> to vector<1x8x2048xf32>
    %squeeze3A_675 = vector.shape_cast %slice3A_674 : vector<1x8x2048xf32> to vector<8x2048xf32>
    %mul3A_676 = vector.broadcast %convert_element_type3A_176 : vector<1x2048xf32> to vector<8x2048xf32>
    %mul3A_677 = arith.mulf %squeeze3A_675, %mul3A_676 : vector<8x2048xf32>
    %add3A_678 = arith.addf %add3A_673, %mul3A_677 : vector<8x2048xf32>
    %slice3A_679 = vector.extract_strided_slice %reshape3A_120 {offsets = [11, 16, 0], sizes = [1, 8, 2048], strides = [1, 1, 1]} : vector<32x64x2048xf32> to vector<1x8x2048xf32>
    %squeeze3A_680 = vector.shape_cast %slice3A_679 : vector<1x8x2048xf32> to vector<8x2048xf32>
    %mul3A_681 = vector.broadcast %convert_element_type3A_181 : vector<1x2048xf32> to vector<8x2048xf32>
    %mul3A_682 = arith.mulf %squeeze3A_680, %mul3A_681 : vector<8x2048xf32>
    %add3A_683 = arith.addf %add3A_678, %mul3A_682 : vector<8x2048xf32>
    %slice3A_684 = vector.extract_strided_slice %reshape3A_120 {offsets = [12, 16, 0], sizes = [1, 8, 2048], strides = [1, 1, 1]} : vector<32x64x2048xf32> to vector<1x8x2048xf32>
    %squeeze3A_685 = vector.shape_cast %slice3A_684 : vector<1x8x2048xf32> to vector<8x2048xf32>
    %mul3A_686 = vector.broadcast %convert_element_type3A_186 : vector<1x2048xf32> to vector<8x2048xf32>
    %mul3A_687 = arith.mulf %squeeze3A_685, %mul3A_686 : vector<8x2048xf32>
    %add3A_688 = arith.addf %add3A_683, %mul3A_687 : vector<8x2048xf32>
    %slice3A_689 = vector.extract_strided_slice %reshape3A_120 {offsets = [13, 16, 0], sizes = [1, 8, 2048], strides = [1, 1, 1]} : vector<32x64x2048xf32> to vector<1x8x2048xf32>
    %squeeze3A_690 = vector.shape_cast %slice3A_689 : vector<1x8x2048xf32> to vector<8x2048xf32>
    %mul3A_691 = vector.broadcast %convert_element_type3A_191 : vector<1x2048xf32> to vector<8x2048xf32>
    %mul3A_692 = arith.mulf %squeeze3A_690, %mul3A_691 : vector<8x2048xf32>
    %add3A_693 = arith.addf %add3A_688, %mul3A_692 : vector<8x2048xf32>
    %slice3A_694 = vector.extract_strided_slice %reshape3A_120 {offsets = [14, 16, 0], sizes = [1, 8, 2048], strides = [1, 1, 1]} : vector<32x64x2048xf32> to vector<1x8x2048xf32>
    %squeeze3A_695 = vector.shape_cast %slice3A_694 : vector<1x8x2048xf32> to vector<8x2048xf32>
    %mul3A_696 = vector.broadcast %convert_element_type3A_196 : vector<1x2048xf32> to vector<8x2048xf32>
    %mul3A_697 = arith.mulf %squeeze3A_695, %mul3A_696 : vector<8x2048xf32>
    %add3A_698 = arith.addf %add3A_693, %mul3A_697 : vector<8x2048xf32>
    %slice3A_699 = vector.extract_strided_slice %reshape3A_120 {offsets = [15, 16, 0], sizes = [1, 8, 2048], strides = [1, 1, 1]} : vector<32x64x2048xf32> to vector<1x8x2048xf32>
    %squeeze3A_700 = vector.shape_cast %slice3A_699 : vector<1x8x2048xf32> to vector<8x2048xf32>
    %mul3A_701 = vector.broadcast %convert_element_type3A_201 : vector<1x2048xf32> to vector<8x2048xf32>
    %mul3A_702 = arith.mulf %squeeze3A_700, %mul3A_701 : vector<8x2048xf32>
    %add3A_703 = arith.addf %add3A_698, %mul3A_702 : vector<8x2048xf32>
    %slice3A_704 = vector.extract_strided_slice %reshape3A_120 {offsets = [16, 16, 0], sizes = [1, 8, 2048], strides = [1, 1, 1]} : vector<32x64x2048xf32> to vector<1x8x2048xf32>
    %squeeze3A_705 = vector.shape_cast %slice3A_704 : vector<1x8x2048xf32> to vector<8x2048xf32>
    %mul3A_706 = vector.broadcast %convert_element_type3A_206 : vector<1x2048xf32> to vector<8x2048xf32>
    %mul3A_707 = arith.mulf %squeeze3A_705, %mul3A_706 : vector<8x2048xf32>
    %add3A_708 = arith.addf %add3A_703, %mul3A_707 : vector<8x2048xf32>
    %slice3A_709 = vector.extract_strided_slice %reshape3A_120 {offsets = [17, 16, 0], sizes = [1, 8, 2048], strides = [1, 1, 1]} : vector<32x64x2048xf32> to vector<1x8x2048xf32>
    %squeeze3A_710 = vector.shape_cast %slice3A_709 : vector<1x8x2048xf32> to vector<8x2048xf32>
    %mul3A_711 = vector.broadcast %convert_element_type3A_211 : vector<1x2048xf32> to vector<8x2048xf32>
    %mul3A_712 = arith.mulf %squeeze3A_710, %mul3A_711 : vector<8x2048xf32>
    %add3A_713 = arith.addf %add3A_708, %mul3A_712 : vector<8x2048xf32>
    %slice3A_714 = vector.extract_strided_slice %reshape3A_120 {offsets = [18, 16, 0], sizes = [1, 8, 2048], strides = [1, 1, 1]} : vector<32x64x2048xf32> to vector<1x8x2048xf32>
    %squeeze3A_715 = vector.shape_cast %slice3A_714 : vector<1x8x2048xf32> to vector<8x2048xf32>
    %mul3A_716 = vector.broadcast %convert_element_type3A_216 : vector<1x2048xf32> to vector<8x2048xf32>
    %mul3A_717 = arith.mulf %squeeze3A_715, %mul3A_716 : vector<8x2048xf32>
    %add3A_718 = arith.addf %add3A_713, %mul3A_717 : vector<8x2048xf32>
    %slice3A_719 = vector.extract_strided_slice %reshape3A_120 {offsets = [19, 16, 0], sizes = [1, 8, 2048], strides = [1, 1, 1]} : vector<32x64x2048xf32> to vector<1x8x2048xf32>
    %squeeze3A_720 = vector.shape_cast %slice3A_719 : vector<1x8x2048xf32> to vector<8x2048xf32>
    %mul3A_721 = vector.broadcast %convert_element_type3A_221 : vector<1x2048xf32> to vector<8x2048xf32>
    %mul3A_722 = arith.mulf %squeeze3A_720, %mul3A_721 : vector<8x2048xf32>
    %add3A_723 = arith.addf %add3A_718, %mul3A_722 : vector<8x2048xf32>
    %slice3A_724 = vector.extract_strided_slice %reshape3A_120 {offsets = [20, 16, 0], sizes = [1, 8, 2048], strides = [1, 1, 1]} : vector<32x64x2048xf32> to vector<1x8x2048xf32>
    %squeeze3A_725 = vector.shape_cast %slice3A_724 : vector<1x8x2048xf32> to vector<8x2048xf32>
    %mul3A_726 = vector.broadcast %convert_element_type3A_226 : vector<1x2048xf32> to vector<8x2048xf32>
    %mul3A_727 = arith.mulf %squeeze3A_725, %mul3A_726 : vector<8x2048xf32>
    %add3A_728 = arith.addf %add3A_723, %mul3A_727 : vector<8x2048xf32>
    %slice3A_729 = vector.extract_strided_slice %reshape3A_120 {offsets = [21, 16, 0], sizes = [1, 8, 2048], strides = [1, 1, 1]} : vector<32x64x2048xf32> to vector<1x8x2048xf32>
    %squeeze3A_730 = vector.shape_cast %slice3A_729 : vector<1x8x2048xf32> to vector<8x2048xf32>
    %mul3A_731 = vector.broadcast %convert_element_type3A_231 : vector<1x2048xf32> to vector<8x2048xf32>
    %mul3A_732 = arith.mulf %squeeze3A_730, %mul3A_731 : vector<8x2048xf32>
    %add3A_733 = arith.addf %add3A_728, %mul3A_732 : vector<8x2048xf32>
    %slice3A_734 = vector.extract_strided_slice %reshape3A_120 {offsets = [22, 16, 0], sizes = [1, 8, 2048], strides = [1, 1, 1]} : vector<32x64x2048xf32> to vector<1x8x2048xf32>
    %squeeze3A_735 = vector.shape_cast %slice3A_734 : vector<1x8x2048xf32> to vector<8x2048xf32>
    %mul3A_736 = vector.broadcast %convert_element_type3A_236 : vector<1x2048xf32> to vector<8x2048xf32>
    %mul3A_737 = arith.mulf %squeeze3A_735, %mul3A_736 : vector<8x2048xf32>
    %add3A_738 = arith.addf %add3A_733, %mul3A_737 : vector<8x2048xf32>
    %slice3A_739 = vector.extract_strided_slice %reshape3A_120 {offsets = [23, 16, 0], sizes = [1, 8, 2048], strides = [1, 1, 1]} : vector<32x64x2048xf32> to vector<1x8x2048xf32>
    %squeeze3A_740 = vector.shape_cast %slice3A_739 : vector<1x8x2048xf32> to vector<8x2048xf32>
    %mul3A_741 = vector.broadcast %convert_element_type3A_241 : vector<1x2048xf32> to vector<8x2048xf32>
    %mul3A_742 = arith.mulf %squeeze3A_740, %mul3A_741 : vector<8x2048xf32>
    %add3A_743 = arith.addf %add3A_738, %mul3A_742 : vector<8x2048xf32>
    %slice3A_744 = vector.extract_strided_slice %reshape3A_120 {offsets = [24, 16, 0], sizes = [1, 8, 2048], strides = [1, 1, 1]} : vector<32x64x2048xf32> to vector<1x8x2048xf32>
    %squeeze3A_745 = vector.shape_cast %slice3A_744 : vector<1x8x2048xf32> to vector<8x2048xf32>
    %mul3A_746 = vector.broadcast %convert_element_type3A_246 : vector<1x2048xf32> to vector<8x2048xf32>
    %mul3A_747 = arith.mulf %squeeze3A_745, %mul3A_746 : vector<8x2048xf32>
    %add3A_748 = arith.addf %add3A_743, %mul3A_747 : vector<8x2048xf32>
    %slice3A_749 = vector.extract_strided_slice %reshape3A_120 {offsets = [25, 16, 0], sizes = [1, 8, 2048], strides = [1, 1, 1]} : vector<32x64x2048xf32> to vector<1x8x2048xf32>
    %squeeze3A_750 = vector.shape_cast %slice3A_749 : vector<1x8x2048xf32> to vector<8x2048xf32>
    %mul3A_751 = vector.broadcast %convert_element_type3A_251 : vector<1x2048xf32> to vector<8x2048xf32>
    %mul3A_752 = arith.mulf %squeeze3A_750, %mul3A_751 : vector<8x2048xf32>
    %add3A_753 = arith.addf %add3A_748, %mul3A_752 : vector<8x2048xf32>
    %slice3A_754 = vector.extract_strided_slice %reshape3A_120 {offsets = [26, 16, 0], sizes = [1, 8, 2048], strides = [1, 1, 1]} : vector<32x64x2048xf32> to vector<1x8x2048xf32>
    %squeeze3A_755 = vector.shape_cast %slice3A_754 : vector<1x8x2048xf32> to vector<8x2048xf32>
    %mul3A_756 = vector.broadcast %convert_element_type3A_256 : vector<1x2048xf32> to vector<8x2048xf32>
    %mul3A_757 = arith.mulf %squeeze3A_755, %mul3A_756 : vector<8x2048xf32>
    %add3A_758 = arith.addf %add3A_753, %mul3A_757 : vector<8x2048xf32>
    %slice3A_759 = vector.extract_strided_slice %reshape3A_120 {offsets = [27, 16, 0], sizes = [1, 8, 2048], strides = [1, 1, 1]} : vector<32x64x2048xf32> to vector<1x8x2048xf32>
    %squeeze3A_760 = vector.shape_cast %slice3A_759 : vector<1x8x2048xf32> to vector<8x2048xf32>
    %mul3A_761 = vector.broadcast %convert_element_type3A_261 : vector<1x2048xf32> to vector<8x2048xf32>
    %mul3A_762 = arith.mulf %squeeze3A_760, %mul3A_761 : vector<8x2048xf32>
    %add3A_763 = arith.addf %add3A_758, %mul3A_762 : vector<8x2048xf32>
    %slice3A_764 = vector.extract_strided_slice %reshape3A_120 {offsets = [28, 16, 0], sizes = [1, 8, 2048], strides = [1, 1, 1]} : vector<32x64x2048xf32> to vector<1x8x2048xf32>
    %squeeze3A_765 = vector.shape_cast %slice3A_764 : vector<1x8x2048xf32> to vector<8x2048xf32>
    %mul3A_766 = vector.broadcast %convert_element_type3A_266 : vector<1x2048xf32> to vector<8x2048xf32>
    %mul3A_767 = arith.mulf %squeeze3A_765, %mul3A_766 : vector<8x2048xf32>
    %add3A_768 = arith.addf %add3A_763, %mul3A_767 : vector<8x2048xf32>
    %slice3A_769 = vector.extract_strided_slice %reshape3A_120 {offsets = [29, 16, 0], sizes = [1, 8, 2048], strides = [1, 1, 1]} : vector<32x64x2048xf32> to vector<1x8x2048xf32>
    %squeeze3A_770 = vector.shape_cast %slice3A_769 : vector<1x8x2048xf32> to vector<8x2048xf32>
    %mul3A_771 = vector.broadcast %convert_element_type3A_271 : vector<1x2048xf32> to vector<8x2048xf32>
    %mul3A_772 = arith.mulf %squeeze3A_770, %mul3A_771 : vector<8x2048xf32>
    %add3A_773 = arith.addf %add3A_768, %mul3A_772 : vector<8x2048xf32>
    %slice3A_774 = vector.extract_strided_slice %reshape3A_120 {offsets = [30, 16, 0], sizes = [1, 8, 2048], strides = [1, 1, 1]} : vector<32x64x2048xf32> to vector<1x8x2048xf32>
    %squeeze3A_775 = vector.shape_cast %slice3A_774 : vector<1x8x2048xf32> to vector<8x2048xf32>
    %mul3A_776 = vector.broadcast %convert_element_type3A_276 : vector<1x2048xf32> to vector<8x2048xf32>
    %mul3A_777 = arith.mulf %squeeze3A_775, %mul3A_776 : vector<8x2048xf32>
    %add3A_778 = arith.addf %add3A_773, %mul3A_777 : vector<8x2048xf32>
    %slice3A_779 = vector.extract_strided_slice %reshape3A_120 {offsets = [31, 16, 0], sizes = [1, 8, 2048], strides = [1, 1, 1]} : vector<32x64x2048xf32> to vector<1x8x2048xf32>
    %squeeze3A_780 = vector.shape_cast %slice3A_779 : vector<1x8x2048xf32> to vector<8x2048xf32>
    %mul3A_781 = vector.broadcast %convert_element_type3A_281 : vector<1x2048xf32> to vector<8x2048xf32>
    %mul3A_782 = arith.mulf %squeeze3A_780, %mul3A_781 : vector<8x2048xf32>
    %add3A_783 = arith.addf %add3A_778, %mul3A_782 : vector<8x2048xf32>
    %swap3A_784 = arith.constant 0 : index
    %swap3A_785 = arith.constant 16 : index
    %swap3A_786 = arith.constant 0 : index
    %swap3A_787 = vector.load %arg14[%swap3A_784, %swap3A_785, %swap3A_786] : memref<2x64x2048xf32, #tpu.memory_space<vmem>>, vector<1x8x2048xf32>
    %swap3A_788 = vector.shape_cast %swap3A_787 : vector<1x8x2048xf32> to vector<8x2048xf32>
    %swap3A_789 = vector.shape_cast %add3A_783 : vector<8x2048xf32> to vector<1x8x2048xf32>
    tpu.vector_store %arg14[%swap3A_784, %swap3A_785, %swap3A_786], %swap3A_789 {strides = array<i32>} : memref<2x64x2048xf32, #tpu.memory_space<vmem>>, vector<1x8x2048xf32>,
    %broadcast_in_dim3A_790 = arith.constant 0.000000e+00 : f32
    %broadcast_in_dim3A_791 = vector.broadcast %broadcast_in_dim3A_790 : f32 to vector<8x2048xf32>
    %add3A_792 = vector.broadcast %slice3A_121 : vector<1x2048xf32> to vector<8x2048xf32>
    %add3A_793 = arith.addf %broadcast_in_dim3A_791, %add3A_792 : vector<8x2048xf32>
    %slice3A_794 = vector.extract_strided_slice %reshape3A_120 {offsets = [0, 24, 0], sizes = [1, 8, 2048], strides = [1, 1, 1]} : vector<32x64x2048xf32> to vector<1x8x2048xf32>
    %squeeze3A_795 = vector.shape_cast %slice3A_794 : vector<1x8x2048xf32> to vector<8x2048xf32>
    %mul3A_796 = vector.broadcast %convert_element_type3A_126 : vector<1x2048xf32> to vector<8x2048xf32>
    %mul3A_797 = arith.mulf %squeeze3A_795, %mul3A_796 : vector<8x2048xf32>
    %add3A_798 = arith.addf %add3A_793, %mul3A_797 : vector<8x2048xf32>
    %slice3A_799 = vector.extract_strided_slice %reshape3A_120 {offsets = [1, 24, 0], sizes = [1, 8, 2048], strides = [1, 1, 1]} : vector<32x64x2048xf32> to vector<1x8x2048xf32>
    %squeeze3A_800 = vector.shape_cast %slice3A_799 : vector<1x8x2048xf32> to vector<8x2048xf32>
    %mul3A_801 = vector.broadcast %convert_element_type3A_131 : vector<1x2048xf32> to vector<8x2048xf32>
    %mul3A_802 = arith.mulf %squeeze3A_800, %mul3A_801 : vector<8x2048xf32>
    %add3A_803 = arith.addf %add3A_798, %mul3A_802 : vector<8x2048xf32>
    %slice3A_804 = vector.extract_strided_slice %reshape3A_120 {offsets = [2, 24, 0], sizes = [1, 8, 2048], strides = [1, 1, 1]} : vector<32x64x2048xf32> to vector<1x8x2048xf32>
    %squeeze3A_805 = vector.shape_cast %slice3A_804 : vector<1x8x2048xf32> to vector<8x2048xf32>
    %mul3A_806 = vector.broadcast %convert_element_type3A_136 : vector<1x2048xf32> to vector<8x2048xf32>
    %mul3A_807 = arith.mulf %squeeze3A_805, %mul3A_806 : vector<8x2048xf32>
    %add3A_808 = arith.addf %add3A_803, %mul3A_807 : vector<8x2048xf32>
    %slice3A_809 = vector.extract_strided_slice %reshape3A_120 {offsets = [3, 24, 0], sizes = [1, 8, 2048], strides = [1, 1, 1]} : vector<32x64x2048xf32> to vector<1x8x2048xf32>
    %squeeze3A_810 = vector.shape_cast %slice3A_809 : vector<1x8x2048xf32> to vector<8x2048xf32>
    %mul3A_811 = vector.broadcast %convert_element_type3A_141 : vector<1x2048xf32> to vector<8x2048xf32>
    %mul3A_812 = arith.mulf %squeeze3A_810, %mul3A_811 : vector<8x2048xf32>
    %add3A_813 = arith.addf %add3A_808, %mul3A_812 : vector<8x2048xf32>
    %slice3A_814 = vector.extract_strided_slice %reshape3A_120 {offsets = [4, 24, 0], sizes = [1, 8, 2048], strides = [1, 1, 1]} : vector<32x64x2048xf32> to vector<1x8x2048xf32>
    %squeeze3A_815 = vector.shape_cast %slice3A_814 : vector<1x8x2048xf32> to vector<8x2048xf32>
    %mul3A_816 = vector.broadcast %convert_element_type3A_146 : vector<1x2048xf32> to vector<8x2048xf32>
    %mul3A_817 = arith.mulf %squeeze3A_815, %mul3A_816 : vector<8x2048xf32>
    %add3A_818 = arith.addf %add3A_813, %mul3A_817 : vector<8x2048xf32>
    %slice3A_819 = vector.extract_strided_slice %reshape3A_120 {offsets = [5, 24, 0], sizes = [1, 8, 2048], strides = [1, 1, 1]} : vector<32x64x2048xf32> to vector<1x8x2048xf32>
    %squeeze3A_820 = vector.shape_cast %slice3A_819 : vector<1x8x2048xf32> to vector<8x2048xf32>
    %mul3A_821 = vector.broadcast %convert_element_type3A_151 : vector<1x2048xf32> to vector<8x2048xf32>
    %mul3A_822 = arith.mulf %squeeze3A_820, %mul3A_821 : vector<8x2048xf32>
    %add3A_823 = arith.addf %add3A_818, %mul3A_822 : vector<8x2048xf32>
    %slice3A_824 = vector.extract_strided_slice %reshape3A_120 {offsets = [6, 24, 0], sizes = [1, 8, 2048], strides = [1, 1, 1]} : vector<32x64x2048xf32> to vector<1x8x2048xf32>
    %squeeze3A_825 = vector.shape_cast %slice3A_824 : vector<1x8x2048xf32> to vector<8x2048xf32>
    %mul3A_826 = vector.broadcast %convert_element_type3A_156 : vector<1x2048xf32> to vector<8x2048xf32>
    %mul3A_827 = arith.mulf %squeeze3A_825, %mul3A_826 : vector<8x2048xf32>
    %add3A_828 = arith.addf %add3A_823, %mul3A_827 : vector<8x2048xf32>
    %slice3A_829 = vector.extract_strided_slice %reshape3A_120 {offsets = [7, 24, 0], sizes = [1, 8, 2048], strides = [1, 1, 1]} : vector<32x64x2048xf32> to vector<1x8x2048xf32>
    %squeeze3A_830 = vector.shape_cast %slice3A_829 : vector<1x8x2048xf32> to vector<8x2048xf32>
    %mul3A_831 = vector.broadcast %convert_element_type3A_161 : vector<1x2048xf32> to vector<8x2048xf32>
    %mul3A_832 = arith.mulf %squeeze3A_830, %mul3A_831 : vector<8x2048xf32>
    %add3A_833 = arith.addf %add3A_828, %mul3A_832 : vector<8x2048xf32>
    %slice3A_834 = vector.extract_strided_slice %reshape3A_120 {offsets = [8, 24, 0], sizes = [1, 8, 2048], strides = [1, 1, 1]} : vector<32x64x2048xf32> to vector<1x8x2048xf32>
    %squeeze3A_835 = vector.shape_cast %slice3A_834 : vector<1x8x2048xf32> to vector<8x2048xf32>
    %mul3A_836 = vector.broadcast %convert_element_type3A_166 : vector<1x2048xf32> to vector<8x2048xf32>
    %mul3A_837 = arith.mulf %squeeze3A_835, %mul3A_836 : vector<8x2048xf32>
    %add3A_838 = arith.addf %add3A_833, %mul3A_837 : vector<8x2048xf32>
    %slice3A_839 = vector.extract_strided_slice %reshape3A_120 {offsets = [9, 24, 0], sizes = [1, 8, 2048], strides = [1, 1, 1]} : vector<32x64x2048xf32> to vector<1x8x2048xf32>
    %squeeze3A_840 = vector.shape_cast %slice3A_839 : vector<1x8x2048xf32> to vector<8x2048xf32>
    %mul3A_841 = vector.broadcast %convert_element_type3A_171 : vector<1x2048xf32> to vector<8x2048xf32>
    %mul3A_842 = arith.mulf %squeeze3A_840, %mul3A_841 : vector<8x2048xf32>
    %add3A_843 = arith.addf %add3A_838, %mul3A_842 : vector<8x2048xf32>
    %slice3A_844 = vector.extract_strided_slice %reshape3A_120 {offsets = [10, 24, 0], sizes = [1, 8, 2048], strides = [1, 1, 1]} : vector<32x64x2048xf32> to vector<1x8x2048xf32>
    %squeeze3A_845 = vector.shape_cast %slice3A_844 : vector<1x8x2048xf32> to vector<8x2048xf32>
    %mul3A_846 = vector.broadcast %convert_element_type3A_176 : vector<1x2048xf32> to vector<8x2048xf32>
    %mul3A_847 = arith.mulf %squeeze3A_845, %mul3A_846 : vector<8x2048xf32>
    %add3A_848 = arith.addf %add3A_843, %mul3A_847 : vector<8x2048xf32>
    %slice3A_849 = vector.extract_strided_slice %reshape3A_120 {offsets = [11, 24, 0], sizes = [1, 8, 2048], strides = [1, 1, 1]} : vector<32x64x2048xf32> to vector<1x8x2048xf32>
    %squeeze3A_850 = vector.shape_cast %slice3A_849 : vector<1x8x2048xf32> to vector<8x2048xf32>
    %mul3A_851 = vector.broadcast %convert_element_type3A_181 : vector<1x2048xf32> to vector<8x2048xf32>
    %mul3A_852 = arith.mulf %squeeze3A_850, %mul3A_851 : vector<8x2048xf32>
    %add3A_853 = arith.addf %add3A_848, %mul3A_852 : vector<8x2048xf32>
    %slice3A_854 = vector.extract_strided_slice %reshape3A_120 {offsets = [12, 24, 0], sizes = [1, 8, 2048], strides = [1, 1, 1]} : vector<32x64x2048xf32> to vector<1x8x2048xf32>
    %squeeze3A_855 = vector.shape_cast %slice3A_854 : vector<1x8x2048xf32> to vector<8x2048xf32>
    %mul3A_856 = vector.broadcast %convert_element_type3A_186 : vector<1x2048xf32> to vector<8x2048xf32>
    %mul3A_857 = arith.mulf %squeeze3A_855, %mul3A_856 : vector<8x2048xf32>
    %add3A_858 = arith.addf %add3A_853, %mul3A_857 : vector<8x2048xf32>
    %slice3A_859 = vector.extract_strided_slice %reshape3A_120 {offsets = [13, 24, 0], sizes = [1, 8, 2048], strides = [1, 1, 1]} : vector<32x64x2048xf32> to vector<1x8x2048xf32>
    %squeeze3A_860 = vector.shape_cast %slice3A_859 : vector<1x8x2048xf32> to vector<8x2048xf32>
    %mul3A_861 = vector.broadcast %convert_element_type3A_191 : vector<1x2048xf32> to vector<8x2048xf32>
    %mul3A_862 = arith.mulf %squeeze3A_860, %mul3A_861 : vector<8x2048xf32>
    %add3A_863 = arith.addf %add3A_858, %mul3A_862 : vector<8x2048xf32>
    %slice3A_864 = vector.extract_strided_slice %reshape3A_120 {offsets = [14, 24, 0], sizes = [1, 8, 2048], strides = [1, 1, 1]} : vector<32x64x2048xf32> to vector<1x8x2048xf32>
    %squeeze3A_865 = vector.shape_cast %slice3A_864 : vector<1x8x2048xf32> to vector<8x2048xf32>
    %mul3A_866 = vector.broadcast %convert_element_type3A_196 : vector<1x2048xf32> to vector<8x2048xf32>
    %mul3A_867 = arith.mulf %squeeze3A_865, %mul3A_866 : vector<8x2048xf32>
    %add3A_868 = arith.addf %add3A_863, %mul3A_867 : vector<8x2048xf32>
    %slice3A_869 = vector.extract_strided_slice %reshape3A_120 {offsets = [15, 24, 0], sizes = [1, 8, 2048], strides = [1, 1, 1]} : vector<32x64x2048xf32> to vector<1x8x2048xf32>
    %squeeze3A_870 = vector.shape_cast %slice3A_869 : vector<1x8x2048xf32> to vector<8x2048xf32>
    %mul3A_871 = vector.broadcast %convert_element_type3A_201 : vector<1x2048xf32> to vector<8x2048xf32>
    %mul3A_872 = arith.mulf %squeeze3A_870, %mul3A_871 : vector<8x2048xf32>
    %add3A_873 = arith.addf %add3A_868, %mul3A_872 : vector<8x2048xf32>
    %slice3A_874 = vector.extract_strided_slice %reshape3A_120 {offsets = [16, 24, 0], sizes = [1, 8, 2048], strides = [1, 1, 1]} : vector<32x64x2048xf32> to vector<1x8x2048xf32>
    %squeeze3A_875 = vector.shape_cast %slice3A_874 : vector<1x8x2048xf32> to vector<8x2048xf32>
    %mul3A_876 = vector.broadcast %convert_element_type3A_206 : vector<1x2048xf32> to vector<8x2048xf32>
    %mul3A_877 = arith.mulf %squeeze3A_875, %mul3A_876 : vector<8x2048xf32>
    %add3A_878 = arith.addf %add3A_873, %mul3A_877 : vector<8x2048xf32>
    %slice3A_879 = vector.extract_strided_slice %reshape3A_120 {offsets = [17, 24, 0], sizes = [1, 8, 2048], strides = [1, 1, 1]} : vector<32x64x2048xf32> to vector<1x8x2048xf32>
    %squeeze3A_880 = vector.shape_cast %slice3A_879 : vector<1x8x2048xf32> to vector<8x2048xf32>
    %mul3A_881 = vector.broadcast %convert_element_type3A_211 : vector<1x2048xf32> to vector<8x2048xf32>
    %mul3A_882 = arith.mulf %squeeze3A_880, %mul3A_881 : vector<8x2048xf32>
    %add3A_883 = arith.addf %add3A_878, %mul3A_882 : vector<8x2048xf32>
    %slice3A_884 = vector.extract_strided_slice %reshape3A_120 {offsets = [18, 24, 0], sizes = [1, 8, 2048], strides = [1, 1, 1]} : vector<32x64x2048xf32> to vector<1x8x2048xf32>
    %squeeze3A_885 = vector.shape_cast %slice3A_884 : vector<1x8x2048xf32> to vector<8x2048xf32>
    %mul3A_886 = vector.broadcast %convert_element_type3A_216 : vector<1x2048xf32> to vector<8x2048xf32>
    %mul3A_887 = arith.mulf %squeeze3A_885, %mul3A_886 : vector<8x2048xf32>
    %add3A_888 = arith.addf %add3A_883, %mul3A_887 : vector<8x2048xf32>
    %slice3A_889 = vector.extract_strided_slice %reshape3A_120 {offsets = [19, 24, 0], sizes = [1, 8, 2048], strides = [1, 1, 1]} : vector<32x64x2048xf32> to vector<1x8x2048xf32>
    %squeeze3A_890 = vector.shape_cast %slice3A_889 : vector<1x8x2048xf32> to vector<8x2048xf32>
    %mul3A_891 = vector.broadcast %convert_element_type3A_221 : vector<1x2048xf32> to vector<8x2048xf32>
    %mul3A_892 = arith.mulf %squeeze3A_890, %mul3A_891 : vector<8x2048xf32>
    %add3A_893 = arith.addf %add3A_888, %mul3A_892 : vector<8x2048xf32>
    %slice3A_894 = vector.extract_strided_slice %reshape3A_120 {offsets = [20, 24, 0], sizes = [1, 8, 2048], strides = [1, 1, 1]} : vector<32x64x2048xf32> to vector<1x8x2048xf32>
    %squeeze3A_895 = vector.shape_cast %slice3A_894 : vector<1x8x2048xf32> to vector<8x2048xf32>
    %mul3A_896 = vector.broadcast %convert_element_type3A_226 : vector<1x2048xf32> to vector<8x2048xf32>
    %mul3A_897 = arith.mulf %squeeze3A_895, %mul3A_896 : vector<8x2048xf32>
    %add3A_898 = arith.addf %add3A_893, %mul3A_897 : vector<8x2048xf32>
    %slice3A_899 = vector.extract_strided_slice %reshape3A_120 {offsets = [21, 24, 0], sizes = [1, 8, 2048], strides = [1, 1, 1]} : vector<32x64x2048xf32> to vector<1x8x2048xf32>
    %squeeze3A_900 = vector.shape_cast %slice3A_899 : vector<1x8x2048xf32> to vector<8x2048xf32>
    %mul3A_901 = vector.broadcast %convert_element_type3A_231 : vector<1x2048xf32> to vector<8x2048xf32>
    %mul3A_902 = arith.mulf %squeeze3A_900, %mul3A_901 : vector<8x2048xf32>
    %add3A_903 = arith.addf %add3A_898, %mul3A_902 : vector<8x2048xf32>
    %slice3A_904 = vector.extract_strided_slice %reshape3A_120 {offsets = [22, 24, 0], sizes = [1, 8, 2048], strides = [1, 1, 1]} : vector<32x64x2048xf32> to vector<1x8x2048xf32>
    %squeeze3A_905 = vector.shape_cast %slice3A_904 : vector<1x8x2048xf32> to vector<8x2048xf32>
    %mul3A_906 = vector.broadcast %convert_element_type3A_236 : vector<1x2048xf32> to vector<8x2048xf32>
    %mul3A_907 = arith.mulf %squeeze3A_905, %mul3A_906 : vector<8x2048xf32>
    %add3A_908 = arith.addf %add3A_903, %mul3A_907 : vector<8x2048xf32>
    %slice3A_909 = vector.extract_strided_slice %reshape3A_120 {offsets = [23, 24, 0], sizes = [1, 8, 2048], strides = [1, 1, 1]} : vector<32x64x2048xf32> to vector<1x8x2048xf32>
    %squeeze3A_910 = vector.shape_cast %slice3A_909 : vector<1x8x2048xf32> to vector<8x2048xf32>
    %mul3A_911 = vector.broadcast %convert_element_type3A_241 : vector<1x2048xf32> to vector<8x2048xf32>
    %mul3A_912 = arith.mulf %squeeze3A_910, %mul3A_911 : vector<8x2048xf32>
    %add3A_913 = arith.addf %add3A_908, %mul3A_912 : vector<8x2048xf32>
    %slice3A_914 = vector.extract_strided_slice %reshape3A_120 {offsets = [24, 24, 0], sizes = [1, 8, 2048], strides = [1, 1, 1]} : vector<32x64x2048xf32> to vector<1x8x2048xf32>
    %squeeze3A_915 = vector.shape_cast %slice3A_914 : vector<1x8x2048xf32> to vector<8x2048xf32>
    %mul3A_916 = vector.broadcast %convert_element_type3A_246 : vector<1x2048xf32> to vector<8x2048xf32>
    %mul3A_917 = arith.mulf %squeeze3A_915, %mul3A_916 : vector<8x2048xf32>
    %add3A_918 = arith.addf %add3A_913, %mul3A_917 : vector<8x2048xf32>
    %slice3A_919 = vector.extract_strided_slice %reshape3A_120 {offsets = [25, 24, 0], sizes = [1, 8, 2048], strides = [1, 1, 1]} : vector<32x64x2048xf32> to vector<1x8x2048xf32>
    %squeeze3A_920 = vector.shape_cast %slice3A_919 : vector<1x8x2048xf32> to vector<8x2048xf32>
    %mul3A_921 = vector.broadcast %convert_element_type3A_251 : vector<1x2048xf32> to vector<8x2048xf32>
    %mul3A_922 = arith.mulf %squeeze3A_920, %mul3A_921 : vector<8x2048xf32>
    %add3A_923 = arith.addf %add3A_918, %mul3A_922 : vector<8x2048xf32>
    %slice3A_924 = vector.extract_strided_slice %reshape3A_120 {offsets = [26, 24, 0], sizes = [1, 8, 2048], strides = [1, 1, 1]} : vector<32x64x2048xf32> to vector<1x8x2048xf32>
    %squeeze3A_925 = vector.shape_cast %slice3A_924 : vector<1x8x2048xf32> to vector<8x2048xf32>
    %mul3A_926 = vector.broadcast %convert_element_type3A_256 : vector<1x2048xf32> to vector<8x2048xf32>
    %mul3A_927 = arith.mulf %squeeze3A_925, %mul3A_926 : vector<8x2048xf32>
    %add3A_928 = arith.addf %add3A_923, %mul3A_927 : vector<8x2048xf32>
    %slice3A_929 = vector.extract_strided_slice %reshape3A_120 {offsets = [27, 24, 0], sizes = [1, 8, 2048], strides = [1, 1, 1]} : vector<32x64x2048xf32> to vector<1x8x2048xf32>
    %squeeze3A_930 = vector.shape_cast %slice3A_929 : vector<1x8x2048xf32> to vector<8x2048xf32>
    %mul3A_931 = vector.broadcast %convert_element_type3A_261 : vector<1x2048xf32> to vector<8x2048xf32>
    %mul3A_932 = arith.mulf %squeeze3A_930, %mul3A_931 : vector<8x2048xf32>
    %add3A_933 = arith.addf %add3A_928, %mul3A_932 : vector<8x2048xf32>
    %slice3A_934 = vector.extract_strided_slice %reshape3A_120 {offsets = [28, 24, 0], sizes = [1, 8, 2048], strides = [1, 1, 1]} : vector<32x64x2048xf32> to vector<1x8x2048xf32>
    %squeeze3A_935 = vector.shape_cast %slice3A_934 : vector<1x8x2048xf32> to vector<8x2048xf32>
    %mul3A_936 = vector.broadcast %convert_element_type3A_266 : vector<1x2048xf32> to vector<8x2048xf32>
    %mul3A_937 = arith.mulf %squeeze3A_935, %mul3A_936 : vector<8x2048xf32>
    %add3A_938 = arith.addf %add3A_933, %mul3A_937 : vector<8x2048xf32>
    %slice3A_939 = vector.extract_strided_slice %reshape3A_120 {offsets = [29, 24, 0], sizes = [1, 8, 2048], strides = [1, 1, 1]} : vector<32x64x2048xf32> to vector<1x8x2048xf32>
    %squeeze3A_940 = vector.shape_cast %slice3A_939 : vector<1x8x2048xf32> to vector<8x2048xf32>
    %mul3A_941 = vector.broadcast %convert_element_type3A_271 : vector<1x2048xf32> to vector<8x2048xf32>
    %mul3A_942 = arith.mulf %squeeze3A_940, %mul3A_941 : vector<8x2048xf32>
    %add3A_943 = arith.addf %add3A_938, %mul3A_942 : vector<8x2048xf32>
    %slice3A_944 = vector.extract_strided_slice %reshape3A_120 {offsets = [30, 24, 0], sizes = [1, 8, 2048], strides = [1, 1, 1]} : vector<32x64x2048xf32> to vector<1x8x2048xf32>
    %squeeze3A_945 = vector.shape_cast %slice3A_944 : vector<1x8x2048xf32> to vector<8x2048xf32>
    %mul3A_946 = vector.broadcast %convert_element_type3A_276 : vector<1x2048xf32> to vector<8x2048xf32>
    %mul3A_947 = arith.mulf %squeeze3A_945, %mul3A_946 : vector<8x2048xf32>
    %add3A_948 = arith.addf %add3A_943, %mul3A_947 : vector<8x2048xf32>
    %slice3A_949 = vector.extract_strided_slice %reshape3A_120 {offsets = [31, 24, 0], sizes = [1, 8, 2048], strides = [1, 1, 1]} : vector<32x64x2048xf32> to vector<1x8x2048xf32>
    %squeeze3A_950 = vector.shape_cast %slice3A_949 : vector<1x8x2048xf32> to vector<8x2048xf32>
    %mul3A_951 = vector.broadcast %convert_element_type3A_281 : vector<1x2048xf32> to vector<8x2048xf32>
    %mul3A_952 = arith.mulf %squeeze3A_950, %mul3A_951 : vector<8x2048xf32>
    %add3A_953 = arith.addf %add3A_948, %mul3A_952 : vector<8x2048xf32>
    %swap3A_954 = arith.constant 0 : index
    %swap3A_955 = arith.constant 24 : index
    %swap3A_956 = arith.constant 0 : index
    %swap3A_957 = vector.load %arg14[%swap3A_954, %swap3A_955, %swap3A_956] : memref<2x64x2048xf32, #tpu.memory_space<vmem>>, vector<1x8x2048xf32>
    %swap3A_958 = vector.shape_cast %swap3A_957 : vector<1x8x2048xf32> to vector<8x2048xf32>
    %swap3A_959 = vector.shape_cast %add3A_953 : vector<8x2048xf32> to vector<1x8x2048xf32>
    tpu.vector_store %arg14[%swap3A_954, %swap3A_955, %swap3A_956], %swap3A_959 {strides = array<i32>} : memref<2x64x2048xf32, #tpu.memory_space<vmem>>, vector<1x8x2048xf32>,
    %broadcast_in_dim3A_960 = arith.constant 0.000000e+00 : f32
    %broadcast_in_dim3A_961 = vector.broadcast %broadcast_in_dim3A_960 : f32 to vector<8x2048xf32>
    %add3A_962 = vector.broadcast %slice3A_121 : vector<1x2048xf32> to vector<8x2048xf32>
    %add3A_963 = arith.addf %broadcast_in_dim3A_961, %add3A_962 : vector<8x2048xf32>
    %slice3A_964 = vector.extract_strided_slice %reshape3A_120 {offsets = [0, 32, 0], sizes = [1, 8, 2048], strides = [1, 1, 1]} : vector<32x64x2048xf32> to vector<1x8x2048xf32>
    %squeeze3A_965 = vector.shape_cast %slice3A_964 : vector<1x8x2048xf32> to vector<8x2048xf32>
    %mul3A_966 = vector.broadcast %convert_element_type3A_126 : vector<1x2048xf32> to vector<8x2048xf32>
    %mul3A_967 = arith.mulf %squeeze3A_965, %mul3A_966 : vector<8x2048xf32>
    %add3A_968 = arith.addf %add3A_963, %mul3A_967 : vector<8x2048xf32>
    %slice3A_969 = vector.extract_strided_slice %reshape3A_120 {offsets = [1, 32, 0], sizes = [1, 8, 2048], strides = [1, 1, 1]} : vector<32x64x2048xf32> to vector<1x8x2048xf32>
    %squeeze3A_970 = vector.shape_cast %slice3A_969 : vector<1x8x2048xf32> to vector<8x2048xf32>
    %mul3A_971 = vector.broadcast %convert_element_type3A_131 : vector<1x2048xf32> to vector<8x2048xf32>
    %mul3A_972 = arith.mulf %squeeze3A_970, %mul3A_971 : vector<8x2048xf32>
    %add3A_973 = arith.addf %add3A_968, %mul3A_972 : vector<8x2048xf32>
    %slice3A_974 = vector.extract_strided_slice %reshape3A_120 {offsets = [2, 32, 0], sizes = [1, 8, 2048], strides = [1, 1, 1]} : vector<32x64x2048xf32> to vector<1x8x2048xf32>
    %squeeze3A_975 = vector.shape_cast %slice3A_974 : vector<1x8x2048xf32> to vector<8x2048xf32>
    %mul3A_976 = vector.broadcast %convert_element_type3A_136 : vector<1x2048xf32> to vector<8x2048xf32>
    %mul3A_977 = arith.mulf %squeeze3A_975, %mul3A_976 : vector<8x2048xf32>
    %add3A_978 = arith.addf %add3A_973, %mul3A_977 : vector<8x2048xf32>
    %slice3A_979 = vector.extract_strided_slice %reshape3A_120 {offsets = [3, 32, 0], sizes = [1, 8, 2048], strides = [1, 1, 1]} : vector<32x64x2048xf32> to vector<1x8x2048xf32>
    %squeeze3A_980 = vector.shape_cast %slice3A_979 : vector<1x8x2048xf32> to vector<8x2048xf32>
    %mul3A_981 = vector.broadcast %convert_element_type3A_141 : vector<1x2048xf32> to vector<8x2048xf32>
    %mul3A_982 = arith.mulf %squeeze3A_980, %mul3A_981 : vector<8x2048xf32>
    %add3A_983 = arith.addf %add3A_978, %mul3A_982 : vector<8x2048xf32>
    %slice3A_984 = vector.extract_strided_slice %reshape3A_120 {offsets = [4, 32, 0], sizes = [1, 8, 2048], strides = [1, 1, 1]} : vector<32x64x2048xf32> to vector<1x8x2048xf32>
    %squeeze3A_985 = vector.shape_cast %slice3A_984 : vector<1x8x2048xf32> to vector<8x2048xf32>
    %mul3A_986 = vector.broadcast %convert_element_type3A_146 : vector<1x2048xf32> to vector<8x2048xf32>
    %mul3A_987 = arith.mulf %squeeze3A_985, %mul3A_986 : vector<8x2048xf32>
    %add3A_988 = arith.addf %add3A_983, %mul3A_987 : vector<8x2048xf32>
    %slice3A_989 = vector.extract_strided_slice %reshape3A_120 {offsets = [5, 32, 0], sizes = [1, 8, 2048], strides = [1, 1, 1]} : vector<32x64x2048xf32> to vector<1x8x2048xf32>
    %squeeze3A_990 = vector.shape_cast %slice3A_989 : vector<1x8x2048xf32> to vector<8x2048xf32>
    %mul3A_991 = vector.broadcast %convert_element_type3A_151 : vector<1x2048xf32> to vector<8x2048xf32>
    %mul3A_992 = arith.mulf %squeeze3A_990, %mul3A_991 : vector<8x2048xf32>
    %add3A_993 = arith.addf %add3A_988, %mul3A_992 : vector<8x2048xf32>
    %slice3A_994 = vector.extract_strided_slice %reshape3A_120 {offsets = [6, 32, 0], sizes = [1, 8, 2048], strides = [1, 1, 1]} : vector<32x64x2048xf32> to vector<1x8x2048xf32>
    %squeeze3A_995 = vector.shape_cast %slice3A_994 : vector<1x8x2048xf32> to vector<8x2048xf32>
    %mul3A_996 = vector.broadcast %convert_element_type3A_156 : vector<1x2048xf32> to vector<8x2048xf32>
    %mul3A_997 = arith.mulf %squeeze3A_995, %mul3A_996 : vector<8x2048xf32>
    %add3A_998 = arith.addf %add3A_993, %mul3A_997 : vector<8x2048xf32>
    %slice3A_999 = vector.extract_strided_slice %reshape3A_120 {offsets = [7, 32, 0], sizes = [1, 8, 2048], strides = [1, 1, 1]} : vector<32x64x2048xf32> to vector<1x8x2048xf32>
    %squeeze3A_1000 = vector.shape_cast %slice3A_999 : vector<1x8x2048xf32> to vector<8x2048xf32>
    %mul3A_1001 = vector.broadcast %convert_element_type3A_161 : vector<1x2048xf32> to vector<8x2048xf32>
    %mul3A_1002 = arith.mulf %squeeze3A_1000, %mul3A_1001 : vector<8x2048xf32>
    %add3A_1003 = arith.addf %add3A_998, %mul3A_1002 : vector<8x2048xf32>
    %slice3A_1004 = vector.extract_strided_slice %reshape3A_120 {offsets = [8, 32, 0], sizes = [1, 8, 2048], strides = [1, 1, 1]} : vector<32x64x2048xf32> to vector<1x8x2048xf32>
    %squeeze3A_1005 = vector.shape_cast %slice3A_1004 : vector<1x8x2048xf32> to vector<8x2048xf32>
    %mul3A_1006 = vector.broadcast %convert_element_type3A_166 : vector<1x2048xf32> to vector<8x2048xf32>
    %mul3A_1007 = arith.mulf %squeeze3A_1005, %mul3A_1006 : vector<8x2048xf32>
    %add3A_1008 = arith.addf %add3A_1003, %mul3A_1007 : vector<8x2048xf32>
    %slice3A_1009 = vector.extract_strided_slice %reshape3A_120 {offsets = [9, 32, 0], sizes = [1, 8, 2048], strides = [1, 1, 1]} : vector<32x64x2048xf32> to vector<1x8x2048xf32>
    %squeeze3A_1010 = vector.shape_cast %slice3A_1009 : vector<1x8x2048xf32> to vector<8x2048xf32>
    %mul3A_1011 = vector.broadcast %convert_element_type3A_171 : vector<1x2048xf32> to vector<8x2048xf32>
    %mul3A_1012 = arith.mulf %squeeze3A_1010, %mul3A_1011 : vector<8x2048xf32>
    %add3A_1013 = arith.addf %add3A_1008, %mul3A_1012 : vector<8x2048xf32>
    %slice3A_1014 = vector.extract_strided_slice %reshape3A_120 {offsets = [10, 32, 0], sizes = [1, 8, 2048], strides = [1, 1, 1]} : vector<32x64x2048xf32> to vector<1x8x2048xf32>
    %squeeze3A_1015 = vector.shape_cast %slice3A_1014 : vector<1x8x2048xf32> to vector<8x2048xf32>
    %mul3A_1016 = vector.broadcast %convert_element_type3A_176 : vector<1x2048xf32> to vector<8x2048xf32>
    %mul3A_1017 = arith.mulf %squeeze3A_1015, %mul3A_1016 : vector<8x2048xf32>
    %add3A_1018 = arith.addf %add3A_1013, %mul3A_1017 : vector<8x2048xf32>
    %slice3A_1019 = vector.extract_strided_slice %reshape3A_120 {offsets = [11, 32, 0], sizes = [1, 8, 2048], strides = [1, 1, 1]} : vector<32x64x2048xf32> to vector<1x8x2048xf32>
    %squeeze3A_1020 = vector.shape_cast %slice3A_1019 : vector<1x8x2048xf32> to vector<8x2048xf32>
    %mul3A_1021 = vector.broadcast %convert_element_type3A_181 : vector<1x2048xf32> to vector<8x2048xf32>
    %mul3A_1022 = arith.mulf %squeeze3A_1020, %mul3A_1021 : vector<8x2048xf32>
    %add3A_1023 = arith.addf %add3A_1018, %mul3A_1022 : vector<8x2048xf32>
    %slice3A_1024 = vector.extract_strided_slice %reshape3A_120 {offsets = [12, 32, 0], sizes = [1, 8, 2048], strides = [1, 1, 1]} : vector<32x64x2048xf32> to vector<1x8x2048xf32>
    %squeeze3A_1025 = vector.shape_cast %slice3A_1024 : vector<1x8x2048xf32> to vector<8x2048xf32>
    %mul3A_1026 = vector.broadcast %convert_element_type3A_186 : vector<1x2048xf32> to vector<8x2048xf32>
    %mul3A_1027 = arith.mulf %squeeze3A_1025, %mul3A_1026 : vector<8x2048xf32>
    %add3A_1028 = arith.addf %add3A_1023, %mul3A_1027 : vector<8x2048xf32>
    %slice3A_1029 = vector.extract_strided_slice %reshape3A_120 {offsets = [13, 32, 0], sizes = [1, 8, 2048], strides = [1, 1, 1]} : vector<32x64x2048xf32> to vector<1x8x2048xf32>
    %squeeze3A_1030 = vector.shape_cast %slice3A_1029 : vector<1x8x2048xf32> to vector<8x2048xf32>
    %mul3A_1031 = vector.broadcast %convert_element_type3A_191 : vector<1x2048xf32> to vector<8x2048xf32>
    %mul3A_1032 = arith.mulf %squeeze3A_1030, %mul3A_1031 : vector<8x2048xf32>
    %add3A_1033 = arith.addf %add3A_1028, %mul3A_1032 : vector<8x2048xf32>
    %slice3A_1034 = vector.extract_strided_slice %reshape3A_120 {offsets = [14, 32, 0], sizes = [1, 8, 2048], strides = [1, 1, 1]} : vector<32x64x2048xf32> to vector<1x8x2048xf32>
    %squeeze3A_1035 = vector.shape_cast %slice3A_1034 : vector<1x8x2048xf32> to vector<8x2048xf32>
    %mul3A_1036 = vector.broadcast %convert_element_type3A_196 : vector<1x2048xf32> to vector<8x2048xf32>
    %mul3A_1037 = arith.mulf %squeeze3A_1035, %mul3A_1036 : vector<8x2048xf32>
    %add3A_1038 = arith.addf %add3A_1033, %mul3A_1037 : vector<8x2048xf32>
    %slice3A_1039 = vector.extract_strided_slice %reshape3A_120 {offsets = [15, 32, 0], sizes = [1, 8, 2048], strides = [1, 1, 1]} : vector<32x64x2048xf32> to vector<1x8x2048xf32>
    %squeeze3A_1040 = vector.shape_cast %slice3A_1039 : vector<1x8x2048xf32> to vector<8x2048xf32>
    %mul3A_1041 = vector.broadcast %convert_element_type3A_201 : vector<1x2048xf32> to vector<8x2048xf32>
    %mul3A_1042 = arith.mulf %squeeze3A_1040, %mul3A_1041 : vector<8x2048xf32>
    %add3A_1043 = arith.addf %add3A_1038, %mul3A_1042 : vector<8x2048xf32>
    %slice3A_1044 = vector.extract_strided_slice %reshape3A_120 {offsets = [16, 32, 0], sizes = [1, 8, 2048], strides = [1, 1, 1]} : vector<32x64x2048xf32> to vector<1x8x2048xf32>
    %squeeze3A_1045 = vector.shape_cast %slice3A_1044 : vector<1x8x2048xf32> to vector<8x2048xf32>
    %mul3A_1046 = vector.broadcast %convert_element_type3A_206 : vector<1x2048xf32> to vector<8x2048xf32>
    %mul3A_1047 = arith.mulf %squeeze3A_1045, %mul3A_1046 : vector<8x2048xf32>
    %add3A_1048 = arith.addf %add3A_1043, %mul3A_1047 : vector<8x2048xf32>
    %slice3A_1049 = vector.extract_strided_slice %reshape3A_120 {offsets = [17, 32, 0], sizes = [1, 8, 2048], strides = [1, 1, 1]} : vector<32x64x2048xf32> to vector<1x8x2048xf32>
    %squeeze3A_1050 = vector.shape_cast %slice3A_1049 : vector<1x8x2048xf32> to vector<8x2048xf32>
    %mul3A_1051 = vector.broadcast %convert_element_type3A_211 : vector<1x2048xf32> to vector<8x2048xf32>
    %mul3A_1052 = arith.mulf %squeeze3A_1050, %mul3A_1051 : vector<8x2048xf32>
    %add3A_1053 = arith.addf %add3A_1048, %mul3A_1052 : vector<8x2048xf32>
    %slice3A_1054 = vector.extract_strided_slice %reshape3A_120 {offsets = [18, 32, 0], sizes = [1, 8, 2048], strides = [1, 1, 1]} : vector<32x64x2048xf32> to vector<1x8x2048xf32>
    %squeeze3A_1055 = vector.shape_cast %slice3A_1054 : vector<1x8x2048xf32> to vector<8x2048xf32>
    %mul3A_1056 = vector.broadcast %convert_element_type3A_216 : vector<1x2048xf32> to vector<8x2048xf32>
    %mul3A_1057 = arith.mulf %squeeze3A_1055, %mul3A_1056 : vector<8x2048xf32>
    %add3A_1058 = arith.addf %add3A_1053, %mul3A_1057 : vector<8x2048xf32>
    %slice3A_1059 = vector.extract_strided_slice %reshape3A_120 {offsets = [19, 32, 0], sizes = [1, 8, 2048], strides = [1, 1, 1]} : vector<32x64x2048xf32> to vector<1x8x2048xf32>
    %squeeze3A_1060 = vector.shape_cast %slice3A_1059 : vector<1x8x2048xf32> to vector<8x2048xf32>
    %mul3A_1061 = vector.broadcast %convert_element_type3A_221 : vector<1x2048xf32> to vector<8x2048xf32>
    %mul3A_1062 = arith.mulf %squeeze3A_1060, %mul3A_1061 : vector<8x2048xf32>
    %add3A_1063 = arith.addf %add3A_1058, %mul3A_1062 : vector<8x2048xf32>
    %slice3A_1064 = vector.extract_strided_slice %reshape3A_120 {offsets = [20, 32, 0], sizes = [1, 8, 2048], strides = [1, 1, 1]} : vector<32x64x2048xf32> to vector<1x8x2048xf32>
    %squeeze3A_1065 = vector.shape_cast %slice3A_1064 : vector<1x8x2048xf32> to vector<8x2048xf32>
    %mul3A_1066 = vector.broadcast %convert_element_type3A_226 : vector<1x2048xf32> to vector<8x2048xf32>
    %mul3A_1067 = arith.mulf %squeeze3A_1065, %mul3A_1066 : vector<8x2048xf32>
    %add3A_1068 = arith.addf %add3A_1063, %mul3A_1067 : vector<8x2048xf32>
    %slice3A_1069 = vector.extract_strided_slice %reshape3A_120 {offsets = [21, 32, 0], sizes = [1, 8, 2048], strides = [1, 1, 1]} : vector<32x64x2048xf32> to vector<1x8x2048xf32>
    %squeeze3A_1070 = vector.shape_cast %slice3A_1069 : vector<1x8x2048xf32> to vector<8x2048xf32>
    %mul3A_1071 = vector.broadcast %convert_element_type3A_231 : vector<1x2048xf32> to vector<8x2048xf32>
    %mul3A_1072 = arith.mulf %squeeze3A_1070, %mul3A_1071 : vector<8x2048xf32>
    %add3A_1073 = arith.addf %add3A_1068, %mul3A_1072 : vector<8x2048xf32>
    %slice3A_1074 = vector.extract_strided_slice %reshape3A_120 {offsets = [22, 32, 0], sizes = [1, 8, 2048], strides = [1, 1, 1]} : vector<32x64x2048xf32> to vector<1x8x2048xf32>
    %squeeze3A_1075 = vector.shape_cast %slice3A_1074 : vector<1x8x2048xf32> to vector<8x2048xf32>
    %mul3A_1076 = vector.broadcast %convert_element_type3A_236 : vector<1x2048xf32> to vector<8x2048xf32>
    %mul3A_1077 = arith.mulf %squeeze3A_1075, %mul3A_1076 : vector<8x2048xf32>
    %add3A_1078 = arith.addf %add3A_1073, %mul3A_1077 : vector<8x2048xf32>
    %slice3A_1079 = vector.extract_strided_slice %reshape3A_120 {offsets = [23, 32, 0], sizes = [1, 8, 2048], strides = [1, 1, 1]} : vector<32x64x2048xf32> to vector<1x8x2048xf32>
    %squeeze3A_1080 = vector.shape_cast %slice3A_1079 : vector<1x8x2048xf32> to vector<8x2048xf32>
    %mul3A_1081 = vector.broadcast %convert_element_type3A_241 : vector<1x2048xf32> to vector<8x2048xf32>
    %mul3A_1082 = arith.mulf %squeeze3A_1080, %mul3A_1081 : vector<8x2048xf32>
    %add3A_1083 = arith.addf %add3A_1078, %mul3A_1082 : vector<8x2048xf32>
    %slice3A_1084 = vector.extract_strided_slice %reshape3A_120 {offsets = [24, 32, 0], sizes = [1, 8, 2048], strides = [1, 1, 1]} : vector<32x64x2048xf32> to vector<1x8x2048xf32>
    %squeeze3A_1085 = vector.shape_cast %slice3A_1084 : vector<1x8x2048xf32> to vector<8x2048xf32>
    %mul3A_1086 = vector.broadcast %convert_element_type3A_246 : vector<1x2048xf32> to vector<8x2048xf32>
    %mul3A_1087 = arith.mulf %squeeze3A_1085, %mul3A_1086 : vector<8x2048xf32>
    %add3A_1088 = arith.addf %add3A_1083, %mul3A_1087 : vector<8x2048xf32>
    %slice3A_1089 = vector.extract_strided_slice %reshape3A_120 {offsets = [25, 32, 0], sizes = [1, 8, 2048], strides = [1, 1, 1]} : vector<32x64x2048xf32> to vector<1x8x2048xf32>
    %squeeze3A_1090 = vector.shape_cast %slice3A_1089 : vector<1x8x2048xf32> to vector<8x2048xf32>
    %mul3A_1091 = vector.broadcast %convert_element_type3A_251 : vector<1x2048xf32> to vector<8x2048xf32>
    %mul3A_1092 = arith.mulf %squeeze3A_1090, %mul3A_1091 : vector<8x2048xf32>
    %add3A_1093 = arith.addf %add3A_1088, %mul3A_1092 : vector<8x2048xf32>
    %slice3A_1094 = vector.extract_strided_slice %reshape3A_120 {offsets = [26, 32, 0], sizes = [1, 8, 2048], strides = [1, 1, 1]} : vector<32x64x2048xf32> to vector<1x8x2048xf32>
    %squeeze3A_1095 = vector.shape_cast %slice3A_1094 : vector<1x8x2048xf32> to vector<8x2048xf32>
    %mul3A_1096 = vector.broadcast %convert_element_type3A_256 : vector<1x2048xf32> to vector<8x2048xf32>
    %mul3A_1097 = arith.mulf %squeeze3A_1095, %mul3A_1096 : vector<8x2048xf32>
    %add3A_1098 = arith.addf %add3A_1093, %mul3A_1097 : vector<8x2048xf32>
    %slice3A_1099 = vector.extract_strided_slice %reshape3A_120 {offsets = [27, 32, 0], sizes = [1, 8, 2048], strides = [1, 1, 1]} : vector<32x64x2048xf32> to vector<1x8x2048xf32>
    %squeeze3A_1100 = vector.shape_cast %slice3A_1099 : vector<1x8x2048xf32> to vector<8x2048xf32>
    %mul3A_1101 = vector.broadcast %convert_element_type3A_261 : vector<1x2048xf32> to vector<8x2048xf32>
    %mul3A_1102 = arith.mulf %squeeze3A_1100, %mul3A_1101 : vector<8x2048xf32>
    %add3A_1103 = arith.addf %add3A_1098, %mul3A_1102 : vector<8x2048xf32>
    %slice3A_1104 = vector.extract_strided_slice %reshape3A_120 {offsets = [28, 32, 0], sizes = [1, 8, 2048], strides = [1, 1, 1]} : vector<32x64x2048xf32> to vector<1x8x2048xf32>
    %squeeze3A_1105 = vector.shape_cast %slice3A_1104 : vector<1x8x2048xf32> to vector<8x2048xf32>
    %mul3A_1106 = vector.broadcast %convert_element_type3A_266 : vector<1x2048xf32> to vector<8x2048xf32>
    %mul3A_1107 = arith.mulf %squeeze3A_1105, %mul3A_1106 : vector<8x2048xf32>
    %add3A_1108 = arith.addf %add3A_1103, %mul3A_1107 : vector<8x2048xf32>
    %slice3A_1109 = vector.extract_strided_slice %reshape3A_120 {offsets = [29, 32, 0], sizes = [1, 8, 2048], strides = [1, 1, 1]} : vector<32x64x2048xf32> to vector<1x8x2048xf32>
    %squeeze3A_1110 = vector.shape_cast %slice3A_1109 : vector<1x8x2048xf32> to vector<8x2048xf32>
    %mul3A_1111 = vector.broadcast %convert_element_type3A_271 : vector<1x2048xf32> to vector<8x2048xf32>
    %mul3A_1112 = arith.mulf %squeeze3A_1110, %mul3A_1111 : vector<8x2048xf32>
    %add3A_1113 = arith.addf %add3A_1108, %mul3A_1112 : vector<8x2048xf32>
    %slice3A_1114 = vector.extract_strided_slice %reshape3A_120 {offsets = [30, 32, 0], sizes = [1, 8, 2048], strides = [1, 1, 1]} : vector<32x64x2048xf32> to vector<1x8x2048xf32>
    %squeeze3A_1115 = vector.shape_cast %slice3A_1114 : vector<1x8x2048xf32> to vector<8x2048xf32>
    %mul3A_1116 = vector.broadcast %convert_element_type3A_276 : vector<1x2048xf32> to vector<8x2048xf32>
    %mul3A_1117 = arith.mulf %squeeze3A_1115, %mul3A_1116 : vector<8x2048xf32>
    %add3A_1118 = arith.addf %add3A_1113, %mul3A_1117 : vector<8x2048xf32>
    %slice3A_1119 = vector.extract_strided_slice %reshape3A_120 {offsets = [31, 32, 0], sizes = [1, 8, 2048], strides = [1, 1, 1]} : vector<32x64x2048xf32> to vector<1x8x2048xf32>
    %squeeze3A_1120 = vector.shape_cast %slice3A_1119 : vector<1x8x2048xf32> to vector<8x2048xf32>
    %mul3A_1121 = vector.broadcast %convert_element_type3A_281 : vector<1x2048xf32> to vector<8x2048xf32>
    %mul3A_1122 = arith.mulf %squeeze3A_1120, %mul3A_1121 : vector<8x2048xf32>
    %add3A_1123 = arith.addf %add3A_1118, %mul3A_1122 : vector<8x2048xf32>
    %swap3A_1124 = arith.constant 0 : index
    %swap3A_1125 = arith.constant 32 : index
    %swap3A_1126 = arith.constant 0 : index
    %swap3A_1127 = vector.load %arg14[%swap3A_1124, %swap3A_1125, %swap3A_1126] : memref<2x64x2048xf32, #tpu.memory_space<vmem>>, vector<1x8x2048xf32>
    %swap3A_1128 = vector.shape_cast %swap3A_1127 : vector<1x8x2048xf32> to vector<8x2048xf32>
    %swap3A_1129 = vector.shape_cast %add3A_1123 : vector<8x2048xf32> to vector<1x8x2048xf32>
    tpu.vector_store %arg14[%swap3A_1124, %swap3A_1125, %swap3A_1126], %swap3A_1129 {strides = array<i32>} : memref<2x64x2048xf32, #tpu.memory_space<vmem>>, vector<1x8x2048xf32>,
    %broadcast_in_dim3A_1130 = arith.constant 0.000000e+00 : f32
    %broadcast_in_dim3A_1131 = vector.broadcast %broadcast_in_dim3A_1130 : f32 to vector<8x2048xf32>
    %add3A_1132 = vector.broadcast %slice3A_121 : vector<1x2048xf32> to vector<8x2048xf32>
    %add3A_1133 = arith.addf %broadcast_in_dim3A_1131, %add3A_1132 : vector<8x2048xf32>
    %slice3A_1134 = vector.extract_strided_slice %reshape3A_120 {offsets = [0, 40, 0], sizes = [1, 8, 2048], strides = [1, 1, 1]} : vector<32x64x2048xf32> to vector<1x8x2048xf32>
    %squeeze3A_1135 = vector.shape_cast %slice3A_1134 : vector<1x8x2048xf32> to vector<8x2048xf32>
    %mul3A_1136 = vector.broadcast %convert_element_type3A_126 : vector<1x2048xf32> to vector<8x2048xf32>
    %mul3A_1137 = arith.mulf %squeeze3A_1135, %mul3A_1136 : vector<8x2048xf32>
    %add3A_1138 = arith.addf %add3A_1133, %mul3A_1137 : vector<8x2048xf32>
    %slice3A_1139 = vector.extract_strided_slice %reshape3A_120 {offsets = [1, 40, 0], sizes = [1, 8, 2048], strides = [1, 1, 1]} : vector<32x64x2048xf32> to vector<1x8x2048xf32>
    %squeeze3A_1140 = vector.shape_cast %slice3A_1139 : vector<1x8x2048xf32> to vector<8x2048xf32>
    %mul3A_1141 = vector.broadcast %convert_element_type3A_131 : vector<1x2048xf32> to vector<8x2048xf32>
    %mul3A_1142 = arith.mulf %squeeze3A_1140, %mul3A_1141 : vector<8x2048xf32>
    %add3A_1143 = arith.addf %add3A_1138, %mul3A_1142 : vector<8x2048xf32>
    %slice3A_1144 = vector.extract_strided_slice %reshape3A_120 {offsets = [2, 40, 0], sizes = [1, 8, 2048], strides = [1, 1, 1]} : vector<32x64x2048xf32> to vector<1x8x2048xf32>
    %squeeze3A_1145 = vector.shape_cast %slice3A_1144 : vector<1x8x2048xf32> to vector<8x2048xf32>
    %mul3A_1146 = vector.broadcast %convert_element_type3A_136 : vector<1x2048xf32> to vector<8x2048xf32>
    %mul3A_1147 = arith.mulf %squeeze3A_1145, %mul3A_1146 : vector<8x2048xf32>
    %add3A_1148 = arith.addf %add3A_1143, %mul3A_1147 : vector<8x2048xf32>
    %slice3A_1149 = vector.extract_strided_slice %reshape3A_120 {offsets = [3, 40, 0], sizes = [1, 8, 2048], strides = [1, 1, 1]} : vector<32x64x2048xf32> to vector<1x8x2048xf32>
    %squeeze3A_1150 = vector.shape_cast %slice3A_1149 : vector<1x8x2048xf32> to vector<8x2048xf32>
    %mul3A_1151 = vector.broadcast %convert_element_type3A_141 : vector<1x2048xf32> to vector<8x2048xf32>
    %mul3A_1152 = arith.mulf %squeeze3A_1150, %mul3A_1151 : vector<8x2048xf32>
    %add3A_1153 = arith.addf %add3A_1148, %mul3A_1152 : vector<8x2048xf32>
    %slice3A_1154 = vector.extract_strided_slice %reshape3A_120 {offsets = [4, 40, 0], sizes = [1, 8, 2048], strides = [1, 1, 1]} : vector<32x64x2048xf32> to vector<1x8x2048xf32>
    %squeeze3A_1155 = vector.shape_cast %slice3A_1154 : vector<1x8x2048xf32> to vector<8x2048xf32>
    %mul3A_1156 = vector.broadcast %convert_element_type3A_146 : vector<1x2048xf32> to vector<8x2048xf32>
    %mul3A_1157 = arith.mulf %squeeze3A_1155, %mul3A_1156 : vector<8x2048xf32>
    %add3A_1158 = arith.addf %add3A_1153, %mul3A_1157 : vector<8x2048xf32>
    %slice3A_1159 = vector.extract_strided_slice %reshape3A_120 {offsets = [5, 40, 0], sizes = [1, 8, 2048], strides = [1, 1, 1]} : vector<32x64x2048xf32> to vector<1x8x2048xf32>
    %squeeze3A_1160 = vector.shape_cast %slice3A_1159 : vector<1x8x2048xf32> to vector<8x2048xf32>
    %mul3A_1161 = vector.broadcast %convert_element_type3A_151 : vector<1x2048xf32> to vector<8x2048xf32>
    %mul3A_1162 = arith.mulf %squeeze3A_1160, %mul3A_1161 : vector<8x2048xf32>
    %add3A_1163 = arith.addf %add3A_1158, %mul3A_1162 : vector<8x2048xf32>
    %slice3A_1164 = vector.extract_strided_slice %reshape3A_120 {offsets = [6, 40, 0], sizes = [1, 8, 2048], strides = [1, 1, 1]} : vector<32x64x2048xf32> to vector<1x8x2048xf32>
    %squeeze3A_1165 = vector.shape_cast %slice3A_1164 : vector<1x8x2048xf32> to vector<8x2048xf32>
    %mul3A_1166 = vector.broadcast %convert_element_type3A_156 : vector<1x2048xf32> to vector<8x2048xf32>
    %mul3A_1167 = arith.mulf %squeeze3A_1165, %mul3A_1166 : vector<8x2048xf32>
    %add3A_1168 = arith.addf %add3A_1163, %mul3A_1167 : vector<8x2048xf32>
    %slice3A_1169 = vector.extract_strided_slice %reshape3A_120 {offsets = [7, 40, 0], sizes = [1, 8, 2048], strides = [1, 1, 1]} : vector<32x64x2048xf32> to vector<1x8x2048xf32>
    %squeeze3A_1170 = vector.shape_cast %slice3A_1169 : vector<1x8x2048xf32> to vector<8x2048xf32>
    %mul3A_1171 = vector.broadcast %convert_element_type3A_161 : vector<1x2048xf32> to vector<8x2048xf32>
    %mul3A_1172 = arith.mulf %squeeze3A_1170, %mul3A_1171 : vector<8x2048xf32>
    %add3A_1173 = arith.addf %add3A_1168, %mul3A_1172 : vector<8x2048xf32>
    %slice3A_1174 = vector.extract_strided_slice %reshape3A_120 {offsets = [8, 40, 0], sizes = [1, 8, 2048], strides = [1, 1, 1]} : vector<32x64x2048xf32> to vector<1x8x2048xf32>
    %squeeze3A_1175 = vector.shape_cast %slice3A_1174 : vector<1x8x2048xf32> to vector<8x2048xf32>
    %mul3A_1176 = vector.broadcast %convert_element_type3A_166 : vector<1x2048xf32> to vector<8x2048xf32>
    %mul3A_1177 = arith.mulf %squeeze3A_1175, %mul3A_1176 : vector<8x2048xf32>
    %add3A_1178 = arith.addf %add3A_1173, %mul3A_1177 : vector<8x2048xf32>
    %slice3A_1179 = vector.extract_strided_slice %reshape3A_120 {offsets = [9, 40, 0], sizes = [1, 8, 2048], strides = [1, 1, 1]} : vector<32x64x2048xf32> to vector<1x8x2048xf32>
    %squeeze3A_1180 = vector.shape_cast %slice3A_1179 : vector<1x8x2048xf32> to vector<8x2048xf32>
    %mul3A_1181 = vector.broadcast %convert_element_type3A_171 : vector<1x2048xf32> to vector<8x2048xf32>
    %mul3A_1182 = arith.mulf %squeeze3A_1180, %mul3A_1181 : vector<8x2048xf32>
    %add3A_1183 = arith.addf %add3A_1178, %mul3A_1182 : vector<8x2048xf32>
    %slice3A_1184 = vector.extract_strided_slice %reshape3A_120 {offsets = [10, 40, 0], sizes = [1, 8, 2048], strides = [1, 1, 1]} : vector<32x64x2048xf32> to vector<1x8x2048xf32>
    %squeeze3A_1185 = vector.shape_cast %slice3A_1184 : vector<1x8x2048xf32> to vector<8x2048xf32>
    %mul3A_1186 = vector.broadcast %convert_element_type3A_176 : vector<1x2048xf32> to vector<8x2048xf32>
    %mul3A_1187 = arith.mulf %squeeze3A_1185, %mul3A_1186 : vector<8x2048xf32>
    %add3A_1188 = arith.addf %add3A_1183, %mul3A_1187 : vector<8x2048xf32>
    %slice3A_1189 = vector.extract_strided_slice %reshape3A_120 {offsets = [11, 40, 0], sizes = [1, 8, 2048], strides = [1, 1, 1]} : vector<32x64x2048xf32> to vector<1x8x2048xf32>
    %squeeze3A_1190 = vector.shape_cast %slice3A_1189 : vector<1x8x2048xf32> to vector<8x2048xf32>
    %mul3A_1191 = vector.broadcast %convert_element_type3A_181 : vector<1x2048xf32> to vector<8x2048xf32>
    %mul3A_1192 = arith.mulf %squeeze3A_1190, %mul3A_1191 : vector<8x2048xf32>
    %add3A_1193 = arith.addf %add3A_1188, %mul3A_1192 : vector<8x2048xf32>
    %slice3A_1194 = vector.extract_strided_slice %reshape3A_120 {offsets = [12, 40, 0], sizes = [1, 8, 2048], strides = [1, 1, 1]} : vector<32x64x2048xf32> to vector<1x8x2048xf32>
    %squeeze3A_1195 = vector.shape_cast %slice3A_1194 : vector<1x8x2048xf32> to vector<8x2048xf32>
    %mul3A_1196 = vector.broadcast %convert_element_type3A_186 : vector<1x2048xf32> to vector<8x2048xf32>
    %mul3A_1197 = arith.mulf %squeeze3A_1195, %mul3A_1196 : vector<8x2048xf32>
    %add3A_1198 = arith.addf %add3A_1193, %mul3A_1197 : vector<8x2048xf32>
    %slice3A_1199 = vector.extract_strided_slice %reshape3A_120 {offsets = [13, 40, 0], sizes = [1, 8, 2048], strides = [1, 1, 1]} : vector<32x64x2048xf32> to vector<1x8x2048xf32>
    %squeeze3A_1200 = vector.shape_cast %slice3A_1199 : vector<1x8x2048xf32> to vector<8x2048xf32>
    %mul3A_1201 = vector.broadcast %convert_element_type3A_191 : vector<1x2048xf32> to vector<8x2048xf32>
    %mul3A_1202 = arith.mulf %squeeze3A_1200, %mul3A_1201 : vector<8x2048xf32>
    %add3A_1203 = arith.addf %add3A_1198, %mul3A_1202 : vector<8x2048xf32>
    %slice3A_1204 = vector.extract_strided_slice %reshape3A_120 {offsets = [14, 40, 0], sizes = [1, 8, 2048], strides = [1, 1, 1]} : vector<32x64x2048xf32> to vector<1x8x2048xf32>
    %squeeze3A_1205 = vector.shape_cast %slice3A_1204 : vector<1x8x2048xf32> to vector<8x2048xf32>
    %mul3A_1206 = vector.broadcast %convert_element_type3A_196 : vector<1x2048xf32> to vector<8x2048xf32>
    %mul3A_1207 = arith.mulf %squeeze3A_1205, %mul3A_1206 : vector<8x2048xf32>
    %add3A_1208 = arith.addf %add3A_1203, %mul3A_1207 : vector<8x2048xf32>
    %slice3A_1209 = vector.extract_strided_slice %reshape3A_120 {offsets = [15, 40, 0], sizes = [1, 8, 2048], strides = [1, 1, 1]} : vector<32x64x2048xf32> to vector<1x8x2048xf32>
    %squeeze3A_1210 = vector.shape_cast %slice3A_1209 : vector<1x8x2048xf32> to vector<8x2048xf32>
    %mul3A_1211 = vector.broadcast %convert_element_type3A_201 : vector<1x2048xf32> to vector<8x2048xf32>
    %mul3A_1212 = arith.mulf %squeeze3A_1210, %mul3A_1211 : vector<8x2048xf32>
    %add3A_1213 = arith.addf %add3A_1208, %mul3A_1212 : vector<8x2048xf32>
    %slice3A_1214 = vector.extract_strided_slice %reshape3A_120 {offsets = [16, 40, 0], sizes = [1, 8, 2048], strides = [1, 1, 1]} : vector<32x64x2048xf32> to vector<1x8x2048xf32>
    %squeeze3A_1215 = vector.shape_cast %slice3A_1214 : vector<1x8x2048xf32> to vector<8x2048xf32>
    %mul3A_1216 = vector.broadcast %convert_element_type3A_206 : vector<1x2048xf32> to vector<8x2048xf32>
    %mul3A_1217 = arith.mulf %squeeze3A_1215, %mul3A_1216 : vector<8x2048xf32>
    %add3A_1218 = arith.addf %add3A_1213, %mul3A_1217 : vector<8x2048xf32>
    %slice3A_1219 = vector.extract_strided_slice %reshape3A_120 {offsets = [17, 40, 0], sizes = [1, 8, 2048], strides = [1, 1, 1]} : vector<32x64x2048xf32> to vector<1x8x2048xf32>
    %squeeze3A_1220 = vector.shape_cast %slice3A_1219 : vector<1x8x2048xf32> to vector<8x2048xf32>
    %mul3A_1221 = vector.broadcast %convert_element_type3A_211 : vector<1x2048xf32> to vector<8x2048xf32>
    %mul3A_1222 = arith.mulf %squeeze3A_1220, %mul3A_1221 : vector<8x2048xf32>
    %add3A_1223 = arith.addf %add3A_1218, %mul3A_1222 : vector<8x2048xf32>
    %slice3A_1224 = vector.extract_strided_slice %reshape3A_120 {offsets = [18, 40, 0], sizes = [1, 8, 2048], strides = [1, 1, 1]} : vector<32x64x2048xf32> to vector<1x8x2048xf32>
    %squeeze3A_1225 = vector.shape_cast %slice3A_1224 : vector<1x8x2048xf32> to vector<8x2048xf32>
    %mul3A_1226 = vector.broadcast %convert_element_type3A_216 : vector<1x2048xf32> to vector<8x2048xf32>
    %mul3A_1227 = arith.mulf %squeeze3A_1225, %mul3A_1226 : vector<8x2048xf32>
    %add3A_1228 = arith.addf %add3A_1223, %mul3A_1227 : vector<8x2048xf32>
    %slice3A_1229 = vector.extract_strided_slice %reshape3A_120 {offsets = [19, 40, 0], sizes = [1, 8, 2048], strides = [1, 1, 1]} : vector<32x64x2048xf32> to vector<1x8x2048xf32>
    %squeeze3A_1230 = vector.shape_cast %slice3A_1229 : vector<1x8x2048xf32> to vector<8x2048xf32>
    %mul3A_1231 = vector.broadcast %convert_element_type3A_221 : vector<1x2048xf32> to vector<8x2048xf32>
    %mul3A_1232 = arith.mulf %squeeze3A_1230, %mul3A_1231 : vector<8x2048xf32>
    %add3A_1233 = arith.addf %add3A_1228, %mul3A_1232 : vector<8x2048xf32>
    %slice3A_1234 = vector.extract_strided_slice %reshape3A_120 {offsets = [20, 40, 0], sizes = [1, 8, 2048], strides = [1, 1, 1]} : vector<32x64x2048xf32> to vector<1x8x2048xf32>
    %squeeze3A_1235 = vector.shape_cast %slice3A_1234 : vector<1x8x2048xf32> to vector<8x2048xf32>
    %mul3A_1236 = vector.broadcast %convert_element_type3A_226 : vector<1x2048xf32> to vector<8x2048xf32>
    %mul3A_1237 = arith.mulf %squeeze3A_1235, %mul3A_1236 : vector<8x2048xf32>
    %add3A_1238 = arith.addf %add3A_1233, %mul3A_1237 : vector<8x2048xf32>
    %slice3A_1239 = vector.extract_strided_slice %reshape3A_120 {offsets = [21, 40, 0], sizes = [1, 8, 2048], strides = [1, 1, 1]} : vector<32x64x2048xf32> to vector<1x8x2048xf32>
    %squeeze3A_1240 = vector.shape_cast %slice3A_1239 : vector<1x8x2048xf32> to vector<8x2048xf32>
    %mul3A_1241 = vector.broadcast %convert_element_type3A_231 : vector<1x2048xf32> to vector<8x2048xf32>
    %mul3A_1242 = arith.mulf %squeeze3A_1240, %mul3A_1241 : vector<8x2048xf32>
    %add3A_1243 = arith.addf %add3A_1238, %mul3A_1242 : vector<8x2048xf32>
    %slice3A_1244 = vector.extract_strided_slice %reshape3A_120 {offsets = [22, 40, 0], sizes = [1, 8, 2048], strides = [1, 1, 1]} : vector<32x64x2048xf32> to vector<1x8x2048xf32>
    %squeeze3A_1245 = vector.shape_cast %slice3A_1244 : vector<1x8x2048xf32> to vector<8x2048xf32>
    %mul3A_1246 = vector.broadcast %convert_element_type3A_236 : vector<1x2048xf32> to vector<8x2048xf32>
    %mul3A_1247 = arith.mulf %squeeze3A_1245, %mul3A_1246 : vector<8x2048xf32>
    %add3A_1248 = arith.addf %add3A_1243, %mul3A_1247 : vector<8x2048xf32>
    %slice3A_1249 = vector.extract_strided_slice %reshape3A_120 {offsets = [23, 40, 0], sizes = [1, 8, 2048], strides = [1, 1, 1]} : vector<32x64x2048xf32> to vector<1x8x2048xf32>
    %squeeze3A_1250 = vector.shape_cast %slice3A_1249 : vector<1x8x2048xf32> to vector<8x2048xf32>
    %mul3A_1251 = vector.broadcast %convert_element_type3A_241 : vector<1x2048xf32> to vector<8x2048xf32>
    %mul3A_1252 = arith.mulf %squeeze3A_1250, %mul3A_1251 : vector<8x2048xf32>
    %add3A_1253 = arith.addf %add3A_1248, %mul3A_1252 : vector<8x2048xf32>
    %slice3A_1254 = vector.extract_strided_slice %reshape3A_120 {offsets = [24, 40, 0], sizes = [1, 8, 2048], strides = [1, 1, 1]} : vector<32x64x2048xf32> to vector<1x8x2048xf32>
    %squeeze3A_1255 = vector.shape_cast %slice3A_1254 : vector<1x8x2048xf32> to vector<8x2048xf32>
    %mul3A_1256 = vector.broadcast %convert_element_type3A_246 : vector<1x2048xf32> to vector<8x2048xf32>
    %mul3A_1257 = arith.mulf %squeeze3A_1255, %mul3A_1256 : vector<8x2048xf32>
    %add3A_1258 = arith.addf %add3A_1253, %mul3A_1257 : vector<8x2048xf32>
    %slice3A_1259 = vector.extract_strided_slice %reshape3A_120 {offsets = [25, 40, 0], sizes = [1, 8, 2048], strides = [1, 1, 1]} : vector<32x64x2048xf32> to vector<1x8x2048xf32>
    %squeeze3A_1260 = vector.shape_cast %slice3A_1259 : vector<1x8x2048xf32> to vector<8x2048xf32>
    %mul3A_1261 = vector.broadcast %convert_element_type3A_251 : vector<1x2048xf32> to vector<8x2048xf32>
    %mul3A_1262 = arith.mulf %squeeze3A_1260, %mul3A_1261 : vector<8x2048xf32>
    %add3A_1263 = arith.addf %add3A_1258, %mul3A_1262 : vector<8x2048xf32>
    %slice3A_1264 = vector.extract_strided_slice %reshape3A_120 {offsets = [26, 40, 0], sizes = [1, 8, 2048], strides = [1, 1, 1]} : vector<32x64x2048xf32> to vector<1x8x2048xf32>
    %squeeze3A_1265 = vector.shape_cast %slice3A_1264 : vector<1x8x2048xf32> to vector<8x2048xf32>
    %mul3A_1266 = vector.broadcast %convert_element_type3A_256 : vector<1x2048xf32> to vector<8x2048xf32>
    %mul3A_1267 = arith.mulf %squeeze3A_1265, %mul3A_1266 : vector<8x2048xf32>
    %add3A_1268 = arith.addf %add3A_1263, %mul3A_1267 : vector<8x2048xf32>
    %slice3A_1269 = vector.extract_strided_slice %reshape3A_120 {offsets = [27, 40, 0], sizes = [1, 8, 2048], strides = [1, 1, 1]} : vector<32x64x2048xf32> to vector<1x8x2048xf32>
    %squeeze3A_1270 = vector.shape_cast %slice3A_1269 : vector<1x8x2048xf32> to vector<8x2048xf32>
    %mul3A_1271 = vector.broadcast %convert_element_type3A_261 : vector<1x2048xf32> to vector<8x2048xf32>
    %mul3A_1272 = arith.mulf %squeeze3A_1270, %mul3A_1271 : vector<8x2048xf32>
    %add3A_1273 = arith.addf %add3A_1268, %mul3A_1272 : vector<8x2048xf32>
    %slice3A_1274 = vector.extract_strided_slice %reshape3A_120 {offsets = [28, 40, 0], sizes = [1, 8, 2048], strides = [1, 1, 1]} : vector<32x64x2048xf32> to vector<1x8x2048xf32>
    %squeeze3A_1275 = vector.shape_cast %slice3A_1274 : vector<1x8x2048xf32> to vector<8x2048xf32>
    %mul3A_1276 = vector.broadcast %convert_element_type3A_266 : vector<1x2048xf32> to vector<8x2048xf32>
    %mul3A_1277 = arith.mulf %squeeze3A_1275, %mul3A_1276 : vector<8x2048xf32>
    %add3A_1278 = arith.addf %add3A_1273, %mul3A_1277 : vector<8x2048xf32>
    %slice3A_1279 = vector.extract_strided_slice %reshape3A_120 {offsets = [29, 40, 0], sizes = [1, 8, 2048], strides = [1, 1, 1]} : vector<32x64x2048xf32> to vector<1x8x2048xf32>
    %squeeze3A_1280 = vector.shape_cast %slice3A_1279 : vector<1x8x2048xf32> to vector<8x2048xf32>
    %mul3A_1281 = vector.broadcast %convert_element_type3A_271 : vector<1x2048xf32> to vector<8x2048xf32>
    %mul3A_1282 = arith.mulf %squeeze3A_1280, %mul3A_1281 : vector<8x2048xf32>
    %add3A_1283 = arith.addf %add3A_1278, %mul3A_1282 : vector<8x2048xf32>
    %slice3A_1284 = vector.extract_strided_slice %reshape3A_120 {offsets = [30, 40, 0], sizes = [1, 8, 2048], strides = [1, 1, 1]} : vector<32x64x2048xf32> to vector<1x8x2048xf32>
    %squeeze3A_1285 = vector.shape_cast %slice3A_1284 : vector<1x8x2048xf32> to vector<8x2048xf32>
    %mul3A_1286 = vector.broadcast %convert_element_type3A_276 : vector<1x2048xf32> to vector<8x2048xf32>
    %mul3A_1287 = arith.mulf %squeeze3A_1285, %mul3A_1286 : vector<8x2048xf32>
    %add3A_1288 = arith.addf %add3A_1283, %mul3A_1287 : vector<8x2048xf32>
    %slice3A_1289 = vector.extract_strided_slice %reshape3A_120 {offsets = [31, 40, 0], sizes = [1, 8, 2048], strides = [1, 1, 1]} : vector<32x64x2048xf32> to vector<1x8x2048xf32>
    %squeeze3A_1290 = vector.shape_cast %slice3A_1289 : vector<1x8x2048xf32> to vector<8x2048xf32>
    %mul3A_1291 = vector.broadcast %convert_element_type3A_281 : vector<1x2048xf32> to vector<8x2048xf32>
    %mul3A_1292 = arith.mulf %squeeze3A_1290, %mul3A_1291 : vector<8x2048xf32>
    %add3A_1293 = arith.addf %add3A_1288, %mul3A_1292 : vector<8x2048xf32>
    %swap3A_1294 = arith.constant 0 : index
    %swap3A_1295 = arith.constant 40 : index
    %swap3A_1296 = arith.constant 0 : index
    %swap3A_1297 = vector.load %arg14[%swap3A_1294, %swap3A_1295, %swap3A_1296] : memref<2x64x2048xf32, #tpu.memory_space<vmem>>, vector<1x8x2048xf32>
    %swap3A_1298 = vector.shape_cast %swap3A_1297 : vector<1x8x2048xf32> to vector<8x2048xf32>
    %swap3A_1299 = vector.shape_cast %add3A_1293 : vector<8x2048xf32> to vector<1x8x2048xf32>
    tpu.vector_store %arg14[%swap3A_1294, %swap3A_1295, %swap3A_1296], %swap3A_1299 {strides = array<i32>} : memref<2x64x2048xf32, #tpu.memory_space<vmem>>, vector<1x8x2048xf32>,
    %broadcast_in_dim3A_1300 = arith.constant 0.000000e+00 : f32
    %broadcast_in_dim3A_1301 = vector.broadcast %broadcast_in_dim3A_1300 : f32 to vector<8x2048xf32>
    %add3A_1302 = vector.broadcast %slice3A_121 : vector<1x2048xf32> to vector<8x2048xf32>
    %add3A_1303 = arith.addf %broadcast_in_dim3A_1301, %add3A_1302 : vector<8x2048xf32>
    %slice3A_1304 = vector.extract_strided_slice %reshape3A_120 {offsets = [0, 48, 0], sizes = [1, 8, 2048], strides = [1, 1, 1]} : vector<32x64x2048xf32> to vector<1x8x2048xf32>
    %squeeze3A_1305 = vector.shape_cast %slice3A_1304 : vector<1x8x2048xf32> to vector<8x2048xf32>
    %mul3A_1306 = vector.broadcast %convert_element_type3A_126 : vector<1x2048xf32> to vector<8x2048xf32>
    %mul3A_1307 = arith.mulf %squeeze3A_1305, %mul3A_1306 : vector<8x2048xf32>
    %add3A_1308 = arith.addf %add3A_1303, %mul3A_1307 : vector<8x2048xf32>
    %slice3A_1309 = vector.extract_strided_slice %reshape3A_120 {offsets = [1, 48, 0], sizes = [1, 8, 2048], strides = [1, 1, 1]} : vector<32x64x2048xf32> to vector<1x8x2048xf32>
    %squeeze3A_1310 = vector.shape_cast %slice3A_1309 : vector<1x8x2048xf32> to vector<8x2048xf32>
    %mul3A_1311 = vector.broadcast %convert_element_type3A_131 : vector<1x2048xf32> to vector<8x2048xf32>
    %mul3A_1312 = arith.mulf %squeeze3A_1310, %mul3A_1311 : vector<8x2048xf32>
    %add3A_1313 = arith.addf %add3A_1308, %mul3A_1312 : vector<8x2048xf32>
    %slice3A_1314 = vector.extract_strided_slice %reshape3A_120 {offsets = [2, 48, 0], sizes = [1, 8, 2048], strides = [1, 1, 1]} : vector<32x64x2048xf32> to vector<1x8x2048xf32>
    %squeeze3A_1315 = vector.shape_cast %slice3A_1314 : vector<1x8x2048xf32> to vector<8x2048xf32>
    %mul3A_1316 = vector.broadcast %convert_element_type3A_136 : vector<1x2048xf32> to vector<8x2048xf32>
    %mul3A_1317 = arith.mulf %squeeze3A_1315, %mul3A_1316 : vector<8x2048xf32>
    %add3A_1318 = arith.addf %add3A_1313, %mul3A_1317 : vector<8x2048xf32>
    %slice3A_1319 = vector.extract_strided_slice %reshape3A_120 {offsets = [3, 48, 0], sizes = [1, 8, 2048], strides = [1, 1, 1]} : vector<32x64x2048xf32> to vector<1x8x2048xf32>
    %squeeze3A_1320 = vector.shape_cast %slice3A_1319 : vector<1x8x2048xf32> to vector<8x2048xf32>
    %mul3A_1321 = vector.broadcast %convert_element_type3A_141 : vector<1x2048xf32> to vector<8x2048xf32>
    %mul3A_1322 = arith.mulf %squeeze3A_1320, %mul3A_1321 : vector<8x2048xf32>
    %add3A_1323 = arith.addf %add3A_1318, %mul3A_1322 : vector<8x2048xf32>
    %slice3A_1324 = vector.extract_strided_slice %reshape3A_120 {offsets = [4, 48, 0], sizes = [1, 8, 2048], strides = [1, 1, 1]} : vector<32x64x2048xf32> to vector<1x8x2048xf32>
    %squeeze3A_1325 = vector.shape_cast %slice3A_1324 : vector<1x8x2048xf32> to vector<8x2048xf32>
    %mul3A_1326 = vector.broadcast %convert_element_type3A_146 : vector<1x2048xf32> to vector<8x2048xf32>
    %mul3A_1327 = arith.mulf %squeeze3A_1325, %mul3A_1326 : vector<8x2048xf32>
    %add3A_1328 = arith.addf %add3A_1323, %mul3A_1327 : vector<8x2048xf32>
    %slice3A_1329 = vector.extract_strided_slice %reshape3A_120 {offsets = [5, 48, 0], sizes = [1, 8, 2048], strides = [1, 1, 1]} : vector<32x64x2048xf32> to vector<1x8x2048xf32>
    %squeeze3A_1330 = vector.shape_cast %slice3A_1329 : vector<1x8x2048xf32> to vector<8x2048xf32>
    %mul3A_1331 = vector.broadcast %convert_element_type3A_151 : vector<1x2048xf32> to vector<8x2048xf32>
    %mul3A_1332 = arith.mulf %squeeze3A_1330, %mul3A_1331 : vector<8x2048xf32>
    %add3A_1333 = arith.addf %add3A_1328, %mul3A_1332 : vector<8x2048xf32>
    %slice3A_1334 = vector.extract_strided_slice %reshape3A_120 {offsets = [6, 48, 0], sizes = [1, 8, 2048], strides = [1, 1, 1]} : vector<32x64x2048xf32> to vector<1x8x2048xf32>
    %squeeze3A_1335 = vector.shape_cast %slice3A_1334 : vector<1x8x2048xf32> to vector<8x2048xf32>
    %mul3A_1336 = vector.broadcast %convert_element_type3A_156 : vector<1x2048xf32> to vector<8x2048xf32>
    %mul3A_1337 = arith.mulf %squeeze3A_1335, %mul3A_1336 : vector<8x2048xf32>
    %add3A_1338 = arith.addf %add3A_1333, %mul3A_1337 : vector<8x2048xf32>
    %slice3A_1339 = vector.extract_strided_slice %reshape3A_120 {offsets = [7, 48, 0], sizes = [1, 8, 2048], strides = [1, 1, 1]} : vector<32x64x2048xf32> to vector<1x8x2048xf32>
    %squeeze3A_1340 = vector.shape_cast %slice3A_1339 : vector<1x8x2048xf32> to vector<8x2048xf32>
    %mul3A_1341 = vector.broadcast %convert_element_type3A_161 : vector<1x2048xf32> to vector<8x2048xf32>
    %mul3A_1342 = arith.mulf %squeeze3A_1340, %mul3A_1341 : vector<8x2048xf32>
    %add3A_1343 = arith.addf %add3A_1338, %mul3A_1342 : vector<8x2048xf32>
    %slice3A_1344 = vector.extract_strided_slice %reshape3A_120 {offsets = [8, 48, 0], sizes = [1, 8, 2048], strides = [1, 1, 1]} : vector<32x64x2048xf32> to vector<1x8x2048xf32>
    %squeeze3A_1345 = vector.shape_cast %slice3A_1344 : vector<1x8x2048xf32> to vector<8x2048xf32>
    %mul3A_1346 = vector.broadcast %convert_element_type3A_166 : vector<1x2048xf32> to vector<8x2048xf32>
    %mul3A_1347 = arith.mulf %squeeze3A_1345, %mul3A_1346 : vector<8x2048xf32>
    %add3A_1348 = arith.addf %add3A_1343, %mul3A_1347 : vector<8x2048xf32>
    %slice3A_1349 = vector.extract_strided_slice %reshape3A_120 {offsets = [9, 48, 0], sizes = [1, 8, 2048], strides = [1, 1, 1]} : vector<32x64x2048xf32> to vector<1x8x2048xf32>
    %squeeze3A_1350 = vector.shape_cast %slice3A_1349 : vector<1x8x2048xf32> to vector<8x2048xf32>
    %mul3A_1351 = vector.broadcast %convert_element_type3A_171 : vector<1x2048xf32> to vector<8x2048xf32>
    %mul3A_1352 = arith.mulf %squeeze3A_1350, %mul3A_1351 : vector<8x2048xf32>
    %add3A_1353 = arith.addf %add3A_1348, %mul3A_1352 : vector<8x2048xf32>
    %slice3A_1354 = vector.extract_strided_slice %reshape3A_120 {offsets = [10, 48, 0], sizes = [1, 8, 2048], strides = [1, 1, 1]} : vector<32x64x2048xf32> to vector<1x8x2048xf32>
    %squeeze3A_1355 = vector.shape_cast %slice3A_1354 : vector<1x8x2048xf32> to vector<8x2048xf32>
    %mul3A_1356 = vector.broadcast %convert_element_type3A_176 : vector<1x2048xf32> to vector<8x2048xf32>
    %mul3A_1357 = arith.mulf %squeeze3A_1355, %mul3A_1356 : vector<8x2048xf32>
    %add3A_1358 = arith.addf %add3A_1353, %mul3A_1357 : vector<8x2048xf32>
    %slice3A_1359 = vector.extract_strided_slice %reshape3A_120 {offsets = [11, 48, 0], sizes = [1, 8, 2048], strides = [1, 1, 1]} : vector<32x64x2048xf32> to vector<1x8x2048xf32>
    %squeeze3A_1360 = vector.shape_cast %slice3A_1359 : vector<1x8x2048xf32> to vector<8x2048xf32>
    %mul3A_1361 = vector.broadcast %convert_element_type3A_181 : vector<1x2048xf32> to vector<8x2048xf32>
    %mul3A_1362 = arith.mulf %squeeze3A_1360, %mul3A_1361 : vector<8x2048xf32>
    %add3A_1363 = arith.addf %add3A_1358, %mul3A_1362 : vector<8x2048xf32>
    %slice3A_1364 = vector.extract_strided_slice %reshape3A_120 {offsets = [12, 48, 0], sizes = [1, 8, 2048], strides = [1, 1, 1]} : vector<32x64x2048xf32> to vector<1x8x2048xf32>
    %squeeze3A_1365 = vector.shape_cast %slice3A_1364 : vector<1x8x2048xf32> to vector<8x2048xf32>
    %mul3A_1366 = vector.broadcast %convert_element_type3A_186 : vector<1x2048xf32> to vector<8x2048xf32>
    %mul3A_1367 = arith.mulf %squeeze3A_1365, %mul3A_1366 : vector<8x2048xf32>
    %add3A_1368 = arith.addf %add3A_1363, %mul3A_1367 : vector<8x2048xf32>
    %slice3A_1369 = vector.extract_strided_slice %reshape3A_120 {offsets = [13, 48, 0], sizes = [1, 8, 2048], strides = [1, 1, 1]} : vector<32x64x2048xf32> to vector<1x8x2048xf32>
    %squeeze3A_1370 = vector.shape_cast %slice3A_1369 : vector<1x8x2048xf32> to vector<8x2048xf32>
    %mul3A_1371 = vector.broadcast %convert_element_type3A_191 : vector<1x2048xf32> to vector<8x2048xf32>
    %mul3A_1372 = arith.mulf %squeeze3A_1370, %mul3A_1371 : vector<8x2048xf32>
    %add3A_1373 = arith.addf %add3A_1368, %mul3A_1372 : vector<8x2048xf32>
    %slice3A_1374 = vector.extract_strided_slice %reshape3A_120 {offsets = [14, 48, 0], sizes = [1, 8, 2048], strides = [1, 1, 1]} : vector<32x64x2048xf32> to vector<1x8x2048xf32>
    %squeeze3A_1375 = vector.shape_cast %slice3A_1374 : vector<1x8x2048xf32> to vector<8x2048xf32>
    %mul3A_1376 = vector.broadcast %convert_element_type3A_196 : vector<1x2048xf32> to vector<8x2048xf32>
    %mul3A_1377 = arith.mulf %squeeze3A_1375, %mul3A_1376 : vector<8x2048xf32>
    %add3A_1378 = arith.addf %add3A_1373, %mul3A_1377 : vector<8x2048xf32>
    %slice3A_1379 = vector.extract_strided_slice %reshape3A_120 {offsets = [15, 48, 0], sizes = [1, 8, 2048], strides = [1, 1, 1]} : vector<32x64x2048xf32> to vector<1x8x2048xf32>
    %squeeze3A_1380 = vector.shape_cast %slice3A_1379 : vector<1x8x2048xf32> to vector<8x2048xf32>
    %mul3A_1381 = vector.broadcast %convert_element_type3A_201 : vector<1x2048xf32> to vector<8x2048xf32>
    %mul3A_1382 = arith.mulf %squeeze3A_1380, %mul3A_1381 : vector<8x2048xf32>
    %add3A_1383 = arith.addf %add3A_1378, %mul3A_1382 : vector<8x2048xf32>
    %slice3A_1384 = vector.extract_strided_slice %reshape3A_120 {offsets = [16, 48, 0], sizes = [1, 8, 2048], strides = [1, 1, 1]} : vector<32x64x2048xf32> to vector<1x8x2048xf32>
    %squeeze3A_1385 = vector.shape_cast %slice3A_1384 : vector<1x8x2048xf32> to vector<8x2048xf32>
    %mul3A_1386 = vector.broadcast %convert_element_type3A_206 : vector<1x2048xf32> to vector<8x2048xf32>
    %mul3A_1387 = arith.mulf %squeeze3A_1385, %mul3A_1386 : vector<8x2048xf32>
    %add3A_1388 = arith.addf %add3A_1383, %mul3A_1387 : vector<8x2048xf32>
    %slice3A_1389 = vector.extract_strided_slice %reshape3A_120 {offsets = [17, 48, 0], sizes = [1, 8, 2048], strides = [1, 1, 1]} : vector<32x64x2048xf32> to vector<1x8x2048xf32>
    %squeeze3A_1390 = vector.shape_cast %slice3A_1389 : vector<1x8x2048xf32> to vector<8x2048xf32>
    %mul3A_1391 = vector.broadcast %convert_element_type3A_211 : vector<1x2048xf32> to vector<8x2048xf32>
    %mul3A_1392 = arith.mulf %squeeze3A_1390, %mul3A_1391 : vector<8x2048xf32>
    %add3A_1393 = arith.addf %add3A_1388, %mul3A_1392 : vector<8x2048xf32>
    %slice3A_1394 = vector.extract_strided_slice %reshape3A_120 {offsets = [18, 48, 0], sizes = [1, 8, 2048], strides = [1, 1, 1]} : vector<32x64x2048xf32> to vector<1x8x2048xf32>
    %squeeze3A_1395 = vector.shape_cast %slice3A_1394 : vector<1x8x2048xf32> to vector<8x2048xf32>
    %mul3A_1396 = vector.broadcast %convert_element_type3A_216 : vector<1x2048xf32> to vector<8x2048xf32>
    %mul3A_1397 = arith.mulf %squeeze3A_1395, %mul3A_1396 : vector<8x2048xf32>
    %add3A_1398 = arith.addf %add3A_1393, %mul3A_1397 : vector<8x2048xf32>
    %slice3A_1399 = vector.extract_strided_slice %reshape3A_120 {offsets = [19, 48, 0], sizes = [1, 8, 2048], strides = [1, 1, 1]} : vector<32x64x2048xf32> to vector<1x8x2048xf32>
    %squeeze3A_1400 = vector.shape_cast %slice3A_1399 : vector<1x8x2048xf32> to vector<8x2048xf32>
    %mul3A_1401 = vector.broadcast %convert_element_type3A_221 : vector<1x2048xf32> to vector<8x2048xf32>
    %mul3A_1402 = arith.mulf %squeeze3A_1400, %mul3A_1401 : vector<8x2048xf32>
    %add3A_1403 = arith.addf %add3A_1398, %mul3A_1402 : vector<8x2048xf32>
    %slice3A_1404 = vector.extract_strided_slice %reshape3A_120 {offsets = [20, 48, 0], sizes = [1, 8, 2048], strides = [1, 1, 1]} : vector<32x64x2048xf32> to vector<1x8x2048xf32>
    %squeeze3A_1405 = vector.shape_cast %slice3A_1404 : vector<1x8x2048xf32> to vector<8x2048xf32>
    %mul3A_1406 = vector.broadcast %convert_element_type3A_226 : vector<1x2048xf32> to vector<8x2048xf32>
    %mul3A_1407 = arith.mulf %squeeze3A_1405, %mul3A_1406 : vector<8x2048xf32>
    %add3A_1408 = arith.addf %add3A_1403, %mul3A_1407 : vector<8x2048xf32>
    %slice3A_1409 = vector.extract_strided_slice %reshape3A_120 {offsets = [21, 48, 0], sizes = [1, 8, 2048], strides = [1, 1, 1]} : vector<32x64x2048xf32> to vector<1x8x2048xf32>
    %squeeze3A_1410 = vector.shape_cast %slice3A_1409 : vector<1x8x2048xf32> to vector<8x2048xf32>
    %mul3A_1411 = vector.broadcast %convert_element_type3A_231 : vector<1x2048xf32> to vector<8x2048xf32>
    %mul3A_1412 = arith.mulf %squeeze3A_1410, %mul3A_1411 : vector<8x2048xf32>
    %add3A_1413 = arith.addf %add3A_1408, %mul3A_1412 : vector<8x2048xf32>
    %slice3A_1414 = vector.extract_strided_slice %reshape3A_120 {offsets = [22, 48, 0], sizes = [1, 8, 2048], strides = [1, 1, 1]} : vector<32x64x2048xf32> to vector<1x8x2048xf32>
    %squeeze3A_1415 = vector.shape_cast %slice3A_1414 : vector<1x8x2048xf32> to vector<8x2048xf32>
    %mul3A_1416 = vector.broadcast %convert_element_type3A_236 : vector<1x2048xf32> to vector<8x2048xf32>
    %mul3A_1417 = arith.mulf %squeeze3A_1415, %mul3A_1416 : vector<8x2048xf32>
    %add3A_1418 = arith.addf %add3A_1413, %mul3A_1417 : vector<8x2048xf32>
    %slice3A_1419 = vector.extract_strided_slice %reshape3A_120 {offsets = [23, 48, 0], sizes = [1, 8, 2048], strides = [1, 1, 1]} : vector<32x64x2048xf32> to vector<1x8x2048xf32>
    %squeeze3A_1420 = vector.shape_cast %slice3A_1419 : vector<1x8x2048xf32> to vector<8x2048xf32>
    %mul3A_1421 = vector.broadcast %convert_element_type3A_241 : vector<1x2048xf32> to vector<8x2048xf32>
    %mul3A_1422 = arith.mulf %squeeze3A_1420, %mul3A_1421 : vector<8x2048xf32>
    %add3A_1423 = arith.addf %add3A_1418, %mul3A_1422 : vector<8x2048xf32>
    %slice3A_1424 = vector.extract_strided_slice %reshape3A_120 {offsets = [24, 48, 0], sizes = [1, 8, 2048], strides = [1, 1, 1]} : vector<32x64x2048xf32> to vector<1x8x2048xf32>
    %squeeze3A_1425 = vector.shape_cast %slice3A_1424 : vector<1x8x2048xf32> to vector<8x2048xf32>
    %mul3A_1426 = vector.broadcast %convert_element_type3A_246 : vector<1x2048xf32> to vector<8x2048xf32>
    %mul3A_1427 = arith.mulf %squeeze3A_1425, %mul3A_1426 : vector<8x2048xf32>
    %add3A_1428 = arith.addf %add3A_1423, %mul3A_1427 : vector<8x2048xf32>
    %slice3A_1429 = vector.extract_strided_slice %reshape3A_120 {offsets = [25, 48, 0], sizes = [1, 8, 2048], strides = [1, 1, 1]} : vector<32x64x2048xf32> to vector<1x8x2048xf32>
    %squeeze3A_1430 = vector.shape_cast %slice3A_1429 : vector<1x8x2048xf32> to vector<8x2048xf32>
    %mul3A_1431 = vector.broadcast %convert_element_type3A_251 : vector<1x2048xf32> to vector<8x2048xf32>
    %mul3A_1432 = arith.mulf %squeeze3A_1430, %mul3A_1431 : vector<8x2048xf32>
    %add3A_1433 = arith.addf %add3A_1428, %mul3A_1432 : vector<8x2048xf32>
    %slice3A_1434 = vector.extract_strided_slice %reshape3A_120 {offsets = [26, 48, 0], sizes = [1, 8, 2048], strides = [1, 1, 1]} : vector<32x64x2048xf32> to vector<1x8x2048xf32>
    %squeeze3A_1435 = vector.shape_cast %slice3A_1434 : vector<1x8x2048xf32> to vector<8x2048xf32>
    %mul3A_1436 = vector.broadcast %convert_element_type3A_256 : vector<1x2048xf32> to vector<8x2048xf32>
    %mul3A_1437 = arith.mulf %squeeze3A_1435, %mul3A_1436 : vector<8x2048xf32>
    %add3A_1438 = arith.addf %add3A_1433, %mul3A_1437 : vector<8x2048xf32>
    %slice3A_1439 = vector.extract_strided_slice %reshape3A_120 {offsets = [27, 48, 0], sizes = [1, 8, 2048], strides = [1, 1, 1]} : vector<32x64x2048xf32> to vector<1x8x2048xf32>
    %squeeze3A_1440 = vector.shape_cast %slice3A_1439 : vector<1x8x2048xf32> to vector<8x2048xf32>
    %mul3A_1441 = vector.broadcast %convert_element_type3A_261 : vector<1x2048xf32> to vector<8x2048xf32>
    %mul3A_1442 = arith.mulf %squeeze3A_1440, %mul3A_1441 : vector<8x2048xf32>
    %add3A_1443 = arith.addf %add3A_1438, %mul3A_1442 : vector<8x2048xf32>
    %slice3A_1444 = vector.extract_strided_slice %reshape3A_120 {offsets = [28, 48, 0], sizes = [1, 8, 2048], strides = [1, 1, 1]} : vector<32x64x2048xf32> to vector<1x8x2048xf32>
    %squeeze3A_1445 = vector.shape_cast %slice3A_1444 : vector<1x8x2048xf32> to vector<8x2048xf32>
    %mul3A_1446 = vector.broadcast %convert_element_type3A_266 : vector<1x2048xf32> to vector<8x2048xf32>
    %mul3A_1447 = arith.mulf %squeeze3A_1445, %mul3A_1446 : vector<8x2048xf32>
    %add3A_1448 = arith.addf %add3A_1443, %mul3A_1447 : vector<8x2048xf32>
    %slice3A_1449 = vector.extract_strided_slice %reshape3A_120 {offsets = [29, 48, 0], sizes = [1, 8, 2048], strides = [1, 1, 1]} : vector<32x64x2048xf32> to vector<1x8x2048xf32>
    %squeeze3A_1450 = vector.shape_cast %slice3A_1449 : vector<1x8x2048xf32> to vector<8x2048xf32>
    %mul3A_1451 = vector.broadcast %convert_element_type3A_271 : vector<1x2048xf32> to vector<8x2048xf32>
    %mul3A_1452 = arith.mulf %squeeze3A_1450, %mul3A_1451 : vector<8x2048xf32>
    %add3A_1453 = arith.addf %add3A_1448, %mul3A_1452 : vector<8x2048xf32>
    %slice3A_1454 = vector.extract_strided_slice %reshape3A_120 {offsets = [30, 48, 0], sizes = [1, 8, 2048], strides = [1, 1, 1]} : vector<32x64x2048xf32> to vector<1x8x2048xf32>
    %squeeze3A_1455 = vector.shape_cast %slice3A_1454 : vector<1x8x2048xf32> to vector<8x2048xf32>
    %mul3A_1456 = vector.broadcast %convert_element_type3A_276 : vector<1x2048xf32> to vector<8x2048xf32>
    %mul3A_1457 = arith.mulf %squeeze3A_1455, %mul3A_1456 : vector<8x2048xf32>
    %add3A_1458 = arith.addf %add3A_1453, %mul3A_1457 : vector<8x2048xf32>
    %slice3A_1459 = vector.extract_strided_slice %reshape3A_120 {offsets = [31, 48, 0], sizes = [1, 8, 2048], strides = [1, 1, 1]} : vector<32x64x2048xf32> to vector<1x8x2048xf32>
    %squeeze3A_1460 = vector.shape_cast %slice3A_1459 : vector<1x8x2048xf32> to vector<8x2048xf32>
    %mul3A_1461 = vector.broadcast %convert_element_type3A_281 : vector<1x2048xf32> to vector<8x2048xf32>
    %mul3A_1462 = arith.mulf %squeeze3A_1460, %mul3A_1461 : vector<8x2048xf32>
    %add3A_1463 = arith.addf %add3A_1458, %mul3A_1462 : vector<8x2048xf32>
    %swap3A_1464 = arith.constant 0 : index
    %swap3A_1465 = arith.constant 48 : index
    %swap3A_1466 = arith.constant 0 : index
    %swap3A_1467 = vector.load %arg14[%swap3A_1464, %swap3A_1465, %swap3A_1466] : memref<2x64x2048xf32, #tpu.memory_space<vmem>>, vector<1x8x2048xf32>
    %swap3A_1468 = vector.shape_cast %swap3A_1467 : vector<1x8x2048xf32> to vector<8x2048xf32>
    %swap3A_1469 = vector.shape_cast %add3A_1463 : vector<8x2048xf32> to vector<1x8x2048xf32>
    tpu.vector_store %arg14[%swap3A_1464, %swap3A_1465, %swap3A_1466], %swap3A_1469 {strides = array<i32>} : memref<2x64x2048xf32, #tpu.memory_space<vmem>>, vector<1x8x2048xf32>,
    %broadcast_in_dim3A_1470 = arith.constant 0.000000e+00 : f32
    %broadcast_in_dim3A_1471 = vector.broadcast %broadcast_in_dim3A_1470 : f32 to vector<8x2048xf32>
    %add3A_1472 = vector.broadcast %slice3A_121 : vector<1x2048xf32> to vector<8x2048xf32>
    %add3A_1473 = arith.addf %broadcast_in_dim3A_1471, %add3A_1472 : vector<8x2048xf32>
    %slice3A_1474 = vector.extract_strided_slice %reshape3A_120 {offsets = [0, 56, 0], sizes = [1, 8, 2048], strides = [1, 1, 1]} : vector<32x64x2048xf32> to vector<1x8x2048xf32>
    %squeeze3A_1475 = vector.shape_cast %slice3A_1474 : vector<1x8x2048xf32> to vector<8x2048xf32>
    %mul3A_1476 = vector.broadcast %convert_element_type3A_126 : vector<1x2048xf32> to vector<8x2048xf32>
    %mul3A_1477 = arith.mulf %squeeze3A_1475, %mul3A_1476 : vector<8x2048xf32>
    %add3A_1478 = arith.addf %add3A_1473, %mul3A_1477 : vector<8x2048xf32>
    %slice3A_1479 = vector.extract_strided_slice %reshape3A_120 {offsets = [1, 56, 0], sizes = [1, 8, 2048], strides = [1, 1, 1]} : vector<32x64x2048xf32> to vector<1x8x2048xf32>
    %squeeze3A_1480 = vector.shape_cast %slice3A_1479 : vector<1x8x2048xf32> to vector<8x2048xf32>
    %mul3A_1481 = vector.broadcast %convert_element_type3A_131 : vector<1x2048xf32> to vector<8x2048xf32>
    %mul3A_1482 = arith.mulf %squeeze3A_1480, %mul3A_1481 : vector<8x2048xf32>
    %add3A_1483 = arith.addf %add3A_1478, %mul3A_1482 : vector<8x2048xf32>
    %slice3A_1484 = vector.extract_strided_slice %reshape3A_120 {offsets = [2, 56, 0], sizes = [1, 8, 2048], strides = [1, 1, 1]} : vector<32x64x2048xf32> to vector<1x8x2048xf32>
    %squeeze3A_1485 = vector.shape_cast %slice3A_1484 : vector<1x8x2048xf32> to vector<8x2048xf32>
    %mul3A_1486 = vector.broadcast %convert_element_type3A_136 : vector<1x2048xf32> to vector<8x2048xf32>
    %mul3A_1487 = arith.mulf %squeeze3A_1485, %mul3A_1486 : vector<8x2048xf32>
    %add3A_1488 = arith.addf %add3A_1483, %mul3A_1487 : vector<8x2048xf32>
    %slice3A_1489 = vector.extract_strided_slice %reshape3A_120 {offsets = [3, 56, 0], sizes = [1, 8, 2048], strides = [1, 1, 1]} : vector<32x64x2048xf32> to vector<1x8x2048xf32>
    %squeeze3A_1490 = vector.shape_cast %slice3A_1489 : vector<1x8x2048xf32> to vector<8x2048xf32>
    %mul3A_1491 = vector.broadcast %convert_element_type3A_141 : vector<1x2048xf32> to vector<8x2048xf32>
    %mul3A_1492 = arith.mulf %squeeze3A_1490, %mul3A_1491 : vector<8x2048xf32>
    %add3A_1493 = arith.addf %add3A_1488, %mul3A_1492 : vector<8x2048xf32>
    %slice3A_1494 = vector.extract_strided_slice %reshape3A_120 {offsets = [4, 56, 0], sizes = [1, 8, 2048], strides = [1, 1, 1]} : vector<32x64x2048xf32> to vector<1x8x2048xf32>
    %squeeze3A_1495 = vector.shape_cast %slice3A_1494 : vector<1x8x2048xf32> to vector<8x2048xf32>
    %mul3A_1496 = vector.broadcast %convert_element_type3A_146 : vector<1x2048xf32> to vector<8x2048xf32>
    %mul3A_1497 = arith.mulf %squeeze3A_1495, %mul3A_1496 : vector<8x2048xf32>
    %add3A_1498 = arith.addf %add3A_1493, %mul3A_1497 : vector<8x2048xf32>
    %slice3A_1499 = vector.extract_strided_slice %reshape3A_120 {offsets = [5, 56, 0], sizes = [1, 8, 2048], strides = [1, 1, 1]} : vector<32x64x2048xf32> to vector<1x8x2048xf32>
    %squeeze3A_1500 = vector.shape_cast %slice3A_1499 : vector<1x8x2048xf32> to vector<8x2048xf32>
    %mul3A_1501 = vector.broadcast %convert_element_type3A_151 : vector<1x2048xf32> to vector<8x2048xf32>
    %mul3A_1502 = arith.mulf %squeeze3A_1500, %mul3A_1501 : vector<8x2048xf32>
    %add3A_1503 = arith.addf %add3A_1498, %mul3A_1502 : vector<8x2048xf32>
    %slice3A_1504 = vector.extract_strided_slice %reshape3A_120 {offsets = [6, 56, 0], sizes = [1, 8, 2048], strides = [1, 1, 1]} : vector<32x64x2048xf32> to vector<1x8x2048xf32>
    %squeeze3A_1505 = vector.shape_cast %slice3A_1504 : vector<1x8x2048xf32> to vector<8x2048xf32>
    %mul3A_1506 = vector.broadcast %convert_element_type3A_156 : vector<1x2048xf32> to vector<8x2048xf32>
    %mul3A_1507 = arith.mulf %squeeze3A_1505, %mul3A_1506 : vector<8x2048xf32>
    %add3A_1508 = arith.addf %add3A_1503, %mul3A_1507 : vector<8x2048xf32>
    %slice3A_1509 = vector.extract_strided_slice %reshape3A_120 {offsets = [7, 56, 0], sizes = [1, 8, 2048], strides = [1, 1, 1]} : vector<32x64x2048xf32> to vector<1x8x2048xf32>
    %squeeze3A_1510 = vector.shape_cast %slice3A_1509 : vector<1x8x2048xf32> to vector<8x2048xf32>
    %mul3A_1511 = vector.broadcast %convert_element_type3A_161 : vector<1x2048xf32> to vector<8x2048xf32>
    %mul3A_1512 = arith.mulf %squeeze3A_1510, %mul3A_1511 : vector<8x2048xf32>
    %add3A_1513 = arith.addf %add3A_1508, %mul3A_1512 : vector<8x2048xf32>
    %slice3A_1514 = vector.extract_strided_slice %reshape3A_120 {offsets = [8, 56, 0], sizes = [1, 8, 2048], strides = [1, 1, 1]} : vector<32x64x2048xf32> to vector<1x8x2048xf32>
    %squeeze3A_1515 = vector.shape_cast %slice3A_1514 : vector<1x8x2048xf32> to vector<8x2048xf32>
    %mul3A_1516 = vector.broadcast %convert_element_type3A_166 : vector<1x2048xf32> to vector<8x2048xf32>
    %mul3A_1517 = arith.mulf %squeeze3A_1515, %mul3A_1516 : vector<8x2048xf32>
    %add3A_1518 = arith.addf %add3A_1513, %mul3A_1517 : vector<8x2048xf32>
    %slice3A_1519 = vector.extract_strided_slice %reshape3A_120 {offsets = [9, 56, 0], sizes = [1, 8, 2048], strides = [1, 1, 1]} : vector<32x64x2048xf32> to vector<1x8x2048xf32>
    %squeeze3A_1520 = vector.shape_cast %slice3A_1519 : vector<1x8x2048xf32> to vector<8x2048xf32>
    %mul3A_1521 = vector.broadcast %convert_element_type3A_171 : vector<1x2048xf32> to vector<8x2048xf32>
    %mul3A_1522 = arith.mulf %squeeze3A_1520, %mul3A_1521 : vector<8x2048xf32>
    %add3A_1523 = arith.addf %add3A_1518, %mul3A_1522 : vector<8x2048xf32>
    %slice3A_1524 = vector.extract_strided_slice %reshape3A_120 {offsets = [10, 56, 0], sizes = [1, 8, 2048], strides = [1, 1, 1]} : vector<32x64x2048xf32> to vector<1x8x2048xf32>
    %squeeze3A_1525 = vector.shape_cast %slice3A_1524 : vector<1x8x2048xf32> to vector<8x2048xf32>
    %mul3A_1526 = vector.broadcast %convert_element_type3A_176 : vector<1x2048xf32> to vector<8x2048xf32>
    %mul3A_1527 = arith.mulf %squeeze3A_1525, %mul3A_1526 : vector<8x2048xf32>
    %add3A_1528 = arith.addf %add3A_1523, %mul3A_1527 : vector<8x2048xf32>
    %slice3A_1529 = vector.extract_strided_slice %reshape3A_120 {offsets = [11, 56, 0], sizes = [1, 8, 2048], strides = [1, 1, 1]} : vector<32x64x2048xf32> to vector<1x8x2048xf32>
    %squeeze3A_1530 = vector.shape_cast %slice3A_1529 : vector<1x8x2048xf32> to vector<8x2048xf32>
    %mul3A_1531 = vector.broadcast %convert_element_type3A_181 : vector<1x2048xf32> to vector<8x2048xf32>
    %mul3A_1532 = arith.mulf %squeeze3A_1530, %mul3A_1531 : vector<8x2048xf32>
    %add3A_1533 = arith.addf %add3A_1528, %mul3A_1532 : vector<8x2048xf32>
    %slice3A_1534 = vector.extract_strided_slice %reshape3A_120 {offsets = [12, 56, 0], sizes = [1, 8, 2048], strides = [1, 1, 1]} : vector<32x64x2048xf32> to vector<1x8x2048xf32>
    %squeeze3A_1535 = vector.shape_cast %slice3A_1534 : vector<1x8x2048xf32> to vector<8x2048xf32>
    %mul3A_1536 = vector.broadcast %convert_element_type3A_186 : vector<1x2048xf32> to vector<8x2048xf32>
    %mul3A_1537 = arith.mulf %squeeze3A_1535, %mul3A_1536 : vector<8x2048xf32>
    %add3A_1538 = arith.addf %add3A_1533, %mul3A_1537 : vector<8x2048xf32>
    %slice3A_1539 = vector.extract_strided_slice %reshape3A_120 {offsets = [13, 56, 0], sizes = [1, 8, 2048], strides = [1, 1, 1]} : vector<32x64x2048xf32> to vector<1x8x2048xf32>
    %squeeze3A_1540 = vector.shape_cast %slice3A_1539 : vector<1x8x2048xf32> to vector<8x2048xf32>
    %mul3A_1541 = vector.broadcast %convert_element_type3A_191 : vector<1x2048xf32> to vector<8x2048xf32>
    %mul3A_1542 = arith.mulf %squeeze3A_1540, %mul3A_1541 : vector<8x2048xf32>
    %add3A_1543 = arith.addf %add3A_1538, %mul3A_1542 : vector<8x2048xf32>
    %slice3A_1544 = vector.extract_strided_slice %reshape3A_120 {offsets = [14, 56, 0], sizes = [1, 8, 2048], strides = [1, 1, 1]} : vector<32x64x2048xf32> to vector<1x8x2048xf32>
    %squeeze3A_1545 = vector.shape_cast %slice3A_1544 : vector<1x8x2048xf32> to vector<8x2048xf32>
    %mul3A_1546 = vector.broadcast %convert_element_type3A_196 : vector<1x2048xf32> to vector<8x2048xf32>
    %mul3A_1547 = arith.mulf %squeeze3A_1545, %mul3A_1546 : vector<8x2048xf32>
    %add3A_1548 = arith.addf %add3A_1543, %mul3A_1547 : vector<8x2048xf32>
    %slice3A_1549 = vector.extract_strided_slice %reshape3A_120 {offsets = [15, 56, 0], sizes = [1, 8, 2048], strides = [1, 1, 1]} : vector<32x64x2048xf32> to vector<1x8x2048xf32>
    %squeeze3A_1550 = vector.shape_cast %slice3A_1549 : vector<1x8x2048xf32> to vector<8x2048xf32>
    %mul3A_1551 = vector.broadcast %convert_element_type3A_201 : vector<1x2048xf32> to vector<8x2048xf32>
    %mul3A_1552 = arith.mulf %squeeze3A_1550, %mul3A_1551 : vector<8x2048xf32>
    %add3A_1553 = arith.addf %add3A_1548, %mul3A_1552 : vector<8x2048xf32>
    %slice3A_1554 = vector.extract_strided_slice %reshape3A_120 {offsets = [16, 56, 0], sizes = [1, 8, 2048], strides = [1, 1, 1]} : vector<32x64x2048xf32> to vector<1x8x2048xf32>
    %squeeze3A_1555 = vector.shape_cast %slice3A_1554 : vector<1x8x2048xf32> to vector<8x2048xf32>
    %mul3A_1556 = vector.broadcast %convert_element_type3A_206 : vector<1x2048xf32> to vector<8x2048xf32>
    %mul3A_1557 = arith.mulf %squeeze3A_1555, %mul3A_1556 : vector<8x2048xf32>
    %add3A_1558 = arith.addf %add3A_1553, %mul3A_1557 : vector<8x2048xf32>
    %slice3A_1559 = vector.extract_strided_slice %reshape3A_120 {offsets = [17, 56, 0], sizes = [1, 8, 2048], strides = [1, 1, 1]} : vector<32x64x2048xf32> to vector<1x8x2048xf32>
    %squeeze3A_1560 = vector.shape_cast %slice3A_1559 : vector<1x8x2048xf32> to vector<8x2048xf32>
    %mul3A_1561 = vector.broadcast %convert_element_type3A_211 : vector<1x2048xf32> to vector<8x2048xf32>
    %mul3A_1562 = arith.mulf %squeeze3A_1560, %mul3A_1561 : vector<8x2048xf32>
    %add3A_1563 = arith.addf %add3A_1558, %mul3A_1562 : vector<8x2048xf32>
    %slice3A_1564 = vector.extract_strided_slice %reshape3A_120 {offsets = [18, 56, 0], sizes = [1, 8, 2048], strides = [1, 1, 1]} : vector<32x64x2048xf32> to vector<1x8x2048xf32>
    %squeeze3A_1565 = vector.shape_cast %slice3A_1564 : vector<1x8x2048xf32> to vector<8x2048xf32>
    %mul3A_1566 = vector.broadcast %convert_element_type3A_216 : vector<1x2048xf32> to vector<8x2048xf32>
    %mul3A_1567 = arith.mulf %squeeze3A_1565, %mul3A_1566 : vector<8x2048xf32>
    %add3A_1568 = arith.addf %add3A_1563, %mul3A_1567 : vector<8x2048xf32>
    %slice3A_1569 = vector.extract_strided_slice %reshape3A_120 {offsets = [19, 56, 0], sizes = [1, 8, 2048], strides = [1, 1, 1]} : vector<32x64x2048xf32> to vector<1x8x2048xf32>
    %squeeze3A_1570 = vector.shape_cast %slice3A_1569 : vector<1x8x2048xf32> to vector<8x2048xf32>
    %mul3A_1571 = vector.broadcast %convert_element_type3A_221 : vector<1x2048xf32> to vector<8x2048xf32>
    %mul3A_1572 = arith.mulf %squeeze3A_1570, %mul3A_1571 : vector<8x2048xf32>
    %add3A_1573 = arith.addf %add3A_1568, %mul3A_1572 : vector<8x2048xf32>
    %slice3A_1574 = vector.extract_strided_slice %reshape3A_120 {offsets = [20, 56, 0], sizes = [1, 8, 2048], strides = [1, 1, 1]} : vector<32x64x2048xf32> to vector<1x8x2048xf32>
    %squeeze3A_1575 = vector.shape_cast %slice3A_1574 : vector<1x8x2048xf32> to vector<8x2048xf32>
    %mul3A_1576 = vector.broadcast %convert_element_type3A_226 : vector<1x2048xf32> to vector<8x2048xf32>
    %mul3A_1577 = arith.mulf %squeeze3A_1575, %mul3A_1576 : vector<8x2048xf32>
    %add3A_1578 = arith.addf %add3A_1573, %mul3A_1577 : vector<8x2048xf32>
    %slice3A_1579 = vector.extract_strided_slice %reshape3A_120 {offsets = [21, 56, 0], sizes = [1, 8, 2048], strides = [1, 1, 1]} : vector<32x64x2048xf32> to vector<1x8x2048xf32>
    %squeeze3A_1580 = vector.shape_cast %slice3A_1579 : vector<1x8x2048xf32> to vector<8x2048xf32>
    %mul3A_1581 = vector.broadcast %convert_element_type3A_231 : vector<1x2048xf32> to vector<8x2048xf32>
    %mul3A_1582 = arith.mulf %squeeze3A_1580, %mul3A_1581 : vector<8x2048xf32>
    %add3A_1583 = arith.addf %add3A_1578, %mul3A_1582 : vector<8x2048xf32>
    %slice3A_1584 = vector.extract_strided_slice %reshape3A_120 {offsets = [22, 56, 0], sizes = [1, 8, 2048], strides = [1, 1, 1]} : vector<32x64x2048xf32> to vector<1x8x2048xf32>
    %squeeze3A_1585 = vector.shape_cast %slice3A_1584 : vector<1x8x2048xf32> to vector<8x2048xf32>
    %mul3A_1586 = vector.broadcast %convert_element_type3A_236 : vector<1x2048xf32> to vector<8x2048xf32>
    %mul3A_1587 = arith.mulf %squeeze3A_1585, %mul3A_1586 : vector<8x2048xf32>
    %add3A_1588 = arith.addf %add3A_1583, %mul3A_1587 : vector<8x2048xf32>
    %slice3A_1589 = vector.extract_strided_slice %reshape3A_120 {offsets = [23, 56, 0], sizes = [1, 8, 2048], strides = [1, 1, 1]} : vector<32x64x2048xf32> to vector<1x8x2048xf32>
    %squeeze3A_1590 = vector.shape_cast %slice3A_1589 : vector<1x8x2048xf32> to vector<8x2048xf32>
    %mul3A_1591 = vector.broadcast %convert_element_type3A_241 : vector<1x2048xf32> to vector<8x2048xf32>
    %mul3A_1592 = arith.mulf %squeeze3A_1590, %mul3A_1591 : vector<8x2048xf32>
    %add3A_1593 = arith.addf %add3A_1588, %mul3A_1592 : vector<8x2048xf32>
    %slice3A_1594 = vector.extract_strided_slice %reshape3A_120 {offsets = [24, 56, 0], sizes = [1, 8, 2048], strides = [1, 1, 1]} : vector<32x64x2048xf32> to vector<1x8x2048xf32>
    %squeeze3A_1595 = vector.shape_cast %slice3A_1594 : vector<1x8x2048xf32> to vector<8x2048xf32>
    %mul3A_1596 = vector.broadcast %convert_element_type3A_246 : vector<1x2048xf32> to vector<8x2048xf32>
    %mul3A_1597 = arith.mulf %squeeze3A_1595, %mul3A_1596 : vector<8x2048xf32>
    %add3A_1598 = arith.addf %add3A_1593, %mul3A_1597 : vector<8x2048xf32>
    %slice3A_1599 = vector.extract_strided_slice %reshape3A_120 {offsets = [25, 56, 0], sizes = [1, 8, 2048], strides = [1, 1, 1]} : vector<32x64x2048xf32> to vector<1x8x2048xf32>
    %squeeze3A_1600 = vector.shape_cast %slice3A_1599 : vector<1x8x2048xf32> to vector<8x2048xf32>
    %mul3A_1601 = vector.broadcast %convert_element_type3A_251 : vector<1x2048xf32> to vector<8x2048xf32>
    %mul3A_1602 = arith.mulf %squeeze3A_1600, %mul3A_1601 : vector<8x2048xf32>
    %add3A_1603 = arith.addf %add3A_1598, %mul3A_1602 : vector<8x2048xf32>
    %slice3A_1604 = vector.extract_strided_slice %reshape3A_120 {offsets = [26, 56, 0], sizes = [1, 8, 2048], strides = [1, 1, 1]} : vector<32x64x2048xf32> to vector<1x8x2048xf32>
    %squeeze3A_1605 = vector.shape_cast %slice3A_1604 : vector<1x8x2048xf32> to vector<8x2048xf32>
    %mul3A_1606 = vector.broadcast %convert_element_type3A_256 : vector<1x2048xf32> to vector<8x2048xf32>
    %mul3A_1607 = arith.mulf %squeeze3A_1605, %mul3A_1606 : vector<8x2048xf32>
    %add3A_1608 = arith.addf %add3A_1603, %mul3A_1607 : vector<8x2048xf32>
    %slice3A_1609 = vector.extract_strided_slice %reshape3A_120 {offsets = [27, 56, 0], sizes = [1, 8, 2048], strides = [1, 1, 1]} : vector<32x64x2048xf32> to vector<1x8x2048xf32>
    %squeeze3A_1610 = vector.shape_cast %slice3A_1609 : vector<1x8x2048xf32> to vector<8x2048xf32>
    %mul3A_1611 = vector.broadcast %convert_element_type3A_261 : vector<1x2048xf32> to vector<8x2048xf32>
    %mul3A_1612 = arith.mulf %squeeze3A_1610, %mul3A_1611 : vector<8x2048xf32>
    %add3A_1613 = arith.addf %add3A_1608, %mul3A_1612 : vector<8x2048xf32>
    %slice3A_1614 = vector.extract_strided_slice %reshape3A_120 {offsets = [28, 56, 0], sizes = [1, 8, 2048], strides = [1, 1, 1]} : vector<32x64x2048xf32> to vector<1x8x2048xf32>
    %squeeze3A_1615 = vector.shape_cast %slice3A_1614 : vector<1x8x2048xf32> to vector<8x2048xf32>
    %mul3A_1616 = vector.broadcast %convert_element_type3A_266 : vector<1x2048xf32> to vector<8x2048xf32>
    %mul3A_1617 = arith.mulf %squeeze3A_1615, %mul3A_1616 : vector<8x2048xf32>
    %add3A_1618 = arith.addf %add3A_1613, %mul3A_1617 : vector<8x2048xf32>
    %slice3A_1619 = vector.extract_strided_slice %reshape3A_120 {offsets = [29, 56, 0], sizes = [1, 8, 2048], strides = [1, 1, 1]} : vector<32x64x2048xf32> to vector<1x8x2048xf32>
    %squeeze3A_1620 = vector.shape_cast %slice3A_1619 : vector<1x8x2048xf32> to vector<8x2048xf32>
    %mul3A_1621 = vector.broadcast %convert_element_type3A_271 : vector<1x2048xf32> to vector<8x2048xf32>
    %mul3A_1622 = arith.mulf %squeeze3A_1620, %mul3A_1621 : vector<8x2048xf32>
    %add3A_1623 = arith.addf %add3A_1618, %mul3A_1622 : vector<8x2048xf32>
    %slice3A_1624 = vector.extract_strided_slice %reshape3A_120 {offsets = [30, 56, 0], sizes = [1, 8, 2048], strides = [1, 1, 1]} : vector<32x64x2048xf32> to vector<1x8x2048xf32>
    %squeeze3A_1625 = vector.shape_cast %slice3A_1624 : vector<1x8x2048xf32> to vector<8x2048xf32>
    %mul3A_1626 = vector.broadcast %convert_element_type3A_276 : vector<1x2048xf32> to vector<8x2048xf32>
    %mul3A_1627 = arith.mulf %squeeze3A_1625, %mul3A_1626 : vector<8x2048xf32>
    %add3A_1628 = arith.addf %add3A_1623, %mul3A_1627 : vector<8x2048xf32>
    %slice3A_1629 = vector.extract_strided_slice %reshape3A_120 {offsets = [31, 56, 0], sizes = [1, 8, 2048], strides = [1, 1, 1]} : vector<32x64x2048xf32> to vector<1x8x2048xf32>
    %squeeze3A_1630 = vector.shape_cast %slice3A_1629 : vector<1x8x2048xf32> to vector<8x2048xf32>
    %mul3A_1631 = vector.broadcast %convert_element_type3A_281 : vector<1x2048xf32> to vector<8x2048xf32>
    %mul3A_1632 = arith.mulf %squeeze3A_1630, %mul3A_1631 : vector<8x2048xf32>
    %add3A_1633 = arith.addf %add3A_1628, %mul3A_1632 : vector<8x2048xf32>
    %swap3A_1634 = arith.constant 0 : index
    %swap3A_1635 = arith.constant 56 : index
    %swap3A_1636 = arith.constant 0 : index
    %swap3A_1637 = vector.load %arg14[%swap3A_1634, %swap3A_1635, %swap3A_1636] : memref<2x64x2048xf32, #tpu.memory_space<vmem>>, vector<1x8x2048xf32>
    %swap3A_1638 = vector.shape_cast %swap3A_1637 : vector<1x8x2048xf32> to vector<8x2048xf32>
    %swap3A_1639 = vector.shape_cast %add3A_1633 : vector<8x2048xf32> to vector<1x8x2048xf32>
    tpu.vector_store %arg14[%swap3A_1634, %swap3A_1635, %swap3A_1636], %swap3A_1639 {strides = array<i32>} : memref<2x64x2048xf32, #tpu.memory_space<vmem>>, vector<1x8x2048xf32>,
    %get3A_1640 = arith.constant 1 : index
    %get3A_1641 = arith.constant 0 : index
    %get3A_1642 = arith.constant 0 : index
    %get3A_1643 = vector.load %arg2[%get3A_1640, %get3A_1641, %get3A_1642] : memref<2x1x2048xi32, #tpu.memory_space<vmem>>, vector<1x1x2048xi32>
    %get3A_1644 = vector.shape_cast %get3A_1643 : vector<1x1x2048xi32> to vector<1x2048xi32>
    %iota3A_1645 = tpu.iota {dimensions = array<i32: 0>} : vector<128x2048xi32>
    %eq3A_1646 = vector.broadcast %get3A_1644 : vector<1x2048xi32> to vector<128x2048xi32>
    %eq3A_1647 = arith.cmpi eq, %iota3A_1645, %eq3A_1646 : vector<128x2048xi32>
    %convert_element_type3A_1648 = arith.extui %eq3A_1647 : vector<128x2048xi1> to vector<128x2048xi32>
    %convert_element_type3A_1649 = arith.sitofp %convert_element_type3A_1648 : vector<128x2048xi32> to vector<128x2048xf32>
    %get3A_1650 = arith.constant 0 : index
    %get3A_1651 = arith.constant 0 : index
    %get3A_1652 = vector.load %arg13[%get3A_1650, %get3A_1651] : memref<1x128xf32, #tpu.memory_space<vmem>>, vector<1x128xf32>
    %dot_general3A_1653 = arith.constant dense<0.000000e+00> : vector<1x2048xf32>
    %dot_general3A_1654 = tpu.matmul %get3A_1652, %convert_element_type3A_1649, %dot_general3A_1653 {dimension_numbers = #tpu.dot_dimension_numbers<[1], [0], [0], [1], [0, 0, 1, 1], [], []>, transpose_lhs_hint = false} : vector<1x128xf32>, vector<128x2048xf32>, vector<1x2048xf32> -> vector<1x2048xf32>
    %get3A_1655 = arith.constant 1 : index
    %get3A_1656 = arith.constant 0 : index
    %get3A_1657 = arith.constant 0 : index
    %get3A_1658 = arith.constant 0 : index
    %get3A_1659 = vector.load %arg4[%get3A_1655, %get3A_1656, %get3A_1657, %get3A_1658] : memref<2x64x32x128xf32, #tpu.memory_space<vmem>>, vector<1x64x32x128xf32>
    %get3A_1660 = vector.shape_cast %get3A_1659 : vector<1x64x32x128xf32> to vector<64x32x128xf32>
    %transpose3A_1661 = tpu.transpose %get3A_1660, [1, 0, 2] : vector<64x32x128xf32> -> vector<32x64x128xf32>
    %reshape3A_1662 = vector.shape_cast %transpose3A_1661 : vector<32x64x128xf32> to vector<2048x128xf32>
    %convert_element_type3A_1663 = arith.truncf %reshape3A_1662 : vector<2048x128xf32> to vector<2048x128xbf16>
    %slice3A_1664 = vector.extract_strided_slice %convert_element_type3A_85 {offsets = [2048, 0], sizes = [2048, 128], strides = [1, 1]} : vector<4096x128xbf16> to vector<2048x128xbf16>
    %dot_general3A_1665 = arith.constant dense<0.000000e+00> : vector<2048x2048xf32>
    %dot_general3A_1666 = tpu.matmul %convert_element_type3A_1663, %slice3A_1664, %dot_general3A_1665 {dimension_numbers = #tpu.dot_dimension_numbers<[1], [1], [0], [0], [0, 0, 1, 0], [], []>, transpose_lhs_hint = false} : vector<2048x128xbf16>, vector<2048x128xbf16>, vector<2048x2048xf32> -> vector<2048x2048xf32>
    %reshape3A_1667 = vector.shape_cast %dot_general3A_1666 : vector<2048x2048xf32> to vector<32x64x2048xf32>
    %slice3A_1668 = vector.extract_strided_slice %dot_general3A_93 {offsets = [0, 2048], sizes = [1, 2048], strides = [1, 1]} : vector<1x4096xf32> to vector<1x2048xf32>
    %eq3A_1669 = arith.constant 0.000000e+00 : f32
    %eq3A_1670 = vector.broadcast %eq3A_1669 : f32 to vector<1x2048xf32>
    %eq3A_1671 = arith.cmpf oeq, %dot_general3A_1654, %eq3A_1670 : vector<1x2048xf32>
    %convert_element_type3A_1672 = arith.extui %eq3A_1671 : vector<1x2048xi1> to vector<1x2048xi32>
    %convert_element_type3A_1673 = arith.sitofp %convert_element_type3A_1672 : vector<1x2048xi32> to vector<1x2048xf32>
    %eq3A_1674 = arith.constant 1.000000e+00 : f32
    %eq3A_1675 = vector.broadcast %eq3A_1674 : f32 to vector<1x2048xf32>
    %eq3A_1676 = arith.cmpf oeq, %dot_general3A_1654, %eq3A_1675 : vector<1x2048xf32>
    %convert_element_type3A_1677 = arith.extui %eq3A_1676 : vector<1x2048xi1> to vector<1x2048xi32>
    %convert_element_type3A_1678 = arith.sitofp %convert_element_type3A_1677 : vector<1x2048xi32> to vector<1x2048xf32>
    %eq3A_1679 = arith.constant 2.000000e+00 : f32
    %eq3A_1680 = vector.broadcast %eq3A_1679 : f32 to vector<1x2048xf32>
    %eq3A_1681 = arith.cmpf oeq, %dot_general3A_1654, %eq3A_1680 : vector<1x2048xf32>
    %convert_element_type3A_1682 = arith.extui %eq3A_1681 : vector<1x2048xi1> to vector<1x2048xi32>
    %convert_element_type3A_1683 = arith.sitofp %convert_element_type3A_1682 : vector<1x2048xi32> to vector<1x2048xf32>
    %eq3A_1684 = arith.constant 3.000000e+00 : f32
    %eq3A_1685 = vector.broadcast %eq3A_1684 : f32 to vector<1x2048xf32>
    %eq3A_1686 = arith.cmpf oeq, %dot_general3A_1654, %eq3A_1685 : vector<1x2048xf32>
    %convert_element_type3A_1687 = arith.extui %eq3A_1686 : vector<1x2048xi1> to vector<1x2048xi32>
    %convert_element_type3A_1688 = arith.sitofp %convert_element_type3A_1687 : vector<1x2048xi32> to vector<1x2048xf32>
    %eq3A_1689 = arith.constant 4.000000e+00 : f32
    %eq3A_1690 = vector.broadcast %eq3A_1689 : f32 to vector<1x2048xf32>
    %eq3A_1691 = arith.cmpf oeq, %dot_general3A_1654, %eq3A_1690 : vector<1x2048xf32>
    %convert_element_type3A_1692 = arith.extui %eq3A_1691 : vector<1x2048xi1> to vector<1x2048xi32>
    %convert_element_type3A_1693 = arith.sitofp %convert_element_type3A_1692 : vector<1x2048xi32> to vector<1x2048xf32>
    %eq3A_1694 = arith.constant 5.000000e+00 : f32
    %eq3A_1695 = vector.broadcast %eq3A_1694 : f32 to vector<1x2048xf32>
    %eq3A_1696 = arith.cmpf oeq, %dot_general3A_1654, %eq3A_1695 : vector<1x2048xf32>
    %convert_element_type3A_1697 = arith.extui %eq3A_1696 : vector<1x2048xi1> to vector<1x2048xi32>
    %convert_element_type3A_1698 = arith.sitofp %convert_element_type3A_1697 : vector<1x2048xi32> to vector<1x2048xf32>
    %eq3A_1699 = arith.constant 6.000000e+00 : f32
    %eq3A_1700 = vector.broadcast %eq3A_1699 : f32 to vector<1x2048xf32>
    %eq3A_1701 = arith.cmpf oeq, %dot_general3A_1654, %eq3A_1700 : vector<1x2048xf32>
    %convert_element_type3A_1702 = arith.extui %eq3A_1701 : vector<1x2048xi1> to vector<1x2048xi32>
    %convert_element_type3A_1703 = arith.sitofp %convert_element_type3A_1702 : vector<1x2048xi32> to vector<1x2048xf32>
    %eq3A_1704 = arith.constant 7.000000e+00 : f32
    %eq3A_1705 = vector.broadcast %eq3A_1704 : f32 to vector<1x2048xf32>
    %eq3A_1706 = arith.cmpf oeq, %dot_general3A_1654, %eq3A_1705 : vector<1x2048xf32>
    %convert_element_type3A_1707 = arith.extui %eq3A_1706 : vector<1x2048xi1> to vector<1x2048xi32>
    %convert_element_type3A_1708 = arith.sitofp %convert_element_type3A_1707 : vector<1x2048xi32> to vector<1x2048xf32>
    %eq3A_1709 = arith.constant 8.000000e+00 : f32
    %eq3A_1710 = vector.broadcast %eq3A_1709 : f32 to vector<1x2048xf32>
    %eq3A_1711 = arith.cmpf oeq, %dot_general3A_1654, %eq3A_1710 : vector<1x2048xf32>
    %convert_element_type3A_1712 = arith.extui %eq3A_1711 : vector<1x2048xi1> to vector<1x2048xi32>
    %convert_element_type3A_1713 = arith.sitofp %convert_element_type3A_1712 : vector<1x2048xi32> to vector<1x2048xf32>
    %eq3A_1714 = arith.constant 9.000000e+00 : f32
    %eq3A_1715 = vector.broadcast %eq3A_1714 : f32 to vector<1x2048xf32>
    %eq3A_1716 = arith.cmpf oeq, %dot_general3A_1654, %eq3A_1715 : vector<1x2048xf32>
    %convert_element_type3A_1717 = arith.extui %eq3A_1716 : vector<1x2048xi1> to vector<1x2048xi32>
    %convert_element_type3A_1718 = arith.sitofp %convert_element_type3A_1717 : vector<1x2048xi32> to vector<1x2048xf32>
    %eq3A_1719 = arith.constant 1.000000e+01 : f32
    %eq3A_1720 = vector.broadcast %eq3A_1719 : f32 to vector<1x2048xf32>
    %eq3A_1721 = arith.cmpf oeq, %dot_general3A_1654, %eq3A_1720 : vector<1x2048xf32>
    %convert_element_type3A_1722 = arith.extui %eq3A_1721 : vector<1x2048xi1> to vector<1x2048xi32>
    %convert_element_type3A_1723 = arith.sitofp %convert_element_type3A_1722 : vector<1x2048xi32> to vector<1x2048xf32>
    %eq3A_1724 = arith.constant 1.100000e+01 : f32
    %eq3A_1725 = vector.broadcast %eq3A_1724 : f32 to vector<1x2048xf32>
    %eq3A_1726 = arith.cmpf oeq, %dot_general3A_1654, %eq3A_1725 : vector<1x2048xf32>
    %convert_element_type3A_1727 = arith.extui %eq3A_1726 : vector<1x2048xi1> to vector<1x2048xi32>
    %convert_element_type3A_1728 = arith.sitofp %convert_element_type3A_1727 : vector<1x2048xi32> to vector<1x2048xf32>
    %eq3A_1729 = arith.constant 1.200000e+01 : f32
    %eq3A_1730 = vector.broadcast %eq3A_1729 : f32 to vector<1x2048xf32>
    %eq3A_1731 = arith.cmpf oeq, %dot_general3A_1654, %eq3A_1730 : vector<1x2048xf32>
    %convert_element_type3A_1732 = arith.extui %eq3A_1731 : vector<1x2048xi1> to vector<1x2048xi32>
    %convert_element_type3A_1733 = arith.sitofp %convert_element_type3A_1732 : vector<1x2048xi32> to vector<1x2048xf32>
    %eq3A_1734 = arith.constant 1.300000e+01 : f32
    %eq3A_1735 = vector.broadcast %eq3A_1734 : f32 to vector<1x2048xf32>
    %eq3A_1736 = arith.cmpf oeq, %dot_general3A_1654, %eq3A_1735 : vector<1x2048xf32>
    %convert_element_type3A_1737 = arith.extui %eq3A_1736 : vector<1x2048xi1> to vector<1x2048xi32>
    %convert_element_type3A_1738 = arith.sitofp %convert_element_type3A_1737 : vector<1x2048xi32> to vector<1x2048xf32>
    %eq3A_1739 = arith.constant 1.400000e+01 : f32
    %eq3A_1740 = vector.broadcast %eq3A_1739 : f32 to vector<1x2048xf32>
    %eq3A_1741 = arith.cmpf oeq, %dot_general3A_1654, %eq3A_1740 : vector<1x2048xf32>
    %convert_element_type3A_1742 = arith.extui %eq3A_1741 : vector<1x2048xi1> to vector<1x2048xi32>
    %convert_element_type3A_1743 = arith.sitofp %convert_element_type3A_1742 : vector<1x2048xi32> to vector<1x2048xf32>
    %eq3A_1744 = arith.constant 1.500000e+01 : f32
    %eq3A_1745 = vector.broadcast %eq3A_1744 : f32 to vector<1x2048xf32>
    %eq3A_1746 = arith.cmpf oeq, %dot_general3A_1654, %eq3A_1745 : vector<1x2048xf32>
    %convert_element_type3A_1747 = arith.extui %eq3A_1746 : vector<1x2048xi1> to vector<1x2048xi32>
    %convert_element_type3A_1748 = arith.sitofp %convert_element_type3A_1747 : vector<1x2048xi32> to vector<1x2048xf32>
    %eq3A_1749 = arith.constant 1.600000e+01 : f32
    %eq3A_1750 = vector.broadcast %eq3A_1749 : f32 to vector<1x2048xf32>
    %eq3A_1751 = arith.cmpf oeq, %dot_general3A_1654, %eq3A_1750 : vector<1x2048xf32>
    %convert_element_type3A_1752 = arith.extui %eq3A_1751 : vector<1x2048xi1> to vector<1x2048xi32>
    %convert_element_type3A_1753 = arith.sitofp %convert_element_type3A_1752 : vector<1x2048xi32> to vector<1x2048xf32>
    %eq3A_1754 = arith.constant 1.700000e+01 : f32
    %eq3A_1755 = vector.broadcast %eq3A_1754 : f32 to vector<1x2048xf32>
    %eq3A_1756 = arith.cmpf oeq, %dot_general3A_1654, %eq3A_1755 : vector<1x2048xf32>
    %convert_element_type3A_1757 = arith.extui %eq3A_1756 : vector<1x2048xi1> to vector<1x2048xi32>
    %convert_element_type3A_1758 = arith.sitofp %convert_element_type3A_1757 : vector<1x2048xi32> to vector<1x2048xf32>
    %eq3A_1759 = arith.constant 1.800000e+01 : f32
    %eq3A_1760 = vector.broadcast %eq3A_1759 : f32 to vector<1x2048xf32>
    %eq3A_1761 = arith.cmpf oeq, %dot_general3A_1654, %eq3A_1760 : vector<1x2048xf32>
    %convert_element_type3A_1762 = arith.extui %eq3A_1761 : vector<1x2048xi1> to vector<1x2048xi32>
    %convert_element_type3A_1763 = arith.sitofp %convert_element_type3A_1762 : vector<1x2048xi32> to vector<1x2048xf32>
    %eq3A_1764 = arith.constant 1.900000e+01 : f32
    %eq3A_1765 = vector.broadcast %eq3A_1764 : f32 to vector<1x2048xf32>
    %eq3A_1766 = arith.cmpf oeq, %dot_general3A_1654, %eq3A_1765 : vector<1x2048xf32>
    %convert_element_type3A_1767 = arith.extui %eq3A_1766 : vector<1x2048xi1> to vector<1x2048xi32>
    %convert_element_type3A_1768 = arith.sitofp %convert_element_type3A_1767 : vector<1x2048xi32> to vector<1x2048xf32>
    %eq3A_1769 = arith.constant 2.000000e+01 : f32
    %eq3A_1770 = vector.broadcast %eq3A_1769 : f32 to vector<1x2048xf32>
    %eq3A_1771 = arith.cmpf oeq, %dot_general3A_1654, %eq3A_1770 : vector<1x2048xf32>
    %convert_element_type3A_1772 = arith.extui %eq3A_1771 : vector<1x2048xi1> to vector<1x2048xi32>
    %convert_element_type3A_1773 = arith.sitofp %convert_element_type3A_1772 : vector<1x2048xi32> to vector<1x2048xf32>
    %eq3A_1774 = arith.constant 2.100000e+01 : f32
    %eq3A_1775 = vector.broadcast %eq3A_1774 : f32 to vector<1x2048xf32>
    %eq3A_1776 = arith.cmpf oeq, %dot_general3A_1654, %eq3A_1775 : vector<1x2048xf32>
    %convert_element_type3A_1777 = arith.extui %eq3A_1776 : vector<1x2048xi1> to vector<1x2048xi32>
    %convert_element_type3A_1778 = arith.sitofp %convert_element_type3A_1777 : vector<1x2048xi32> to vector<1x2048xf32>
    %eq3A_1779 = arith.constant 2.200000e+01 : f32
    %eq3A_1780 = vector.broadcast %eq3A_1779 : f32 to vector<1x2048xf32>
    %eq3A_1781 = arith.cmpf oeq, %dot_general3A_1654, %eq3A_1780 : vector<1x2048xf32>
    %convert_element_type3A_1782 = arith.extui %eq3A_1781 : vector<1x2048xi1> to vector<1x2048xi32>
    %convert_element_type3A_1783 = arith.sitofp %convert_element_type3A_1782 : vector<1x2048xi32> to vector<1x2048xf32>
    %eq3A_1784 = arith.constant 2.300000e+01 : f32
    %eq3A_1785 = vector.broadcast %eq3A_1784 : f32 to vector<1x2048xf32>
    %eq3A_1786 = arith.cmpf oeq, %dot_general3A_1654, %eq3A_1785 : vector<1x2048xf32>
    %convert_element_type3A_1787 = arith.extui %eq3A_1786 : vector<1x2048xi1> to vector<1x2048xi32>
    %convert_element_type3A_1788 = arith.sitofp %convert_element_type3A_1787 : vector<1x2048xi32> to vector<1x2048xf32>
    %eq3A_1789 = arith.constant 2.400000e+01 : f32
    %eq3A_1790 = vector.broadcast %eq3A_1789 : f32 to vector<1x2048xf32>
    %eq3A_1791 = arith.cmpf oeq, %dot_general3A_1654, %eq3A_1790 : vector<1x2048xf32>
    %convert_element_type3A_1792 = arith.extui %eq3A_1791 : vector<1x2048xi1> to vector<1x2048xi32>
    %convert_element_type3A_1793 = arith.sitofp %convert_element_type3A_1792 : vector<1x2048xi32> to vector<1x2048xf32>
    %eq3A_1794 = arith.constant 2.500000e+01 : f32
    %eq3A_1795 = vector.broadcast %eq3A_1794 : f32 to vector<1x2048xf32>
    %eq3A_1796 = arith.cmpf oeq, %dot_general3A_1654, %eq3A_1795 : vector<1x2048xf32>
    %convert_element_type3A_1797 = arith.extui %eq3A_1796 : vector<1x2048xi1> to vector<1x2048xi32>
    %convert_element_type3A_1798 = arith.sitofp %convert_element_type3A_1797 : vector<1x2048xi32> to vector<1x2048xf32>
    %eq3A_1799 = arith.constant 2.600000e+01 : f32
    %eq3A_1800 = vector.broadcast %eq3A_1799 : f32 to vector<1x2048xf32>
    %eq3A_1801 = arith.cmpf oeq, %dot_general3A_1654, %eq3A_1800 : vector<1x2048xf32>
    %convert_element_type3A_1802 = arith.extui %eq3A_1801 : vector<1x2048xi1> to vector<1x2048xi32>
    %convert_element_type3A_1803 = arith.sitofp %convert_element_type3A_1802 : vector<1x2048xi32> to vector<1x2048xf32>
    %eq3A_1804 = arith.constant 2.700000e+01 : f32
    %eq3A_1805 = vector.broadcast %eq3A_1804 : f32 to vector<1x2048xf32>
    %eq3A_1806 = arith.cmpf oeq, %dot_general3A_1654, %eq3A_1805 : vector<1x2048xf32>
    %convert_element_type3A_1807 = arith.extui %eq3A_1806 : vector<1x2048xi1> to vector<1x2048xi32>
    %convert_element_type3A_1808 = arith.sitofp %convert_element_type3A_1807 : vector<1x2048xi32> to vector<1x2048xf32>
    %eq3A_1809 = arith.constant 2.800000e+01 : f32
    %eq3A_1810 = vector.broadcast %eq3A_1809 : f32 to vector<1x2048xf32>
    %eq3A_1811 = arith.cmpf oeq, %dot_general3A_1654, %eq3A_1810 : vector<1x2048xf32>
    %convert_element_type3A_1812 = arith.extui %eq3A_1811 : vector<1x2048xi1> to vector<1x2048xi32>
    %convert_element_type3A_1813 = arith.sitofp %convert_element_type3A_1812 : vector<1x2048xi32> to vector<1x2048xf32>
    %eq3A_1814 = arith.constant 2.900000e+01 : f32
    %eq3A_1815 = vector.broadcast %eq3A_1814 : f32 to vector<1x2048xf32>
    %eq3A_1816 = arith.cmpf oeq, %dot_general3A_1654, %eq3A_1815 : vector<1x2048xf32>
    %convert_element_type3A_1817 = arith.extui %eq3A_1816 : vector<1x2048xi1> to vector<1x2048xi32>
    %convert_element_type3A_1818 = arith.sitofp %convert_element_type3A_1817 : vector<1x2048xi32> to vector<1x2048xf32>
    %eq3A_1819 = arith.constant 3.000000e+01 : f32
    %eq3A_1820 = vector.broadcast %eq3A_1819 : f32 to vector<1x2048xf32>
    %eq3A_1821 = arith.cmpf oeq, %dot_general3A_1654, %eq3A_1820 : vector<1x2048xf32>
    %convert_element_type3A_1822 = arith.extui %eq3A_1821 : vector<1x2048xi1> to vector<1x2048xi32>
    %convert_element_type3A_1823 = arith.sitofp %convert_element_type3A_1822 : vector<1x2048xi32> to vector<1x2048xf32>
    %eq3A_1824 = arith.constant 3.100000e+01 : f32
    %eq3A_1825 = vector.broadcast %eq3A_1824 : f32 to vector<1x2048xf32>
    %eq3A_1826 = arith.cmpf oeq, %dot_general3A_1654, %eq3A_1825 : vector<1x2048xf32>
    %convert_element_type3A_1827 = arith.extui %eq3A_1826 : vector<1x2048xi1> to vector<1x2048xi32>
    %convert_element_type3A_1828 = arith.sitofp %convert_element_type3A_1827 : vector<1x2048xi32> to vector<1x2048xf32>
    %broadcast_in_dim3A_1829 = arith.constant 0.000000e+00 : f32
    %broadcast_in_dim3A_1830 = vector.broadcast %broadcast_in_dim3A_1829 : f32 to vector<8x2048xf32>
    %add3A_1831 = vector.broadcast %slice3A_1668 : vector<1x2048xf32> to vector<8x2048xf32>
    %add3A_1832 = arith.addf %broadcast_in_dim3A_1830, %add3A_1831 : vector<8x2048xf32>
    %slice3A_1833 = vector.extract_strided_slice %reshape3A_1667 {offsets = [0, 0, 0], sizes = [1, 8, 2048], strides = [1, 1, 1]} : vector<32x64x2048xf32> to vector<1x8x2048xf32>
    %squeeze3A_1834 = vector.shape_cast %slice3A_1833 : vector<1x8x2048xf32> to vector<8x2048xf32>
    %mul3A_1835 = vector.broadcast %convert_element_type3A_1673 : vector<1x2048xf32> to vector<8x2048xf32>
    %mul3A_1836 = arith.mulf %squeeze3A_1834, %mul3A_1835 : vector<8x2048xf32>
    %add3A_1837 = arith.addf %add3A_1832, %mul3A_1836 : vector<8x2048xf32>
    %slice3A_1838 = vector.extract_strided_slice %reshape3A_1667 {offsets = [1, 0, 0], sizes = [1, 8, 2048], strides = [1, 1, 1]} : vector<32x64x2048xf32> to vector<1x8x2048xf32>
    %squeeze3A_1839 = vector.shape_cast %slice3A_1838 : vector<1x8x2048xf32> to vector<8x2048xf32>
    %mul3A_1840 = vector.broadcast %convert_element_type3A_1678 : vector<1x2048xf32> to vector<8x2048xf32>
    %mul3A_1841 = arith.mulf %squeeze3A_1839, %mul3A_1840 : vector<8x2048xf32>
    %add3A_1842 = arith.addf %add3A_1837, %mul3A_1841 : vector<8x2048xf32>
    %slice3A_1843 = vector.extract_strided_slice %reshape3A_1667 {offsets = [2, 0, 0], sizes = [1, 8, 2048], strides = [1, 1, 1]} : vector<32x64x2048xf32> to vector<1x8x2048xf32>
    %squeeze3A_1844 = vector.shape_cast %slice3A_1843 : vector<1x8x2048xf32> to vector<8x2048xf32>
    %mul3A_1845 = vector.broadcast %convert_element_type3A_1683 : vector<1x2048xf32> to vector<8x2048xf32>
    %mul3A_1846 = arith.mulf %squeeze3A_1844, %mul3A_1845 : vector<8x2048xf32>
    %add3A_1847 = arith.addf %add3A_1842, %mul3A_1846 : vector<8x2048xf32>
    %slice3A_1848 = vector.extract_strided_slice %reshape3A_1667 {offsets = [3, 0, 0], sizes = [1, 8, 2048], strides = [1, 1, 1]} : vector<32x64x2048xf32> to vector<1x8x2048xf32>
    %squeeze3A_1849 = vector.shape_cast %slice3A_1848 : vector<1x8x2048xf32> to vector<8x2048xf32>
    %mul3A_1850 = vector.broadcast %convert_element_type3A_1688 : vector<1x2048xf32> to vector<8x2048xf32>
    %mul3A_1851 = arith.mulf %squeeze3A_1849, %mul3A_1850 : vector<8x2048xf32>
    %add3A_1852 = arith.addf %add3A_1847, %mul3A_1851 : vector<8x2048xf32>
    %slice3A_1853 = vector.extract_strided_slice %reshape3A_1667 {offsets = [4, 0, 0], sizes = [1, 8, 2048], strides = [1, 1, 1]} : vector<32x64x2048xf32> to vector<1x8x2048xf32>
    %squeeze3A_1854 = vector.shape_cast %slice3A_1853 : vector<1x8x2048xf32> to vector<8x2048xf32>
    %mul3A_1855 = vector.broadcast %convert_element_type3A_1693 : vector<1x2048xf32> to vector<8x2048xf32>
    %mul3A_1856 = arith.mulf %squeeze3A_1854, %mul3A_1855 : vector<8x2048xf32>
    %add3A_1857 = arith.addf %add3A_1852, %mul3A_1856 : vector<8x2048xf32>
    %slice3A_1858 = vector.extract_strided_slice %reshape3A_1667 {offsets = [5, 0, 0], sizes = [1, 8, 2048], strides = [1, 1, 1]} : vector<32x64x2048xf32> to vector<1x8x2048xf32>
    %squeeze3A_1859 = vector.shape_cast %slice3A_1858 : vector<1x8x2048xf32> to vector<8x2048xf32>
    %mul3A_1860 = vector.broadcast %convert_element_type3A_1698 : vector<1x2048xf32> to vector<8x2048xf32>
    %mul3A_1861 = arith.mulf %squeeze3A_1859, %mul3A_1860 : vector<8x2048xf32>
    %add3A_1862 = arith.addf %add3A_1857, %mul3A_1861 : vector<8x2048xf32>
    %slice3A_1863 = vector.extract_strided_slice %reshape3A_1667 {offsets = [6, 0, 0], sizes = [1, 8, 2048], strides = [1, 1, 1]} : vector<32x64x2048xf32> to vector<1x8x2048xf32>
    %squeeze3A_1864 = vector.shape_cast %slice3A_1863 : vector<1x8x2048xf32> to vector<8x2048xf32>
    %mul3A_1865 = vector.broadcast %convert_element_type3A_1703 : vector<1x2048xf32> to vector<8x2048xf32>
    %mul3A_1866 = arith.mulf %squeeze3A_1864, %mul3A_1865 : vector<8x2048xf32>
    %add3A_1867 = arith.addf %add3A_1862, %mul3A_1866 : vector<8x2048xf32>
    %slice3A_1868 = vector.extract_strided_slice %reshape3A_1667 {offsets = [7, 0, 0], sizes = [1, 8, 2048], strides = [1, 1, 1]} : vector<32x64x2048xf32> to vector<1x8x2048xf32>
    %squeeze3A_1869 = vector.shape_cast %slice3A_1868 : vector<1x8x2048xf32> to vector<8x2048xf32>
    %mul3A_1870 = vector.broadcast %convert_element_type3A_1708 : vector<1x2048xf32> to vector<8x2048xf32>
    %mul3A_1871 = arith.mulf %squeeze3A_1869, %mul3A_1870 : vector<8x2048xf32>
    %add3A_1872 = arith.addf %add3A_1867, %mul3A_1871 : vector<8x2048xf32>
    %slice3A_1873 = vector.extract_strided_slice %reshape3A_1667 {offsets = [8, 0, 0], sizes = [1, 8, 2048], strides = [1, 1, 1]} : vector<32x64x2048xf32> to vector<1x8x2048xf32>
    %squeeze3A_1874 = vector.shape_cast %slice3A_1873 : vector<1x8x2048xf32> to vector<8x2048xf32>
    %mul3A_1875 = vector.broadcast %convert_element_type3A_1713 : vector<1x2048xf32> to vector<8x2048xf32>
    %mul3A_1876 = arith.mulf %squeeze3A_1874, %mul3A_1875 : vector<8x2048xf32>
    %add3A_1877 = arith.addf %add3A_1872, %mul3A_1876 : vector<8x2048xf32>
    %slice3A_1878 = vector.extract_strided_slice %reshape3A_1667 {offsets = [9, 0, 0], sizes = [1, 8, 2048], strides = [1, 1, 1]} : vector<32x64x2048xf32> to vector<1x8x2048xf32>
    %squeeze3A_1879 = vector.shape_cast %slice3A_1878 : vector<1x8x2048xf32> to vector<8x2048xf32>
    %mul3A_1880 = vector.broadcast %convert_element_type3A_1718 : vector<1x2048xf32> to vector<8x2048xf32>
    %mul3A_1881 = arith.mulf %squeeze3A_1879, %mul3A_1880 : vector<8x2048xf32>
    %add3A_1882 = arith.addf %add3A_1877, %mul3A_1881 : vector<8x2048xf32>
    %slice3A_1883 = vector.extract_strided_slice %reshape3A_1667 {offsets = [10, 0, 0], sizes = [1, 8, 2048], strides = [1, 1, 1]} : vector<32x64x2048xf32> to vector<1x8x2048xf32>
    %squeeze3A_1884 = vector.shape_cast %slice3A_1883 : vector<1x8x2048xf32> to vector<8x2048xf32>
    %mul3A_1885 = vector.broadcast %convert_element_type3A_1723 : vector<1x2048xf32> to vector<8x2048xf32>
    %mul3A_1886 = arith.mulf %squeeze3A_1884, %mul3A_1885 : vector<8x2048xf32>
    %add3A_1887 = arith.addf %add3A_1882, %mul3A_1886 : vector<8x2048xf32>
    %slice3A_1888 = vector.extract_strided_slice %reshape3A_1667 {offsets = [11, 0, 0], sizes = [1, 8, 2048], strides = [1, 1, 1]} : vector<32x64x2048xf32> to vector<1x8x2048xf32>
    %squeeze3A_1889 = vector.shape_cast %slice3A_1888 : vector<1x8x2048xf32> to vector<8x2048xf32>
    %mul3A_1890 = vector.broadcast %convert_element_type3A_1728 : vector<1x2048xf32> to vector<8x2048xf32>
    %mul3A_1891 = arith.mulf %squeeze3A_1889, %mul3A_1890 : vector<8x2048xf32>
    %add3A_1892 = arith.addf %add3A_1887, %mul3A_1891 : vector<8x2048xf32>
    %slice3A_1893 = vector.extract_strided_slice %reshape3A_1667 {offsets = [12, 0, 0], sizes = [1, 8, 2048], strides = [1, 1, 1]} : vector<32x64x2048xf32> to vector<1x8x2048xf32>
    %squeeze3A_1894 = vector.shape_cast %slice3A_1893 : vector<1x8x2048xf32> to vector<8x2048xf32>
    %mul3A_1895 = vector.broadcast %convert_element_type3A_1733 : vector<1x2048xf32> to vector<8x2048xf32>
    %mul3A_1896 = arith.mulf %squeeze3A_1894, %mul3A_1895 : vector<8x2048xf32>
    %add3A_1897 = arith.addf %add3A_1892, %mul3A_1896 : vector<8x2048xf32>
    %slice3A_1898 = vector.extract_strided_slice %reshape3A_1667 {offsets = [13, 0, 0], sizes = [1, 8, 2048], strides = [1, 1, 1]} : vector<32x64x2048xf32> to vector<1x8x2048xf32>
    %squeeze3A_1899 = vector.shape_cast %slice3A_1898 : vector<1x8x2048xf32> to vector<8x2048xf32>
    %mul3A_1900 = vector.broadcast %convert_element_type3A_1738 : vector<1x2048xf32> to vector<8x2048xf32>
    %mul3A_1901 = arith.mulf %squeeze3A_1899, %mul3A_1900 : vector<8x2048xf32>
    %add3A_1902 = arith.addf %add3A_1897, %mul3A_1901 : vector<8x2048xf32>
    %slice3A_1903 = vector.extract_strided_slice %reshape3A_1667 {offsets = [14, 0, 0], sizes = [1, 8, 2048], strides = [1, 1, 1]} : vector<32x64x2048xf32> to vector<1x8x2048xf32>
    %squeeze3A_1904 = vector.shape_cast %slice3A_1903 : vector<1x8x2048xf32> to vector<8x2048xf32>
    %mul3A_1905 = vector.broadcast %convert_element_type3A_1743 : vector<1x2048xf32> to vector<8x2048xf32>
    %mul3A_1906 = arith.mulf %squeeze3A_1904, %mul3A_1905 : vector<8x2048xf32>
    %add3A_1907 = arith.addf %add3A_1902, %mul3A_1906 : vector<8x2048xf32>
    %slice3A_1908 = vector.extract_strided_slice %reshape3A_1667 {offsets = [15, 0, 0], sizes = [1, 8, 2048], strides = [1, 1, 1]} : vector<32x64x2048xf32> to vector<1x8x2048xf32>
    %squeeze3A_1909 = vector.shape_cast %slice3A_1908 : vector<1x8x2048xf32> to vector<8x2048xf32>
    %mul3A_1910 = vector.broadcast %convert_element_type3A_1748 : vector<1x2048xf32> to vector<8x2048xf32>
    %mul3A_1911 = arith.mulf %squeeze3A_1909, %mul3A_1910 : vector<8x2048xf32>
    %add3A_1912 = arith.addf %add3A_1907, %mul3A_1911 : vector<8x2048xf32>
    %slice3A_1913 = vector.extract_strided_slice %reshape3A_1667 {offsets = [16, 0, 0], sizes = [1, 8, 2048], strides = [1, 1, 1]} : vector<32x64x2048xf32> to vector<1x8x2048xf32>
    %squeeze3A_1914 = vector.shape_cast %slice3A_1913 : vector<1x8x2048xf32> to vector<8x2048xf32>
    %mul3A_1915 = vector.broadcast %convert_element_type3A_1753 : vector<1x2048xf32> to vector<8x2048xf32>
    %mul3A_1916 = arith.mulf %squeeze3A_1914, %mul3A_1915 : vector<8x2048xf32>
    %add3A_1917 = arith.addf %add3A_1912, %mul3A_1916 : vector<8x2048xf32>
    %slice3A_1918 = vector.extract_strided_slice %reshape3A_1667 {offsets = [17, 0, 0], sizes = [1, 8, 2048], strides = [1, 1, 1]} : vector<32x64x2048xf32> to vector<1x8x2048xf32>
    %squeeze3A_1919 = vector.shape_cast %slice3A_1918 : vector<1x8x2048xf32> to vector<8x2048xf32>
    %mul3A_1920 = vector.broadcast %convert_element_type3A_1758 : vector<1x2048xf32> to vector<8x2048xf32>
    %mul3A_1921 = arith.mulf %squeeze3A_1919, %mul3A_1920 : vector<8x2048xf32>
    %add3A_1922 = arith.addf %add3A_1917, %mul3A_1921 : vector<8x2048xf32>
    %slice3A_1923 = vector.extract_strided_slice %reshape3A_1667 {offsets = [18, 0, 0], sizes = [1, 8, 2048], strides = [1, 1, 1]} : vector<32x64x2048xf32> to vector<1x8x2048xf32>
    %squeeze3A_1924 = vector.shape_cast %slice3A_1923 : vector<1x8x2048xf32> to vector<8x2048xf32>
    %mul3A_1925 = vector.broadcast %convert_element_type3A_1763 : vector<1x2048xf32> to vector<8x2048xf32>
    %mul3A_1926 = arith.mulf %squeeze3A_1924, %mul3A_1925 : vector<8x2048xf32>
    %add3A_1927 = arith.addf %add3A_1922, %mul3A_1926 : vector<8x2048xf32>
    %slice3A_1928 = vector.extract_strided_slice %reshape3A_1667 {offsets = [19, 0, 0], sizes = [1, 8, 2048], strides = [1, 1, 1]} : vector<32x64x2048xf32> to vector<1x8x2048xf32>
    %squeeze3A_1929 = vector.shape_cast %slice3A_1928 : vector<1x8x2048xf32> to vector<8x2048xf32>
    %mul3A_1930 = vector.broadcast %convert_element_type3A_1768 : vector<1x2048xf32> to vector<8x2048xf32>
    %mul3A_1931 = arith.mulf %squeeze3A_1929, %mul3A_1930 : vector<8x2048xf32>
    %add3A_1932 = arith.addf %add3A_1927, %mul3A_1931 : vector<8x2048xf32>
    %slice3A_1933 = vector.extract_strided_slice %reshape3A_1667 {offsets = [20, 0, 0], sizes = [1, 8, 2048], strides = [1, 1, 1]} : vector<32x64x2048xf32> to vector<1x8x2048xf32>
    %squeeze3A_1934 = vector.shape_cast %slice3A_1933 : vector<1x8x2048xf32> to vector<8x2048xf32>
    %mul3A_1935 = vector.broadcast %convert_element_type3A_1773 : vector<1x2048xf32> to vector<8x2048xf32>
    %mul3A_1936 = arith.mulf %squeeze3A_1934, %mul3A_1935 : vector<8x2048xf32>
    %add3A_1937 = arith.addf %add3A_1932, %mul3A_1936 : vector<8x2048xf32>
    %slice3A_1938 = vector.extract_strided_slice %reshape3A_1667 {offsets = [21, 0, 0], sizes = [1, 8, 2048], strides = [1, 1, 1]} : vector<32x64x2048xf32> to vector<1x8x2048xf32>
    %squeeze3A_1939 = vector.shape_cast %slice3A_1938 : vector<1x8x2048xf32> to vector<8x2048xf32>
    %mul3A_1940 = vector.broadcast %convert_element_type3A_1778 : vector<1x2048xf32> to vector<8x2048xf32>
    %mul3A_1941 = arith.mulf %squeeze3A_1939, %mul3A_1940 : vector<8x2048xf32>
    %add3A_1942 = arith.addf %add3A_1937, %mul3A_1941 : vector<8x2048xf32>
    %slice3A_1943 = vector.extract_strided_slice %reshape3A_1667 {offsets = [22, 0, 0], sizes = [1, 8, 2048], strides = [1, 1, 1]} : vector<32x64x2048xf32> to vector<1x8x2048xf32>
    %squeeze3A_1944 = vector.shape_cast %slice3A_1943 : vector<1x8x2048xf32> to vector<8x2048xf32>
    %mul3A_1945 = vector.broadcast %convert_element_type3A_1783 : vector<1x2048xf32> to vector<8x2048xf32>
    %mul3A_1946 = arith.mulf %squeeze3A_1944, %mul3A_1945 : vector<8x2048xf32>
    %add3A_1947 = arith.addf %add3A_1942, %mul3A_1946 : vector<8x2048xf32>
    %slice3A_1948 = vector.extract_strided_slice %reshape3A_1667 {offsets = [23, 0, 0], sizes = [1, 8, 2048], strides = [1, 1, 1]} : vector<32x64x2048xf32> to vector<1x8x2048xf32>
    %squeeze3A_1949 = vector.shape_cast %slice3A_1948 : vector<1x8x2048xf32> to vector<8x2048xf32>
    %mul3A_1950 = vector.broadcast %convert_element_type3A_1788 : vector<1x2048xf32> to vector<8x2048xf32>
    %mul3A_1951 = arith.mulf %squeeze3A_1949, %mul3A_1950 : vector<8x2048xf32>
    %add3A_1952 = arith.addf %add3A_1947, %mul3A_1951 : vector<8x2048xf32>
    %slice3A_1953 = vector.extract_strided_slice %reshape3A_1667 {offsets = [24, 0, 0], sizes = [1, 8, 2048], strides = [1, 1, 1]} : vector<32x64x2048xf32> to vector<1x8x2048xf32>
    %squeeze3A_1954 = vector.shape_cast %slice3A_1953 : vector<1x8x2048xf32> to vector<8x2048xf32>
    %mul3A_1955 = vector.broadcast %convert_element_type3A_1793 : vector<1x2048xf32> to vector<8x2048xf32>
    %mul3A_1956 = arith.mulf %squeeze3A_1954, %mul3A_1955 : vector<8x2048xf32>
    %add3A_1957 = arith.addf %add3A_1952, %mul3A_1956 : vector<8x2048xf32>
    %slice3A_1958 = vector.extract_strided_slice %reshape3A_1667 {offsets = [25, 0, 0], sizes = [1, 8, 2048], strides = [1, 1, 1]} : vector<32x64x2048xf32> to vector<1x8x2048xf32>
    %squeeze3A_1959 = vector.shape_cast %slice3A_1958 : vector<1x8x2048xf32> to vector<8x2048xf32>
    %mul3A_1960 = vector.broadcast %convert_element_type3A_1798 : vector<1x2048xf32> to vector<8x2048xf32>
    %mul3A_1961 = arith.mulf %squeeze3A_1959, %mul3A_1960 : vector<8x2048xf32>
    %add3A_1962 = arith.addf %add3A_1957, %mul3A_1961 : vector<8x2048xf32>
    %slice3A_1963 = vector.extract_strided_slice %reshape3A_1667 {offsets = [26, 0, 0], sizes = [1, 8, 2048], strides = [1, 1, 1]} : vector<32x64x2048xf32> to vector<1x8x2048xf32>
    %squeeze3A_1964 = vector.shape_cast %slice3A_1963 : vector<1x8x2048xf32> to vector<8x2048xf32>
    %mul3A_1965 = vector.broadcast %convert_element_type3A_1803 : vector<1x2048xf32> to vector<8x2048xf32>
    %mul3A_1966 = arith.mulf %squeeze3A_1964, %mul3A_1965 : vector<8x2048xf32>
    %add3A_1967 = arith.addf %add3A_1962, %mul3A_1966 : vector<8x2048xf32>
    %slice3A_1968 = vector.extract_strided_slice %reshape3A_1667 {offsets = [27, 0, 0], sizes = [1, 8, 2048], strides = [1, 1, 1]} : vector<32x64x2048xf32> to vector<1x8x2048xf32>
    %squeeze3A_1969 = vector.shape_cast %slice3A_1968 : vector<1x8x2048xf32> to vector<8x2048xf32>
    %mul3A_1970 = vector.broadcast %convert_element_type3A_1808 : vector<1x2048xf32> to vector<8x2048xf32>
    %mul3A_1971 = arith.mulf %squeeze3A_1969, %mul3A_1970 : vector<8x2048xf32>
    %add3A_1972 = arith.addf %add3A_1967, %mul3A_1971 : vector<8x2048xf32>
    %slice3A_1973 = vector.extract_strided_slice %reshape3A_1667 {offsets = [28, 0, 0], sizes = [1, 8, 2048], strides = [1, 1, 1]} : vector<32x64x2048xf32> to vector<1x8x2048xf32>
    %squeeze3A_1974 = vector.shape_cast %slice3A_1973 : vector<1x8x2048xf32> to vector<8x2048xf32>
    %mul3A_1975 = vector.broadcast %convert_element_type3A_1813 : vector<1x2048xf32> to vector<8x2048xf32>
    %mul3A_1976 = arith.mulf %squeeze3A_1974, %mul3A_1975 : vector<8x2048xf32>
    %add3A_1977 = arith.addf %add3A_1972, %mul3A_1976 : vector<8x2048xf32>
    %slice3A_1978 = vector.extract_strided_slice %reshape3A_1667 {offsets = [29, 0, 0], sizes = [1, 8, 2048], strides = [1, 1, 1]} : vector<32x64x2048xf32> to vector<1x8x2048xf32>
    %squeeze3A_1979 = vector.shape_cast %slice3A_1978 : vector<1x8x2048xf32> to vector<8x2048xf32>
    %mul3A_1980 = vector.broadcast %convert_element_type3A_1818 : vector<1x2048xf32> to vector<8x2048xf32>
    %mul3A_1981 = arith.mulf %squeeze3A_1979, %mul3A_1980 : vector<8x2048xf32>
    %add3A_1982 = arith.addf %add3A_1977, %mul3A_1981 : vector<8x2048xf32>
    %slice3A_1983 = vector.extract_strided_slice %reshape3A_1667 {offsets = [30, 0, 0], sizes = [1, 8, 2048], strides = [1, 1, 1]} : vector<32x64x2048xf32> to vector<1x8x2048xf32>
    %squeeze3A_1984 = vector.shape_cast %slice3A_1983 : vector<1x8x2048xf32> to vector<8x2048xf32>
    %mul3A_1985 = vector.broadcast %convert_element_type3A_1823 : vector<1x2048xf32> to vector<8x2048xf32>
    %mul3A_1986 = arith.mulf %squeeze3A_1984, %mul3A_1985 : vector<8x2048xf32>
    %add3A_1987 = arith.addf %add3A_1982, %mul3A_1986 : vector<8x2048xf32>
    %slice3A_1988 = vector.extract_strided_slice %reshape3A_1667 {offsets = [31, 0, 0], sizes = [1, 8, 2048], strides = [1, 1, 1]} : vector<32x64x2048xf32> to vector<1x8x2048xf32>
    %squeeze3A_1989 = vector.shape_cast %slice3A_1988 : vector<1x8x2048xf32> to vector<8x2048xf32>
    %mul3A_1990 = vector.broadcast %convert_element_type3A_1828 : vector<1x2048xf32> to vector<8x2048xf32>
    %mul3A_1991 = arith.mulf %squeeze3A_1989, %mul3A_1990 : vector<8x2048xf32>
    %add3A_1992 = arith.addf %add3A_1987, %mul3A_1991 : vector<8x2048xf32>
    %swap3A_1993 = arith.constant 1 : index
    %swap3A_1994 = arith.constant 0 : index
    %swap3A_1995 = arith.constant 0 : index
    %swap3A_1996 = vector.load %arg14[%swap3A_1993, %swap3A_1994, %swap3A_1995] : memref<2x64x2048xf32, #tpu.memory_space<vmem>>, vector<1x8x2048xf32>
    %swap3A_1997 = vector.shape_cast %swap3A_1996 : vector<1x8x2048xf32> to vector<8x2048xf32>
    %swap3A_1998 = vector.shape_cast %add3A_1992 : vector<8x2048xf32> to vector<1x8x2048xf32>
    tpu.vector_store %arg14[%swap3A_1993, %swap3A_1994, %swap3A_1995], %swap3A_1998 {strides = array<i32>} : memref<2x64x2048xf32, #tpu.memory_space<vmem>>, vector<1x8x2048xf32>,
    %broadcast_in_dim3A_1999 = arith.constant 0.000000e+00 : f32
    %broadcast_in_dim3A_2000 = vector.broadcast %broadcast_in_dim3A_1999 : f32 to vector<8x2048xf32>
    %add3A_2001 = vector.broadcast %slice3A_1668 : vector<1x2048xf32> to vector<8x2048xf32>
    %add3A_2002 = arith.addf %broadcast_in_dim3A_2000, %add3A_2001 : vector<8x2048xf32>
    %slice3A_2003 = vector.extract_strided_slice %reshape3A_1667 {offsets = [0, 8, 0], sizes = [1, 8, 2048], strides = [1, 1, 1]} : vector<32x64x2048xf32> to vector<1x8x2048xf32>
    %squeeze3A_2004 = vector.shape_cast %slice3A_2003 : vector<1x8x2048xf32> to vector<8x2048xf32>
    %mul3A_2005 = vector.broadcast %convert_element_type3A_1673 : vector<1x2048xf32> to vector<8x2048xf32>
    %mul3A_2006 = arith.mulf %squeeze3A_2004, %mul3A_2005 : vector<8x2048xf32>
    %add3A_2007 = arith.addf %add3A_2002, %mul3A_2006 : vector<8x2048xf32>
    %slice3A_2008 = vector.extract_strided_slice %reshape3A_1667 {offsets = [1, 8, 0], sizes = [1, 8, 2048], strides = [1, 1, 1]} : vector<32x64x2048xf32> to vector<1x8x2048xf32>
    %squeeze3A_2009 = vector.shape_cast %slice3A_2008 : vector<1x8x2048xf32> to vector<8x2048xf32>
    %mul3A_2010 = vector.broadcast %convert_element_type3A_1678 : vector<1x2048xf32> to vector<8x2048xf32>
    %mul3A_2011 = arith.mulf %squeeze3A_2009, %mul3A_2010 : vector<8x2048xf32>
    %add3A_2012 = arith.addf %add3A_2007, %mul3A_2011 : vector<8x2048xf32>
    %slice3A_2013 = vector.extract_strided_slice %reshape3A_1667 {offsets = [2, 8, 0], sizes = [1, 8, 2048], strides = [1, 1, 1]} : vector<32x64x2048xf32> to vector<1x8x2048xf32>
    %squeeze3A_2014 = vector.shape_cast %slice3A_2013 : vector<1x8x2048xf32> to vector<8x2048xf32>
    %mul3A_2015 = vector.broadcast %convert_element_type3A_1683 : vector<1x2048xf32> to vector<8x2048xf32>
    %mul3A_2016 = arith.mulf %squeeze3A_2014, %mul3A_2015 : vector<8x2048xf32>
    %add3A_2017 = arith.addf %add3A_2012, %mul3A_2016 : vector<8x2048xf32>
    %slice3A_2018 = vector.extract_strided_slice %reshape3A_1667 {offsets = [3, 8, 0], sizes = [1, 8, 2048], strides = [1, 1, 1]} : vector<32x64x2048xf32> to vector<1x8x2048xf32>
    %squeeze3A_2019 = vector.shape_cast %slice3A_2018 : vector<1x8x2048xf32> to vector<8x2048xf32>
    %mul3A_2020 = vector.broadcast %convert_element_type3A_1688 : vector<1x2048xf32> to vector<8x2048xf32>
    %mul3A_2021 = arith.mulf %squeeze3A_2019, %mul3A_2020 : vector<8x2048xf32>
    %add3A_2022 = arith.addf %add3A_2017, %mul3A_2021 : vector<8x2048xf32>
    %slice3A_2023 = vector.extract_strided_slice %reshape3A_1667 {offsets = [4, 8, 0], sizes = [1, 8, 2048], strides = [1, 1, 1]} : vector<32x64x2048xf32> to vector<1x8x2048xf32>
    %squeeze3A_2024 = vector.shape_cast %slice3A_2023 : vector<1x8x2048xf32> to vector<8x2048xf32>
    %mul3A_2025 = vector.broadcast %convert_element_type3A_1693 : vector<1x2048xf32> to vector<8x2048xf32>
    %mul3A_2026 = arith.mulf %squeeze3A_2024, %mul3A_2025 : vector<8x2048xf32>
    %add3A_2027 = arith.addf %add3A_2022, %mul3A_2026 : vector<8x2048xf32>
    %slice3A_2028 = vector.extract_strided_slice %reshape3A_1667 {offsets = [5, 8, 0], sizes = [1, 8, 2048], strides = [1, 1, 1]} : vector<32x64x2048xf32> to vector<1x8x2048xf32>
    %squeeze3A_2029 = vector.shape_cast %slice3A_2028 : vector<1x8x2048xf32> to vector<8x2048xf32>
    %mul3A_2030 = vector.broadcast %convert_element_type3A_1698 : vector<1x2048xf32> to vector<8x2048xf32>
    %mul3A_2031 = arith.mulf %squeeze3A_2029, %mul3A_2030 : vector<8x2048xf32>
    %add3A_2032 = arith.addf %add3A_2027, %mul3A_2031 : vector<8x2048xf32>
    %slice3A_2033 = vector.extract_strided_slice %reshape3A_1667 {offsets = [6, 8, 0], sizes = [1, 8, 2048], strides = [1, 1, 1]} : vector<32x64x2048xf32> to vector<1x8x2048xf32>
    %squeeze3A_2034 = vector.shape_cast %slice3A_2033 : vector<1x8x2048xf32> to vector<8x2048xf32>
    %mul3A_2035 = vector.broadcast %convert_element_type3A_1703 : vector<1x2048xf32> to vector<8x2048xf32>
    %mul3A_2036 = arith.mulf %squeeze3A_2034, %mul3A_2035 : vector<8x2048xf32>
    %add3A_2037 = arith.addf %add3A_2032, %mul3A_2036 : vector<8x2048xf32>
    %slice3A_2038 = vector.extract_strided_slice %reshape3A_1667 {offsets = [7, 8, 0], sizes = [1, 8, 2048], strides = [1, 1, 1]} : vector<32x64x2048xf32> to vector<1x8x2048xf32>
    %squeeze3A_2039 = vector.shape_cast %slice3A_2038 : vector<1x8x2048xf32> to vector<8x2048xf32>
    %mul3A_2040 = vector.broadcast %convert_element_type3A_1708 : vector<1x2048xf32> to vector<8x2048xf32>
    %mul3A_2041 = arith.mulf %squeeze3A_2039, %mul3A_2040 : vector<8x2048xf32>
    %add3A_2042 = arith.addf %add3A_2037, %mul3A_2041 : vector<8x2048xf32>
    %slice3A_2043 = vector.extract_strided_slice %reshape3A_1667 {offsets = [8, 8, 0], sizes = [1, 8, 2048], strides = [1, 1, 1]} : vector<32x64x2048xf32> to vector<1x8x2048xf32>
    %squeeze3A_2044 = vector.shape_cast %slice3A_2043 : vector<1x8x2048xf32> to vector<8x2048xf32>
    %mul3A_2045 = vector.broadcast %convert_element_type3A_1713 : vector<1x2048xf32> to vector<8x2048xf32>
    %mul3A_2046 = arith.mulf %squeeze3A_2044, %mul3A_2045 : vector<8x2048xf32>
    %add3A_2047 = arith.addf %add3A_2042, %mul3A_2046 : vector<8x2048xf32>
    %slice3A_2048 = vector.extract_strided_slice %reshape3A_1667 {offsets = [9, 8, 0], sizes = [1, 8, 2048], strides = [1, 1, 1]} : vector<32x64x2048xf32> to vector<1x8x2048xf32>
    %squeeze3A_2049 = vector.shape_cast %slice3A_2048 : vector<1x8x2048xf32> to vector<8x2048xf32>
    %mul3A_2050 = vector.broadcast %convert_element_type3A_1718 : vector<1x2048xf32> to vector<8x2048xf32>
    %mul3A_2051 = arith.mulf %squeeze3A_2049, %mul3A_2050 : vector<8x2048xf32>
    %add3A_2052 = arith.addf %add3A_2047, %mul3A_2051 : vector<8x2048xf32>
    %slice3A_2053 = vector.extract_strided_slice %reshape3A_1667 {offsets = [10, 8, 0], sizes = [1, 8, 2048], strides = [1, 1, 1]} : vector<32x64x2048xf32> to vector<1x8x2048xf32>
    %squeeze3A_2054 = vector.shape_cast %slice3A_2053 : vector<1x8x2048xf32> to vector<8x2048xf32>
    %mul3A_2055 = vector.broadcast %convert_element_type3A_1723 : vector<1x2048xf32> to vector<8x2048xf32>
    %mul3A_2056 = arith.mulf %squeeze3A_2054, %mul3A_2055 : vector<8x2048xf32>
    %add3A_2057 = arith.addf %add3A_2052, %mul3A_2056 : vector<8x2048xf32>
    %slice3A_2058 = vector.extract_strided_slice %reshape3A_1667 {offsets = [11, 8, 0], sizes = [1, 8, 2048], strides = [1, 1, 1]} : vector<32x64x2048xf32> to vector<1x8x2048xf32>
    %squeeze3A_2059 = vector.shape_cast %slice3A_2058 : vector<1x8x2048xf32> to vector<8x2048xf32>
    %mul3A_2060 = vector.broadcast %convert_element_type3A_1728 : vector<1x2048xf32> to vector<8x2048xf32>
    %mul3A_2061 = arith.mulf %squeeze3A_2059, %mul3A_2060 : vector<8x2048xf32>
    %add3A_2062 = arith.addf %add3A_2057, %mul3A_2061 : vector<8x2048xf32>
    %slice3A_2063 = vector.extract_strided_slice %reshape3A_1667 {offsets = [12, 8, 0], sizes = [1, 8, 2048], strides = [1, 1, 1]} : vector<32x64x2048xf32> to vector<1x8x2048xf32>
    %squeeze3A_2064 = vector.shape_cast %slice3A_2063 : vector<1x8x2048xf32> to vector<8x2048xf32>
    %mul3A_2065 = vector.broadcast %convert_element_type3A_1733 : vector<1x2048xf32> to vector<8x2048xf32>
    %mul3A_2066 = arith.mulf %squeeze3A_2064, %mul3A_2065 : vector<8x2048xf32>
    %add3A_2067 = arith.addf %add3A_2062, %mul3A_2066 : vector<8x2048xf32>
    %slice3A_2068 = vector.extract_strided_slice %reshape3A_1667 {offsets = [13, 8, 0], sizes = [1, 8, 2048], strides = [1, 1, 1]} : vector<32x64x2048xf32> to vector<1x8x2048xf32>
    %squeeze3A_2069 = vector.shape_cast %slice3A_2068 : vector<1x8x2048xf32> to vector<8x2048xf32>
    %mul3A_2070 = vector.broadcast %convert_element_type3A_1738 : vector<1x2048xf32> to vector<8x2048xf32>
    %mul3A_2071 = arith.mulf %squeeze3A_2069, %mul3A_2070 : vector<8x2048xf32>
    %add3A_2072 = arith.addf %add3A_2067, %mul3A_2071 : vector<8x2048xf32>
    %slice3A_2073 = vector.extract_strided_slice %reshape3A_1667 {offsets = [14, 8, 0], sizes = [1, 8, 2048], strides = [1, 1, 1]} : vector<32x64x2048xf32> to vector<1x8x2048xf32>
    %squeeze3A_2074 = vector.shape_cast %slice3A_2073 : vector<1x8x2048xf32> to vector<8x2048xf32>
    %mul3A_2075 = vector.broadcast %convert_element_type3A_1743 : vector<1x2048xf32> to vector<8x2048xf32>
    %mul3A_2076 = arith.mulf %squeeze3A_2074, %mul3A_2075 : vector<8x2048xf32>
    %add3A_2077 = arith.addf %add3A_2072, %mul3A_2076 : vector<8x2048xf32>
    %slice3A_2078 = vector.extract_strided_slice %reshape3A_1667 {offsets = [15, 8, 0], sizes = [1, 8, 2048], strides = [1, 1, 1]} : vector<32x64x2048xf32> to vector<1x8x2048xf32>
    %squeeze3A_2079 = vector.shape_cast %slice3A_2078 : vector<1x8x2048xf32> to vector<8x2048xf32>
    %mul3A_2080 = vector.broadcast %convert_element_type3A_1748 : vector<1x2048xf32> to vector<8x2048xf32>
    %mul3A_2081 = arith.mulf %squeeze3A_2079, %mul3A_2080 : vector<8x2048xf32>
    %add3A_2082 = arith.addf %add3A_2077, %mul3A_2081 : vector<8x2048xf32>
    %slice3A_2083 = vector.extract_strided_slice %reshape3A_1667 {offsets = [16, 8, 0], sizes = [1, 8, 2048], strides = [1, 1, 1]} : vector<32x64x2048xf32> to vector<1x8x2048xf32>
    %squeeze3A_2084 = vector.shape_cast %slice3A_2083 : vector<1x8x2048xf32> to vector<8x2048xf32>
    %mul3A_2085 = vector.broadcast %convert_element_type3A_1753 : vector<1x2048xf32> to vector<8x2048xf32>
    %mul3A_2086 = arith.mulf %squeeze3A_2084, %mul3A_2085 : vector<8x2048xf32>
    %add3A_2087 = arith.addf %add3A_2082, %mul3A_2086 : vector<8x2048xf32>
    %slice3A_2088 = vector.extract_strided_slice %reshape3A_1667 {offsets = [17, 8, 0], sizes = [1, 8, 2048], strides = [1, 1, 1]} : vector<32x64x2048xf32> to vector<1x8x2048xf32>
    %squeeze3A_2089 = vector.shape_cast %slice3A_2088 : vector<1x8x2048xf32> to vector<8x2048xf32>
    %mul3A_2090 = vector.broadcast %convert_element_type3A_1758 : vector<1x2048xf32> to vector<8x2048xf32>
    %mul3A_2091 = arith.mulf %squeeze3A_2089, %mul3A_2090 : vector<8x2048xf32>
    %add3A_2092 = arith.addf %add3A_2087, %mul3A_2091 : vector<8x2048xf32>
    %slice3A_2093 = vector.extract_strided_slice %reshape3A_1667 {offsets = [18, 8, 0], sizes = [1, 8, 2048], strides = [1, 1, 1]} : vector<32x64x2048xf32> to vector<1x8x2048xf32>
    %squeeze3A_2094 = vector.shape_cast %slice3A_2093 : vector<1x8x2048xf32> to vector<8x2048xf32>
    %mul3A_2095 = vector.broadcast %convert_element_type3A_1763 : vector<1x2048xf32> to vector<8x2048xf32>
    %mul3A_2096 = arith.mulf %squeeze3A_2094, %mul3A_2095 : vector<8x2048xf32>
    %add3A_2097 = arith.addf %add3A_2092, %mul3A_2096 : vector<8x2048xf32>
    %slice3A_2098 = vector.extract_strided_slice %reshape3A_1667 {offsets = [19, 8, 0], sizes = [1, 8, 2048], strides = [1, 1, 1]} : vector<32x64x2048xf32> to vector<1x8x2048xf32>
    %squeeze3A_2099 = vector.shape_cast %slice3A_2098 : vector<1x8x2048xf32> to vector<8x2048xf32>
    %mul3A_2100 = vector.broadcast %convert_element_type3A_1768 : vector<1x2048xf32> to vector<8x2048xf32>
    %mul3A_2101 = arith.mulf %squeeze3A_2099, %mul3A_2100 : vector<8x2048xf32>
    %add3A_2102 = arith.addf %add3A_2097, %mul3A_2101 : vector<8x2048xf32>
    %slice3A_2103 = vector.extract_strided_slice %reshape3A_1667 {offsets = [20, 8, 0], sizes = [1, 8, 2048], strides = [1, 1, 1]} : vector<32x64x2048xf32> to vector<1x8x2048xf32>
    %squeeze3A_2104 = vector.shape_cast %slice3A_2103 : vector<1x8x2048xf32> to vector<8x2048xf32>
    %mul3A_2105 = vector.broadcast %convert_element_type3A_1773 : vector<1x2048xf32> to vector<8x2048xf32>
    %mul3A_2106 = arith.mulf %squeeze3A_2104, %mul3A_2105 : vector<8x2048xf32>
    %add3A_2107 = arith.addf %add3A_2102, %mul3A_2106 : vector<8x2048xf32>
    %slice3A_2108 = vector.extract_strided_slice %reshape3A_1667 {offsets = [21, 8, 0], sizes = [1, 8, 2048], strides = [1, 1, 1]} : vector<32x64x2048xf32> to vector<1x8x2048xf32>
    %squeeze3A_2109 = vector.shape_cast %slice3A_2108 : vector<1x8x2048xf32> to vector<8x2048xf32>
    %mul3A_2110 = vector.broadcast %convert_element_type3A_1778 : vector<1x2048xf32> to vector<8x2048xf32>
    %mul3A_2111 = arith.mulf %squeeze3A_2109, %mul3A_2110 : vector<8x2048xf32>
    %add3A_2112 = arith.addf %add3A_2107, %mul3A_2111 : vector<8x2048xf32>
    %slice3A_2113 = vector.extract_strided_slice %reshape3A_1667 {offsets = [22, 8, 0], sizes = [1, 8, 2048], strides = [1, 1, 1]} : vector<32x64x2048xf32> to vector<1x8x2048xf32>
    %squeeze3A_2114 = vector.shape_cast %slice3A_2113 : vector<1x8x2048xf32> to vector<8x2048xf32>
    %mul3A_2115 = vector.broadcast %convert_element_type3A_1783 : vector<1x2048xf32> to vector<8x2048xf32>
    %mul3A_2116 = arith.mulf %squeeze3A_2114, %mul3A_2115 : vector<8x2048xf32>
    %add3A_2117 = arith.addf %add3A_2112, %mul3A_2116 : vector<8x2048xf32>
    %slice3A_2118 = vector.extract_strided_slice %reshape3A_1667 {offsets = [23, 8, 0], sizes = [1, 8, 2048], strides = [1, 1, 1]} : vector<32x64x2048xf32> to vector<1x8x2048xf32>
    %squeeze3A_2119 = vector.shape_cast %slice3A_2118 : vector<1x8x2048xf32> to vector<8x2048xf32>
    %mul3A_2120 = vector.broadcast %convert_element_type3A_1788 : vector<1x2048xf32> to vector<8x2048xf32>
    %mul3A_2121 = arith.mulf %squeeze3A_2119, %mul3A_2120 : vector<8x2048xf32>
    %add3A_2122 = arith.addf %add3A_2117, %mul3A_2121 : vector<8x2048xf32>
    %slice3A_2123 = vector.extract_strided_slice %reshape3A_1667 {offsets = [24, 8, 0], sizes = [1, 8, 2048], strides = [1, 1, 1]} : vector<32x64x2048xf32> to vector<1x8x2048xf32>
    %squeeze3A_2124 = vector.shape_cast %slice3A_2123 : vector<1x8x2048xf32> to vector<8x2048xf32>
    %mul3A_2125 = vector.broadcast %convert_element_type3A_1793 : vector<1x2048xf32> to vector<8x2048xf32>
    %mul3A_2126 = arith.mulf %squeeze3A_2124, %mul3A_2125 : vector<8x2048xf32>
    %add3A_2127 = arith.addf %add3A_2122, %mul3A_2126 : vector<8x2048xf32>
    %slice3A_2128 = vector.extract_strided_slice %reshape3A_1667 {offsets = [25, 8, 0], sizes = [1, 8, 2048], strides = [1, 1, 1]} : vector<32x64x2048xf32> to vector<1x8x2048xf32>
    %squeeze3A_2129 = vector.shape_cast %slice3A_2128 : vector<1x8x2048xf32> to vector<8x2048xf32>
    %mul3A_2130 = vector.broadcast %convert_element_type3A_1798 : vector<1x2048xf32> to vector<8x2048xf32>
    %mul3A_2131 = arith.mulf %squeeze3A_2129, %mul3A_2130 : vector<8x2048xf32>
    %add3A_2132 = arith.addf %add3A_2127, %mul3A_2131 : vector<8x2048xf32>
    %slice3A_2133 = vector.extract_strided_slice %reshape3A_1667 {offsets = [26, 8, 0], sizes = [1, 8, 2048], strides = [1, 1, 1]} : vector<32x64x2048xf32> to vector<1x8x2048xf32>
    %squeeze3A_2134 = vector.shape_cast %slice3A_2133 : vector<1x8x2048xf32> to vector<8x2048xf32>
    %mul3A_2135 = vector.broadcast %convert_element_type3A_1803 : vector<1x2048xf32> to vector<8x2048xf32>
    %mul3A_2136 = arith.mulf %squeeze3A_2134, %mul3A_2135 : vector<8x2048xf32>
    %add3A_2137 = arith.addf %add3A_2132, %mul3A_2136 : vector<8x2048xf32>
    %slice3A_2138 = vector.extract_strided_slice %reshape3A_1667 {offsets = [27, 8, 0], sizes = [1, 8, 2048], strides = [1, 1, 1]} : vector<32x64x2048xf32> to vector<1x8x2048xf32>
    %squeeze3A_2139 = vector.shape_cast %slice3A_2138 : vector<1x8x2048xf32> to vector<8x2048xf32>
    %mul3A_2140 = vector.broadcast %convert_element_type3A_1808 : vector<1x2048xf32> to vector<8x2048xf32>
    %mul3A_2141 = arith.mulf %squeeze3A_2139, %mul3A_2140 : vector<8x2048xf32>
    %add3A_2142 = arith.addf %add3A_2137, %mul3A_2141 : vector<8x2048xf32>
    %slice3A_2143 = vector.extract_strided_slice %reshape3A_1667 {offsets = [28, 8, 0], sizes = [1, 8, 2048], strides = [1, 1, 1]} : vector<32x64x2048xf32> to vector<1x8x2048xf32>
    %squeeze3A_2144 = vector.shape_cast %slice3A_2143 : vector<1x8x2048xf32> to vector<8x2048xf32>
    %mul3A_2145 = vector.broadcast %convert_element_type3A_1813 : vector<1x2048xf32> to vector<8x2048xf32>
    %mul3A_2146 = arith.mulf %squeeze3A_2144, %mul3A_2145 : vector<8x2048xf32>
    %add3A_2147 = arith.addf %add3A_2142, %mul3A_2146 : vector<8x2048xf32>
    %slice3A_2148 = vector.extract_strided_slice %reshape3A_1667 {offsets = [29, 8, 0], sizes = [1, 8, 2048], strides = [1, 1, 1]} : vector<32x64x2048xf32> to vector<1x8x2048xf32>
    %squeeze3A_2149 = vector.shape_cast %slice3A_2148 : vector<1x8x2048xf32> to vector<8x2048xf32>
    %mul3A_2150 = vector.broadcast %convert_element_type3A_1818 : vector<1x2048xf32> to vector<8x2048xf32>
    %mul3A_2151 = arith.mulf %squeeze3A_2149, %mul3A_2150 : vector<8x2048xf32>
    %add3A_2152 = arith.addf %add3A_2147, %mul3A_2151 : vector<8x2048xf32>
    %slice3A_2153 = vector.extract_strided_slice %reshape3A_1667 {offsets = [30, 8, 0], sizes = [1, 8, 2048], strides = [1, 1, 1]} : vector<32x64x2048xf32> to vector<1x8x2048xf32>
    %squeeze3A_2154 = vector.shape_cast %slice3A_2153 : vector<1x8x2048xf32> to vector<8x2048xf32>
    %mul3A_2155 = vector.broadcast %convert_element_type3A_1823 : vector<1x2048xf32> to vector<8x2048xf32>
    %mul3A_2156 = arith.mulf %squeeze3A_2154, %mul3A_2155 : vector<8x2048xf32>
    %add3A_2157 = arith.addf %add3A_2152, %mul3A_2156 : vector<8x2048xf32>
    %slice3A_2158 = vector.extract_strided_slice %reshape3A_1667 {offsets = [31, 8, 0], sizes = [1, 8, 2048], strides = [1, 1, 1]} : vector<32x64x2048xf32> to vector<1x8x2048xf32>
    %squeeze3A_2159 = vector.shape_cast %slice3A_2158 : vector<1x8x2048xf32> to vector<8x2048xf32>
    %mul3A_2160 = vector.broadcast %convert_element_type3A_1828 : vector<1x2048xf32> to vector<8x2048xf32>
    %mul3A_2161 = arith.mulf %squeeze3A_2159, %mul3A_2160 : vector<8x2048xf32>
    %add3A_2162 = arith.addf %add3A_2157, %mul3A_2161 : vector<8x2048xf32>
    %swap3A_2163 = arith.constant 1 : index
    %swap3A_2164 = arith.constant 8 : index
    %swap3A_2165 = arith.constant 0 : index
    %swap3A_2166 = vector.load %arg14[%swap3A_2163, %swap3A_2164, %swap3A_2165] : memref<2x64x2048xf32, #tpu.memory_space<vmem>>, vector<1x8x2048xf32>
    %swap3A_2167 = vector.shape_cast %swap3A_2166 : vector<1x8x2048xf32> to vector<8x2048xf32>
    %swap3A_2168 = vector.shape_cast %add3A_2162 : vector<8x2048xf32> to vector<1x8x2048xf32>
    tpu.vector_store %arg14[%swap3A_2163, %swap3A_2164, %swap3A_2165], %swap3A_2168 {strides = array<i32>} : memref<2x64x2048xf32, #tpu.memory_space<vmem>>, vector<1x8x2048xf32>,
    %broadcast_in_dim3A_2169 = arith.constant 0.000000e+00 : f32
    %broadcast_in_dim3A_2170 = vector.broadcast %broadcast_in_dim3A_2169 : f32 to vector<8x2048xf32>
    %add3A_2171 = vector.broadcast %slice3A_1668 : vector<1x2048xf32> to vector<8x2048xf32>
    %add3A_2172 = arith.addf %broadcast_in_dim3A_2170, %add3A_2171 : vector<8x2048xf32>
    %slice3A_2173 = vector.extract_strided_slice %reshape3A_1667 {offsets = [0, 16, 0], sizes = [1, 8, 2048], strides = [1, 1, 1]} : vector<32x64x2048xf32> to vector<1x8x2048xf32>
    %squeeze3A_2174 = vector.shape_cast %slice3A_2173 : vector<1x8x2048xf32> to vector<8x2048xf32>
    %mul3A_2175 = vector.broadcast %convert_element_type3A_1673 : vector<1x2048xf32> to vector<8x2048xf32>
    %mul3A_2176 = arith.mulf %squeeze3A_2174, %mul3A_2175 : vector<8x2048xf32>
    %add3A_2177 = arith.addf %add3A_2172, %mul3A_2176 : vector<8x2048xf32>
    %slice3A_2178 = vector.extract_strided_slice %reshape3A_1667 {offsets = [1, 16, 0], sizes = [1, 8, 2048], strides = [1, 1, 1]} : vector<32x64x2048xf32> to vector<1x8x2048xf32>
    %squeeze3A_2179 = vector.shape_cast %slice3A_2178 : vector<1x8x2048xf32> to vector<8x2048xf32>
    %mul3A_2180 = vector.broadcast %convert_element_type3A_1678 : vector<1x2048xf32> to vector<8x2048xf32>
    %mul3A_2181 = arith.mulf %squeeze3A_2179, %mul3A_2180 : vector<8x2048xf32>
    %add3A_2182 = arith.addf %add3A_2177, %mul3A_2181 : vector<8x2048xf32>
    %slice3A_2183 = vector.extract_strided_slice %reshape3A_1667 {offsets = [2, 16, 0], sizes = [1, 8, 2048], strides = [1, 1, 1]} : vector<32x64x2048xf32> to vector<1x8x2048xf32>
    %squeeze3A_2184 = vector.shape_cast %slice3A_2183 : vector<1x8x2048xf32> to vector<8x2048xf32>
    %mul3A_2185 = vector.broadcast %convert_element_type3A_1683 : vector<1x2048xf32> to vector<8x2048xf32>
    %mul3A_2186 = arith.mulf %squeeze3A_2184, %mul3A_2185 : vector<8x2048xf32>
    %add3A_2187 = arith.addf %add3A_2182, %mul3A_2186 : vector<8x2048xf32>
    %slice3A_2188 = vector.extract_strided_slice %reshape3A_1667 {offsets = [3, 16, 0], sizes = [1, 8, 2048], strides = [1, 1, 1]} : vector<32x64x2048xf32> to vector<1x8x2048xf32>
    %squeeze3A_2189 = vector.shape_cast %slice3A_2188 : vector<1x8x2048xf32> to vector<8x2048xf32>
    %mul3A_2190 = vector.broadcast %convert_element_type3A_1688 : vector<1x2048xf32> to vector<8x2048xf32>
    %mul3A_2191 = arith.mulf %squeeze3A_2189, %mul3A_2190 : vector<8x2048xf32>
    %add3A_2192 = arith.addf %add3A_2187, %mul3A_2191 : vector<8x2048xf32>
    %slice3A_2193 = vector.extract_strided_slice %reshape3A_1667 {offsets = [4, 16, 0], sizes = [1, 8, 2048], strides = [1, 1, 1]} : vector<32x64x2048xf32> to vector<1x8x2048xf32>
    %squeeze3A_2194 = vector.shape_cast %slice3A_2193 : vector<1x8x2048xf32> to vector<8x2048xf32>
    %mul3A_2195 = vector.broadcast %convert_element_type3A_1693 : vector<1x2048xf32> to vector<8x2048xf32>
    %mul3A_2196 = arith.mulf %squeeze3A_2194, %mul3A_2195 : vector<8x2048xf32>
    %add3A_2197 = arith.addf %add3A_2192, %mul3A_2196 : vector<8x2048xf32>
    %slice3A_2198 = vector.extract_strided_slice %reshape3A_1667 {offsets = [5, 16, 0], sizes = [1, 8, 2048], strides = [1, 1, 1]} : vector<32x64x2048xf32> to vector<1x8x2048xf32>
    %squeeze3A_2199 = vector.shape_cast %slice3A_2198 : vector<1x8x2048xf32> to vector<8x2048xf32>
    %mul3A_2200 = vector.broadcast %convert_element_type3A_1698 : vector<1x2048xf32> to vector<8x2048xf32>
    %mul3A_2201 = arith.mulf %squeeze3A_2199, %mul3A_2200 : vector<8x2048xf32>
    %add3A_2202 = arith.addf %add3A_2197, %mul3A_2201 : vector<8x2048xf32>
    %slice3A_2203 = vector.extract_strided_slice %reshape3A_1667 {offsets = [6, 16, 0], sizes = [1, 8, 2048], strides = [1, 1, 1]} : vector<32x64x2048xf32> to vector<1x8x2048xf32>
    %squeeze3A_2204 = vector.shape_cast %slice3A_2203 : vector<1x8x2048xf32> to vector<8x2048xf32>
    %mul3A_2205 = vector.broadcast %convert_element_type3A_1703 : vector<1x2048xf32> to vector<8x2048xf32>
    %mul3A_2206 = arith.mulf %squeeze3A_2204, %mul3A_2205 : vector<8x2048xf32>
    %add3A_2207 = arith.addf %add3A_2202, %mul3A_2206 : vector<8x2048xf32>
    %slice3A_2208 = vector.extract_strided_slice %reshape3A_1667 {offsets = [7, 16, 0], sizes = [1, 8, 2048], strides = [1, 1, 1]} : vector<32x64x2048xf32> to vector<1x8x2048xf32>
    %squeeze3A_2209 = vector.shape_cast %slice3A_2208 : vector<1x8x2048xf32> to vector<8x2048xf32>
    %mul3A_2210 = vector.broadcast %convert_element_type3A_1708 : vector<1x2048xf32> to vector<8x2048xf32>
    %mul3A_2211 = arith.mulf %squeeze3A_2209, %mul3A_2210 : vector<8x2048xf32>
    %add3A_2212 = arith.addf %add3A_2207, %mul3A_2211 : vector<8x2048xf32>
    %slice3A_2213 = vector.extract_strided_slice %reshape3A_1667 {offsets = [8, 16, 0], sizes = [1, 8, 2048], strides = [1, 1, 1]} : vector<32x64x2048xf32> to vector<1x8x2048xf32>
    %squeeze3A_2214 = vector.shape_cast %slice3A_2213 : vector<1x8x2048xf32> to vector<8x2048xf32>
    %mul3A_2215 = vector.broadcast %convert_element_type3A_1713 : vector<1x2048xf32> to vector<8x2048xf32>
    %mul3A_2216 = arith.mulf %squeeze3A_2214, %mul3A_2215 : vector<8x2048xf32>
    %add3A_2217 = arith.addf %add3A_2212, %mul3A_2216 : vector<8x2048xf32>
    %slice3A_2218 = vector.extract_strided_slice %reshape3A_1667 {offsets = [9, 16, 0], sizes = [1, 8, 2048], strides = [1, 1, 1]} : vector<32x64x2048xf32> to vector<1x8x2048xf32>
    %squeeze3A_2219 = vector.shape_cast %slice3A_2218 : vector<1x8x2048xf32> to vector<8x2048xf32>
    %mul3A_2220 = vector.broadcast %convert_element_type3A_1718 : vector<1x2048xf32> to vector<8x2048xf32>
    %mul3A_2221 = arith.mulf %squeeze3A_2219, %mul3A_2220 : vector<8x2048xf32>
    %add3A_2222 = arith.addf %add3A_2217, %mul3A_2221 : vector<8x2048xf32>
    %slice3A_2223 = vector.extract_strided_slice %reshape3A_1667 {offsets = [10, 16, 0], sizes = [1, 8, 2048], strides = [1, 1, 1]} : vector<32x64x2048xf32> to vector<1x8x2048xf32>
    %squeeze3A_2224 = vector.shape_cast %slice3A_2223 : vector<1x8x2048xf32> to vector<8x2048xf32>
    %mul3A_2225 = vector.broadcast %convert_element_type3A_1723 : vector<1x2048xf32> to vector<8x2048xf32>
    %mul3A_2226 = arith.mulf %squeeze3A_2224, %mul3A_2225 : vector<8x2048xf32>
    %add3A_2227 = arith.addf %add3A_2222, %mul3A_2226 : vector<8x2048xf32>
    %slice3A_2228 = vector.extract_strided_slice %reshape3A_1667 {offsets = [11, 16, 0], sizes = [1, 8, 2048], strides = [1, 1, 1]} : vector<32x64x2048xf32> to vector<1x8x2048xf32>
    %squeeze3A_2229 = vector.shape_cast %slice3A_2228 : vector<1x8x2048xf32> to vector<8x2048xf32>
    %mul3A_2230 = vector.broadcast %convert_element_type3A_1728 : vector<1x2048xf32> to vector<8x2048xf32>
    %mul3A_2231 = arith.mulf %squeeze3A_2229, %mul3A_2230 : vector<8x2048xf32>
    %add3A_2232 = arith.addf %add3A_2227, %mul3A_2231 : vector<8x2048xf32>
    %slice3A_2233 = vector.extract_strided_slice %reshape3A_1667 {offsets = [12, 16, 0], sizes = [1, 8, 2048], strides = [1, 1, 1]} : vector<32x64x2048xf32> to vector<1x8x2048xf32>
    %squeeze3A_2234 = vector.shape_cast %slice3A_2233 : vector<1x8x2048xf32> to vector<8x2048xf32>
    %mul3A_2235 = vector.broadcast %convert_element_type3A_1733 : vector<1x2048xf32> to vector<8x2048xf32>
    %mul3A_2236 = arith.mulf %squeeze3A_2234, %mul3A_2235 : vector<8x2048xf32>
    %add3A_2237 = arith.addf %add3A_2232, %mul3A_2236 : vector<8x2048xf32>
    %slice3A_2238 = vector.extract_strided_slice %reshape3A_1667 {offsets = [13, 16, 0], sizes = [1, 8, 2048], strides = [1, 1, 1]} : vector<32x64x2048xf32> to vector<1x8x2048xf32>
    %squeeze3A_2239 = vector.shape_cast %slice3A_2238 : vector<1x8x2048xf32> to vector<8x2048xf32>
    %mul3A_2240 = vector.broadcast %convert_element_type3A_1738 : vector<1x2048xf32> to vector<8x2048xf32>
    %mul3A_2241 = arith.mulf %squeeze3A_2239, %mul3A_2240 : vector<8x2048xf32>
    %add3A_2242 = arith.addf %add3A_2237, %mul3A_2241 : vector<8x2048xf32>
    %slice3A_2243 = vector.extract_strided_slice %reshape3A_1667 {offsets = [14, 16, 0], sizes = [1, 8, 2048], strides = [1, 1, 1]} : vector<32x64x2048xf32> to vector<1x8x2048xf32>
    %squeeze3A_2244 = vector.shape_cast %slice3A_2243 : vector<1x8x2048xf32> to vector<8x2048xf32>
    %mul3A_2245 = vector.broadcast %convert_element_type3A_1743 : vector<1x2048xf32> to vector<8x2048xf32>
    %mul3A_2246 = arith.mulf %squeeze3A_2244, %mul3A_2245 : vector<8x2048xf32>
    %add3A_2247 = arith.addf %add3A_2242, %mul3A_2246 : vector<8x2048xf32>
    %slice3A_2248 = vector.extract_strided_slice %reshape3A_1667 {offsets = [15, 16, 0], sizes = [1, 8, 2048], strides = [1, 1, 1]} : vector<32x64x2048xf32> to vector<1x8x2048xf32>
    %squeeze3A_2249 = vector.shape_cast %slice3A_2248 : vector<1x8x2048xf32> to vector<8x2048xf32>
    %mul3A_2250 = vector.broadcast %convert_element_type3A_1748 : vector<1x2048xf32> to vector<8x2048xf32>
    %mul3A_2251 = arith.mulf %squeeze3A_2249, %mul3A_2250 : vector<8x2048xf32>
    %add3A_2252 = arith.addf %add3A_2247, %mul3A_2251 : vector<8x2048xf32>
    %slice3A_2253 = vector.extract_strided_slice %reshape3A_1667 {offsets = [16, 16, 0], sizes = [1, 8, 2048], strides = [1, 1, 1]} : vector<32x64x2048xf32> to vector<1x8x2048xf32>
    %squeeze3A_2254 = vector.shape_cast %slice3A_2253 : vector<1x8x2048xf32> to vector<8x2048xf32>
    %mul3A_2255 = vector.broadcast %convert_element_type3A_1753 : vector<1x2048xf32> to vector<8x2048xf32>
    %mul3A_2256 = arith.mulf %squeeze3A_2254, %mul3A_2255 : vector<8x2048xf32>
    %add3A_2257 = arith.addf %add3A_2252, %mul3A_2256 : vector<8x2048xf32>
    %slice3A_2258 = vector.extract_strided_slice %reshape3A_1667 {offsets = [17, 16, 0], sizes = [1, 8, 2048], strides = [1, 1, 1]} : vector<32x64x2048xf32> to vector<1x8x2048xf32>
    %squeeze3A_2259 = vector.shape_cast %slice3A_2258 : vector<1x8x2048xf32> to vector<8x2048xf32>
    %mul3A_2260 = vector.broadcast %convert_element_type3A_1758 : vector<1x2048xf32> to vector<8x2048xf32>
    %mul3A_2261 = arith.mulf %squeeze3A_2259, %mul3A_2260 : vector<8x2048xf32>
    %add3A_2262 = arith.addf %add3A_2257, %mul3A_2261 : vector<8x2048xf32>
    %slice3A_2263 = vector.extract_strided_slice %reshape3A_1667 {offsets = [18, 16, 0], sizes = [1, 8, 2048], strides = [1, 1, 1]} : vector<32x64x2048xf32> to vector<1x8x2048xf32>
    %squeeze3A_2264 = vector.shape_cast %slice3A_2263 : vector<1x8x2048xf32> to vector<8x2048xf32>
    %mul3A_2265 = vector.broadcast %convert_element_type3A_1763 : vector<1x2048xf32> to vector<8x2048xf32>
    %mul3A_2266 = arith.mulf %squeeze3A_2264, %mul3A_2265 : vector<8x2048xf32>
    %add3A_2267 = arith.addf %add3A_2262, %mul3A_2266 : vector<8x2048xf32>
    %slice3A_2268 = vector.extract_strided_slice %reshape3A_1667 {offsets = [19, 16, 0], sizes = [1, 8, 2048], strides = [1, 1, 1]} : vector<32x64x2048xf32> to vector<1x8x2048xf32>
    %squeeze3A_2269 = vector.shape_cast %slice3A_2268 : vector<1x8x2048xf32> to vector<8x2048xf32>
    %mul3A_2270 = vector.broadcast %convert_element_type3A_1768 : vector<1x2048xf32> to vector<8x2048xf32>
    %mul3A_2271 = arith.mulf %squeeze3A_2269, %mul3A_2270 : vector<8x2048xf32>
    %add3A_2272 = arith.addf %add3A_2267, %mul3A_2271 : vector<8x2048xf32>
    %slice3A_2273 = vector.extract_strided_slice %reshape3A_1667 {offsets = [20, 16, 0], sizes = [1, 8, 2048], strides = [1, 1, 1]} : vector<32x64x2048xf32> to vector<1x8x2048xf32>
    %squeeze3A_2274 = vector.shape_cast %slice3A_2273 : vector<1x8x2048xf32> to vector<8x2048xf32>
    %mul3A_2275 = vector.broadcast %convert_element_type3A_1773 : vector<1x2048xf32> to vector<8x2048xf32>
    %mul3A_2276 = arith.mulf %squeeze3A_2274, %mul3A_2275 : vector<8x2048xf32>
    %add3A_2277 = arith.addf %add3A_2272, %mul3A_2276 : vector<8x2048xf32>
    %slice3A_2278 = vector.extract_strided_slice %reshape3A_1667 {offsets = [21, 16, 0], sizes = [1, 8, 2048], strides = [1, 1, 1]} : vector<32x64x2048xf32> to vector<1x8x2048xf32>
    %squeeze3A_2279 = vector.shape_cast %slice3A_2278 : vector<1x8x2048xf32> to vector<8x2048xf32>
    %mul3A_2280 = vector.broadcast %convert_element_type3A_1778 : vector<1x2048xf32> to vector<8x2048xf32>
    %mul3A_2281 = arith.mulf %squeeze3A_2279, %mul3A_2280 : vector<8x2048xf32>
    %add3A_2282 = arith.addf %add3A_2277, %mul3A_2281 : vector<8x2048xf32>
    %slice3A_2283 = vector.extract_strided_slice %reshape3A_1667 {offsets = [22, 16, 0], sizes = [1, 8, 2048], strides = [1, 1, 1]} : vector<32x64x2048xf32> to vector<1x8x2048xf32>
    %squeeze3A_2284 = vector.shape_cast %slice3A_2283 : vector<1x8x2048xf32> to vector<8x2048xf32>
    %mul3A_2285 = vector.broadcast %convert_element_type3A_1783 : vector<1x2048xf32> to vector<8x2048xf32>
    %mul3A_2286 = arith.mulf %squeeze3A_2284, %mul3A_2285 : vector<8x2048xf32>
    %add3A_2287 = arith.addf %add3A_2282, %mul3A_2286 : vector<8x2048xf32>
    %slice3A_2288 = vector.extract_strided_slice %reshape3A_1667 {offsets = [23, 16, 0], sizes = [1, 8, 2048], strides = [1, 1, 1]} : vector<32x64x2048xf32> to vector<1x8x2048xf32>
    %squeeze3A_2289 = vector.shape_cast %slice3A_2288 : vector<1x8x2048xf32> to vector<8x2048xf32>
    %mul3A_2290 = vector.broadcast %convert_element_type3A_1788 : vector<1x2048xf32> to vector<8x2048xf32>
    %mul3A_2291 = arith.mulf %squeeze3A_2289, %mul3A_2290 : vector<8x2048xf32>
    %add3A_2292 = arith.addf %add3A_2287, %mul3A_2291 : vector<8x2048xf32>
    %slice3A_2293 = vector.extract_strided_slice %reshape3A_1667 {offsets = [24, 16, 0], sizes = [1, 8, 2048], strides = [1, 1, 1]} : vector<32x64x2048xf32> to vector<1x8x2048xf32>
    %squeeze3A_2294 = vector.shape_cast %slice3A_2293 : vector<1x8x2048xf32> to vector<8x2048xf32>
    %mul3A_2295 = vector.broadcast %convert_element_type3A_1793 : vector<1x2048xf32> to vector<8x2048xf32>
    %mul3A_2296 = arith.mulf %squeeze3A_2294, %mul3A_2295 : vector<8x2048xf32>
    %add3A_2297 = arith.addf %add3A_2292, %mul3A_2296 : vector<8x2048xf32>
    %slice3A_2298 = vector.extract_strided_slice %reshape3A_1667 {offsets = [25, 16, 0], sizes = [1, 8, 2048], strides = [1, 1, 1]} : vector<32x64x2048xf32> to vector<1x8x2048xf32>
    %squeeze3A_2299 = vector.shape_cast %slice3A_2298 : vector<1x8x2048xf32> to vector<8x2048xf32>
    %mul3A_2300 = vector.broadcast %convert_element_type3A_1798 : vector<1x2048xf32> to vector<8x2048xf32>
    %mul3A_2301 = arith.mulf %squeeze3A_2299, %mul3A_2300 : vector<8x2048xf32>
    %add3A_2302 = arith.addf %add3A_2297, %mul3A_2301 : vector<8x2048xf32>
    %slice3A_2303 = vector.extract_strided_slice %reshape3A_1667 {offsets = [26, 16, 0], sizes = [1, 8, 2048], strides = [1, 1, 1]} : vector<32x64x2048xf32> to vector<1x8x2048xf32>
    %squeeze3A_2304 = vector.shape_cast %slice3A_2303 : vector<1x8x2048xf32> to vector<8x2048xf32>
    %mul3A_2305 = vector.broadcast %convert_element_type3A_1803 : vector<1x2048xf32> to vector<8x2048xf32>
    %mul3A_2306 = arith.mulf %squeeze3A_2304, %mul3A_2305 : vector<8x2048xf32>
    %add3A_2307 = arith.addf %add3A_2302, %mul3A_2306 : vector<8x2048xf32>
    %slice3A_2308 = vector.extract_strided_slice %reshape3A_1667 {offsets = [27, 16, 0], sizes = [1, 8, 2048], strides = [1, 1, 1]} : vector<32x64x2048xf32> to vector<1x8x2048xf32>
    %squeeze3A_2309 = vector.shape_cast %slice3A_2308 : vector<1x8x2048xf32> to vector<8x2048xf32>
    %mul3A_2310 = vector.broadcast %convert_element_type3A_1808 : vector<1x2048xf32> to vector<8x2048xf32>
    %mul3A_2311 = arith.mulf %squeeze3A_2309, %mul3A_2310 : vector<8x2048xf32>
    %add3A_2312 = arith.addf %add3A_2307, %mul3A_2311 : vector<8x2048xf32>
    %slice3A_2313 = vector.extract_strided_slice %reshape3A_1667 {offsets = [28, 16, 0], sizes = [1, 8, 2048], strides = [1, 1, 1]} : vector<32x64x2048xf32> to vector<1x8x2048xf32>
    %squeeze3A_2314 = vector.shape_cast %slice3A_2313 : vector<1x8x2048xf32> to vector<8x2048xf32>
    %mul3A_2315 = vector.broadcast %convert_element_type3A_1813 : vector<1x2048xf32> to vector<8x2048xf32>
    %mul3A_2316 = arith.mulf %squeeze3A_2314, %mul3A_2315 : vector<8x2048xf32>
    %add3A_2317 = arith.addf %add3A_2312, %mul3A_2316 : vector<8x2048xf32>
    %slice3A_2318 = vector.extract_strided_slice %reshape3A_1667 {offsets = [29, 16, 0], sizes = [1, 8, 2048], strides = [1, 1, 1]} : vector<32x64x2048xf32> to vector<1x8x2048xf32>
    %squeeze3A_2319 = vector.shape_cast %slice3A_2318 : vector<1x8x2048xf32> to vector<8x2048xf32>
    %mul3A_2320 = vector.broadcast %convert_element_type3A_1818 : vector<1x2048xf32> to vector<8x2048xf32>
    %mul3A_2321 = arith.mulf %squeeze3A_2319, %mul3A_2320 : vector<8x2048xf32>
    %add3A_2322 = arith.addf %add3A_2317, %mul3A_2321 : vector<8x2048xf32>
    %slice3A_2323 = vector.extract_strided_slice %reshape3A_1667 {offsets = [30, 16, 0], sizes = [1, 8, 2048], strides = [1, 1, 1]} : vector<32x64x2048xf32> to vector<1x8x2048xf32>
    %squeeze3A_2324 = vector.shape_cast %slice3A_2323 : vector<1x8x2048xf32> to vector<8x2048xf32>
    %mul3A_2325 = vector.broadcast %convert_element_type3A_1823 : vector<1x2048xf32> to vector<8x2048xf32>
    %mul3A_2326 = arith.mulf %squeeze3A_2324, %mul3A_2325 : vector<8x2048xf32>
    %add3A_2327 = arith.addf %add3A_2322, %mul3A_2326 : vector<8x2048xf32>
    %slice3A_2328 = vector.extract_strided_slice %reshape3A_1667 {offsets = [31, 16, 0], sizes = [1, 8, 2048], strides = [1, 1, 1]} : vector<32x64x2048xf32> to vector<1x8x2048xf32>
    %squeeze3A_2329 = vector.shape_cast %slice3A_2328 : vector<1x8x2048xf32> to vector<8x2048xf32>
    %mul3A_2330 = vector.broadcast %convert_element_type3A_1828 : vector<1x2048xf32> to vector<8x2048xf32>
    %mul3A_2331 = arith.mulf %squeeze3A_2329, %mul3A_2330 : vector<8x2048xf32>
    %add3A_2332 = arith.addf %add3A_2327, %mul3A_2331 : vector<8x2048xf32>
    %swap3A_2333 = arith.constant 1 : index
    %swap3A_2334 = arith.constant 16 : index
    %swap3A_2335 = arith.constant 0 : index
    %swap3A_2336 = vector.load %arg14[%swap3A_2333, %swap3A_2334, %swap3A_2335] : memref<2x64x2048xf32, #tpu.memory_space<vmem>>, vector<1x8x2048xf32>
    %swap3A_2337 = vector.shape_cast %swap3A_2336 : vector<1x8x2048xf32> to vector<8x2048xf32>
    %swap3A_2338 = vector.shape_cast %add3A_2332 : vector<8x2048xf32> to vector<1x8x2048xf32>
    tpu.vector_store %arg14[%swap3A_2333, %swap3A_2334, %swap3A_2335], %swap3A_2338 {strides = array<i32>} : memref<2x64x2048xf32, #tpu.memory_space<vmem>>, vector<1x8x2048xf32>,
    %broadcast_in_dim3A_2339 = arith.constant 0.000000e+00 : f32
    %broadcast_in_dim3A_2340 = vector.broadcast %broadcast_in_dim3A_2339 : f32 to vector<8x2048xf32>
    %add3A_2341 = vector.broadcast %slice3A_1668 : vector<1x2048xf32> to vector<8x2048xf32>
    %add3A_2342 = arith.addf %broadcast_in_dim3A_2340, %add3A_2341 : vector<8x2048xf32>
    %slice3A_2343 = vector.extract_strided_slice %reshape3A_1667 {offsets = [0, 24, 0], sizes = [1, 8, 2048], strides = [1, 1, 1]} : vector<32x64x2048xf32> to vector<1x8x2048xf32>
    %squeeze3A_2344 = vector.shape_cast %slice3A_2343 : vector<1x8x2048xf32> to vector<8x2048xf32>
    %mul3A_2345 = vector.broadcast %convert_element_type3A_1673 : vector<1x2048xf32> to vector<8x2048xf32>
    %mul3A_2346 = arith.mulf %squeeze3A_2344, %mul3A_2345 : vector<8x2048xf32>
    %add3A_2347 = arith.addf %add3A_2342, %mul3A_2346 : vector<8x2048xf32>
    %slice3A_2348 = vector.extract_strided_slice %reshape3A_1667 {offsets = [1, 24, 0], sizes = [1, 8, 2048], strides = [1, 1, 1]} : vector<32x64x2048xf32> to vector<1x8x2048xf32>
    %squeeze3A_2349 = vector.shape_cast %slice3A_2348 : vector<1x8x2048xf32> to vector<8x2048xf32>
    %mul3A_2350 = vector.broadcast %convert_element_type3A_1678 : vector<1x2048xf32> to vector<8x2048xf32>
    %mul3A_2351 = arith.mulf %squeeze3A_2349, %mul3A_2350 : vector<8x2048xf32>
    %add3A_2352 = arith.addf %add3A_2347, %mul3A_2351 : vector<8x2048xf32>
    %slice3A_2353 = vector.extract_strided_slice %reshape3A_1667 {offsets = [2, 24, 0], sizes = [1, 8, 2048], strides = [1, 1, 1]} : vector<32x64x2048xf32> to vector<1x8x2048xf32>
    %squeeze3A_2354 = vector.shape_cast %slice3A_2353 : vector<1x8x2048xf32> to vector<8x2048xf32>
    %mul3A_2355 = vector.broadcast %convert_element_type3A_1683 : vector<1x2048xf32> to vector<8x2048xf32>
    %mul3A_2356 = arith.mulf %squeeze3A_2354, %mul3A_2355 : vector<8x2048xf32>
    %add3A_2357 = arith.addf %add3A_2352, %mul3A_2356 : vector<8x2048xf32>
    %slice3A_2358 = vector.extract_strided_slice %reshape3A_1667 {offsets = [3, 24, 0], sizes = [1, 8, 2048], strides = [1, 1, 1]} : vector<32x64x2048xf32> to vector<1x8x2048xf32>
    %squeeze3A_2359 = vector.shape_cast %slice3A_2358 : vector<1x8x2048xf32> to vector<8x2048xf32>
    %mul3A_2360 = vector.broadcast %convert_element_type3A_1688 : vector<1x2048xf32> to vector<8x2048xf32>
    %mul3A_2361 = arith.mulf %squeeze3A_2359, %mul3A_2360 : vector<8x2048xf32>
    %add3A_2362 = arith.addf %add3A_2357, %mul3A_2361 : vector<8x2048xf32>
    %slice3A_2363 = vector.extract_strided_slice %reshape3A_1667 {offsets = [4, 24, 0], sizes = [1, 8, 2048], strides = [1, 1, 1]} : vector<32x64x2048xf32> to vector<1x8x2048xf32>
    %squeeze3A_2364 = vector.shape_cast %slice3A_2363 : vector<1x8x2048xf32> to vector<8x2048xf32>
    %mul3A_2365 = vector.broadcast %convert_element_type3A_1693 : vector<1x2048xf32> to vector<8x2048xf32>
    %mul3A_2366 = arith.mulf %squeeze3A_2364, %mul3A_2365 : vector<8x2048xf32>
    %add3A_2367 = arith.addf %add3A_2362, %mul3A_2366 : vector<8x2048xf32>
    %slice3A_2368 = vector.extract_strided_slice %reshape3A_1667 {offsets = [5, 24, 0], sizes = [1, 8, 2048], strides = [1, 1, 1]} : vector<32x64x2048xf32> to vector<1x8x2048xf32>
    %squeeze3A_2369 = vector.shape_cast %slice3A_2368 : vector<1x8x2048xf32> to vector<8x2048xf32>
    %mul3A_2370 = vector.broadcast %convert_element_type3A_1698 : vector<1x2048xf32> to vector<8x2048xf32>
    %mul3A_2371 = arith.mulf %squeeze3A_2369, %mul3A_2370 : vector<8x2048xf32>
    %add3A_2372 = arith.addf %add3A_2367, %mul3A_2371 : vector<8x2048xf32>
    %slice3A_2373 = vector.extract_strided_slice %reshape3A_1667 {offsets = [6, 24, 0], sizes = [1, 8, 2048], strides = [1, 1, 1]} : vector<32x64x2048xf32> to vector<1x8x2048xf32>
    %squeeze3A_2374 = vector.shape_cast %slice3A_2373 : vector<1x8x2048xf32> to vector<8x2048xf32>
    %mul3A_2375 = vector.broadcast %convert_element_type3A_1703 : vector<1x2048xf32> to vector<8x2048xf32>
    %mul3A_2376 = arith.mulf %squeeze3A_2374, %mul3A_2375 : vector<8x2048xf32>
    %add3A_2377 = arith.addf %add3A_2372, %mul3A_2376 : vector<8x2048xf32>
    %slice3A_2378 = vector.extract_strided_slice %reshape3A_1667 {offsets = [7, 24, 0], sizes = [1, 8, 2048], strides = [1, 1, 1]} : vector<32x64x2048xf32> to vector<1x8x2048xf32>
    %squeeze3A_2379 = vector.shape_cast %slice3A_2378 : vector<1x8x2048xf32> to vector<8x2048xf32>
    %mul3A_2380 = vector.broadcast %convert_element_type3A_1708 : vector<1x2048xf32> to vector<8x2048xf32>
    %mul3A_2381 = arith.mulf %squeeze3A_2379, %mul3A_2380 : vector<8x2048xf32>
    %add3A_2382 = arith.addf %add3A_2377, %mul3A_2381 : vector<8x2048xf32>
    %slice3A_2383 = vector.extract_strided_slice %reshape3A_1667 {offsets = [8, 24, 0], sizes = [1, 8, 2048], strides = [1, 1, 1]} : vector<32x64x2048xf32> to vector<1x8x2048xf32>
    %squeeze3A_2384 = vector.shape_cast %slice3A_2383 : vector<1x8x2048xf32> to vector<8x2048xf32>
    %mul3A_2385 = vector.broadcast %convert_element_type3A_1713 : vector<1x2048xf32> to vector<8x2048xf32>
    %mul3A_2386 = arith.mulf %squeeze3A_2384, %mul3A_2385 : vector<8x2048xf32>
    %add3A_2387 = arith.addf %add3A_2382, %mul3A_2386 : vector<8x2048xf32>
    %slice3A_2388 = vector.extract_strided_slice %reshape3A_1667 {offsets = [9, 24, 0], sizes = [1, 8, 2048], strides = [1, 1, 1]} : vector<32x64x2048xf32> to vector<1x8x2048xf32>
    %squeeze3A_2389 = vector.shape_cast %slice3A_2388 : vector<1x8x2048xf32> to vector<8x2048xf32>
    %mul3A_2390 = vector.broadcast %convert_element_type3A_1718 : vector<1x2048xf32> to vector<8x2048xf32>
    %mul3A_2391 = arith.mulf %squeeze3A_2389, %mul3A_2390 : vector<8x2048xf32>
    %add3A_2392 = arith.addf %add3A_2387, %mul3A_2391 : vector<8x2048xf32>
    %slice3A_2393 = vector.extract_strided_slice %reshape3A_1667 {offsets = [10, 24, 0], sizes = [1, 8, 2048], strides = [1, 1, 1]} : vector<32x64x2048xf32> to vector<1x8x2048xf32>
    %squeeze3A_2394 = vector.shape_cast %slice3A_2393 : vector<1x8x2048xf32> to vector<8x2048xf32>
    %mul3A_2395 = vector.broadcast %convert_element_type3A_1723 : vector<1x2048xf32> to vector<8x2048xf32>
    %mul3A_2396 = arith.mulf %squeeze3A_2394, %mul3A_2395 : vector<8x2048xf32>
    %add3A_2397 = arith.addf %add3A_2392, %mul3A_2396 : vector<8x2048xf32>
    %slice3A_2398 = vector.extract_strided_slice %reshape3A_1667 {offsets = [11, 24, 0], sizes = [1, 8, 2048], strides = [1, 1, 1]} : vector<32x64x2048xf32> to vector<1x8x2048xf32>
    %squeeze3A_2399 = vector.shape_cast %slice3A_2398 : vector<1x8x2048xf32> to vector<8x2048xf32>
    %mul3A_2400 = vector.broadcast %convert_element_type3A_1728 : vector<1x2048xf32> to vector<8x2048xf32>
    %mul3A_2401 = arith.mulf %squeeze3A_2399, %mul3A_2400 : vector<8x2048xf32>
    %add3A_2402 = arith.addf %add3A_2397, %mul3A_2401 : vector<8x2048xf32>
    %slice3A_2403 = vector.extract_strided_slice %reshape3A_1667 {offsets = [12, 24, 0], sizes = [1, 8, 2048], strides = [1, 1, 1]} : vector<32x64x2048xf32> to vector<1x8x2048xf32>
    %squeeze3A_2404 = vector.shape_cast %slice3A_2403 : vector<1x8x2048xf32> to vector<8x2048xf32>
    %mul3A_2405 = vector.broadcast %convert_element_type3A_1733 : vector<1x2048xf32> to vector<8x2048xf32>
    %mul3A_2406 = arith.mulf %squeeze3A_2404, %mul3A_2405 : vector<8x2048xf32>
    %add3A_2407 = arith.addf %add3A_2402, %mul3A_2406 : vector<8x2048xf32>
    %slice3A_2408 = vector.extract_strided_slice %reshape3A_1667 {offsets = [13, 24, 0], sizes = [1, 8, 2048], strides = [1, 1, 1]} : vector<32x64x2048xf32> to vector<1x8x2048xf32>
    %squeeze3A_2409 = vector.shape_cast %slice3A_2408 : vector<1x8x2048xf32> to vector<8x2048xf32>
    %mul3A_2410 = vector.broadcast %convert_element_type3A_1738 : vector<1x2048xf32> to vector<8x2048xf32>
    %mul3A_2411 = arith.mulf %squeeze3A_2409, %mul3A_2410 : vector<8x2048xf32>
    %add3A_2412 = arith.addf %add3A_2407, %mul3A_2411 : vector<8x2048xf32>
    %slice3A_2413 = vector.extract_strided_slice %reshape3A_1667 {offsets = [14, 24, 0], sizes = [1, 8, 2048], strides = [1, 1, 1]} : vector<32x64x2048xf32> to vector<1x8x2048xf32>
    %squeeze3A_2414 = vector.shape_cast %slice3A_2413 : vector<1x8x2048xf32> to vector<8x2048xf32>
    %mul3A_2415 = vector.broadcast %convert_element_type3A_1743 : vector<1x2048xf32> to vector<8x2048xf32>
    %mul3A_2416 = arith.mulf %squeeze3A_2414, %mul3A_2415 : vector<8x2048xf32>
    %add3A_2417 = arith.addf %add3A_2412, %mul3A_2416 : vector<8x2048xf32>
    %slice3A_2418 = vector.extract_strided_slice %reshape3A_1667 {offsets = [15, 24, 0], sizes = [1, 8, 2048], strides = [1, 1, 1]} : vector<32x64x2048xf32> to vector<1x8x2048xf32>
    %squeeze3A_2419 = vector.shape_cast %slice3A_2418 : vector<1x8x2048xf32> to vector<8x2048xf32>
    %mul3A_2420 = vector.broadcast %convert_element_type3A_1748 : vector<1x2048xf32> to vector<8x2048xf32>
    %mul3A_2421 = arith.mulf %squeeze3A_2419, %mul3A_2420 : vector<8x2048xf32>
    %add3A_2422 = arith.addf %add3A_2417, %mul3A_2421 : vector<8x2048xf32>
    %slice3A_2423 = vector.extract_strided_slice %reshape3A_1667 {offsets = [16, 24, 0], sizes = [1, 8, 2048], strides = [1, 1, 1]} : vector<32x64x2048xf32> to vector<1x8x2048xf32>
    %squeeze3A_2424 = vector.shape_cast %slice3A_2423 : vector<1x8x2048xf32> to vector<8x2048xf32>
    %mul3A_2425 = vector.broadcast %convert_element_type3A_1753 : vector<1x2048xf32> to vector<8x2048xf32>
    %mul3A_2426 = arith.mulf %squeeze3A_2424, %mul3A_2425 : vector<8x2048xf32>
    %add3A_2427 = arith.addf %add3A_2422, %mul3A_2426 : vector<8x2048xf32>
    %slice3A_2428 = vector.extract_strided_slice %reshape3A_1667 {offsets = [17, 24, 0], sizes = [1, 8, 2048], strides = [1, 1, 1]} : vector<32x64x2048xf32> to vector<1x8x2048xf32>
    %squeeze3A_2429 = vector.shape_cast %slice3A_2428 : vector<1x8x2048xf32> to vector<8x2048xf32>
    %mul3A_2430 = vector.broadcast %convert_element_type3A_1758 : vector<1x2048xf32> to vector<8x2048xf32>
    %mul3A_2431 = arith.mulf %squeeze3A_2429, %mul3A_2430 : vector<8x2048xf32>
    %add3A_2432 = arith.addf %add3A_2427, %mul3A_2431 : vector<8x2048xf32>
    %slice3A_2433 = vector.extract_strided_slice %reshape3A_1667 {offsets = [18, 24, 0], sizes = [1, 8, 2048], strides = [1, 1, 1]} : vector<32x64x2048xf32> to vector<1x8x2048xf32>
    %squeeze3A_2434 = vector.shape_cast %slice3A_2433 : vector<1x8x2048xf32> to vector<8x2048xf32>
    %mul3A_2435 = vector.broadcast %convert_element_type3A_1763 : vector<1x2048xf32> to vector<8x2048xf32>
    %mul3A_2436 = arith.mulf %squeeze3A_2434, %mul3A_2435 : vector<8x2048xf32>
    %add3A_2437 = arith.addf %add3A_2432, %mul3A_2436 : vector<8x2048xf32>
    %slice3A_2438 = vector.extract_strided_slice %reshape3A_1667 {offsets = [19, 24, 0], sizes = [1, 8, 2048], strides = [1, 1, 1]} : vector<32x64x2048xf32> to vector<1x8x2048xf32>
    %squeeze3A_2439 = vector.shape_cast %slice3A_2438 : vector<1x8x2048xf32> to vector<8x2048xf32>
    %mul3A_2440 = vector.broadcast %convert_element_type3A_1768 : vector<1x2048xf32> to vector<8x2048xf32>
    %mul3A_2441 = arith.mulf %squeeze3A_2439, %mul3A_2440 : vector<8x2048xf32>
    %add3A_2442 = arith.addf %add3A_2437, %mul3A_2441 : vector<8x2048xf32>
    %slice3A_2443 = vector.extract_strided_slice %reshape3A_1667 {offsets = [20, 24, 0], sizes = [1, 8, 2048], strides = [1, 1, 1]} : vector<32x64x2048xf32> to vector<1x8x2048xf32>
    %squeeze3A_2444 = vector.shape_cast %slice3A_2443 : vector<1x8x2048xf32> to vector<8x2048xf32>
    %mul3A_2445 = vector.broadcast %convert_element_type3A_1773 : vector<1x2048xf32> to vector<8x2048xf32>
    %mul3A_2446 = arith.mulf %squeeze3A_2444, %mul3A_2445 : vector<8x2048xf32>
    %add3A_2447 = arith.addf %add3A_2442, %mul3A_2446 : vector<8x2048xf32>
    %slice3A_2448 = vector.extract_strided_slice %reshape3A_1667 {offsets = [21, 24, 0], sizes = [1, 8, 2048], strides = [1, 1, 1]} : vector<32x64x2048xf32> to vector<1x8x2048xf32>
    %squeeze3A_2449 = vector.shape_cast %slice3A_2448 : vector<1x8x2048xf32> to vector<8x2048xf32>
    %mul3A_2450 = vector.broadcast %convert_element_type3A_1778 : vector<1x2048xf32> to vector<8x2048xf32>
    %mul3A_2451 = arith.mulf %squeeze3A_2449, %mul3A_2450 : vector<8x2048xf32>
    %add3A_2452 = arith.addf %add3A_2447, %mul3A_2451 : vector<8x2048xf32>
    %slice3A_2453 = vector.extract_strided_slice %reshape3A_1667 {offsets = [22, 24, 0], sizes = [1, 8, 2048], strides = [1, 1, 1]} : vector<32x64x2048xf32> to vector<1x8x2048xf32>
    %squeeze3A_2454 = vector.shape_cast %slice3A_2453 : vector<1x8x2048xf32> to vector<8x2048xf32>
    %mul3A_2455 = vector.broadcast %convert_element_type3A_1783 : vector<1x2048xf32> to vector<8x2048xf32>
    %mul3A_2456 = arith.mulf %squeeze3A_2454, %mul3A_2455 : vector<8x2048xf32>
    %add3A_2457 = arith.addf %add3A_2452, %mul3A_2456 : vector<8x2048xf32>
    %slice3A_2458 = vector.extract_strided_slice %reshape3A_1667 {offsets = [23, 24, 0], sizes = [1, 8, 2048], strides = [1, 1, 1]} : vector<32x64x2048xf32> to vector<1x8x2048xf32>
    %squeeze3A_2459 = vector.shape_cast %slice3A_2458 : vector<1x8x2048xf32> to vector<8x2048xf32>
    %mul3A_2460 = vector.broadcast %convert_element_type3A_1788 : vector<1x2048xf32> to vector<8x2048xf32>
    %mul3A_2461 = arith.mulf %squeeze3A_2459, %mul3A_2460 : vector<8x2048xf32>
    %add3A_2462 = arith.addf %add3A_2457, %mul3A_2461 : vector<8x2048xf32>
    %slice3A_2463 = vector.extract_strided_slice %reshape3A_1667 {offsets = [24, 24, 0], sizes = [1, 8, 2048], strides = [1, 1, 1]} : vector<32x64x2048xf32> to vector<1x8x2048xf32>
    %squeeze3A_2464 = vector.shape_cast %slice3A_2463 : vector<1x8x2048xf32> to vector<8x2048xf32>
    %mul3A_2465 = vector.broadcast %convert_element_type3A_1793 : vector<1x2048xf32> to vector<8x2048xf32>
    %mul3A_2466 = arith.mulf %squeeze3A_2464, %mul3A_2465 : vector<8x2048xf32>
    %add3A_2467 = arith.addf %add3A_2462, %mul3A_2466 : vector<8x2048xf32>
    %slice3A_2468 = vector.extract_strided_slice %reshape3A_1667 {offsets = [25, 24, 0], sizes = [1, 8, 2048], strides = [1, 1, 1]} : vector<32x64x2048xf32> to vector<1x8x2048xf32>
    %squeeze3A_2469 = vector.shape_cast %slice3A_2468 : vector<1x8x2048xf32> to vector<8x2048xf32>
    %mul3A_2470 = vector.broadcast %convert_element_type3A_1798 : vector<1x2048xf32> to vector<8x2048xf32>
    %mul3A_2471 = arith.mulf %squeeze3A_2469, %mul3A_2470 : vector<8x2048xf32>
    %add3A_2472 = arith.addf %add3A_2467, %mul3A_2471 : vector<8x2048xf32>
    %slice3A_2473 = vector.extract_strided_slice %reshape3A_1667 {offsets = [26, 24, 0], sizes = [1, 8, 2048], strides = [1, 1, 1]} : vector<32x64x2048xf32> to vector<1x8x2048xf32>
    %squeeze3A_2474 = vector.shape_cast %slice3A_2473 : vector<1x8x2048xf32> to vector<8x2048xf32>
    %mul3A_2475 = vector.broadcast %convert_element_type3A_1803 : vector<1x2048xf32> to vector<8x2048xf32>
    %mul3A_2476 = arith.mulf %squeeze3A_2474, %mul3A_2475 : vector<8x2048xf32>
    %add3A_2477 = arith.addf %add3A_2472, %mul3A_2476 : vector<8x2048xf32>
    %slice3A_2478 = vector.extract_strided_slice %reshape3A_1667 {offsets = [27, 24, 0], sizes = [1, 8, 2048], strides = [1, 1, 1]} : vector<32x64x2048xf32> to vector<1x8x2048xf32>
    %squeeze3A_2479 = vector.shape_cast %slice3A_2478 : vector<1x8x2048xf32> to vector<8x2048xf32>
    %mul3A_2480 = vector.broadcast %convert_element_type3A_1808 : vector<1x2048xf32> to vector<8x2048xf32>
    %mul3A_2481 = arith.mulf %squeeze3A_2479, %mul3A_2480 : vector<8x2048xf32>
    %add3A_2482 = arith.addf %add3A_2477, %mul3A_2481 : vector<8x2048xf32>
    %slice3A_2483 = vector.extract_strided_slice %reshape3A_1667 {offsets = [28, 24, 0], sizes = [1, 8, 2048], strides = [1, 1, 1]} : vector<32x64x2048xf32> to vector<1x8x2048xf32>
    %squeeze3A_2484 = vector.shape_cast %slice3A_2483 : vector<1x8x2048xf32> to vector<8x2048xf32>
    %mul3A_2485 = vector.broadcast %convert_element_type3A_1813 : vector<1x2048xf32> to vector<8x2048xf32>
    %mul3A_2486 = arith.mulf %squeeze3A_2484, %mul3A_2485 : vector<8x2048xf32>
    %add3A_2487 = arith.addf %add3A_2482, %mul3A_2486 : vector<8x2048xf32>
    %slice3A_2488 = vector.extract_strided_slice %reshape3A_1667 {offsets = [29, 24, 0], sizes = [1, 8, 2048], strides = [1, 1, 1]} : vector<32x64x2048xf32> to vector<1x8x2048xf32>
    %squeeze3A_2489 = vector.shape_cast %slice3A_2488 : vector<1x8x2048xf32> to vector<8x2048xf32>
    %mul3A_2490 = vector.broadcast %convert_element_type3A_1818 : vector<1x2048xf32> to vector<8x2048xf32>
    %mul3A_2491 = arith.mulf %squeeze3A_2489, %mul3A_2490 : vector<8x2048xf32>
    %add3A_2492 = arith.addf %add3A_2487, %mul3A_2491 : vector<8x2048xf32>
    %slice3A_2493 = vector.extract_strided_slice %reshape3A_1667 {offsets = [30, 24, 0], sizes = [1, 8, 2048], strides = [1, 1, 1]} : vector<32x64x2048xf32> to vector<1x8x2048xf32>
    %squeeze3A_2494 = vector.shape_cast %slice3A_2493 : vector<1x8x2048xf32> to vector<8x2048xf32>
    %mul3A_2495 = vector.broadcast %convert_element_type3A_1823 : vector<1x2048xf32> to vector<8x2048xf32>
    %mul3A_2496 = arith.mulf %squeeze3A_2494, %mul3A_2495 : vector<8x2048xf32>
    %add3A_2497 = arith.addf %add3A_2492, %mul3A_2496 : vector<8x2048xf32>
    %slice3A_2498 = vector.extract_strided_slice %reshape3A_1667 {offsets = [31, 24, 0], sizes = [1, 8, 2048], strides = [1, 1, 1]} : vector<32x64x2048xf32> to vector<1x8x2048xf32>
    %squeeze3A_2499 = vector.shape_cast %slice3A_2498 : vector<1x8x2048xf32> to vector<8x2048xf32>
    %mul3A_2500 = vector.broadcast %convert_element_type3A_1828 : vector<1x2048xf32> to vector<8x2048xf32>
    %mul3A_2501 = arith.mulf %squeeze3A_2499, %mul3A_2500 : vector<8x2048xf32>
    %add3A_2502 = arith.addf %add3A_2497, %mul3A_2501 : vector<8x2048xf32>
    %swap3A_2503 = arith.constant 1 : index
    %swap3A_2504 = arith.constant 24 : index
    %swap3A_2505 = arith.constant 0 : index
    %swap3A_2506 = vector.load %arg14[%swap3A_2503, %swap3A_2504, %swap3A_2505] : memref<2x64x2048xf32, #tpu.memory_space<vmem>>, vector<1x8x2048xf32>
    %swap3A_2507 = vector.shape_cast %swap3A_2506 : vector<1x8x2048xf32> to vector<8x2048xf32>
    %swap3A_2508 = vector.shape_cast %add3A_2502 : vector<8x2048xf32> to vector<1x8x2048xf32>
    tpu.vector_store %arg14[%swap3A_2503, %swap3A_2504, %swap3A_2505], %swap3A_2508 {strides = array<i32>} : memref<2x64x2048xf32, #tpu.memory_space<vmem>>, vector<1x8x2048xf32>,
    %broadcast_in_dim3A_2509 = arith.constant 0.000000e+00 : f32
    %broadcast_in_dim3A_2510 = vector.broadcast %broadcast_in_dim3A_2509 : f32 to vector<8x2048xf32>
    %add3A_2511 = vector.broadcast %slice3A_1668 : vector<1x2048xf32> to vector<8x2048xf32>
    %add3A_2512 = arith.addf %broadcast_in_dim3A_2510, %add3A_2511 : vector<8x2048xf32>
    %slice3A_2513 = vector.extract_strided_slice %reshape3A_1667 {offsets = [0, 32, 0], sizes = [1, 8, 2048], strides = [1, 1, 1]} : vector<32x64x2048xf32> to vector<1x8x2048xf32>
    %squeeze3A_2514 = vector.shape_cast %slice3A_2513 : vector<1x8x2048xf32> to vector<8x2048xf32>
    %mul3A_2515 = vector.broadcast %convert_element_type3A_1673 : vector<1x2048xf32> to vector<8x2048xf32>
    %mul3A_2516 = arith.mulf %squeeze3A_2514, %mul3A_2515 : vector<8x2048xf32>
    %add3A_2517 = arith.addf %add3A_2512, %mul3A_2516 : vector<8x2048xf32>
    %slice3A_2518 = vector.extract_strided_slice %reshape3A_1667 {offsets = [1, 32, 0], sizes = [1, 8, 2048], strides = [1, 1, 1]} : vector<32x64x2048xf32> to vector<1x8x2048xf32>
    %squeeze3A_2519 = vector.shape_cast %slice3A_2518 : vector<1x8x2048xf32> to vector<8x2048xf32>
    %mul3A_2520 = vector.broadcast %convert_element_type3A_1678 : vector<1x2048xf32> to vector<8x2048xf32>
    %mul3A_2521 = arith.mulf %squeeze3A_2519, %mul3A_2520 : vector<8x2048xf32>
    %add3A_2522 = arith.addf %add3A_2517, %mul3A_2521 : vector<8x2048xf32>
    %slice3A_2523 = vector.extract_strided_slice %reshape3A_1667 {offsets = [2, 32, 0], sizes = [1, 8, 2048], strides = [1, 1, 1]} : vector<32x64x2048xf32> to vector<1x8x2048xf32>
    %squeeze3A_2524 = vector.shape_cast %slice3A_2523 : vector<1x8x2048xf32> to vector<8x2048xf32>
    %mul3A_2525 = vector.broadcast %convert_element_type3A_1683 : vector<1x2048xf32> to vector<8x2048xf32>
    %mul3A_2526 = arith.mulf %squeeze3A_2524, %mul3A_2525 : vector<8x2048xf32>
    %add3A_2527 = arith.addf %add3A_2522, %mul3A_2526 : vector<8x2048xf32>
    %slice3A_2528 = vector.extract_strided_slice %reshape3A_1667 {offsets = [3, 32, 0], sizes = [1, 8, 2048], strides = [1, 1, 1]} : vector<32x64x2048xf32> to vector<1x8x2048xf32>
    %squeeze3A_2529 = vector.shape_cast %slice3A_2528 : vector<1x8x2048xf32> to vector<8x2048xf32>
    %mul3A_2530 = vector.broadcast %convert_element_type3A_1688 : vector<1x2048xf32> to vector<8x2048xf32>
    %mul3A_2531 = arith.mulf %squeeze3A_2529, %mul3A_2530 : vector<8x2048xf32>
    %add3A_2532 = arith.addf %add3A_2527, %mul3A_2531 : vector<8x2048xf32>
    %slice3A_2533 = vector.extract_strided_slice %reshape3A_1667 {offsets = [4, 32, 0], sizes = [1, 8, 2048], strides = [1, 1, 1]} : vector<32x64x2048xf32> to vector<1x8x2048xf32>
    %squeeze3A_2534 = vector.shape_cast %slice3A_2533 : vector<1x8x2048xf32> to vector<8x2048xf32>
    %mul3A_2535 = vector.broadcast %convert_element_type3A_1693 : vector<1x2048xf32> to vector<8x2048xf32>
    %mul3A_2536 = arith.mulf %squeeze3A_2534, %mul3A_2535 : vector<8x2048xf32>
    %add3A_2537 = arith.addf %add3A_2532, %mul3A_2536 : vector<8x2048xf32>
    %slice3A_2538 = vector.extract_strided_slice %reshape3A_1667 {offsets = [5, 32, 0], sizes = [1, 8, 2048], strides = [1, 1, 1]} : vector<32x64x2048xf32> to vector<1x8x2048xf32>
    %squeeze3A_2539 = vector.shape_cast %slice3A_2538 : vector<1x8x2048xf32> to vector<8x2048xf32>
    %mul3A_2540 = vector.broadcast %convert_element_type3A_1698 : vector<1x2048xf32> to vector<8x2048xf32>
    %mul3A_2541 = arith.mulf %squeeze3A_2539, %mul3A_2540 : vector<8x2048xf32>
    %add3A_2542 = arith.addf %add3A_2537, %mul3A_2541 : vector<8x2048xf32>
    %slice3A_2543 = vector.extract_strided_slice %reshape3A_1667 {offsets = [6, 32, 0], sizes = [1, 8, 2048], strides = [1, 1, 1]} : vector<32x64x2048xf32> to vector<1x8x2048xf32>
    %squeeze3A_2544 = vector.shape_cast %slice3A_2543 : vector<1x8x2048xf32> to vector<8x2048xf32>
    %mul3A_2545 = vector.broadcast %convert_element_type3A_1703 : vector<1x2048xf32> to vector<8x2048xf32>
    %mul3A_2546 = arith.mulf %squeeze3A_2544, %mul3A_2545 : vector<8x2048xf32>
    %add3A_2547 = arith.addf %add3A_2542, %mul3A_2546 : vector<8x2048xf32>
    %slice3A_2548 = vector.extract_strided_slice %reshape3A_1667 {offsets = [7, 32, 0], sizes = [1, 8, 2048], strides = [1, 1, 1]} : vector<32x64x2048xf32> to vector<1x8x2048xf32>
    %squeeze3A_2549 = vector.shape_cast %slice3A_2548 : vector<1x8x2048xf32> to vector<8x2048xf32>
    %mul3A_2550 = vector.broadcast %convert_element_type3A_1708 : vector<1x2048xf32> to vector<8x2048xf32>
    %mul3A_2551 = arith.mulf %squeeze3A_2549, %mul3A_2550 : vector<8x2048xf32>
    %add3A_2552 = arith.addf %add3A_2547, %mul3A_2551 : vector<8x2048xf32>
    %slice3A_2553 = vector.extract_strided_slice %reshape3A_1667 {offsets = [8, 32, 0], sizes = [1, 8, 2048], strides = [1, 1, 1]} : vector<32x64x2048xf32> to vector<1x8x2048xf32>
    %squeeze3A_2554 = vector.shape_cast %slice3A_2553 : vector<1x8x2048xf32> to vector<8x2048xf32>
    %mul3A_2555 = vector.broadcast %convert_element_type3A_1713 : vector<1x2048xf32> to vector<8x2048xf32>
    %mul3A_2556 = arith.mulf %squeeze3A_2554, %mul3A_2555 : vector<8x2048xf32>
    %add3A_2557 = arith.addf %add3A_2552, %mul3A_2556 : vector<8x2048xf32>
    %slice3A_2558 = vector.extract_strided_slice %reshape3A_1667 {offsets = [9, 32, 0], sizes = [1, 8, 2048], strides = [1, 1, 1]} : vector<32x64x2048xf32> to vector<1x8x2048xf32>
    %squeeze3A_2559 = vector.shape_cast %slice3A_2558 : vector<1x8x2048xf32> to vector<8x2048xf32>
    %mul3A_2560 = vector.broadcast %convert_element_type3A_1718 : vector<1x2048xf32> to vector<8x2048xf32>
    %mul3A_2561 = arith.mulf %squeeze3A_2559, %mul3A_2560 : vector<8x2048xf32>
    %add3A_2562 = arith.addf %add3A_2557, %mul3A_2561 : vector<8x2048xf32>
    %slice3A_2563 = vector.extract_strided_slice %reshape3A_1667 {offsets = [10, 32, 0], sizes = [1, 8, 2048], strides = [1, 1, 1]} : vector<32x64x2048xf32> to vector<1x8x2048xf32>
    %squeeze3A_2564 = vector.shape_cast %slice3A_2563 : vector<1x8x2048xf32> to vector<8x2048xf32>
    %mul3A_2565 = vector.broadcast %convert_element_type3A_1723 : vector<1x2048xf32> to vector<8x2048xf32>
    %mul3A_2566 = arith.mulf %squeeze3A_2564, %mul3A_2565 : vector<8x2048xf32>
    %add3A_2567 = arith.addf %add3A_2562, %mul3A_2566 : vector<8x2048xf32>
    %slice3A_2568 = vector.extract_strided_slice %reshape3A_1667 {offsets = [11, 32, 0], sizes = [1, 8, 2048], strides = [1, 1, 1]} : vector<32x64x2048xf32> to vector<1x8x2048xf32>
    %squeeze3A_2569 = vector.shape_cast %slice3A_2568 : vector<1x8x2048xf32> to vector<8x2048xf32>
    %mul3A_2570 = vector.broadcast %convert_element_type3A_1728 : vector<1x2048xf32> to vector<8x2048xf32>
    %mul3A_2571 = arith.mulf %squeeze3A_2569, %mul3A_2570 : vector<8x2048xf32>
    %add3A_2572 = arith.addf %add3A_2567, %mul3A_2571 : vector<8x2048xf32>
    %slice3A_2573 = vector.extract_strided_slice %reshape3A_1667 {offsets = [12, 32, 0], sizes = [1, 8, 2048], strides = [1, 1, 1]} : vector<32x64x2048xf32> to vector<1x8x2048xf32>
    %squeeze3A_2574 = vector.shape_cast %slice3A_2573 : vector<1x8x2048xf32> to vector<8x2048xf32>
    %mul3A_2575 = vector.broadcast %convert_element_type3A_1733 : vector<1x2048xf32> to vector<8x2048xf32>
    %mul3A_2576 = arith.mulf %squeeze3A_2574, %mul3A_2575 : vector<8x2048xf32>
    %add3A_2577 = arith.addf %add3A_2572, %mul3A_2576 : vector<8x2048xf32>
    %slice3A_2578 = vector.extract_strided_slice %reshape3A_1667 {offsets = [13, 32, 0], sizes = [1, 8, 2048], strides = [1, 1, 1]} : vector<32x64x2048xf32> to vector<1x8x2048xf32>
    %squeeze3A_2579 = vector.shape_cast %slice3A_2578 : vector<1x8x2048xf32> to vector<8x2048xf32>
    %mul3A_2580 = vector.broadcast %convert_element_type3A_1738 : vector<1x2048xf32> to vector<8x2048xf32>
    %mul3A_2581 = arith.mulf %squeeze3A_2579, %mul3A_2580 : vector<8x2048xf32>
    %add3A_2582 = arith.addf %add3A_2577, %mul3A_2581 : vector<8x2048xf32>
    %slice3A_2583 = vector.extract_strided_slice %reshape3A_1667 {offsets = [14, 32, 0], sizes = [1, 8, 2048], strides = [1, 1, 1]} : vector<32x64x2048xf32> to vector<1x8x2048xf32>
    %squeeze3A_2584 = vector.shape_cast %slice3A_2583 : vector<1x8x2048xf32> to vector<8x2048xf32>
    %mul3A_2585 = vector.broadcast %convert_element_type3A_1743 : vector<1x2048xf32> to vector<8x2048xf32>
    %mul3A_2586 = arith.mulf %squeeze3A_2584, %mul3A_2585 : vector<8x2048xf32>
    %add3A_2587 = arith.addf %add3A_2582, %mul3A_2586 : vector<8x2048xf32>
    %slice3A_2588 = vector.extract_strided_slice %reshape3A_1667 {offsets = [15, 32, 0], sizes = [1, 8, 2048], strides = [1, 1, 1]} : vector<32x64x2048xf32> to vector<1x8x2048xf32>
    %squeeze3A_2589 = vector.shape_cast %slice3A_2588 : vector<1x8x2048xf32> to vector<8x2048xf32>
    %mul3A_2590 = vector.broadcast %convert_element_type3A_1748 : vector<1x2048xf32> to vector<8x2048xf32>
    %mul3A_2591 = arith.mulf %squeeze3A_2589, %mul3A_2590 : vector<8x2048xf32>
    %add3A_2592 = arith.addf %add3A_2587, %mul3A_2591 : vector<8x2048xf32>
    %slice3A_2593 = vector.extract_strided_slice %reshape3A_1667 {offsets = [16, 32, 0], sizes = [1, 8, 2048], strides = [1, 1, 1]} : vector<32x64x2048xf32> to vector<1x8x2048xf32>
    %squeeze3A_2594 = vector.shape_cast %slice3A_2593 : vector<1x8x2048xf32> to vector<8x2048xf32>
    %mul3A_2595 = vector.broadcast %convert_element_type3A_1753 : vector<1x2048xf32> to vector<8x2048xf32>
    %mul3A_2596 = arith.mulf %squeeze3A_2594, %mul3A_2595 : vector<8x2048xf32>
    %add3A_2597 = arith.addf %add3A_2592, %mul3A_2596 : vector<8x2048xf32>
    %slice3A_2598 = vector.extract_strided_slice %reshape3A_1667 {offsets = [17, 32, 0], sizes = [1, 8, 2048], strides = [1, 1, 1]} : vector<32x64x2048xf32> to vector<1x8x2048xf32>
    %squeeze3A_2599 = vector.shape_cast %slice3A_2598 : vector<1x8x2048xf32> to vector<8x2048xf32>
    %mul3A_2600 = vector.broadcast %convert_element_type3A_1758 : vector<1x2048xf32> to vector<8x2048xf32>
    %mul3A_2601 = arith.mulf %squeeze3A_2599, %mul3A_2600 : vector<8x2048xf32>
    %add3A_2602 = arith.addf %add3A_2597, %mul3A_2601 : vector<8x2048xf32>
    %slice3A_2603 = vector.extract_strided_slice %reshape3A_1667 {offsets = [18, 32, 0], sizes = [1, 8, 2048], strides = [1, 1, 1]} : vector<32x64x2048xf32> to vector<1x8x2048xf32>
    %squeeze3A_2604 = vector.shape_cast %slice3A_2603 : vector<1x8x2048xf32> to vector<8x2048xf32>
    %mul3A_2605 = vector.broadcast %convert_element_type3A_1763 : vector<1x2048xf32> to vector<8x2048xf32>
    %mul3A_2606 = arith.mulf %squeeze3A_2604, %mul3A_2605 : vector<8x2048xf32>
    %add3A_2607 = arith.addf %add3A_2602, %mul3A_2606 : vector<8x2048xf32>
    %slice3A_2608 = vector.extract_strided_slice %reshape3A_1667 {offsets = [19, 32, 0], sizes = [1, 8, 2048], strides = [1, 1, 1]} : vector<32x64x2048xf32> to vector<1x8x2048xf32>
    %squeeze3A_2609 = vector.shape_cast %slice3A_2608 : vector<1x8x2048xf32> to vector<8x2048xf32>
    %mul3A_2610 = vector.broadcast %convert_element_type3A_1768 : vector<1x2048xf32> to vector<8x2048xf32>
    %mul3A_2611 = arith.mulf %squeeze3A_2609, %mul3A_2610 : vector<8x2048xf32>
    %add3A_2612 = arith.addf %add3A_2607, %mul3A_2611 : vector<8x2048xf32>
    %slice3A_2613 = vector.extract_strided_slice %reshape3A_1667 {offsets = [20, 32, 0], sizes = [1, 8, 2048], strides = [1, 1, 1]} : vector<32x64x2048xf32> to vector<1x8x2048xf32>
    %squeeze3A_2614 = vector.shape_cast %slice3A_2613 : vector<1x8x2048xf32> to vector<8x2048xf32>
    %mul3A_2615 = vector.broadcast %convert_element_type3A_1773 : vector<1x2048xf32> to vector<8x2048xf32>
    %mul3A_2616 = arith.mulf %squeeze3A_2614, %mul3A_2615 : vector<8x2048xf32>
    %add3A_2617 = arith.addf %add3A_2612, %mul3A_2616 : vector<8x2048xf32>
    %slice3A_2618 = vector.extract_strided_slice %reshape3A_1667 {offsets = [21, 32, 0], sizes = [1, 8, 2048], strides = [1, 1, 1]} : vector<32x64x2048xf32> to vector<1x8x2048xf32>
    %squeeze3A_2619 = vector.shape_cast %slice3A_2618 : vector<1x8x2048xf32> to vector<8x2048xf32>
    %mul3A_2620 = vector.broadcast %convert_element_type3A_1778 : vector<1x2048xf32> to vector<8x2048xf32>
    %mul3A_2621 = arith.mulf %squeeze3A_2619, %mul3A_2620 : vector<8x2048xf32>
    %add3A_2622 = arith.addf %add3A_2617, %mul3A_2621 : vector<8x2048xf32>
    %slice3A_2623 = vector.extract_strided_slice %reshape3A_1667 {offsets = [22, 32, 0], sizes = [1, 8, 2048], strides = [1, 1, 1]} : vector<32x64x2048xf32> to vector<1x8x2048xf32>
    %squeeze3A_2624 = vector.shape_cast %slice3A_2623 : vector<1x8x2048xf32> to vector<8x2048xf32>
    %mul3A_2625 = vector.broadcast %convert_element_type3A_1783 : vector<1x2048xf32> to vector<8x2048xf32>
    %mul3A_2626 = arith.mulf %squeeze3A_2624, %mul3A_2625 : vector<8x2048xf32>
    %add3A_2627 = arith.addf %add3A_2622, %mul3A_2626 : vector<8x2048xf32>
    %slice3A_2628 = vector.extract_strided_slice %reshape3A_1667 {offsets = [23, 32, 0], sizes = [1, 8, 2048], strides = [1, 1, 1]} : vector<32x64x2048xf32> to vector<1x8x2048xf32>
    %squeeze3A_2629 = vector.shape_cast %slice3A_2628 : vector<1x8x2048xf32> to vector<8x2048xf32>
    %mul3A_2630 = vector.broadcast %convert_element_type3A_1788 : vector<1x2048xf32> to vector<8x2048xf32>
    %mul3A_2631 = arith.mulf %squeeze3A_2629, %mul3A_2630 : vector<8x2048xf32>
    %add3A_2632 = arith.addf %add3A_2627, %mul3A_2631 : vector<8x2048xf32>
    %slice3A_2633 = vector.extract_strided_slice %reshape3A_1667 {offsets = [24, 32, 0], sizes = [1, 8, 2048], strides = [1, 1, 1]} : vector<32x64x2048xf32> to vector<1x8x2048xf32>
    %squeeze3A_2634 = vector.shape_cast %slice3A_2633 : vector<1x8x2048xf32> to vector<8x2048xf32>
    %mul3A_2635 = vector.broadcast %convert_element_type3A_1793 : vector<1x2048xf32> to vector<8x2048xf32>
    %mul3A_2636 = arith.mulf %squeeze3A_2634, %mul3A_2635 : vector<8x2048xf32>
    %add3A_2637 = arith.addf %add3A_2632, %mul3A_2636 : vector<8x2048xf32>
    %slice3A_2638 = vector.extract_strided_slice %reshape3A_1667 {offsets = [25, 32, 0], sizes = [1, 8, 2048], strides = [1, 1, 1]} : vector<32x64x2048xf32> to vector<1x8x2048xf32>
    %squeeze3A_2639 = vector.shape_cast %slice3A_2638 : vector<1x8x2048xf32> to vector<8x2048xf32>
    %mul3A_2640 = vector.broadcast %convert_element_type3A_1798 : vector<1x2048xf32> to vector<8x2048xf32>
    %mul3A_2641 = arith.mulf %squeeze3A_2639, %mul3A_2640 : vector<8x2048xf32>
    %add3A_2642 = arith.addf %add3A_2637, %mul3A_2641 : vector<8x2048xf32>
    %slice3A_2643 = vector.extract_strided_slice %reshape3A_1667 {offsets = [26, 32, 0], sizes = [1, 8, 2048], strides = [1, 1, 1]} : vector<32x64x2048xf32> to vector<1x8x2048xf32>
    %squeeze3A_2644 = vector.shape_cast %slice3A_2643 : vector<1x8x2048xf32> to vector<8x2048xf32>
    %mul3A_2645 = vector.broadcast %convert_element_type3A_1803 : vector<1x2048xf32> to vector<8x2048xf32>
    %mul3A_2646 = arith.mulf %squeeze3A_2644, %mul3A_2645 : vector<8x2048xf32>
    %add3A_2647 = arith.addf %add3A_2642, %mul3A_2646 : vector<8x2048xf32>
    %slice3A_2648 = vector.extract_strided_slice %reshape3A_1667 {offsets = [27, 32, 0], sizes = [1, 8, 2048], strides = [1, 1, 1]} : vector<32x64x2048xf32> to vector<1x8x2048xf32>
    %squeeze3A_2649 = vector.shape_cast %slice3A_2648 : vector<1x8x2048xf32> to vector<8x2048xf32>
    %mul3A_2650 = vector.broadcast %convert_element_type3A_1808 : vector<1x2048xf32> to vector<8x2048xf32>
    %mul3A_2651 = arith.mulf %squeeze3A_2649, %mul3A_2650 : vector<8x2048xf32>
    %add3A_2652 = arith.addf %add3A_2647, %mul3A_2651 : vector<8x2048xf32>
    %slice3A_2653 = vector.extract_strided_slice %reshape3A_1667 {offsets = [28, 32, 0], sizes = [1, 8, 2048], strides = [1, 1, 1]} : vector<32x64x2048xf32> to vector<1x8x2048xf32>
    %squeeze3A_2654 = vector.shape_cast %slice3A_2653 : vector<1x8x2048xf32> to vector<8x2048xf32>
    %mul3A_2655 = vector.broadcast %convert_element_type3A_1813 : vector<1x2048xf32> to vector<8x2048xf32>
    %mul3A_2656 = arith.mulf %squeeze3A_2654, %mul3A_2655 : vector<8x2048xf32>
    %add3A_2657 = arith.addf %add3A_2652, %mul3A_2656 : vector<8x2048xf32>
    %slice3A_2658 = vector.extract_strided_slice %reshape3A_1667 {offsets = [29, 32, 0], sizes = [1, 8, 2048], strides = [1, 1, 1]} : vector<32x64x2048xf32> to vector<1x8x2048xf32>
    %squeeze3A_2659 = vector.shape_cast %slice3A_2658 : vector<1x8x2048xf32> to vector<8x2048xf32>
    %mul3A_2660 = vector.broadcast %convert_element_type3A_1818 : vector<1x2048xf32> to vector<8x2048xf32>
    %mul3A_2661 = arith.mulf %squeeze3A_2659, %mul3A_2660 : vector<8x2048xf32>
    %add3A_2662 = arith.addf %add3A_2657, %mul3A_2661 : vector<8x2048xf32>
    %slice3A_2663 = vector.extract_strided_slice %reshape3A_1667 {offsets = [30, 32, 0], sizes = [1, 8, 2048], strides = [1, 1, 1]} : vector<32x64x2048xf32> to vector<1x8x2048xf32>
    %squeeze3A_2664 = vector.shape_cast %slice3A_2663 : vector<1x8x2048xf32> to vector<8x2048xf32>
    %mul3A_2665 = vector.broadcast %convert_element_type3A_1823 : vector<1x2048xf32> to vector<8x2048xf32>
    %mul3A_2666 = arith.mulf %squeeze3A_2664, %mul3A_2665 : vector<8x2048xf32>
    %add3A_2667 = arith.addf %add3A_2662, %mul3A_2666 : vector<8x2048xf32>
    %slice3A_2668 = vector.extract_strided_slice %reshape3A_1667 {offsets = [31, 32, 0], sizes = [1, 8, 2048], strides = [1, 1, 1]} : vector<32x64x2048xf32> to vector<1x8x2048xf32>
    %squeeze3A_2669 = vector.shape_cast %slice3A_2668 : vector<1x8x2048xf32> to vector<8x2048xf32>
    %mul3A_2670 = vector.broadcast %convert_element_type3A_1828 : vector<1x2048xf32> to vector<8x2048xf32>
    %mul3A_2671 = arith.mulf %squeeze3A_2669, %mul3A_2670 : vector<8x2048xf32>
    %add3A_2672 = arith.addf %add3A_2667, %mul3A_2671 : vector<8x2048xf32>
    %swap3A_2673 = arith.constant 1 : index
    %swap3A_2674 = arith.constant 32 : index
    %swap3A_2675 = arith.constant 0 : index
    %swap3A_2676 = vector.load %arg14[%swap3A_2673, %swap3A_2674, %swap3A_2675] : memref<2x64x2048xf32, #tpu.memory_space<vmem>>, vector<1x8x2048xf32>
    %swap3A_2677 = vector.shape_cast %swap3A_2676 : vector<1x8x2048xf32> to vector<8x2048xf32>
    %swap3A_2678 = vector.shape_cast %add3A_2672 : vector<8x2048xf32> to vector<1x8x2048xf32>
    tpu.vector_store %arg14[%swap3A_2673, %swap3A_2674, %swap3A_2675], %swap3A_2678 {strides = array<i32>} : memref<2x64x2048xf32, #tpu.memory_space<vmem>>, vector<1x8x2048xf32>,
    %broadcast_in_dim3A_2679 = arith.constant 0.000000e+00 : f32
    %broadcast_in_dim3A_2680 = vector.broadcast %broadcast_in_dim3A_2679 : f32 to vector<8x2048xf32>
    %add3A_2681 = vector.broadcast %slice3A_1668 : vector<1x2048xf32> to vector<8x2048xf32>
    %add3A_2682 = arith.addf %broadcast_in_dim3A_2680, %add3A_2681 : vector<8x2048xf32>
    %slice3A_2683 = vector.extract_strided_slice %reshape3A_1667 {offsets = [0, 40, 0], sizes = [1, 8, 2048], strides = [1, 1, 1]} : vector<32x64x2048xf32> to vector<1x8x2048xf32>
    %squeeze3A_2684 = vector.shape_cast %slice3A_2683 : vector<1x8x2048xf32> to vector<8x2048xf32>
    %mul3A_2685 = vector.broadcast %convert_element_type3A_1673 : vector<1x2048xf32> to vector<8x2048xf32>
    %mul3A_2686 = arith.mulf %squeeze3A_2684, %mul3A_2685 : vector<8x2048xf32>
    %add3A_2687 = arith.addf %add3A_2682, %mul3A_2686 : vector<8x2048xf32>
    %slice3A_2688 = vector.extract_strided_slice %reshape3A_1667 {offsets = [1, 40, 0], sizes = [1, 8, 2048], strides = [1, 1, 1]} : vector<32x64x2048xf32> to vector<1x8x2048xf32>
    %squeeze3A_2689 = vector.shape_cast %slice3A_2688 : vector<1x8x2048xf32> to vector<8x2048xf32>
    %mul3A_2690 = vector.broadcast %convert_element_type3A_1678 : vector<1x2048xf32> to vector<8x2048xf32>
    %mul3A_2691 = arith.mulf %squeeze3A_2689, %mul3A_2690 : vector<8x2048xf32>
    %add3A_2692 = arith.addf %add3A_2687, %mul3A_2691 : vector<8x2048xf32>
    %slice3A_2693 = vector.extract_strided_slice %reshape3A_1667 {offsets = [2, 40, 0], sizes = [1, 8, 2048], strides = [1, 1, 1]} : vector<32x64x2048xf32> to vector<1x8x2048xf32>
    %squeeze3A_2694 = vector.shape_cast %slice3A_2693 : vector<1x8x2048xf32> to vector<8x2048xf32>
    %mul3A_2695 = vector.broadcast %convert_element_type3A_1683 : vector<1x2048xf32> to vector<8x2048xf32>
    %mul3A_2696 = arith.mulf %squeeze3A_2694, %mul3A_2695 : vector<8x2048xf32>
    %add3A_2697 = arith.addf %add3A_2692, %mul3A_2696 : vector<8x2048xf32>
    %slice3A_2698 = vector.extract_strided_slice %reshape3A_1667 {offsets = [3, 40, 0], sizes = [1, 8, 2048], strides = [1, 1, 1]} : vector<32x64x2048xf32> to vector<1x8x2048xf32>
    %squeeze3A_2699 = vector.shape_cast %slice3A_2698 : vector<1x8x2048xf32> to vector<8x2048xf32>
    %mul3A_2700 = vector.broadcast %convert_element_type3A_1688 : vector<1x2048xf32> to vector<8x2048xf32>
    %mul3A_2701 = arith.mulf %squeeze3A_2699, %mul3A_2700 : vector<8x2048xf32>
    %add3A_2702 = arith.addf %add3A_2697, %mul3A_2701 : vector<8x2048xf32>
    %slice3A_2703 = vector.extract_strided_slice %reshape3A_1667 {offsets = [4, 40, 0], sizes = [1, 8, 2048], strides = [1, 1, 1]} : vector<32x64x2048xf32> to vector<1x8x2048xf32>
    %squeeze3A_2704 = vector.shape_cast %slice3A_2703 : vector<1x8x2048xf32> to vector<8x2048xf32>
    %mul3A_2705 = vector.broadcast %convert_element_type3A_1693 : vector<1x2048xf32> to vector<8x2048xf32>
    %mul3A_2706 = arith.mulf %squeeze3A_2704, %mul3A_2705 : vector<8x2048xf32>
    %add3A_2707 = arith.addf %add3A_2702, %mul3A_2706 : vector<8x2048xf32>
    %slice3A_2708 = vector.extract_strided_slice %reshape3A_1667 {offsets = [5, 40, 0], sizes = [1, 8, 2048], strides = [1, 1, 1]} : vector<32x64x2048xf32> to vector<1x8x2048xf32>
    %squeeze3A_2709 = vector.shape_cast %slice3A_2708 : vector<1x8x2048xf32> to vector<8x2048xf32>
    %mul3A_2710 = vector.broadcast %convert_element_type3A_1698 : vector<1x2048xf32> to vector<8x2048xf32>
    %mul3A_2711 = arith.mulf %squeeze3A_2709, %mul3A_2710 : vector<8x2048xf32>
    %add3A_2712 = arith.addf %add3A_2707, %mul3A_2711 : vector<8x2048xf32>
    %slice3A_2713 = vector.extract_strided_slice %reshape3A_1667 {offsets = [6, 40, 0], sizes = [1, 8, 2048], strides = [1, 1, 1]} : vector<32x64x2048xf32> to vector<1x8x2048xf32>
    %squeeze3A_2714 = vector.shape_cast %slice3A_2713 : vector<1x8x2048xf32> to vector<8x2048xf32>
    %mul3A_2715 = vector.broadcast %convert_element_type3A_1703 : vector<1x2048xf32> to vector<8x2048xf32>
    %mul3A_2716 = arith.mulf %squeeze3A_2714, %mul3A_2715 : vector<8x2048xf32>
    %add3A_2717 = arith.addf %add3A_2712, %mul3A_2716 : vector<8x2048xf32>
    %slice3A_2718 = vector.extract_strided_slice %reshape3A_1667 {offsets = [7, 40, 0], sizes = [1, 8, 2048], strides = [1, 1, 1]} : vector<32x64x2048xf32> to vector<1x8x2048xf32>
    %squeeze3A_2719 = vector.shape_cast %slice3A_2718 : vector<1x8x2048xf32> to vector<8x2048xf32>
    %mul3A_2720 = vector.broadcast %convert_element_type3A_1708 : vector<1x2048xf32> to vector<8x2048xf32>
    %mul3A_2721 = arith.mulf %squeeze3A_2719, %mul3A_2720 : vector<8x2048xf32>
    %add3A_2722 = arith.addf %add3A_2717, %mul3A_2721 : vector<8x2048xf32>
    %slice3A_2723 = vector.extract_strided_slice %reshape3A_1667 {offsets = [8, 40, 0], sizes = [1, 8, 2048], strides = [1, 1, 1]} : vector<32x64x2048xf32> to vector<1x8x2048xf32>
    %squeeze3A_2724 = vector.shape_cast %slice3A_2723 : vector<1x8x2048xf32> to vector<8x2048xf32>
    %mul3A_2725 = vector.broadcast %convert_element_type3A_1713 : vector<1x2048xf32> to vector<8x2048xf32>
    %mul3A_2726 = arith.mulf %squeeze3A_2724, %mul3A_2725 : vector<8x2048xf32>
    %add3A_2727 = arith.addf %add3A_2722, %mul3A_2726 : vector<8x2048xf32>
    %slice3A_2728 = vector.extract_strided_slice %reshape3A_1667 {offsets = [9, 40, 0], sizes = [1, 8, 2048], strides = [1, 1, 1]} : vector<32x64x2048xf32> to vector<1x8x2048xf32>
    %squeeze3A_2729 = vector.shape_cast %slice3A_2728 : vector<1x8x2048xf32> to vector<8x2048xf32>
    %mul3A_2730 = vector.broadcast %convert_element_type3A_1718 : vector<1x2048xf32> to vector<8x2048xf32>
    %mul3A_2731 = arith.mulf %squeeze3A_2729, %mul3A_2730 : vector<8x2048xf32>
    %add3A_2732 = arith.addf %add3A_2727, %mul3A_2731 : vector<8x2048xf32>
    %slice3A_2733 = vector.extract_strided_slice %reshape3A_1667 {offsets = [10, 40, 0], sizes = [1, 8, 2048], strides = [1, 1, 1]} : vector<32x64x2048xf32> to vector<1x8x2048xf32>
    %squeeze3A_2734 = vector.shape_cast %slice3A_2733 : vector<1x8x2048xf32> to vector<8x2048xf32>
    %mul3A_2735 = vector.broadcast %convert_element_type3A_1723 : vector<1x2048xf32> to vector<8x2048xf32>
    %mul3A_2736 = arith.mulf %squeeze3A_2734, %mul3A_2735 : vector<8x2048xf32>
    %add3A_2737 = arith.addf %add3A_2732, %mul3A_2736 : vector<8x2048xf32>
    %slice3A_2738 = vector.extract_strided_slice %reshape3A_1667 {offsets = [11, 40, 0], sizes = [1, 8, 2048], strides = [1, 1, 1]} : vector<32x64x2048xf32> to vector<1x8x2048xf32>
    %squeeze3A_2739 = vector.shape_cast %slice3A_2738 : vector<1x8x2048xf32> to vector<8x2048xf32>
    %mul3A_2740 = vector.broadcast %convert_element_type3A_1728 : vector<1x2048xf32> to vector<8x2048xf32>
    %mul3A_2741 = arith.mulf %squeeze3A_2739, %mul3A_2740 : vector<8x2048xf32>
    %add3A_2742 = arith.addf %add3A_2737, %mul3A_2741 : vector<8x2048xf32>
    %slice3A_2743 = vector.extract_strided_slice %reshape3A_1667 {offsets = [12, 40, 0], sizes = [1, 8, 2048], strides = [1, 1, 1]} : vector<32x64x2048xf32> to vector<1x8x2048xf32>
    %squeeze3A_2744 = vector.shape_cast %slice3A_2743 : vector<1x8x2048xf32> to vector<8x2048xf32>
    %mul3A_2745 = vector.broadcast %convert_element_type3A_1733 : vector<1x2048xf32> to vector<8x2048xf32>
    %mul3A_2746 = arith.mulf %squeeze3A_2744, %mul3A_2745 : vector<8x2048xf32>
    %add3A_2747 = arith.addf %add3A_2742, %mul3A_2746 : vector<8x2048xf32>
    %slice3A_2748 = vector.extract_strided_slice %reshape3A_1667 {offsets = [13, 40, 0], sizes = [1, 8, 2048], strides = [1, 1, 1]} : vector<32x64x2048xf32> to vector<1x8x2048xf32>
    %squeeze3A_2749 = vector.shape_cast %slice3A_2748 : vector<1x8x2048xf32> to vector<8x2048xf32>
    %mul3A_2750 = vector.broadcast %convert_element_type3A_1738 : vector<1x2048xf32> to vector<8x2048xf32>
    %mul3A_2751 = arith.mulf %squeeze3A_2749, %mul3A_2750 : vector<8x2048xf32>
    %add3A_2752 = arith.addf %add3A_2747, %mul3A_2751 : vector<8x2048xf32>
    %slice3A_2753 = vector.extract_strided_slice %reshape3A_1667 {offsets = [14, 40, 0], sizes = [1, 8, 2048], strides = [1, 1, 1]} : vector<32x64x2048xf32> to vector<1x8x2048xf32>
    %squeeze3A_2754 = vector.shape_cast %slice3A_2753 : vector<1x8x2048xf32> to vector<8x2048xf32>
    %mul3A_2755 = vector.broadcast %convert_element_type3A_1743 : vector<1x2048xf32> to vector<8x2048xf32>
    %mul3A_2756 = arith.mulf %squeeze3A_2754, %mul3A_2755 : vector<8x2048xf32>
    %add3A_2757 = arith.addf %add3A_2752, %mul3A_2756 : vector<8x2048xf32>
    %slice3A_2758 = vector.extract_strided_slice %reshape3A_1667 {offsets = [15, 40, 0], sizes = [1, 8, 2048], strides = [1, 1, 1]} : vector<32x64x2048xf32> to vector<1x8x2048xf32>
    %squeeze3A_2759 = vector.shape_cast %slice3A_2758 : vector<1x8x2048xf32> to vector<8x2048xf32>
    %mul3A_2760 = vector.broadcast %convert_element_type3A_1748 : vector<1x2048xf32> to vector<8x2048xf32>
    %mul3A_2761 = arith.mulf %squeeze3A_2759, %mul3A_2760 : vector<8x2048xf32>
    %add3A_2762 = arith.addf %add3A_2757, %mul3A_2761 : vector<8x2048xf32>
    %slice3A_2763 = vector.extract_strided_slice %reshape3A_1667 {offsets = [16, 40, 0], sizes = [1, 8, 2048], strides = [1, 1, 1]} : vector<32x64x2048xf32> to vector<1x8x2048xf32>
    %squeeze3A_2764 = vector.shape_cast %slice3A_2763 : vector<1x8x2048xf32> to vector<8x2048xf32>
    %mul3A_2765 = vector.broadcast %convert_element_type3A_1753 : vector<1x2048xf32> to vector<8x2048xf32>
    %mul3A_2766 = arith.mulf %squeeze3A_2764, %mul3A_2765 : vector<8x2048xf32>
    %add3A_2767 = arith.addf %add3A_2762, %mul3A_2766 : vector<8x2048xf32>
    %slice3A_2768 = vector.extract_strided_slice %reshape3A_1667 {offsets = [17, 40, 0], sizes = [1, 8, 2048], strides = [1, 1, 1]} : vector<32x64x2048xf32> to vector<1x8x2048xf32>
    %squeeze3A_2769 = vector.shape_cast %slice3A_2768 : vector<1x8x2048xf32> to vector<8x2048xf32>
    %mul3A_2770 = vector.broadcast %convert_element_type3A_1758 : vector<1x2048xf32> to vector<8x2048xf32>
    %mul3A_2771 = arith.mulf %squeeze3A_2769, %mul3A_2770 : vector<8x2048xf32>
    %add3A_2772 = arith.addf %add3A_2767, %mul3A_2771 : vector<8x2048xf32>
    %slice3A_2773 = vector.extract_strided_slice %reshape3A_1667 {offsets = [18, 40, 0], sizes = [1, 8, 2048], strides = [1, 1, 1]} : vector<32x64x2048xf32> to vector<1x8x2048xf32>
    %squeeze3A_2774 = vector.shape_cast %slice3A_2773 : vector<1x8x2048xf32> to vector<8x2048xf32>
    %mul3A_2775 = vector.broadcast %convert_element_type3A_1763 : vector<1x2048xf32> to vector<8x2048xf32>
    %mul3A_2776 = arith.mulf %squeeze3A_2774, %mul3A_2775 : vector<8x2048xf32>
    %add3A_2777 = arith.addf %add3A_2772, %mul3A_2776 : vector<8x2048xf32>
    %slice3A_2778 = vector.extract_strided_slice %reshape3A_1667 {offsets = [19, 40, 0], sizes = [1, 8, 2048], strides = [1, 1, 1]} : vector<32x64x2048xf32> to vector<1x8x2048xf32>
    %squeeze3A_2779 = vector.shape_cast %slice3A_2778 : vector<1x8x2048xf32> to vector<8x2048xf32>
    %mul3A_2780 = vector.broadcast %convert_element_type3A_1768 : vector<1x2048xf32> to vector<8x2048xf32>
    %mul3A_2781 = arith.mulf %squeeze3A_2779, %mul3A_2780 : vector<8x2048xf32>
    %add3A_2782 = arith.addf %add3A_2777, %mul3A_2781 : vector<8x2048xf32>
    %slice3A_2783 = vector.extract_strided_slice %reshape3A_1667 {offsets = [20, 40, 0], sizes = [1, 8, 2048], strides = [1, 1, 1]} : vector<32x64x2048xf32> to vector<1x8x2048xf32>
    %squeeze3A_2784 = vector.shape_cast %slice3A_2783 : vector<1x8x2048xf32> to vector<8x2048xf32>
    %mul3A_2785 = vector.broadcast %convert_element_type3A_1773 : vector<1x2048xf32> to vector<8x2048xf32>
    %mul3A_2786 = arith.mulf %squeeze3A_2784, %mul3A_2785 : vector<8x2048xf32>
    %add3A_2787 = arith.addf %add3A_2782, %mul3A_2786 : vector<8x2048xf32>
    %slice3A_2788 = vector.extract_strided_slice %reshape3A_1667 {offsets = [21, 40, 0], sizes = [1, 8, 2048], strides = [1, 1, 1]} : vector<32x64x2048xf32> to vector<1x8x2048xf32>
    %squeeze3A_2789 = vector.shape_cast %slice3A_2788 : vector<1x8x2048xf32> to vector<8x2048xf32>
    %mul3A_2790 = vector.broadcast %convert_element_type3A_1778 : vector<1x2048xf32> to vector<8x2048xf32>
    %mul3A_2791 = arith.mulf %squeeze3A_2789, %mul3A_2790 : vector<8x2048xf32>
    %add3A_2792 = arith.addf %add3A_2787, %mul3A_2791 : vector<8x2048xf32>
    %slice3A_2793 = vector.extract_strided_slice %reshape3A_1667 {offsets = [22, 40, 0], sizes = [1, 8, 2048], strides = [1, 1, 1]} : vector<32x64x2048xf32> to vector<1x8x2048xf32>
    %squeeze3A_2794 = vector.shape_cast %slice3A_2793 : vector<1x8x2048xf32> to vector<8x2048xf32>
    %mul3A_2795 = vector.broadcast %convert_element_type3A_1783 : vector<1x2048xf32> to vector<8x2048xf32>
    %mul3A_2796 = arith.mulf %squeeze3A_2794, %mul3A_2795 : vector<8x2048xf32>
    %add3A_2797 = arith.addf %add3A_2792, %mul3A_2796 : vector<8x2048xf32>
    %slice3A_2798 = vector.extract_strided_slice %reshape3A_1667 {offsets = [23, 40, 0], sizes = [1, 8, 2048], strides = [1, 1, 1]} : vector<32x64x2048xf32> to vector<1x8x2048xf32>
    %squeeze3A_2799 = vector.shape_cast %slice3A_2798 : vector<1x8x2048xf32> to vector<8x2048xf32>
    %mul3A_2800 = vector.broadcast %convert_element_type3A_1788 : vector<1x2048xf32> to vector<8x2048xf32>
    %mul3A_2801 = arith.mulf %squeeze3A_2799, %mul3A_2800 : vector<8x2048xf32>
    %add3A_2802 = arith.addf %add3A_2797, %mul3A_2801 : vector<8x2048xf32>
    %slice3A_2803 = vector.extract_strided_slice %reshape3A_1667 {offsets = [24, 40, 0], sizes = [1, 8, 2048], strides = [1, 1, 1]} : vector<32x64x2048xf32> to vector<1x8x2048xf32>
    %squeeze3A_2804 = vector.shape_cast %slice3A_2803 : vector<1x8x2048xf32> to vector<8x2048xf32>
    %mul3A_2805 = vector.broadcast %convert_element_type3A_1793 : vector<1x2048xf32> to vector<8x2048xf32>
    %mul3A_2806 = arith.mulf %squeeze3A_2804, %mul3A_2805 : vector<8x2048xf32>
    %add3A_2807 = arith.addf %add3A_2802, %mul3A_2806 : vector<8x2048xf32>
    %slice3A_2808 = vector.extract_strided_slice %reshape3A_1667 {offsets = [25, 40, 0], sizes = [1, 8, 2048], strides = [1, 1, 1]} : vector<32x64x2048xf32> to vector<1x8x2048xf32>
    %squeeze3A_2809 = vector.shape_cast %slice3A_2808 : vector<1x8x2048xf32> to vector<8x2048xf32>
    %mul3A_2810 = vector.broadcast %convert_element_type3A_1798 : vector<1x2048xf32> to vector<8x2048xf32>
    %mul3A_2811 = arith.mulf %squeeze3A_2809, %mul3A_2810 : vector<8x2048xf32>
    %add3A_2812 = arith.addf %add3A_2807, %mul3A_2811 : vector<8x2048xf32>
    %slice3A_2813 = vector.extract_strided_slice %reshape3A_1667 {offsets = [26, 40, 0], sizes = [1, 8, 2048], strides = [1, 1, 1]} : vector<32x64x2048xf32> to vector<1x8x2048xf32>
    %squeeze3A_2814 = vector.shape_cast %slice3A_2813 : vector<1x8x2048xf32> to vector<8x2048xf32>
    %mul3A_2815 = vector.broadcast %convert_element_type3A_1803 : vector<1x2048xf32> to vector<8x2048xf32>
    %mul3A_2816 = arith.mulf %squeeze3A_2814, %mul3A_2815 : vector<8x2048xf32>
    %add3A_2817 = arith.addf %add3A_2812, %mul3A_2816 : vector<8x2048xf32>
    %slice3A_2818 = vector.extract_strided_slice %reshape3A_1667 {offsets = [27, 40, 0], sizes = [1, 8, 2048], strides = [1, 1, 1]} : vector<32x64x2048xf32> to vector<1x8x2048xf32>
    %squeeze3A_2819 = vector.shape_cast %slice3A_2818 : vector<1x8x2048xf32> to vector<8x2048xf32>
    %mul3A_2820 = vector.broadcast %convert_element_type3A_1808 : vector<1x2048xf32> to vector<8x2048xf32>
    %mul3A_2821 = arith.mulf %squeeze3A_2819, %mul3A_2820 : vector<8x2048xf32>
    %add3A_2822 = arith.addf %add3A_2817, %mul3A_2821 : vector<8x2048xf32>
    %slice3A_2823 = vector.extract_strided_slice %reshape3A_1667 {offsets = [28, 40, 0], sizes = [1, 8, 2048], strides = [1, 1, 1]} : vector<32x64x2048xf32> to vector<1x8x2048xf32>
    %squeeze3A_2824 = vector.shape_cast %slice3A_2823 : vector<1x8x2048xf32> to vector<8x2048xf32>
    %mul3A_2825 = vector.broadcast %convert_element_type3A_1813 : vector<1x2048xf32> to vector<8x2048xf32>
    %mul3A_2826 = arith.mulf %squeeze3A_2824, %mul3A_2825 : vector<8x2048xf32>
    %add3A_2827 = arith.addf %add3A_2822, %mul3A_2826 : vector<8x2048xf32>
    %slice3A_2828 = vector.extract_strided_slice %reshape3A_1667 {offsets = [29, 40, 0], sizes = [1, 8, 2048], strides = [1, 1, 1]} : vector<32x64x2048xf32> to vector<1x8x2048xf32>
    %squeeze3A_2829 = vector.shape_cast %slice3A_2828 : vector<1x8x2048xf32> to vector<8x2048xf32>
    %mul3A_2830 = vector.broadcast %convert_element_type3A_1818 : vector<1x2048xf32> to vector<8x2048xf32>
    %mul3A_2831 = arith.mulf %squeeze3A_2829, %mul3A_2830 : vector<8x2048xf32>
    %add3A_2832 = arith.addf %add3A_2827, %mul3A_2831 : vector<8x2048xf32>
    %slice3A_2833 = vector.extract_strided_slice %reshape3A_1667 {offsets = [30, 40, 0], sizes = [1, 8, 2048], strides = [1, 1, 1]} : vector<32x64x2048xf32> to vector<1x8x2048xf32>
    %squeeze3A_2834 = vector.shape_cast %slice3A_2833 : vector<1x8x2048xf32> to vector<8x2048xf32>
    %mul3A_2835 = vector.broadcast %convert_element_type3A_1823 : vector<1x2048xf32> to vector<8x2048xf32>
    %mul3A_2836 = arith.mulf %squeeze3A_2834, %mul3A_2835 : vector<8x2048xf32>
    %add3A_2837 = arith.addf %add3A_2832, %mul3A_2836 : vector<8x2048xf32>
    %slice3A_2838 = vector.extract_strided_slice %reshape3A_1667 {offsets = [31, 40, 0], sizes = [1, 8, 2048], strides = [1, 1, 1]} : vector<32x64x2048xf32> to vector<1x8x2048xf32>
    %squeeze3A_2839 = vector.shape_cast %slice3A_2838 : vector<1x8x2048xf32> to vector<8x2048xf32>
    %mul3A_2840 = vector.broadcast %convert_element_type3A_1828 : vector<1x2048xf32> to vector<8x2048xf32>
    %mul3A_2841 = arith.mulf %squeeze3A_2839, %mul3A_2840 : vector<8x2048xf32>
    %add3A_2842 = arith.addf %add3A_2837, %mul3A_2841 : vector<8x2048xf32>
    %swap3A_2843 = arith.constant 1 : index
    %swap3A_2844 = arith.constant 40 : index
    %swap3A_2845 = arith.constant 0 : index
    %swap3A_2846 = vector.load %arg14[%swap3A_2843, %swap3A_2844, %swap3A_2845] : memref<2x64x2048xf32, #tpu.memory_space<vmem>>, vector<1x8x2048xf32>
    %swap3A_2847 = vector.shape_cast %swap3A_2846 : vector<1x8x2048xf32> to vector<8x2048xf32>
    %swap3A_2848 = vector.shape_cast %add3A_2842 : vector<8x2048xf32> to vector<1x8x2048xf32>
    tpu.vector_store %arg14[%swap3A_2843, %swap3A_2844, %swap3A_2845], %swap3A_2848 {strides = array<i32>} : memref<2x64x2048xf32, #tpu.memory_space<vmem>>, vector<1x8x2048xf32>,
    %broadcast_in_dim3A_2849 = arith.constant 0.000000e+00 : f32
    %broadcast_in_dim3A_2850 = vector.broadcast %broadcast_in_dim3A_2849 : f32 to vector<8x2048xf32>
    %add3A_2851 = vector.broadcast %slice3A_1668 : vector<1x2048xf32> to vector<8x2048xf32>
    %add3A_2852 = arith.addf %broadcast_in_dim3A_2850, %add3A_2851 : vector<8x2048xf32>
    %slice3A_2853 = vector.extract_strided_slice %reshape3A_1667 {offsets = [0, 48, 0], sizes = [1, 8, 2048], strides = [1, 1, 1]} : vector<32x64x2048xf32> to vector<1x8x2048xf32>
    %squeeze3A_2854 = vector.shape_cast %slice3A_2853 : vector<1x8x2048xf32> to vector<8x2048xf32>
    %mul3A_2855 = vector.broadcast %convert_element_type3A_1673 : vector<1x2048xf32> to vector<8x2048xf32>
    %mul3A_2856 = arith.mulf %squeeze3A_2854, %mul3A_2855 : vector<8x2048xf32>
    %add3A_2857 = arith.addf %add3A_2852, %mul3A_2856 : vector<8x2048xf32>
    %slice3A_2858 = vector.extract_strided_slice %reshape3A_1667 {offsets = [1, 48, 0], sizes = [1, 8, 2048], strides = [1, 1, 1]} : vector<32x64x2048xf32> to vector<1x8x2048xf32>
    %squeeze3A_2859 = vector.shape_cast %slice3A_2858 : vector<1x8x2048xf32> to vector<8x2048xf32>
    %mul3A_2860 = vector.broadcast %convert_element_type3A_1678 : vector<1x2048xf32> to vector<8x2048xf32>
    %mul3A_2861 = arith.mulf %squeeze3A_2859, %mul3A_2860 : vector<8x2048xf32>
    %add3A_2862 = arith.addf %add3A_2857, %mul3A_2861 : vector<8x2048xf32>
    %slice3A_2863 = vector.extract_strided_slice %reshape3A_1667 {offsets = [2, 48, 0], sizes = [1, 8, 2048], strides = [1, 1, 1]} : vector<32x64x2048xf32> to vector<1x8x2048xf32>
    %squeeze3A_2864 = vector.shape_cast %slice3A_2863 : vector<1x8x2048xf32> to vector<8x2048xf32>
    %mul3A_2865 = vector.broadcast %convert_element_type3A_1683 : vector<1x2048xf32> to vector<8x2048xf32>
    %mul3A_2866 = arith.mulf %squeeze3A_2864, %mul3A_2865 : vector<8x2048xf32>
    %add3A_2867 = arith.addf %add3A_2862, %mul3A_2866 : vector<8x2048xf32>
    %slice3A_2868 = vector.extract_strided_slice %reshape3A_1667 {offsets = [3, 48, 0], sizes = [1, 8, 2048], strides = [1, 1, 1]} : vector<32x64x2048xf32> to vector<1x8x2048xf32>
    %squeeze3A_2869 = vector.shape_cast %slice3A_2868 : vector<1x8x2048xf32> to vector<8x2048xf32>
    %mul3A_2870 = vector.broadcast %convert_element_type3A_1688 : vector<1x2048xf32> to vector<8x2048xf32>
    %mul3A_2871 = arith.mulf %squeeze3A_2869, %mul3A_2870 : vector<8x2048xf32>
    %add3A_2872 = arith.addf %add3A_2867, %mul3A_2871 : vector<8x2048xf32>
    %slice3A_2873 = vector.extract_strided_slice %reshape3A_1667 {offsets = [4, 48, 0], sizes = [1, 8, 2048], strides = [1, 1, 1]} : vector<32x64x2048xf32> to vector<1x8x2048xf32>
    %squeeze3A_2874 = vector.shape_cast %slice3A_2873 : vector<1x8x2048xf32> to vector<8x2048xf32>
    %mul3A_2875 = vector.broadcast %convert_element_type3A_1693 : vector<1x2048xf32> to vector<8x2048xf32>
    %mul3A_2876 = arith.mulf %squeeze3A_2874, %mul3A_2875 : vector<8x2048xf32>
    %add3A_2877 = arith.addf %add3A_2872, %mul3A_2876 : vector<8x2048xf32>
    %slice3A_2878 = vector.extract_strided_slice %reshape3A_1667 {offsets = [5, 48, 0], sizes = [1, 8, 2048], strides = [1, 1, 1]} : vector<32x64x2048xf32> to vector<1x8x2048xf32>
    %squeeze3A_2879 = vector.shape_cast %slice3A_2878 : vector<1x8x2048xf32> to vector<8x2048xf32>
    %mul3A_2880 = vector.broadcast %convert_element_type3A_1698 : vector<1x2048xf32> to vector<8x2048xf32>
    %mul3A_2881 = arith.mulf %squeeze3A_2879, %mul3A_2880 : vector<8x2048xf32>
    %add3A_2882 = arith.addf %add3A_2877, %mul3A_2881 : vector<8x2048xf32>
    %slice3A_2883 = vector.extract_strided_slice %reshape3A_1667 {offsets = [6, 48, 0], sizes = [1, 8, 2048], strides = [1, 1, 1]} : vector<32x64x2048xf32> to vector<1x8x2048xf32>
    %squeeze3A_2884 = vector.shape_cast %slice3A_2883 : vector<1x8x2048xf32> to vector<8x2048xf32>
    %mul3A_2885 = vector.broadcast %convert_element_type3A_1703 : vector<1x2048xf32> to vector<8x2048xf32>
    %mul3A_2886 = arith.mulf %squeeze3A_2884, %mul3A_2885 : vector<8x2048xf32>
    %add3A_2887 = arith.addf %add3A_2882, %mul3A_2886 : vector<8x2048xf32>
    %slice3A_2888 = vector.extract_strided_slice %reshape3A_1667 {offsets = [7, 48, 0], sizes = [1, 8, 2048], strides = [1, 1, 1]} : vector<32x64x2048xf32> to vector<1x8x2048xf32>
    %squeeze3A_2889 = vector.shape_cast %slice3A_2888 : vector<1x8x2048xf32> to vector<8x2048xf32>
    %mul3A_2890 = vector.broadcast %convert_element_type3A_1708 : vector<1x2048xf32> to vector<8x2048xf32>
    %mul3A_2891 = arith.mulf %squeeze3A_2889, %mul3A_2890 : vector<8x2048xf32>
    %add3A_2892 = arith.addf %add3A_2887, %mul3A_2891 : vector<8x2048xf32>
    %slice3A_2893 = vector.extract_strided_slice %reshape3A_1667 {offsets = [8, 48, 0], sizes = [1, 8, 2048], strides = [1, 1, 1]} : vector<32x64x2048xf32> to vector<1x8x2048xf32>
    %squeeze3A_2894 = vector.shape_cast %slice3A_2893 : vector<1x8x2048xf32> to vector<8x2048xf32>
    %mul3A_2895 = vector.broadcast %convert_element_type3A_1713 : vector<1x2048xf32> to vector<8x2048xf32>
    %mul3A_2896 = arith.mulf %squeeze3A_2894, %mul3A_2895 : vector<8x2048xf32>
    %add3A_2897 = arith.addf %add3A_2892, %mul3A_2896 : vector<8x2048xf32>
    %slice3A_2898 = vector.extract_strided_slice %reshape3A_1667 {offsets = [9, 48, 0], sizes = [1, 8, 2048], strides = [1, 1, 1]} : vector<32x64x2048xf32> to vector<1x8x2048xf32>
    %squeeze3A_2899 = vector.shape_cast %slice3A_2898 : vector<1x8x2048xf32> to vector<8x2048xf32>
    %mul3A_2900 = vector.broadcast %convert_element_type3A_1718 : vector<1x2048xf32> to vector<8x2048xf32>
    %mul3A_2901 = arith.mulf %squeeze3A_2899, %mul3A_2900 : vector<8x2048xf32>
    %add3A_2902 = arith.addf %add3A_2897, %mul3A_2901 : vector<8x2048xf32>
    %slice3A_2903 = vector.extract_strided_slice %reshape3A_1667 {offsets = [10, 48, 0], sizes = [1, 8, 2048], strides = [1, 1, 1]} : vector<32x64x2048xf32> to vector<1x8x2048xf32>
    %squeeze3A_2904 = vector.shape_cast %slice3A_2903 : vector<1x8x2048xf32> to vector<8x2048xf32>
    %mul3A_2905 = vector.broadcast %convert_element_type3A_1723 : vector<1x2048xf32> to vector<8x2048xf32>
    %mul3A_2906 = arith.mulf %squeeze3A_2904, %mul3A_2905 : vector<8x2048xf32>
    %add3A_2907 = arith.addf %add3A_2902, %mul3A_2906 : vector<8x2048xf32>
    %slice3A_2908 = vector.extract_strided_slice %reshape3A_1667 {offsets = [11, 48, 0], sizes = [1, 8, 2048], strides = [1, 1, 1]} : vector<32x64x2048xf32> to vector<1x8x2048xf32>
    %squeeze3A_2909 = vector.shape_cast %slice3A_2908 : vector<1x8x2048xf32> to vector<8x2048xf32>
    %mul3A_2910 = vector.broadcast %convert_element_type3A_1728 : vector<1x2048xf32> to vector<8x2048xf32>
    %mul3A_2911 = arith.mulf %squeeze3A_2909, %mul3A_2910 : vector<8x2048xf32>
    %add3A_2912 = arith.addf %add3A_2907, %mul3A_2911 : vector<8x2048xf32>
    %slice3A_2913 = vector.extract_strided_slice %reshape3A_1667 {offsets = [12, 48, 0], sizes = [1, 8, 2048], strides = [1, 1, 1]} : vector<32x64x2048xf32> to vector<1x8x2048xf32>
    %squeeze3A_2914 = vector.shape_cast %slice3A_2913 : vector<1x8x2048xf32> to vector<8x2048xf32>
    %mul3A_2915 = vector.broadcast %convert_element_type3A_1733 : vector<1x2048xf32> to vector<8x2048xf32>
    %mul3A_2916 = arith.mulf %squeeze3A_2914, %mul3A_2915 : vector<8x2048xf32>
    %add3A_2917 = arith.addf %add3A_2912, %mul3A_2916 : vector<8x2048xf32>
    %slice3A_2918 = vector.extract_strided_slice %reshape3A_1667 {offsets = [13, 48, 0], sizes = [1, 8, 2048], strides = [1, 1, 1]} : vector<32x64x2048xf32> to vector<1x8x2048xf32>
    %squeeze3A_2919 = vector.shape_cast %slice3A_2918 : vector<1x8x2048xf32> to vector<8x2048xf32>
    %mul3A_2920 = vector.broadcast %convert_element_type3A_1738 : vector<1x2048xf32> to vector<8x2048xf32>
    %mul3A_2921 = arith.mulf %squeeze3A_2919, %mul3A_2920 : vector<8x2048xf32>
    %add3A_2922 = arith.addf %add3A_2917, %mul3A_2921 : vector<8x2048xf32>
    %slice3A_2923 = vector.extract_strided_slice %reshape3A_1667 {offsets = [14, 48, 0], sizes = [1, 8, 2048], strides = [1, 1, 1]} : vector<32x64x2048xf32> to vector<1x8x2048xf32>
    %squeeze3A_2924 = vector.shape_cast %slice3A_2923 : vector<1x8x2048xf32> to vector<8x2048xf32>
    %mul3A_2925 = vector.broadcast %convert_element_type3A_1743 : vector<1x2048xf32> to vector<8x2048xf32>
    %mul3A_2926 = arith.mulf %squeeze3A_2924, %mul3A_2925 : vector<8x2048xf32>
    %add3A_2927 = arith.addf %add3A_2922, %mul3A_2926 : vector<8x2048xf32>
    %slice3A_2928 = vector.extract_strided_slice %reshape3A_1667 {offsets = [15, 48, 0], sizes = [1, 8, 2048], strides = [1, 1, 1]} : vector<32x64x2048xf32> to vector<1x8x2048xf32>
    %squeeze3A_2929 = vector.shape_cast %slice3A_2928 : vector<1x8x2048xf32> to vector<8x2048xf32>
    %mul3A_2930 = vector.broadcast %convert_element_type3A_1748 : vector<1x2048xf32> to vector<8x2048xf32>
    %mul3A_2931 = arith.mulf %squeeze3A_2929, %mul3A_2930 : vector<8x2048xf32>
    %add3A_2932 = arith.addf %add3A_2927, %mul3A_2931 : vector<8x2048xf32>
    %slice3A_2933 = vector.extract_strided_slice %reshape3A_1667 {offsets = [16, 48, 0], sizes = [1, 8, 2048], strides = [1, 1, 1]} : vector<32x64x2048xf32> to vector<1x8x2048xf32>
    %squeeze3A_2934 = vector.shape_cast %slice3A_2933 : vector<1x8x2048xf32> to vector<8x2048xf32>
    %mul3A_2935 = vector.broadcast %convert_element_type3A_1753 : vector<1x2048xf32> to vector<8x2048xf32>
    %mul3A_2936 = arith.mulf %squeeze3A_2934, %mul3A_2935 : vector<8x2048xf32>
    %add3A_2937 = arith.addf %add3A_2932, %mul3A_2936 : vector<8x2048xf32>
    %slice3A_2938 = vector.extract_strided_slice %reshape3A_1667 {offsets = [17, 48, 0], sizes = [1, 8, 2048], strides = [1, 1, 1]} : vector<32x64x2048xf32> to vector<1x8x2048xf32>
    %squeeze3A_2939 = vector.shape_cast %slice3A_2938 : vector<1x8x2048xf32> to vector<8x2048xf32>
    %mul3A_2940 = vector.broadcast %convert_element_type3A_1758 : vector<1x2048xf32> to vector<8x2048xf32>
    %mul3A_2941 = arith.mulf %squeeze3A_2939, %mul3A_2940 : vector<8x2048xf32>
    %add3A_2942 = arith.addf %add3A_2937, %mul3A_2941 : vector<8x2048xf32>
    %slice3A_2943 = vector.extract_strided_slice %reshape3A_1667 {offsets = [18, 48, 0], sizes = [1, 8, 2048], strides = [1, 1, 1]} : vector<32x64x2048xf32> to vector<1x8x2048xf32>
    %squeeze3A_2944 = vector.shape_cast %slice3A_2943 : vector<1x8x2048xf32> to vector<8x2048xf32>
    %mul3A_2945 = vector.broadcast %convert_element_type3A_1763 : vector<1x2048xf32> to vector<8x2048xf32>
    %mul3A_2946 = arith.mulf %squeeze3A_2944, %mul3A_2945 : vector<8x2048xf32>
    %add3A_2947 = arith.addf %add3A_2942, %mul3A_2946 : vector<8x2048xf32>
    %slice3A_2948 = vector.extract_strided_slice %reshape3A_1667 {offsets = [19, 48, 0], sizes = [1, 8, 2048], strides = [1, 1, 1]} : vector<32x64x2048xf32> to vector<1x8x2048xf32>
    %squeeze3A_2949 = vector.shape_cast %slice3A_2948 : vector<1x8x2048xf32> to vector<8x2048xf32>
    %mul3A_2950 = vector.broadcast %convert_element_type3A_1768 : vector<1x2048xf32> to vector<8x2048xf32>
    %mul3A_2951 = arith.mulf %squeeze3A_2949, %mul3A_2950 : vector<8x2048xf32>
    %add3A_2952 = arith.addf %add3A_2947, %mul3A_2951 : vector<8x2048xf32>
    %slice3A_2953 = vector.extract_strided_slice %reshape3A_1667 {offsets = [20, 48, 0], sizes = [1, 8, 2048], strides = [1, 1, 1]} : vector<32x64x2048xf32> to vector<1x8x2048xf32>
    %squeeze3A_2954 = vector.shape_cast %slice3A_2953 : vector<1x8x2048xf32> to vector<8x2048xf32>
    %mul3A_2955 = vector.broadcast %convert_element_type3A_1773 : vector<1x2048xf32> to vector<8x2048xf32>
    %mul3A_2956 = arith.mulf %squeeze3A_2954, %mul3A_2955 : vector<8x2048xf32>
    %add3A_2957 = arith.addf %add3A_2952, %mul3A_2956 : vector<8x2048xf32>
    %slice3A_2958 = vector.extract_strided_slice %reshape3A_1667 {offsets = [21, 48, 0], sizes = [1, 8, 2048], strides = [1, 1, 1]} : vector<32x64x2048xf32> to vector<1x8x2048xf32>
    %squeeze3A_2959 = vector.shape_cast %slice3A_2958 : vector<1x8x2048xf32> to vector<8x2048xf32>
    %mul3A_2960 = vector.broadcast %convert_element_type3A_1778 : vector<1x2048xf32> to vector<8x2048xf32>
    %mul3A_2961 = arith.mulf %squeeze3A_2959, %mul3A_2960 : vector<8x2048xf32>
    %add3A_2962 = arith.addf %add3A_2957, %mul3A_2961 : vector<8x2048xf32>
    %slice3A_2963 = vector.extract_strided_slice %reshape3A_1667 {offsets = [22, 48, 0], sizes = [1, 8, 2048], strides = [1, 1, 1]} : vector<32x64x2048xf32> to vector<1x8x2048xf32>
    %squeeze3A_2964 = vector.shape_cast %slice3A_2963 : vector<1x8x2048xf32> to vector<8x2048xf32>
    %mul3A_2965 = vector.broadcast %convert_element_type3A_1783 : vector<1x2048xf32> to vector<8x2048xf32>
    %mul3A_2966 = arith.mulf %squeeze3A_2964, %mul3A_2965 : vector<8x2048xf32>
    %add3A_2967 = arith.addf %add3A_2962, %mul3A_2966 : vector<8x2048xf32>
    %slice3A_2968 = vector.extract_strided_slice %reshape3A_1667 {offsets = [23, 48, 0], sizes = [1, 8, 2048], strides = [1, 1, 1]} : vector<32x64x2048xf32> to vector<1x8x2048xf32>
    %squeeze3A_2969 = vector.shape_cast %slice3A_2968 : vector<1x8x2048xf32> to vector<8x2048xf32>
    %mul3A_2970 = vector.broadcast %convert_element_type3A_1788 : vector<1x2048xf32> to vector<8x2048xf32>
    %mul3A_2971 = arith.mulf %squeeze3A_2969, %mul3A_2970 : vector<8x2048xf32>
    %add3A_2972 = arith.addf %add3A_2967, %mul3A_2971 : vector<8x2048xf32>
    %slice3A_2973 = vector.extract_strided_slice %reshape3A_1667 {offsets = [24, 48, 0], sizes = [1, 8, 2048], strides = [1, 1, 1]} : vector<32x64x2048xf32> to vector<1x8x2048xf32>
    %squeeze3A_2974 = vector.shape_cast %slice3A_2973 : vector<1x8x2048xf32> to vector<8x2048xf32>
    %mul3A_2975 = vector.broadcast %convert_element_type3A_1793 : vector<1x2048xf32> to vector<8x2048xf32>
    %mul3A_2976 = arith.mulf %squeeze3A_2974, %mul3A_2975 : vector<8x2048xf32>
    %add3A_2977 = arith.addf %add3A_2972, %mul3A_2976 : vector<8x2048xf32>
    %slice3A_2978 = vector.extract_strided_slice %reshape3A_1667 {offsets = [25, 48, 0], sizes = [1, 8, 2048], strides = [1, 1, 1]} : vector<32x64x2048xf32> to vector<1x8x2048xf32>
    %squeeze3A_2979 = vector.shape_cast %slice3A_2978 : vector<1x8x2048xf32> to vector<8x2048xf32>
    %mul3A_2980 = vector.broadcast %convert_element_type3A_1798 : vector<1x2048xf32> to vector<8x2048xf32>
    %mul3A_2981 = arith.mulf %squeeze3A_2979, %mul3A_2980 : vector<8x2048xf32>
    %add3A_2982 = arith.addf %add3A_2977, %mul3A_2981 : vector<8x2048xf32>
    %slice3A_2983 = vector.extract_strided_slice %reshape3A_1667 {offsets = [26, 48, 0], sizes = [1, 8, 2048], strides = [1, 1, 1]} : vector<32x64x2048xf32> to vector<1x8x2048xf32>
    %squeeze3A_2984 = vector.shape_cast %slice3A_2983 : vector<1x8x2048xf32> to vector<8x2048xf32>
    %mul3A_2985 = vector.broadcast %convert_element_type3A_1803 : vector<1x2048xf32> to vector<8x2048xf32>
    %mul3A_2986 = arith.mulf %squeeze3A_2984, %mul3A_2985 : vector<8x2048xf32>
    %add3A_2987 = arith.addf %add3A_2982, %mul3A_2986 : vector<8x2048xf32>
    %slice3A_2988 = vector.extract_strided_slice %reshape3A_1667 {offsets = [27, 48, 0], sizes = [1, 8, 2048], strides = [1, 1, 1]} : vector<32x64x2048xf32> to vector<1x8x2048xf32>
    %squeeze3A_2989 = vector.shape_cast %slice3A_2988 : vector<1x8x2048xf32> to vector<8x2048xf32>
    %mul3A_2990 = vector.broadcast %convert_element_type3A_1808 : vector<1x2048xf32> to vector<8x2048xf32>
    %mul3A_2991 = arith.mulf %squeeze3A_2989, %mul3A_2990 : vector<8x2048xf32>
    %add3A_2992 = arith.addf %add3A_2987, %mul3A_2991 : vector<8x2048xf32>
    %slice3A_2993 = vector.extract_strided_slice %reshape3A_1667 {offsets = [28, 48, 0], sizes = [1, 8, 2048], strides = [1, 1, 1]} : vector<32x64x2048xf32> to vector<1x8x2048xf32>
    %squeeze3A_2994 = vector.shape_cast %slice3A_2993 : vector<1x8x2048xf32> to vector<8x2048xf32>
    %mul3A_2995 = vector.broadcast %convert_element_type3A_1813 : vector<1x2048xf32> to vector<8x2048xf32>
    %mul3A_2996 = arith.mulf %squeeze3A_2994, %mul3A_2995 : vector<8x2048xf32>
    %add3A_2997 = arith.addf %add3A_2992, %mul3A_2996 : vector<8x2048xf32>
    %slice3A_2998 = vector.extract_strided_slice %reshape3A_1667 {offsets = [29, 48, 0], sizes = [1, 8, 2048], strides = [1, 1, 1]} : vector<32x64x2048xf32> to vector<1x8x2048xf32>
    %squeeze3A_2999 = vector.shape_cast %slice3A_2998 : vector<1x8x2048xf32> to vector<8x2048xf32>
    %mul3A_3000 = vector.broadcast %convert_element_type3A_1818 : vector<1x2048xf32> to vector<8x2048xf32>
    %mul3A_3001 = arith.mulf %squeeze3A_2999, %mul3A_3000 : vector<8x2048xf32>
    %add3A_3002 = arith.addf %add3A_2997, %mul3A_3001 : vector<8x2048xf32>
    %slice3A_3003 = vector.extract_strided_slice %reshape3A_1667 {offsets = [30, 48, 0], sizes = [1, 8, 2048], strides = [1, 1, 1]} : vector<32x64x2048xf32> to vector<1x8x2048xf32>
    %squeeze3A_3004 = vector.shape_cast %slice3A_3003 : vector<1x8x2048xf32> to vector<8x2048xf32>
    %mul3A_3005 = vector.broadcast %convert_element_type3A_1823 : vector<1x2048xf32> to vector<8x2048xf32>
    %mul3A_3006 = arith.mulf %squeeze3A_3004, %mul3A_3005 : vector<8x2048xf32>
    %add3A_3007 = arith.addf %add3A_3002, %mul3A_3006 : vector<8x2048xf32>
    %slice3A_3008 = vector.extract_strided_slice %reshape3A_1667 {offsets = [31, 48, 0], sizes = [1, 8, 2048], strides = [1, 1, 1]} : vector<32x64x2048xf32> to vector<1x8x2048xf32>
    %squeeze3A_3009 = vector.shape_cast %slice3A_3008 : vector<1x8x2048xf32> to vector<8x2048xf32>
    %mul3A_3010 = vector.broadcast %convert_element_type3A_1828 : vector<1x2048xf32> to vector<8x2048xf32>
    %mul3A_3011 = arith.mulf %squeeze3A_3009, %mul3A_3010 : vector<8x2048xf32>
    %add3A_3012 = arith.addf %add3A_3007, %mul3A_3011 : vector<8x2048xf32>
    %swap3A_3013 = arith.constant 1 : index
    %swap3A_3014 = arith.constant 48 : index
    %swap3A_3015 = arith.constant 0 : index
    %swap3A_3016 = vector.load %arg14[%swap3A_3013, %swap3A_3014, %swap3A_3015] : memref<2x64x2048xf32, #tpu.memory_space<vmem>>, vector<1x8x2048xf32>
    %swap3A_3017 = vector.shape_cast %swap3A_3016 : vector<1x8x2048xf32> to vector<8x2048xf32>
    %swap3A_3018 = vector.shape_cast %add3A_3012 : vector<8x2048xf32> to vector<1x8x2048xf32>
    tpu.vector_store %arg14[%swap3A_3013, %swap3A_3014, %swap3A_3015], %swap3A_3018 {strides = array<i32>} : memref<2x64x2048xf32, #tpu.memory_space<vmem>>, vector<1x8x2048xf32>,
    %broadcast_in_dim3A_3019 = arith.constant 0.000000e+00 : f32
    %broadcast_in_dim3A_3020 = vector.broadcast %broadcast_in_dim3A_3019 : f32 to vector<8x2048xf32>
    %add3A_3021 = vector.broadcast %slice3A_1668 : vector<1x2048xf32> to vector<8x2048xf32>
    %add3A_3022 = arith.addf %broadcast_in_dim3A_3020, %add3A_3021 : vector<8x2048xf32>
    %slice3A_3023 = vector.extract_strided_slice %reshape3A_1667 {offsets = [0, 56, 0], sizes = [1, 8, 2048], strides = [1, 1, 1]} : vector<32x64x2048xf32> to vector<1x8x2048xf32>
    %squeeze3A_3024 = vector.shape_cast %slice3A_3023 : vector<1x8x2048xf32> to vector<8x2048xf32>
    %mul3A_3025 = vector.broadcast %convert_element_type3A_1673 : vector<1x2048xf32> to vector<8x2048xf32>
    %mul3A_3026 = arith.mulf %squeeze3A_3024, %mul3A_3025 : vector<8x2048xf32>
    %add3A_3027 = arith.addf %add3A_3022, %mul3A_3026 : vector<8x2048xf32>
    %slice3A_3028 = vector.extract_strided_slice %reshape3A_1667 {offsets = [1, 56, 0], sizes = [1, 8, 2048], strides = [1, 1, 1]} : vector<32x64x2048xf32> to vector<1x8x2048xf32>
    %squeeze3A_3029 = vector.shape_cast %slice3A_3028 : vector<1x8x2048xf32> to vector<8x2048xf32>
    %mul3A_3030 = vector.broadcast %convert_element_type3A_1678 : vector<1x2048xf32> to vector<8x2048xf32>
    %mul3A_3031 = arith.mulf %squeeze3A_3029, %mul3A_3030 : vector<8x2048xf32>
    %add3A_3032 = arith.addf %add3A_3027, %mul3A_3031 : vector<8x2048xf32>
    %slice3A_3033 = vector.extract_strided_slice %reshape3A_1667 {offsets = [2, 56, 0], sizes = [1, 8, 2048], strides = [1, 1, 1]} : vector<32x64x2048xf32> to vector<1x8x2048xf32>
    %squeeze3A_3034 = vector.shape_cast %slice3A_3033 : vector<1x8x2048xf32> to vector<8x2048xf32>
    %mul3A_3035 = vector.broadcast %convert_element_type3A_1683 : vector<1x2048xf32> to vector<8x2048xf32>
    %mul3A_3036 = arith.mulf %squeeze3A_3034, %mul3A_3035 : vector<8x2048xf32>
    %add3A_3037 = arith.addf %add3A_3032, %mul3A_3036 : vector<8x2048xf32>
    %slice3A_3038 = vector.extract_strided_slice %reshape3A_1667 {offsets = [3, 56, 0], sizes = [1, 8, 2048], strides = [1, 1, 1]} : vector<32x64x2048xf32> to vector<1x8x2048xf32>
    %squeeze3A_3039 = vector.shape_cast %slice3A_3038 : vector<1x8x2048xf32> to vector<8x2048xf32>
    %mul3A_3040 = vector.broadcast %convert_element_type3A_1688 : vector<1x2048xf32> to vector<8x2048xf32>
    %mul3A_3041 = arith.mulf %squeeze3A_3039, %mul3A_3040 : vector<8x2048xf32>
    %add3A_3042 = arith.addf %add3A_3037, %mul3A_3041 : vector<8x2048xf32>
    %slice3A_3043 = vector.extract_strided_slice %reshape3A_1667 {offsets = [4, 56, 0], sizes = [1, 8, 2048], strides = [1, 1, 1]} : vector<32x64x2048xf32> to vector<1x8x2048xf32>
    %squeeze3A_3044 = vector.shape_cast %slice3A_3043 : vector<1x8x2048xf32> to vector<8x2048xf32>
    %mul3A_3045 = vector.broadcast %convert_element_type3A_1693 : vector<1x2048xf32> to vector<8x2048xf32>
    %mul3A_3046 = arith.mulf %squeeze3A_3044, %mul3A_3045 : vector<8x2048xf32>
    %add3A_3047 = arith.addf %add3A_3042, %mul3A_3046 : vector<8x2048xf32>
    %slice3A_3048 = vector.extract_strided_slice %reshape3A_1667 {offsets = [5, 56, 0], sizes = [1, 8, 2048], strides = [1, 1, 1]} : vector<32x64x2048xf32> to vector<1x8x2048xf32>
    %squeeze3A_3049 = vector.shape_cast %slice3A_3048 : vector<1x8x2048xf32> to vector<8x2048xf32>
    %mul3A_3050 = vector.broadcast %convert_element_type3A_1698 : vector<1x2048xf32> to vector<8x2048xf32>
    %mul3A_3051 = arith.mulf %squeeze3A_3049, %mul3A_3050 : vector<8x2048xf32>
    %add3A_3052 = arith.addf %add3A_3047, %mul3A_3051 : vector<8x2048xf32>
    %slice3A_3053 = vector.extract_strided_slice %reshape3A_1667 {offsets = [6, 56, 0], sizes = [1, 8, 2048], strides = [1, 1, 1]} : vector<32x64x2048xf32> to vector<1x8x2048xf32>
    %squeeze3A_3054 = vector.shape_cast %slice3A_3053 : vector<1x8x2048xf32> to vector<8x2048xf32>
    %mul3A_3055 = vector.broadcast %convert_element_type3A_1703 : vector<1x2048xf32> to vector<8x2048xf32>
    %mul3A_3056 = arith.mulf %squeeze3A_3054, %mul3A_3055 : vector<8x2048xf32>
    %add3A_3057 = arith.addf %add3A_3052, %mul3A_3056 : vector<8x2048xf32>
    %slice3A_3058 = vector.extract_strided_slice %reshape3A_1667 {offsets = [7, 56, 0], sizes = [1, 8, 2048], strides = [1, 1, 1]} : vector<32x64x2048xf32> to vector<1x8x2048xf32>
    %squeeze3A_3059 = vector.shape_cast %slice3A_3058 : vector<1x8x2048xf32> to vector<8x2048xf32>
    %mul3A_3060 = vector.broadcast %convert_element_type3A_1708 : vector<1x2048xf32> to vector<8x2048xf32>
    %mul3A_3061 = arith.mulf %squeeze3A_3059, %mul3A_3060 : vector<8x2048xf32>
    %add3A_3062 = arith.addf %add3A_3057, %mul3A_3061 : vector<8x2048xf32>
    %slice3A_3063 = vector.extract_strided_slice %reshape3A_1667 {offsets = [8, 56, 0], sizes = [1, 8, 2048], strides = [1, 1, 1]} : vector<32x64x2048xf32> to vector<1x8x2048xf32>
    %squeeze3A_3064 = vector.shape_cast %slice3A_3063 : vector<1x8x2048xf32> to vector<8x2048xf32>
    %mul3A_3065 = vector.broadcast %convert_element_type3A_1713 : vector<1x2048xf32> to vector<8x2048xf32>
    %mul3A_3066 = arith.mulf %squeeze3A_3064, %mul3A_3065 : vector<8x2048xf32>
    %add3A_3067 = arith.addf %add3A_3062, %mul3A_3066 : vector<8x2048xf32>
    %slice3A_3068 = vector.extract_strided_slice %reshape3A_1667 {offsets = [9, 56, 0], sizes = [1, 8, 2048], strides = [1, 1, 1]} : vector<32x64x2048xf32> to vector<1x8x2048xf32>
    %squeeze3A_3069 = vector.shape_cast %slice3A_3068 : vector<1x8x2048xf32> to vector<8x2048xf32>
    %mul3A_3070 = vector.broadcast %convert_element_type3A_1718 : vector<1x2048xf32> to vector<8x2048xf32>
    %mul3A_3071 = arith.mulf %squeeze3A_3069, %mul3A_3070 : vector<8x2048xf32>
    %add3A_3072 = arith.addf %add3A_3067, %mul3A_3071 : vector<8x2048xf32>
    %slice3A_3073 = vector.extract_strided_slice %reshape3A_1667 {offsets = [10, 56, 0], sizes = [1, 8, 2048], strides = [1, 1, 1]} : vector<32x64x2048xf32> to vector<1x8x2048xf32>
    %squeeze3A_3074 = vector.shape_cast %slice3A_3073 : vector<1x8x2048xf32> to vector<8x2048xf32>
    %mul3A_3075 = vector.broadcast %convert_element_type3A_1723 : vector<1x2048xf32> to vector<8x2048xf32>
    %mul3A_3076 = arith.mulf %squeeze3A_3074, %mul3A_3075 : vector<8x2048xf32>
    %add3A_3077 = arith.addf %add3A_3072, %mul3A_3076 : vector<8x2048xf32>
    %slice3A_3078 = vector.extract_strided_slice %reshape3A_1667 {offsets = [11, 56, 0], sizes = [1, 8, 2048], strides = [1, 1, 1]} : vector<32x64x2048xf32> to vector<1x8x2048xf32>
    %squeeze3A_3079 = vector.shape_cast %slice3A_3078 : vector<1x8x2048xf32> to vector<8x2048xf32>
    %mul3A_3080 = vector.broadcast %convert_element_type3A_1728 : vector<1x2048xf32> to vector<8x2048xf32>
    %mul3A_3081 = arith.mulf %squeeze3A_3079, %mul3A_3080 : vector<8x2048xf32>
    %add3A_3082 = arith.addf %add3A_3077, %mul3A_3081 : vector<8x2048xf32>
    %slice3A_3083 = vector.extract_strided_slice %reshape3A_1667 {offsets = [12, 56, 0], sizes = [1, 8, 2048], strides = [1, 1, 1]} : vector<32x64x2048xf32> to vector<1x8x2048xf32>
    %squeeze3A_3084 = vector.shape_cast %slice3A_3083 : vector<1x8x2048xf32> to vector<8x2048xf32>
    %mul3A_3085 = vector.broadcast %convert_element_type3A_1733 : vector<1x2048xf32> to vector<8x2048xf32>
    %mul3A_3086 = arith.mulf %squeeze3A_3084, %mul3A_3085 : vector<8x2048xf32>
    %add3A_3087 = arith.addf %add3A_3082, %mul3A_3086 : vector<8x2048xf32>
    %slice3A_3088 = vector.extract_strided_slice %reshape3A_1667 {offsets = [13, 56, 0], sizes = [1, 8, 2048], strides = [1, 1, 1]} : vector<32x64x2048xf32> to vector<1x8x2048xf32>
    %squeeze3A_3089 = vector.shape_cast %slice3A_3088 : vector<1x8x2048xf32> to vector<8x2048xf32>
    %mul3A_3090 = vector.broadcast %convert_element_type3A_1738 : vector<1x2048xf32> to vector<8x2048xf32>
    %mul3A_3091 = arith.mulf %squeeze3A_3089, %mul3A_3090 : vector<8x2048xf32>
    %add3A_3092 = arith.addf %add3A_3087, %mul3A_3091 : vector<8x2048xf32>
    %slice3A_3093 = vector.extract_strided_slice %reshape3A_1667 {offsets = [14, 56, 0], sizes = [1, 8, 2048], strides = [1, 1, 1]} : vector<32x64x2048xf32> to vector<1x8x2048xf32>
    %squeeze3A_3094 = vector.shape_cast %slice3A_3093 : vector<1x8x2048xf32> to vector<8x2048xf32>
    %mul3A_3095 = vector.broadcast %convert_element_type3A_1743 : vector<1x2048xf32> to vector<8x2048xf32>
    %mul3A_3096 = arith.mulf %squeeze3A_3094, %mul3A_3095 : vector<8x2048xf32>
    %add3A_3097 = arith.addf %add3A_3092, %mul3A_3096 : vector<8x2048xf32>
    %slice3A_3098 = vector.extract_strided_slice %reshape3A_1667 {offsets = [15, 56, 0], sizes = [1, 8, 2048], strides = [1, 1, 1]} : vector<32x64x2048xf32> to vector<1x8x2048xf32>
    %squeeze3A_3099 = vector.shape_cast %slice3A_3098 : vector<1x8x2048xf32> to vector<8x2048xf32>
    %mul3A_3100 = vector.broadcast %convert_element_type3A_1748 : vector<1x2048xf32> to vector<8x2048xf32>
    %mul3A_3101 = arith.mulf %squeeze3A_3099, %mul3A_3100 : vector<8x2048xf32>
    %add3A_3102 = arith.addf %add3A_3097, %mul3A_3101 : vector<8x2048xf32>
    %slice3A_3103 = vector.extract_strided_slice %reshape3A_1667 {offsets = [16, 56, 0], sizes = [1, 8, 2048], strides = [1, 1, 1]} : vector<32x64x2048xf32> to vector<1x8x2048xf32>
    %squeeze3A_3104 = vector.shape_cast %slice3A_3103 : vector<1x8x2048xf32> to vector<8x2048xf32>
    %mul3A_3105 = vector.broadcast %convert_element_type3A_1753 : vector<1x2048xf32> to vector<8x2048xf32>
    %mul3A_3106 = arith.mulf %squeeze3A_3104, %mul3A_3105 : vector<8x2048xf32>
    %add3A_3107 = arith.addf %add3A_3102, %mul3A_3106 : vector<8x2048xf32>
    %slice3A_3108 = vector.extract_strided_slice %reshape3A_1667 {offsets = [17, 56, 0], sizes = [1, 8, 2048], strides = [1, 1, 1]} : vector<32x64x2048xf32> to vector<1x8x2048xf32>
    %squeeze3A_3109 = vector.shape_cast %slice3A_3108 : vector<1x8x2048xf32> to vector<8x2048xf32>
    %mul3A_3110 = vector.broadcast %convert_element_type3A_1758 : vector<1x2048xf32> to vector<8x2048xf32>
    %mul3A_3111 = arith.mulf %squeeze3A_3109, %mul3A_3110 : vector<8x2048xf32>
    %add3A_3112 = arith.addf %add3A_3107, %mul3A_3111 : vector<8x2048xf32>
    %slice3A_3113 = vector.extract_strided_slice %reshape3A_1667 {offsets = [18, 56, 0], sizes = [1, 8, 2048], strides = [1, 1, 1]} : vector<32x64x2048xf32> to vector<1x8x2048xf32>
    %squeeze3A_3114 = vector.shape_cast %slice3A_3113 : vector<1x8x2048xf32> to vector<8x2048xf32>
    %mul3A_3115 = vector.broadcast %convert_element_type3A_1763 : vector<1x2048xf32> to vector<8x2048xf32>
    %mul3A_3116 = arith.mulf %squeeze3A_3114, %mul3A_3115 : vector<8x2048xf32>
    %add3A_3117 = arith.addf %add3A_3112, %mul3A_3116 : vector<8x2048xf32>
    %slice3A_3118 = vector.extract_strided_slice %reshape3A_1667 {offsets = [19, 56, 0], sizes = [1, 8, 2048], strides = [1, 1, 1]} : vector<32x64x2048xf32> to vector<1x8x2048xf32>
    %squeeze3A_3119 = vector.shape_cast %slice3A_3118 : vector<1x8x2048xf32> to vector<8x2048xf32>
    %mul3A_3120 = vector.broadcast %convert_element_type3A_1768 : vector<1x2048xf32> to vector<8x2048xf32>
    %mul3A_3121 = arith.mulf %squeeze3A_3119, %mul3A_3120 : vector<8x2048xf32>
    %add3A_3122 = arith.addf %add3A_3117, %mul3A_3121 : vector<8x2048xf32>
    %slice3A_3123 = vector.extract_strided_slice %reshape3A_1667 {offsets = [20, 56, 0], sizes = [1, 8, 2048], strides = [1, 1, 1]} : vector<32x64x2048xf32> to vector<1x8x2048xf32>
    %squeeze3A_3124 = vector.shape_cast %slice3A_3123 : vector<1x8x2048xf32> to vector<8x2048xf32>
    %mul3A_3125 = vector.broadcast %convert_element_type3A_1773 : vector<1x2048xf32> to vector<8x2048xf32>
    %mul3A_3126 = arith.mulf %squeeze3A_3124, %mul3A_3125 : vector<8x2048xf32>
    %add3A_3127 = arith.addf %add3A_3122, %mul3A_3126 : vector<8x2048xf32>
    %slice3A_3128 = vector.extract_strided_slice %reshape3A_1667 {offsets = [21, 56, 0], sizes = [1, 8, 2048], strides = [1, 1, 1]} : vector<32x64x2048xf32> to vector<1x8x2048xf32>
    %squeeze3A_3129 = vector.shape_cast %slice3A_3128 : vector<1x8x2048xf32> to vector<8x2048xf32>
    %mul3A_3130 = vector.broadcast %convert_element_type3A_1778 : vector<1x2048xf32> to vector<8x2048xf32>
    %mul3A_3131 = arith.mulf %squeeze3A_3129, %mul3A_3130 : vector<8x2048xf32>
    %add3A_3132 = arith.addf %add3A_3127, %mul3A_3131 : vector<8x2048xf32>
    %slice3A_3133 = vector.extract_strided_slice %reshape3A_1667 {offsets = [22, 56, 0], sizes = [1, 8, 2048], strides = [1, 1, 1]} : vector<32x64x2048xf32> to vector<1x8x2048xf32>
    %squeeze3A_3134 = vector.shape_cast %slice3A_3133 : vector<1x8x2048xf32> to vector<8x2048xf32>
    %mul3A_3135 = vector.broadcast %convert_element_type3A_1783 : vector<1x2048xf32> to vector<8x2048xf32>
    %mul3A_3136 = arith.mulf %squeeze3A_3134, %mul3A_3135 : vector<8x2048xf32>
    %add3A_3137 = arith.addf %add3A_3132, %mul3A_3136 : vector<8x2048xf32>
    %slice3A_3138 = vector.extract_strided_slice %reshape3A_1667 {offsets = [23, 56, 0], sizes = [1, 8, 2048], strides = [1, 1, 1]} : vector<32x64x2048xf32> to vector<1x8x2048xf32>
    %squeeze3A_3139 = vector.shape_cast %slice3A_3138 : vector<1x8x2048xf32> to vector<8x2048xf32>
    %mul3A_3140 = vector.broadcast %convert_element_type3A_1788 : vector<1x2048xf32> to vector<8x2048xf32>
    %mul3A_3141 = arith.mulf %squeeze3A_3139, %mul3A_3140 : vector<8x2048xf32>
    %add3A_3142 = arith.addf %add3A_3137, %mul3A_3141 : vector<8x2048xf32>
    %slice3A_3143 = vector.extract_strided_slice %reshape3A_1667 {offsets = [24, 56, 0], sizes = [1, 8, 2048], strides = [1, 1, 1]} : vector<32x64x2048xf32> to vector<1x8x2048xf32>
    %squeeze3A_3144 = vector.shape_cast %slice3A_3143 : vector<1x8x2048xf32> to vector<8x2048xf32>
    %mul3A_3145 = vector.broadcast %convert_element_type3A_1793 : vector<1x2048xf32> to vector<8x2048xf32>
    %mul3A_3146 = arith.mulf %squeeze3A_3144, %mul3A_3145 : vector<8x2048xf32>
    %add3A_3147 = arith.addf %add3A_3142, %mul3A_3146 : vector<8x2048xf32>
    %slice3A_3148 = vector.extract_strided_slice %reshape3A_1667 {offsets = [25, 56, 0], sizes = [1, 8, 2048], strides = [1, 1, 1]} : vector<32x64x2048xf32> to vector<1x8x2048xf32>
    %squeeze3A_3149 = vector.shape_cast %slice3A_3148 : vector<1x8x2048xf32> to vector<8x2048xf32>
    %mul3A_3150 = vector.broadcast %convert_element_type3A_1798 : vector<1x2048xf32> to vector<8x2048xf32>
    %mul3A_3151 = arith.mulf %squeeze3A_3149, %mul3A_3150 : vector<8x2048xf32>
    %add3A_3152 = arith.addf %add3A_3147, %mul3A_3151 : vector<8x2048xf32>
    %slice3A_3153 = vector.extract_strided_slice %reshape3A_1667 {offsets = [26, 56, 0], sizes = [1, 8, 2048], strides = [1, 1, 1]} : vector<32x64x2048xf32> to vector<1x8x2048xf32>
    %squeeze3A_3154 = vector.shape_cast %slice3A_3153 : vector<1x8x2048xf32> to vector<8x2048xf32>
    %mul3A_3155 = vector.broadcast %convert_element_type3A_1803 : vector<1x2048xf32> to vector<8x2048xf32>
    %mul3A_3156 = arith.mulf %squeeze3A_3154, %mul3A_3155 : vector<8x2048xf32>
    %add3A_3157 = arith.addf %add3A_3152, %mul3A_3156 : vector<8x2048xf32>
    %slice3A_3158 = vector.extract_strided_slice %reshape3A_1667 {offsets = [27, 56, 0], sizes = [1, 8, 2048], strides = [1, 1, 1]} : vector<32x64x2048xf32> to vector<1x8x2048xf32>
    %squeeze3A_3159 = vector.shape_cast %slice3A_3158 : vector<1x8x2048xf32> to vector<8x2048xf32>
    %mul3A_3160 = vector.broadcast %convert_element_type3A_1808 : vector<1x2048xf32> to vector<8x2048xf32>
    %mul3A_3161 = arith.mulf %squeeze3A_3159, %mul3A_3160 : vector<8x2048xf32>
    %add3A_3162 = arith.addf %add3A_3157, %mul3A_3161 : vector<8x2048xf32>
    %slice3A_3163 = vector.extract_strided_slice %reshape3A_1667 {offsets = [28, 56, 0], sizes = [1, 8, 2048], strides = [1, 1, 1]} : vector<32x64x2048xf32> to vector<1x8x2048xf32>
    %squeeze3A_3164 = vector.shape_cast %slice3A_3163 : vector<1x8x2048xf32> to vector<8x2048xf32>
    %mul3A_3165 = vector.broadcast %convert_element_type3A_1813 : vector<1x2048xf32> to vector<8x2048xf32>
    %mul3A_3166 = arith.mulf %squeeze3A_3164, %mul3A_3165 : vector<8x2048xf32>
    %add3A_3167 = arith.addf %add3A_3162, %mul3A_3166 : vector<8x2048xf32>
    %slice3A_3168 = vector.extract_strided_slice %reshape3A_1667 {offsets = [29, 56, 0], sizes = [1, 8, 2048], strides = [1, 1, 1]} : vector<32x64x2048xf32> to vector<1x8x2048xf32>
    %squeeze3A_3169 = vector.shape_cast %slice3A_3168 : vector<1x8x2048xf32> to vector<8x2048xf32>
    %mul3A_3170 = vector.broadcast %convert_element_type3A_1818 : vector<1x2048xf32> to vector<8x2048xf32>
    %mul3A_3171 = arith.mulf %squeeze3A_3169, %mul3A_3170 : vector<8x2048xf32>
    %add3A_3172 = arith.addf %add3A_3167, %mul3A_3171 : vector<8x2048xf32>
    %slice3A_3173 = vector.extract_strided_slice %reshape3A_1667 {offsets = [30, 56, 0], sizes = [1, 8, 2048], strides = [1, 1, 1]} : vector<32x64x2048xf32> to vector<1x8x2048xf32>
    %squeeze3A_3174 = vector.shape_cast %slice3A_3173 : vector<1x8x2048xf32> to vector<8x2048xf32>
    %mul3A_3175 = vector.broadcast %convert_element_type3A_1823 : vector<1x2048xf32> to vector<8x2048xf32>
    %mul3A_3176 = arith.mulf %squeeze3A_3174, %mul3A_3175 : vector<8x2048xf32>
    %add3A_3177 = arith.addf %add3A_3172, %mul3A_3176 : vector<8x2048xf32>
    %slice3A_3178 = vector.extract_strided_slice %reshape3A_1667 {offsets = [31, 56, 0], sizes = [1, 8, 2048], strides = [1, 1, 1]} : vector<32x64x2048xf32> to vector<1x8x2048xf32>
    %squeeze3A_3179 = vector.shape_cast %slice3A_3178 : vector<1x8x2048xf32> to vector<8x2048xf32>
    %mul3A_3180 = vector.broadcast %convert_element_type3A_1828 : vector<1x2048xf32> to vector<8x2048xf32>
    %mul3A_3181 = arith.mulf %squeeze3A_3179, %mul3A_3180 : vector<8x2048xf32>
    %add3A_3182 = arith.addf %add3A_3177, %mul3A_3181 : vector<8x2048xf32>
    %swap3A_3183 = arith.constant 1 : index
    %swap3A_3184 = arith.constant 56 : index
    %swap3A_3185 = arith.constant 0 : index
    %swap3A_3186 = vector.load %arg14[%swap3A_3183, %swap3A_3184, %swap3A_3185] : memref<2x64x2048xf32, #tpu.memory_space<vmem>>, vector<1x8x2048xf32>
    %swap3A_3187 = vector.shape_cast %swap3A_3186 : vector<1x8x2048xf32> to vector<8x2048xf32>
    %swap3A_3188 = vector.shape_cast %add3A_3182 : vector<8x2048xf32> to vector<1x8x2048xf32>
    tpu.vector_store %arg14[%swap3A_3183, %swap3A_3184, %swap3A_3185], %swap3A_3188 {strides = array<i32>} : memref<2x64x2048xf32, #tpu.memory_space<vmem>>, vector<1x8x2048xf32>,
    return
  }
  func.func @transform_0(%arg0: i32) -> i32 {
    %c0_i32 = arith.constant 0 : i32
    %c0_i32_0 = arith.constant 0 : i32
    return %c0_i32 : i32
  }
  func.func @transform_1(%arg0: i32) -> (i32, i32, i32) {
    %c0_i32 = arith.constant 0 : i32
    %c0_i32_0 = arith.constant 0 : i32
    %c0_i32_1 = arith.constant 0 : i32
    %c0_i32_2 = arith.constant 0 : i32
    return %c0_i32, %c0_i32_0, %c0_i32_1 : i32, i32, i32
  }
  func.func @transform_2(%arg0: i32) -> (i32, i32, i32) {
    %c0_i32 = arith.constant 0 : i32
    %c0_i32_0 = arith.constant 0 : i32
    %c0_i32_1 = arith.constant 0 : i32
    %c0_i32_2 = arith.constant 0 : i32
    return %c0_i32, %c0_i32_0, %c0_i32_1 : i32, i32, i32
  }
  func.func @transform_3(%arg0: i32) -> (i32, i32, i32, i32) {
    %c0_i32 = arith.constant 0 : i32
    %c0_i32_0 = arith.constant 0 : i32
    %c0_i32_1 = arith.constant 0 : i32
    %c0_i32_2 = arith.constant 0 : i32
    %c0_i32_3 = arith.constant 0 : i32
    return %c0_i32, %c0_i32_0, %c0_i32_1, %c0_i32_2 : i32, i32, i32, i32
  }
  func.func @transform_4(%arg0: i32) -> (i32, i32) {
    %c0_i32 = arith.constant 0 : i32
    %c0_i32_0 = arith.constant 0 : i32
    %c0_i32_1 = arith.constant 0 : i32
    return %c0_i32, %c0_i32_0 : i32, i32
  }
  func.func @transform_5(%arg0: i32) -> (i32, i32) {
    %c0_i32 = arith.constant 0 : i32
    %c0_i32_0 = arith.constant 0 : i32
    %c0_i32_1 = arith.constant 0 : i32
    return %c0_i32, %c0_i32_0 : i32, i32
  }
  func.func @transform_6(%arg0: i32) -> (i32, i32) {
    %c0_i32 = arith.constant 0 : i32
    %c0_i32_0 = arith.constant 0 : i32
    %c0_i32_1 = arith.constant 0 : i32
    return %c0_i32, %c0_i32_0 : i32, i32
  }
  func.func @transform_7(%arg0: i32) -> (i32, i32) {
    %c0_i32 = arith.constant 0 : i32
    %c0_i32_0 = arith.constant 0 : i32
    %c0_i32_1 = arith.constant 0 : i32
    return %c0_i32, %c0_i32_0 : i32, i32
  }
  func.func @transform_8(%arg0: i32) -> (i32, i32) {
    %c0_i32 = arith.constant 0 : i32
    %c0_i32_0 = arith.constant 0 : i32
    %c0_i32_1 = arith.constant 0 : i32
    return %c0_i32, %c0_i32_0 : i32, i32
  }
  func.func @transform_9(%arg0: i32) -> (i32, i32) {
    %c0_i32 = arith.constant 0 : i32
    %c0_i32_0 = arith.constant 0 : i32
    %c0_i32_1 = arith.constant 0 : i32
    return %c0_i32, %c0_i32_0 : i32, i32
  }
  func.func @transform_10(%arg0: i32) -> (i32, i32) {
    %c0_i32 = arith.constant 0 : i32
    %c0_i32_0 = arith.constant 0 : i32
    %c0_i32_1 = arith.constant 0 : i32
    return %c0_i32, %c0_i32_0 : i32, i32
  }
  func.func @transform_11(%arg0: i32) -> (i32, i32) {
    %c0_i32 = arith.constant 0 : i32
    %c0_i32_0 = arith.constant 0 : i32
    %c0_i32_1 = arith.constant 0 : i32
    return %c0_i32, %c0_i32_0 : i32, i32
  }
  func.func @transform_12(%arg0: i32) -> (i32, i32) {
    %c0_i32 = arith.constant 0 : i32
    %c0_i32_0 = arith.constant 0 : i32
    %c0_i32_1 = arith.constant 0 : i32
    return %c0_i32, %c0_i32_0 : i32, i32
  }
  func.func @transform_13(%arg0: i32) -> (i32, i32, i32) {
    %c0_i32 = arith.constant 0 : i32
    %c0_i32_0 = arith.constant 0 : i32
    %c0_i32_1 = arith.constant 0 : i32
    %c0_i32_2 = arith.constant 0 : i32
    return %c0_i32, %c0_i32_0, %c0_i32_1 : i32, i32, i32
  }
}

</mosaic_0001>

<sc_bundles>
// kernel: kernel.4.cloned.1.call-start
scs
__scs_entry_jumppad:
0x0: {  	(pc) =	sbr.rel $0x88, $3  }
0x1: {  	(tag) =	ssettag $0x0;
	lr =	simm.s32 $0x1  }
0x2: {  	[smem:$0x3F94] =	sst lr;
	_ =	strace $0xD0000000  }
0x3: {  	_ = 	snop  }
0x4: {  	_ = 	snop  }
0x5: {  	_ = 	snop  }
0x6: {  	_ = 	snop  }
0x7: {  	_ = 	snop  }
__scs_overlays_trampoline_lowered:
0x8: {  	[smem:$0x3FA3] =	sst s0  }
0x9: {  	[smem:$0x3FA4] =	sst s1  }
0xa: {  	[smem:$0x3FA5] =	sst s2  }
0xb: {  	[smem:$0x3FA6] =	sst s3  }
0xc: {  	[smem:$0x3FA7] =	sst s4  }
0xd: {  	[smem:$0x3FA8] =	sst s5  }
0xe: {  	[smem:$0x3FA9] =	sst s6  }
0xf: {  	[smem:$0x3FAA] =	sst s7  }
0x10: {  	[smem:$0x3FAB] =	sst s8  }
0x11: {  	[smem:$0x3FAC] =	sst s9;
	s0 =	simm.s32 @!p0 $0x0  }
0x12: {  	s1 =	sld [smem:$0x3F92];
	s0 =	simm.s32 @p0 $0x1  }
0x13: {  	[smem:$0x3FAD] =	sst s0;
	s0 =	simm.s32 @!p1 $0x0  }
0x14: {  	s2 =	sld [smem:$0x3F91];
	s0 =	simm.s32 @p1 $0x1  }
0x15: {  	[smem:$0x3FAE] =	sst s0;
	s0 =	simm.s32 @!p2 $0x0  }
0x16: {  	s3 =	sld [smem:$0x3FDB];
	s0 =	simm.s32 @p2 $0x1  }
0x17: {  	s4 =	simm.s32 $0x1BF5;
	[smem:$0x3FB0] =	sst s0  }
0x18: {  	s0 =	sld [smem:$0x3F93];
	_ =	swait.ge [sflag:s4], $0x0  }
0x19: {  	s7 =	sld [smem:$0x3F94]  }
0x1a: {  	s8 =	sadd.s32 $0xFFFFE003, lr  }
0x1b: {  	s9 =	sadd.s32 $0xFFFFFEF7, lr;
	s5 =	simm.s32 $0xFFFFFFFF;
	p2 =	slt.u32 s8, $0xFFFFF086  }
0x1c: {  	p1 =	slt.u32 s9, $0xF7A;
	s5 =	simm.s32 @!p2 $0x0  }
0x1d: {  	s5 =	simm.s32 @p1 $0x1;
	p0 =	seq.s32 s7, s2  }
0x1e: {  	s7 =	smul.u32 @!p0 $0xF7A, s2;
	p2 =	seq.s32 @!p0 s5, $0x0  }
0x1f: {  	s9 =	smul.u32 $0xF7A, s1;
	s8 =	simm.s32 @!p0 $0x1BF5;
	p2 =	por !p2, p0  }
0x20: {  	[sflag:s8] =	ssyncset.s32 @!p0 $0xFFFFF086;
	s6 =	sadd.s32 @!p0 s3, s7;
	s7 =	simm.s32 @!p0 $0x108  }
0x21: {  	s3 =	sadd.s32 s3, s9;
	s6 =	sadd.s32 @!p0 $0x88, s6;
	s7 =	simm.s32 @p2 $0x1082  }
0x22: {  	[simem:s7], [sflag:s8] =	dma.local @!p0 [hbm:s6], $0xF7A  }
0x23: {  	s9 =	sor.u32 $0xD0000000, s2;
	s6 =	simm.s32 $0x108;
	_ =	swait.ge @!p0 [sflag:s8], $0x0  }
0x24: {  	s3 =	sadd.s32 $0x88, s3;
	s6 =	simm.s32 @!p1 $0x1082;
	[sflag:s4] =	ssyncset.s32 $0xFFFFF086  }
0x25: {  	[simem:s6], [sflag:s4] =	dma.local [hbm:s3], $0xF7A  }
0x26: {  	[smem:$0x3F94] =	sst s1;
	(tag) =	ssettag s2;
	_ =	strace s9  }
0x27: {  	s1 =	sld [smem:$0x3FA4]  }
0x28: {  	s2 =	sld [smem:$0x3FA5]  }
0x29: {  	s4 =	sld [smem:$0x3FA7]  }
0x2a: {  	p0 =	seq.s32 s5, $0x0;
	s5 =	sld [smem:$0x3FA8]  }
0x2b: {  	s6 =	sld [smem:$0x3FA9]  }
0x2c: {  	s7 =	sld [smem:$0x3FAA]  }
0x2d: {  	s3 =	simm.s32 $0x108;
	s8 =	sld [smem:$0x3FAB]  }
0x2e: {  	s3 =	simm.s32 @!p0 $0x1082;
	s9 =	sld [smem:$0x3FAC]  }
0x2f: {  	lr =	sadd.s32 s0, s3;
	s0 =	sld [smem:$0x3FA3]  }
0x30: {  	s3 =	sld [smem:$0x3FA6]  }
0x31: {  	[smem:$0x3FAF] =	sst s10  }
0x32: {  	s10 =	sld [smem:$0x3FAD];
	_ =	sdelay $0x3  }
0x33: {  	p0 =	seq.s32 s10, $0x1;
	s10 =	sld [smem:$0x3FAF];
	_ =	sdelay $0x3  }
0x34: {  	[smem:$0x3FAF] =	sst s10  }
0x35: {  	s10 =	sld [smem:$0x3FAE];
	_ =	sdelay $0x3  }
0x36: {  	p1 =	seq.s32 s10, $0x1;
	s10 =	sld [smem:$0x3FAF];
	_ =	sdelay $0x3  }
0x37: {  	[smem:$0x3FAF] =	sst s10  }
0x38: {  	s10 =	sld [smem:$0x3FB0]  }
0x39: {  	_ = 	snop;
	(pc) =	sbr.ind lr, $3  }
0x3a: {  	_ = 	snop  }
0x3b: {  	_ = 	snop  }
0x3c: {  	p2 =	seq.s32 s10, $0x1;
	s10 =	sld [smem:$0x3FAF]  }
0x3d: {  	_ =	shalt  }
0x3e: {  	_ =	shalt  }
0x3f: {  	_ =	shalt  }
0x40: {  	_ =	shalt  }
0x41: {  	_ =	shalt  }
0x42: {  	_ =	shalt  }
0x43: {  	_ =	shalt  }
0x44: {  	_ =	shalt  }
0x45: {  	_ =	shalt  }
0x46: {  	_ =	shalt  }
0x47: {  	_ =	shalt  }
0x48: {  	_ =	shalt  }
0x49: {  	_ =	shalt  }
0x4a: {  	_ =	shalt  }
0x4b: {  	_ =	shalt  }
0x4c: {  	_ =	shalt  }
0x4d: {  	_ =	shalt  }
0x4e: {  	_ =	shalt  }
0x4f: {  	_ =	shalt  }
0x50: {  	_ =	shalt  }
0x51: {  	_ =	shalt  }
0x52: {  	_ =	shalt  }
0x53: {  	_ =	shalt  }
0x54: {  	_ =	shalt  }
0x55: {  	_ =	shalt  }
0x56: {  	_ =	shalt  }
0x57: {  	_ =	shalt  }
0x58: {  	_ =	shalt  }
0x59: {  	_ =	shalt  }
0x5a: {  	_ =	shalt  }
0x5b: {  	_ =	shalt  }
0x5c: {  	_ =	shalt  }
0x5d: {  	_ =	shalt  }
0x5e: {  	_ =	shalt  }
0x5f: {  	_ =	shalt  }
0x60: {  	_ =	shalt  }
0x61: {  	_ =	shalt  }
0x62: {  	_ =	shalt  }
0x63: {  	_ =	shalt  }
0x64: {  	_ =	shalt  }
0x65: {  	_ =	shalt  }
0x66: {  	_ =	shalt  }
0x67: {  	_ =	shalt  }
0x68: {  	_ =	shalt  }
0x69: {  	_ =	shalt  }
0x6a: {  	_ =	shalt  }
0x6b: {  	_ =	shalt  }
0x6c: {  	_ =	shalt  }
0x6d: {  	_ =	shalt  }
0x6e: {  	_ =	shalt  }
0x6f: {  	_ =	shalt  }
0x70: {  	_ =	shalt  }
0x71: {  	_ =	shalt  }
0x72: {  	_ =	shalt  }
0x73: {  	_ =	shalt  }
0x74: {  	_ =	shalt  }
0x75: {  	_ =	shalt  }
0x76: {  	_ =	shalt  }
0x77: {  	_ =	shalt  }
0x78: {  	_ =	shalt  }
0x79: {  	_ =	shalt  }
0x7a: {  	_ =	shalt  }
0x7b: {  	_ =	shalt  }
0x7c: {  	_ =	shalt  }
0x7d: {  	_ =	shalt  }
0x7e: {  	_ =	shalt  }
0x7f: {  	_ =	shalt  }
0x80: {  	_ =	shalt  }
0x81: {  	_ =	shalt  }
0x82: {  	_ =	shalt  }
0x83: {  	_ =	shalt  }
0x84: {  	_ =	shalt  }
0x85: {  	_ =	shalt  }
0x86: {  	_ =	shalt  }
0x87: {  	_ =	shalt  }
.Lfunc_end0:
.L_simem_size_0:
called_computation_lowered:
.L_overlay_start_0:
0x88: {  	s2 =	sld [smem:$0x3FD9]  }
0x89: {  	s3 =	sld [smem:$0x3FFE];
	_ =	sdelay $0x1  }
0x8a: {  	s1 =	srdreg.scid  }
0x8b: {  	s0 =	sand.u32 $0x1, s1  }
0x8c: {  	s17 =	sshll.u32 s0, $0xA;
	s2 =	sadd.s32 s3, s2  }
0x8d: {  	s2 =	sadd.s32 s2, s17  }
0x8e: {  	[smem:$0x3FBB] =	sst s2  }
0x8f: {  	_ = 	snop  }
0x90: {  	s2 =	sld [smem:$0x3FC4]  }
0x91: {  	s18 =	sld [smem:$0x3FD0];
	(tm) =	ssettm $0x1  }
0x92: {  	s4 =	sld [smem:$0x3FFB];
	_ =	sdelay $0x3  }
0x93: {  	_ =	strace s4  }
0x94: {  	s4 =	sld [smem:$0x3FFC];
	_ =	sdelay $0x3  }
0x95: {  	_ =	strace s4  }
0x96: {  	s4 =	sld [smem:$0x3FFD];
	_ =	sdelay $0x3  }
0x97: {  	_ =	strace s4  }
0x98: {  	_ =	strace $0x8FFFFFFF  }
0x99: {  	s19 =	sld [smem:$0x3FDB];
	_ =	sdelay $0x1  }
0x9a: {  	s5 =	simm.s32 $_scs_section_size  }
0x9b: {  	s6 =	simm.s32 $_size__tile_overlayer_lowered;
	s7 =	simm.s32 $_tile_overlayer_lowered  }
0x9c: {  	s22 =	simm.s32 $0x1BFF;
	s21 =	sshll.u32 s7, $0x1;
	s4 =	sadd.s32 s5, s19  }
0x9d: {  	s8 =	simm.s32 $0x0;
	s20 =	sshll.u32 s6, $0x1;
	s6 =	sadd.s32 s21, s4  }
0x9e: {  	[timem:s8], [sflag:s22] =	dma.local [hbm:s6], s20  }
0x9f: {  	_ =	swait.ge [sflag:s22], s20  }
0xa0: {  	s5 =	ssub.s32 $0x0, s20;
	[sflag:s22] =	ssyncset.done $0x0  }
0xa1: {  	[sflag:s22] =	ssyncadd.s32 s5;
	_ =	sdelay $0x1  }
0xa2: {  	s23 =	simm.s32 $0x1B8B  }
0xa3: {  	_ =	swait.ge [sflag:s23], $0x1  }
0xa4: {  	[sflag:s23] =	ssyncset.done $0x0  }
0xa5: {  	s25 =	simm.s32 $0x1B8E;
	s24 =	sld [smem:$0x3FFE];
	[sflag:s23] =	ssyncadd.s32 $0xFFFFFFFF  }
0xa6: {  	s26 =	simm.s32 $execute0_lowered;
	[smem:$0x3FD2] =	sst s25  }
0xa7: {  	s6 =	sshll.u32 s26, $0x1;
	_ =	strace $0x80000046;
	[dreg:$0x1] =	wrdreg $0xFFFFFFFF  }
0xa8: {  	s28 =	simm.s32 $_size_execute0_lowered;
	s4 =	sadd.s32 s4, s6;
	[dreg:$0x0] =	wrdreg $0x0  }
0xa9: {  	s6 =	sshll.u32 s28, $0x1;
	[dreg:$0x2] =	wrdreg s4  }
0xaa: {  	[dreg:$0x3] =	wrdreg s6  }
0xab: {  	[dreg:$0x4] =	wrdreg $0xC0  }
0xac: {  	_ =	task [dreg:s8], $0x5FFFF  }
0xad: {  	[dreg:$0x1] =	wrdreg $0xFFFFFFFF  }
0xae: {  	[dreg:$0x0] =	wrdreg $0x60  }
0xaf: {  	[dreg:$0x2] =	wrdreg s18  }
0xb0: {  	[dreg:$0x3] =	wrdreg s2  }
0xb1: {  	[dreg:$0x4] =	wrdreg s24  }
0xb2: {  	[dreg:$0x5] =	wrdreg $0x9  }
0xb3: {  	_ =	task.clear_ibuf [dreg:s8], $0x6FFFF;
	_ =	strace $0x90000046  }
0xb4: {  	s29 =	simm.s32 $0x9;
	_ =	strace $0x80000048  }
0xb5: {  	_ =	swait.ge [sflag:s29], $0x1  }
0xb6: {  	[sflag:s29] =	ssyncadd.s32 $0xFFFFFFFF  }
0xb7: {  	_ =	strace $0x90000048  }
0xb8: {  	_ =	sfence  }
0xb9: {  	s30 =	sld [smem:$0x0];
	_ =	sdelay $0x2  }
0xba: {  	s31 =	sshll.u32 s1, $0xD;
	s1 =	sshrl.u32 s1, $0x2  }
0xbb: {  	s3 =	sand.u32 $0x4000, s31;
	s1 =	sadd.s32 s1, s30  }
0xbc: {  	s0 =	sor.u32 s3, s0;
	s1 =	sshll.u32 s1, $0x11  }
0xbd: {  	s0 =	sor.u32 s1, s0  }
0xbe: {  	s0 =	sadd.s32 $0x8F2B, s0  }
0xbf: {  	[sflag:s0] =	ssyncadd.remote.s32 $0x1  }
0xc0: {  	_ =	sfence.sel $0xFFFF  }
0xc1: {  	[dreg:$0x0] =	wrdreg $0xFFFFFFFF;
	(pc) =	sbr.abs _section_cstart, $3  }
0xc2: {  	[dreg:$0x1] =	wrdreg $0xFFFFFFFF  }
0xc3: {  	_ =	task.clear_ibuf [dreg:s8], $0x2FFFF;
	_ =	strace $0x9FFFFFFF  }
0xc4: {  	(tm) =	ssettm $0x7FFFFFFF  }
0xc5: {  	_ =	shalt  }
tec
execute0_lowered:
.L_overlay_start_1:
0x0: {  	(tag) =	ssettag $0x1  }
0x1: {  	s4 =	rddreg [dreg:$0x0];
	s1 =	srdreg.scid  }
0x2: {  	s2 =	rddreg [dreg:$0x1];
	s0 =	stileid.u32  }
0x3: {  	s8 =	rddreg [dreg:$0x2];
	s3 =	simm.s32 $0x0;
	s6 =	sand.u32 $0x1, s1  }
0x4: {  	s5 =	sshll.u32 s0, $0x8;
	s1 =	rddreg [dreg:$0x3];
	s7 =	sshll.u32 s6, $0x7  }
0x5: {  	[smem:$0x7FF] =	sst s3;
	s9 =	sor.u32 s7, s5  }
0x6: {  	_ =	strace $0x80000047;
	s10 =	ssub.s32 $0x2, s6;
	s5 =	sshrl.u32 s9, $0x3  }
0x7: {  	s6 =	simm.s32 $0x80;
	s5 =	sadd.s32 s4, s5;
	s4 =	simm.s32 $0x2  }
0x8: {  	[tilespmem:s3], [sflag:$0x2] =	stream.linear.gather [hbm4b:s5+s3], $0x80, $0x38;
	[tilespmem:$0x4080] =	vst v63  }
0x9: {  	s7 =	simm.s32 $0x1;
	s11 =	sshrl.u32 s10, $0x1;
	_ =	swait.ge [sflag:s4], $0x80  }
0xa: {  	s9 =	sshll.u32 s9, $0x4;
	s31 =	ssub.s32 s10, s11;
	[sflag:s4] =	ssyncset.done $0x0  }
0xb: {  	s8 =	sadd.s32 s9, s8;
	s9 =	smax.u32 s31, $0x1;
	[sflag:s4] =	ssyncadd.s32 $0xFFFFFF80  }
0xc: {  	[tilespmem:s6], [sflag:$0x1] =	stream.indirect.gather [hbm4b:s2+s6], $0x80, s3, s6, $0xb8;
	[tilespmem:$0x4080] =	vst v63  }
0xd: {  	p0 =	sne.s32 s9, $0x1;
	_ =	swait.ge [sflag:s7], $0x4000  }
.Ltmp0:
0xe: {  	[sflag:s7] =	ssyncset.done $0x0;
	(pc) =	sbr.rel @!p0 .LBB2_2-.Ltmp0, $4  }
0xf: {  	s8 =	sadd.s32 $0x1E00, s8;
	[sflag:s7] =	ssyncadd.s32 $0xFFFFC000  }
0x10: {  	[hbm4b:s8+s3] =	stream.linear.scatter [tilespmem:s6], [sflag:$0x2], $0x4000, $0x38;
	[tilespmem:$0x4080] =	vst v63  }
0x11: {  	_ =	swait.ge [sflag:s4], $0x4000  }
0x12: {  	s9 =	sadd.s32 $0xFFFFFFFF, s9;
	[sflag:s4] =	ssyncset.done $0x0  }
.LBB2_1:
0x13: {  	p0 =	sne.s32 s9, $0x1;
	s9 =	sadd.s32 $0xFFFFFFFF, s9;
	[sflag:s4] =	ssyncadd.s32 $0xFFFFC000  }
0x14: {  	[tilespmem:s3], [sflag:$0x2] =	stream.linear.gather [hbm4b:s5+s3], $0x80, $0x38;
	[tilespmem:$0x4080] =	vst v63  }
0x15: {  	_ =	swait.ge [sflag:s4], $0x80  }
0x16: {  	[sflag:s4] =	ssyncset.done $0x0  }
0x17: {  	[sflag:s4] =	ssyncadd.s32 $0xFFFFFF80  }
0x18: {  	[tilespmem:s6], [sflag:$0x1] =	stream.indirect.gather [hbm4b:s2+s6], $0x80, s3, s6, $0xb8;
	[tilespmem:$0x4080] =	vst v63  }
0x19: {  	_ =	swait.ge [sflag:s7], $0x4000  }
.Ltmp1:
0x1a: {  	[sflag:s7] =	ssyncset.done $0x0;
	(pc) =	sbr.rel @p0 .LBB2_1-.Ltmp1, $4  }
0x1b: {  	[sflag:s7] =	ssyncadd.s32 $0xFFFFC000  }
0x1c: {  	[hbm4b:s8+s3] =	stream.linear.scatter [tilespmem:s6], [sflag:$0x2], $0x4000, $0x38;
	[tilespmem:$0x4080] =	vst v63  }
0x1d: {  	_ =	swait.ge [sflag:s4], $0x4000  }
0x1e: {  	[sflag:s4] =	ssyncset.done $0x0  }
.LBB2_2:
0x1f: {  	[sflag:s4] =	ssyncadd.s32 $0xFFFFC000  }
0x20: {  	_ =	sfence.sel $0x180000  }
0x21: {  	[bflag:$0x0] =	sbarrier.arrive $0xFFFF  }
0x22: {  	p0 =	sne.s32 s0, $0x0;
	_ =	strace $0x90000047  }
0x23: {  	s0 =	sadd.s32 @!p0 $0x100000, s1;
	[bflag:$0x2] =	sbarrier.arrive $0xFFFF  }
0x24: {  	[sflag:s0] =	ssyncadd.tile.s32 @!p0 $0x1;
	_ =	shalt  }
.Lfunc_end2:
_tile_overlayer_lowered:
.L_overlay_start_2:
0x25: {  	(tag) =	ssettag $0x2  }
0x26: {  	s0 =	rddreg [dreg:$0x0];
	s2 =	stileid.u32  }
0x27: {  	s1 =	rddreg [dreg:$0x1];
	p0 =	sne.s32 s2, $0x0  }
0x28: {  	s3 =	rddreg [dreg:$0x2];
	[bflag:$0x3] =	sbarrier.arrive $0xFFFF;
	s2 =	simm.s32 @!p0 $0x1C02  }
0x29: {  	[timem:s3], [sflag:s2] =	dma.local @!p0 [hbm:s0], s1  }
0x2a: {  	s0 =	simm.s32 @!p0 $0x2  }
0x2b: {  	_ =	swait.ge @!p0 [sflag:s0], s1  }
0x2c: {  	s1 =	ssub.s32 @!p0 $0x0, s1;
	[sflag:s0] =	ssyncset.done @!p0 $0x0  }
0x2d: {  	[sflag:s0] =	ssyncadd.s32 @!p0 s1  }
0x2e: {  	[bflag:$0x3] =	sbarrier.arrive $0xFFFF  }
0x2f: {  	_ =	shalt  }

</sc_bundles>
